<compile_context>
chip_gen: v7x
topology: tpu7x:2x2x1
jax: 0.10.2.dev20260603
libtpu: 0.0.44.dev20260713+nightly
codegen_flags: <defaults>
</compile_context>

<pallas_src>
import functools

import jax
import jax.numpy as jnp
from jax import lax
from jax.experimental import pallas as pl
from jax.experimental.pallas import tpu as pltpu
from jax.experimental.pallas import tpu_sc as plsc

VOCAB = 1_000_000
DIM = 64
B = 4096 * 50
NW = 32
B_PER_W = B // NW
CHUNK = 128
N_CHUNKS = B_PER_W // CHUNK
SEQ = 50

CW = 256
N_FULL = VOCAB // CW
TAIL_W = VOCAB - N_FULL * CW

_mesh = plsc.VectorSubcoreMesh(core_axis_name="c", subcore_axis_name="s")


@functools.partial(
    pl.kernel,
    mesh=_mesh,
    out_type=jax.ShapeDtypeStruct((VOCAB * DIM,), jnp.float32),
    scratch_types=[
        pltpu.VMEM((3, DIM, CW), jnp.float32),
        pltpu.VMEM((3 * CW * DIM,), jnp.float32),
        pltpu.VMEM((TAIL_W * DIM,), jnp.float32),
        pltpu.SemaphoreType.DMA,
        pltpu.SemaphoreType.DMA,
    ],
    compiler_params=pltpu.CompilerParams(
        use_tc_tiling_on_sc=True, needs_layout_passes=False
    ),
)
def _sc_detile(wt_hbm, tail_hbm, out_hbm, inbuf, outbuf, tailbuf, isem, osem):
    wid = lax.axis_index("s") * 2 + lax.axis_index("c")
    i16 = lax.iota(jnp.int32, 16)
    rot = [(i16 + k) & 15 for k in range(16)]
    srot = [i16 * DIM + r for r in rot]
    n_w = (N_FULL - 1 - wid) // NW + 1

    @pl.when(wid == NW - 1)
    def _():
        pltpu.sync_copy(tail_hbm, tailbuf)
        pltpu.sync_copy(
            tailbuf, out_hbm.at[pl.ds(N_FULL * (CW * DIM), TAIL_W * DIM)]
        )

    def in_desc(i, b):
        v0 = pl.multiple_of((wid + i * NW) * CW, CW)
        return pltpu.make_async_copy(
            wt_hbm.at[:, pl.ds(v0, CW)], inbuf.at[b], isem
        )

    def out_desc(i, b):
        o0 = pl.multiple_of((wid + i * NW) * (CW * DIM), CW * DIM)
        b0 = pl.multiple_of(b * (CW * DIM), CW * DIM)
        return pltpu.make_async_copy(
            outbuf.at[pl.ds(b0, CW * DIM)], out_hbm.at[pl.ds(o0, CW * DIM)], osem
        )

    in_desc(0, 0).start()
    in_desc(1, 1).start()

    def chunk_body(i, _):
        buf = lax.rem(i, 3)
        in_desc(i, buf).wait()

        @pl.when(i + 2 < n_w)
        def _():
            in_desc(i + 2, lax.rem(i + 2, 3)).start()

        @pl.when(i >= 3)
        def _():
            out_desc(i - 3, buf).wait()

        obase = buf * (CW * DIM)
        for f0 in range(0, DIM, 16):
            inb = inbuf.at[buf, pl.ds(f0, 16), :]

            def v_body(vb, _):
                vvec = i16 + vb * 16
                s0 = obase + vb * (16 * DIM) + f0
                vecs = [plsc.load_gather(inb, [rot[k], vvec]) for k in range(16)]
                for k in range(16):
                    plsc.store_scatter(outbuf, [srot[k] + s0], vecs[k])
                return _

            lax.fori_loop(0, CW // 16, v_body, None)
        out_desc(i, buf).start()
        return _

    lax.fori_loop(0, n_w, chunk_body, None)

    out_desc(n_w - 3, lax.rem(n_w - 3, 3)).wait()
    out_desc(n_w - 2, lax.rem(n_w - 2, 3)).wait()
    out_desc(n_w - 1, lax.rem(n_w - 1, 3)).wait()


@functools.partial(
    pl.kernel,
    mesh=_mesh,
    out_type=jax.ShapeDtypeStruct((SEQ * DIM * 4096,), jnp.float32),
    scratch_types=[
        pltpu.VMEM((SEQ, CHUNK), jnp.int32),
        pltpu.VMEM((3, CHUNK, DIM), jnp.float32),
        pltpu.VMEM((2 * CHUNK * DIM,), jnp.float32),
        pltpu.SemaphoreType.DMA,
        pltpu.SemaphoreType.DMA,
    ],
    compiler_params=pltpu.CompilerParams(
        use_tc_tiling_on_sc=False, needs_layout_passes=False
    ),
)
def _sc_gather(idx_hbm, table_hbm, out_hbm, idx_v, rows_v, tbuf, gsem, osem):
    wid = lax.axis_index("s") * 2 + lax.axis_index("c")
    i16 = lax.iota(jnp.int32, 16)
    rot = [(i16 + k) & 15 for k in range(16)]
    r128 = [r * CHUNK + i16 for r in rot]

    pltpu.sync_copy(idx_hbm.at[wid], idx_v)

    def gather_desc(j, b):
        return pltpu.make_async_copy(
            table_hbm.at[idx_v.at[j]], rows_v.at[b], gsem
        )

    def out_descs(j, b):
        tb0 = pl.multiple_of(b * (CHUNK * DIM), CHUNK * DIM)
        base = j * (DIM * 4096) + wid * CHUNK * 8
        return [
            pltpu.make_async_copy(
                tbuf.at[pl.ds(tb0 + ft * (8 * CHUNK), 8 * CHUNK)],
                out_hbm.at[pl.ds(base + ft * (NW * 8 * CHUNK), 8 * CHUNK)],
                osem,
            )
            for ft in range(DIM // 8)
        ]

    gather_desc(0, 0).start()
    gather_desc(1, 1).start()

    def step(j, _):
        gbuf = lax.rem(j, 3)
        tb = lax.rem(j, 2)
        gather_desc(j, gbuf).wait()

        @pl.when(j + 2 < SEQ)
        def _():
            gather_desc(j + 2, lax.rem(j + 2, 3)).start()

        @pl.when(j >= 2)
        def _():
            for d in out_descs(j - 2, tb):
                d.wait()

        tb0 = tb * (CHUNK * DIM)
        bufv = i16 * 0 + gbuf

        def t_body(b0i, _):
            bvec = i16 + b0i * 16
            for f0 in range(0, DIM, 16):
                vecs = [
                    plsc.load_gather(rows_v, [bufv, bvec, rot[k] + f0])
                    for k in range(16)
                ]
                s0 = tb0 + f0 * CHUNK + b0i * 16
                for k in range(16):
                    plsc.store_scatter(tbuf, [r128[k] + s0], vecs[k])
            return _

        lax.fori_loop(0, CHUNK // 16, t_body, None)

        for d in out_descs(j, tb):
            d.start()
        return _

    lax.fori_loop(0, SEQ, step, None)

    @pl.when(SEQ >= 2)
    def _():
        for d in out_descs(SEQ - 2, lax.rem(SEQ - 2, 2)):
            d.wait()

    for d in out_descs(SEQ - 1, lax.rem(SEQ - 1, 2)):
        d.wait()


def kernel(token_ids, weight):
    wt = weight.T
    tail = weight[N_FULL * CW :].reshape(TAIL_W * DIM)
    w1d = _sc_detile(wt, tail)
    table = w1d.reshape(VOCAB, DIM)
    idx = (
        token_ids.T.reshape(SEQ, NW, CHUNK).transpose(1, 0, 2).astype(jnp.int32)
    )
    out1d = _sc_gather(idx, table)
    x5 = out1d.reshape(SEQ, 8, NW, 8, CHUNK)
    y = x5.transpose(2, 4, 0, 1, 3)
    return y.reshape(4096, SEQ, DIM)

# --- scband reference (transcript-rebuilt; emitter-appended) ---
"""Pipeline reference for scband-embedding-9216999817672 (READ-ONLY COPY).

The authoritative reference and input builder live on the scoring server;
editing this copy changes nothing except your own understanding.
"""

import jax, jax.numpy as jnp
import numpy as np

VOCAB = 1000000
DIM = 64

def setup_inputs(seed: int = 0) -> dict:
    key = jax.random.key(seed)
    k_idx, k_w = jax.random.split(key)
    token_ids = jax.random.randint(k_idx, (4096, 50), 0, VOCAB, dtype=jnp.int64 if jax.config.jax_enable_x64 else jnp.int32)
    # truncated normal init, std=1.0 (note: torch code has a=-3.0, b=-3.0 degenerate bounds;
    # we use a standard trunc normal in [-3, 3] as the faithful intended init)
    weight = jax.random.truncated_normal(k_w, -3.0, 3.0, (VOCAB, DIM), dtype=jnp.float32)
    return {"token_ids": token_ids, "weight": weight}

def reference(token_ids, weight):
    # Embedding lookup: weight[token_ids] -> gather along axis 0
    return jnp.take(weight, token_ids, axis=0)

if __name__ == "__main__":
    import jax
    _d = setup_inputs()
    print(jax.jit(kernel)(*tuple(_d.values())))

</pallas_src>

<mosaic_0001>
#map = affine_map<(d0, d1) -> (0, 0)>
#map1 = affine_map<(d0, d1) -> (0)>
module attributes {stable_mosaic.version = 14 : i64} {
  func.func @_sc_detile(%arg0: i32, %arg1: i32, %arg2: memref<64x1000000xf32, #tpu.memory_space<hbm>>, %arg3: memref<4096xf32, #tpu.memory_space<hbm>>, %arg4: memref<64000000xf32, #tpu.memory_space<hbm>>, %arg5: memref<3x64x256xf32, #tpu.memory_space<vmem>>, %arg6: memref<49152xf32, #tpu.memory_space<vmem>>, %arg7: memref<4096xf32, #tpu.memory_space<vmem>>, %arg8: memref<!tpu.dma_semaphore, #tpu.memory_space<semaphore_mem>>, %arg9: memref<!tpu.dma_semaphore, #tpu.memory_space<semaphore_mem>>) attributes {dimension_semantics = [#tpu.dimension_semantics<core_parallel>, #tpu.dimension_semantics<subcore_parallel>], iteration_bounds = array<i64: 2, 16>, scalar_prefetch = 0 : i64, scratch_operands = 5 : i64, tpu.core_type = #tpu.core_type<sc_vector_subcore>, window_params = [{transform_indices = #map}, {transform_indices = #map1}, {transform_indices = #map1}]} {
    %mul3A = arith.constant 2 : i32
    %mul3A_0 = arith.muli %arg1, %mul3A : i32
    %add3A = arith.addi %mul3A_0, %arg0 : i32
    %iota3A = tpu.iota {dimensions = array<i32: 0>} : vector<16xi32>
    %add3A_1 = arith.constant 0 : i32
    %add3A_2 = vector.broadcast %add3A_1 : i32 to vector<16xi32>
    %add3A_3 = arith.addi %iota3A, %add3A_2 : vector<16xi32>
    %and3A = arith.constant 15 : i32
    %and3A_4 = vector.broadcast %and3A : i32 to vector<16xi32>
    %and3A_5 = arith.andi %add3A_3, %and3A_4 : vector<16xi32>
    %add3A_6 = arith.constant 1 : i32
    %add3A_7 = vector.broadcast %add3A_6 : i32 to vector<16xi32>
    %add3A_8 = arith.addi %iota3A, %add3A_7 : vector<16xi32>
    %and3A_9 = arith.constant 15 : i32
    %and3A_10 = vector.broadcast %and3A_9 : i32 to vector<16xi32>
    %and3A_11 = arith.andi %add3A_8, %and3A_10 : vector<16xi32>
    %add3A_12 = arith.constant 2 : i32
    %add3A_13 = vector.broadcast %add3A_12 : i32 to vector<16xi32>
    %add3A_14 = arith.addi %iota3A, %add3A_13 : vector<16xi32>
    %and3A_15 = arith.constant 15 : i32
    %and3A_16 = vector.broadcast %and3A_15 : i32 to vector<16xi32>
    %and3A_17 = arith.andi %add3A_14, %and3A_16 : vector<16xi32>
    %add3A_18 = arith.constant 3 : i32
    %add3A_19 = vector.broadcast %add3A_18 : i32 to vector<16xi32>
    %add3A_20 = arith.addi %iota3A, %add3A_19 : vector<16xi32>
    %and3A_21 = arith.constant 15 : i32
    %and3A_22 = vector.broadcast %and3A_21 : i32 to vector<16xi32>
    %and3A_23 = arith.andi %add3A_20, %and3A_22 : vector<16xi32>
    %add3A_24 = arith.constant 4 : i32
    %add3A_25 = vector.broadcast %add3A_24 : i32 to vector<16xi32>
    %add3A_26 = arith.addi %iota3A, %add3A_25 : vector<16xi32>
    %and3A_27 = arith.constant 15 : i32
    %and3A_28 = vector.broadcast %and3A_27 : i32 to vector<16xi32>
    %and3A_29 = arith.andi %add3A_26, %and3A_28 : vector<16xi32>
    %add3A_30 = arith.constant 5 : i32
    %add3A_31 = vector.broadcast %add3A_30 : i32 to vector<16xi32>
    %add3A_32 = arith.addi %iota3A, %add3A_31 : vector<16xi32>
    %and3A_33 = arith.constant 15 : i32
    %and3A_34 = vector.broadcast %and3A_33 : i32 to vector<16xi32>
    %and3A_35 = arith.andi %add3A_32, %and3A_34 : vector<16xi32>
    %add3A_36 = arith.constant 6 : i32
    %add3A_37 = vector.broadcast %add3A_36 : i32 to vector<16xi32>
    %add3A_38 = arith.addi %iota3A, %add3A_37 : vector<16xi32>
    %and3A_39 = arith.constant 15 : i32
    %and3A_40 = vector.broadcast %and3A_39 : i32 to vector<16xi32>
    %and3A_41 = arith.andi %add3A_38, %and3A_40 : vector<16xi32>
    %add3A_42 = arith.constant 7 : i32
    %add3A_43 = vector.broadcast %add3A_42 : i32 to vector<16xi32>
    %add3A_44 = arith.addi %iota3A, %add3A_43 : vector<16xi32>
    %and3A_45 = arith.constant 15 : i32
    %and3A_46 = vector.broadcast %and3A_45 : i32 to vector<16xi32>
    %and3A_47 = arith.andi %add3A_44, %and3A_46 : vector<16xi32>
    %add3A_48 = arith.constant 8 : i32
    %add3A_49 = vector.broadcast %add3A_48 : i32 to vector<16xi32>
    %add3A_50 = arith.addi %iota3A, %add3A_49 : vector<16xi32>
    %and3A_51 = arith.constant 15 : i32
    %and3A_52 = vector.broadcast %and3A_51 : i32 to vector<16xi32>
    %and3A_53 = arith.andi %add3A_50, %and3A_52 : vector<16xi32>
    %add3A_54 = arith.constant 9 : i32
    %add3A_55 = vector.broadcast %add3A_54 : i32 to vector<16xi32>
    %add3A_56 = arith.addi %iota3A, %add3A_55 : vector<16xi32>
    %and3A_57 = arith.constant 15 : i32
    %and3A_58 = vector.broadcast %and3A_57 : i32 to vector<16xi32>
    %and3A_59 = arith.andi %add3A_56, %and3A_58 : vector<16xi32>
    %add3A_60 = arith.constant 10 : i32
    %add3A_61 = vector.broadcast %add3A_60 : i32 to vector<16xi32>
    %add3A_62 = arith.addi %iota3A, %add3A_61 : vector<16xi32>
    %and3A_63 = arith.constant 15 : i32
    %and3A_64 = vector.broadcast %and3A_63 : i32 to vector<16xi32>
    %and3A_65 = arith.andi %add3A_62, %and3A_64 : vector<16xi32>
    %add3A_66 = arith.constant 11 : i32
    %add3A_67 = vector.broadcast %add3A_66 : i32 to vector<16xi32>
    %add3A_68 = arith.addi %iota3A, %add3A_67 : vector<16xi32>
    %and3A_69 = arith.constant 15 : i32
    %and3A_70 = vector.broadcast %and3A_69 : i32 to vector<16xi32>
    %and3A_71 = arith.andi %add3A_68, %and3A_70 : vector<16xi32>
    %add3A_72 = arith.constant 12 : i32
    %add3A_73 = vector.broadcast %add3A_72 : i32 to vector<16xi32>
    %add3A_74 = arith.addi %iota3A, %add3A_73 : vector<16xi32>
    %and3A_75 = arith.constant 15 : i32
    %and3A_76 = vector.broadcast %and3A_75 : i32 to vector<16xi32>
    %and3A_77 = arith.andi %add3A_74, %and3A_76 : vector<16xi32>
    %add3A_78 = arith.constant 13 : i32
    %add3A_79 = vector.broadcast %add3A_78 : i32 to vector<16xi32>
    %add3A_80 = arith.addi %iota3A, %add3A_79 : vector<16xi32>
    %and3A_81 = arith.constant 15 : i32
    %and3A_82 = vector.broadcast %and3A_81 : i32 to vector<16xi32>
    %and3A_83 = arith.andi %add3A_80, %and3A_82 : vector<16xi32>
    %add3A_84 = arith.constant 14 : i32
    %add3A_85 = vector.broadcast %add3A_84 : i32 to vector<16xi32>
    %add3A_86 = arith.addi %iota3A, %add3A_85 : vector<16xi32>
    %and3A_87 = arith.constant 15 : i32
    %and3A_88 = vector.broadcast %and3A_87 : i32 to vector<16xi32>
    %and3A_89 = arith.andi %add3A_86, %and3A_88 : vector<16xi32>
    %add3A_90 = arith.constant 15 : i32
    %add3A_91 = vector.broadcast %add3A_90 : i32 to vector<16xi32>
    %add3A_92 = arith.addi %iota3A, %add3A_91 : vector<16xi32>
    %and3A_93 = arith.constant 15 : i32
    %and3A_94 = vector.broadcast %and3A_93 : i32 to vector<16xi32>
    %and3A_95 = arith.andi %add3A_92, %and3A_94 : vector<16xi32>
    %mul3A_96 = arith.constant 64 : i32
    %mul3A_97 = vector.broadcast %mul3A_96 : i32 to vector<16xi32>
    %mul3A_98 = arith.muli %iota3A, %mul3A_97 : vector<16xi32>
    %add3A_99 = arith.addi %mul3A_98, %and3A_5 : vector<16xi32>
    %mul3A_100 = arith.constant 64 : i32
    %mul3A_101 = vector.broadcast %mul3A_100 : i32 to vector<16xi32>
    %mul3A_102 = arith.muli %iota3A, %mul3A_101 : vector<16xi32>
    %add3A_103 = arith.addi %mul3A_102, %and3A_11 : vector<16xi32>
    %mul3A_104 = arith.constant 64 : i32
    %mul3A_105 = vector.broadcast %mul3A_104 : i32 to vector<16xi32>
    %mul3A_106 = arith.muli %iota3A, %mul3A_105 : vector<16xi32>
    %add3A_107 = arith.addi %mul3A_106, %and3A_17 : vector<16xi32>
    %mul3A_108 = arith.constant 64 : i32
    %mul3A_109 = vector.broadcast %mul3A_108 : i32 to vector<16xi32>
    %mul3A_110 = arith.muli %iota3A, %mul3A_109 : vector<16xi32>
    %add3A_111 = arith.addi %mul3A_110, %and3A_23 : vector<16xi32>
    %mul3A_112 = arith.constant 64 : i32
    %mul3A_113 = vector.broadcast %mul3A_112 : i32 to vector<16xi32>
    %mul3A_114 = arith.muli %iota3A, %mul3A_113 : vector<16xi32>
    %add3A_115 = arith.addi %mul3A_114, %and3A_29 : vector<16xi32>
    %mul3A_116 = arith.constant 64 : i32
    %mul3A_117 = vector.broadcast %mul3A_116 : i32 to vector<16xi32>
    %mul3A_118 = arith.muli %iota3A, %mul3A_117 : vector<16xi32>
    %add3A_119 = arith.addi %mul3A_118, %and3A_35 : vector<16xi32>
    %mul3A_120 = arith.constant 64 : i32
    %mul3A_121 = vector.broadcast %mul3A_120 : i32 to vector<16xi32>
    %mul3A_122 = arith.muli %iota3A, %mul3A_121 : vector<16xi32>
    %add3A_123 = arith.addi %mul3A_122, %and3A_41 : vector<16xi32>
    %mul3A_124 = arith.constant 64 : i32
    %mul3A_125 = vector.broadcast %mul3A_124 : i32 to vector<16xi32>
    %mul3A_126 = arith.muli %iota3A, %mul3A_125 : vector<16xi32>
    %add3A_127 = arith.addi %mul3A_126, %and3A_47 : vector<16xi32>
    %mul3A_128 = arith.constant 64 : i32
    %mul3A_129 = vector.broadcast %mul3A_128 : i32 to vector<16xi32>
    %mul3A_130 = arith.muli %iota3A, %mul3A_129 : vector<16xi32>
    %add3A_131 = arith.addi %mul3A_130, %and3A_53 : vector<16xi32>
    %mul3A_132 = arith.constant 64 : i32
    %mul3A_133 = vector.broadcast %mul3A_132 : i32 to vector<16xi32>
    %mul3A_134 = arith.muli %iota3A, %mul3A_133 : vector<16xi32>
    %add3A_135 = arith.addi %mul3A_134, %and3A_59 : vector<16xi32>
    %mul3A_136 = arith.constant 64 : i32
    %mul3A_137 = vector.broadcast %mul3A_136 : i32 to vector<16xi32>
    %mul3A_138 = arith.muli %iota3A, %mul3A_137 : vector<16xi32>
    %add3A_139 = arith.addi %mul3A_138, %and3A_65 : vector<16xi32>
    %mul3A_140 = arith.constant 64 : i32
    %mul3A_141 = vector.broadcast %mul3A_140 : i32 to vector<16xi32>
    %mul3A_142 = arith.muli %iota3A, %mul3A_141 : vector<16xi32>
    %add3A_143 = arith.addi %mul3A_142, %and3A_71 : vector<16xi32>
    %mul3A_144 = arith.constant 64 : i32
    %mul3A_145 = vector.broadcast %mul3A_144 : i32 to vector<16xi32>
    %mul3A_146 = arith.muli %iota3A, %mul3A_145 : vector<16xi32>
    %add3A_147 = arith.addi %mul3A_146, %and3A_77 : vector<16xi32>
    %mul3A_148 = arith.constant 64 : i32
    %mul3A_149 = vector.broadcast %mul3A_148 : i32 to vector<16xi32>
    %mul3A_150 = arith.muli %iota3A, %mul3A_149 : vector<16xi32>
    %add3A_151 = arith.addi %mul3A_150, %and3A_83 : vector<16xi32>
    %mul3A_152 = arith.constant 64 : i32
    %mul3A_153 = vector.broadcast %mul3A_152 : i32 to vector<16xi32>
    %mul3A_154 = arith.muli %iota3A, %mul3A_153 : vector<16xi32>
    %add3A_155 = arith.addi %mul3A_154, %and3A_89 : vector<16xi32>
    %mul3A_156 = arith.constant 64 : i32
    %mul3A_157 = vector.broadcast %mul3A_156 : i32 to vector<16xi32>
    %mul3A_158 = arith.muli %iota3A, %mul3A_157 : vector<16xi32>
    %add3A_159 = arith.addi %mul3A_158, %and3A_95 : vector<16xi32>
    %sub3A = arith.constant 3905 : i32
    %sub3A_160 = arith.subi %sub3A, %add3A : i32
    %jit3A = arith.constant 32 : i32
    %div3A = arith.divsi %sub3A_160, %jit3A : i32
    %sign3A = arith.constant 0 : i32
    %sign3A_161 = arith.cmpi sgt, %sub3A_160, %sign3A : i32
    %sign3A_162 = arith.extui %sign3A_161 : i1 to i32
    %sign3A_163 = arith.constant 0 : i32
    %sign3A_164 = arith.cmpi slt, %sub3A_160, %sign3A_163 : i32
    %sign3A_165 = arith.extui %sign3A_164 : i1 to i32
    %sign3A_166 = arith.subi %sign3A_162, %sign3A_165 : i32
    %sign3A_167 = arith.constant 0 : i32
    %sign3A_168 = arith.cmpi sgt, %jit3A, %sign3A_167 : i32
    %sign3A_169 = arith.extui %sign3A_168 : i1 to i32
    %sign3A_170 = arith.constant 0 : i32
    %sign3A_171 = arith.cmpi slt, %jit3A, %sign3A_170 : i32
    %sign3A_172 = arith.extui %sign3A_171 : i1 to i32
    %sign3A_173 = arith.subi %sign3A_169, %sign3A_172 : i32
    %ne3A = arith.cmpi ne, %sign3A_166, %sign3A_173 : i32
    %rem3A = arith.remsi %sub3A_160, %jit3A : i32
    %ne3A_174 = arith.constant 0 : i32
    %ne3A_175 = arith.cmpi ne, %rem3A, %ne3A_174 : i32
    %and3A_176 = arith.andi %ne3A, %ne3A_175 : i1
    %sub3A_177 = arith.constant 1 : i32
    %sub3A_178 = arith.subi %div3A, %sub3A_177 : i32
    %select_n3A = arith.select %and3A_176, %sub3A_178, %div3A : i32
    %add3A_179 = arith.constant 1 : i32
    %add3A_180 = arith.addi %select_n3A, %add3A_179 : i32
    %eq3A = arith.constant 31 : i32
    %eq3A_181 = arith.cmpi eq, %add3A, %eq3A : i32
    %convert_element_type3A = arith.extui %eq3A_181 : i1 to i32
    %cond3A = arith.constant 0 : i32
    %cond3A_182 = arith.cmpi ne, %convert_element_type3A, %cond3A : i32
    scf.if %cond3A_182 {
      "tpu.region"() ({
        %run_scoped3A = tpu.sem_alloc : memref<!tpu.dma_semaphore, #tpu.memory_space<semaphore_mem>>
        tpu.enqueue_dma source(%arg3 : memref<4096xf32, #tpu.memory_space<hbm>>) target(%arg7 : memref<4096xf32, #tpu.memory_space<vmem>>) target_semaphore(%run_scoped3A : memref<!tpu.dma_semaphore, #tpu.memory_space<semaphore_mem>>)
        tpu.wait_dma2 semaphore(%run_scoped3A : memref<!tpu.dma_semaphore, #tpu.memory_space<semaphore_mem>>) src(%arg3 : memref<4096xf32, #tpu.memory_space<hbm>>) dst(%arg7 : memref<4096xf32, #tpu.memory_space<vmem>>)
        tpu.yield
      }) : () -> ()
      "tpu.region"() ({
        %run_scoped3A = tpu.sem_alloc : memref<!tpu.dma_semaphore, #tpu.memory_space<semaphore_mem>>
        %dma_start3A_281 = arith.constant 63995904 : i32
        %dma_start3A_282 = tpu.memref_slice %arg4[%dma_start3A_281] : memref<64000000xf32, #tpu.memory_space<hbm>> -> memref<4096xf32, #tpu.memory_space<hbm>>
        %dma_start3A_283 = arith.constant 63995904 : i32
        %dma_start3A_284 = tpu.memref_slice %arg4[%dma_start3A_283] : memref<64000000xf32, #tpu.memory_space<hbm>> -> memref<4096xf32, #tpu.memory_space<hbm>>
        tpu.enqueue_dma source(%arg7 : memref<4096xf32, #tpu.memory_space<vmem>>) target(%dma_start3A_284 : memref<4096xf32, #tpu.memory_space<hbm>>) target_semaphore(%run_scoped3A : memref<!tpu.dma_semaphore, #tpu.memory_space<semaphore_mem>>)
        %dma_wait3A_285 = arith.constant 63995904 : i32
        %dma_wait3A_286 = tpu.memref_slice %arg4[%dma_wait3A_285] : memref<64000000xf32, #tpu.memory_space<hbm>> -> memref<4096xf32, #tpu.memory_space<hbm>>
        %dma_wait3A_287 = arith.constant 63995904 : i32
        %dma_wait3A_288 = tpu.memref_slice %arg4[%dma_wait3A_287] : memref<64000000xf32, #tpu.memory_space<hbm>> -> memref<4096xf32, #tpu.memory_space<hbm>>
        tpu.wait_dma2 semaphore(%run_scoped3A : memref<!tpu.dma_semaphore, #tpu.memory_space<semaphore_mem>>) src(%arg7 : memref<4096xf32, #tpu.memory_space<vmem>>) dst(%dma_wait3A_288 : memref<4096xf32, #tpu.memory_space<hbm>>)
        tpu.yield
      }) : () -> ()
    } else {
    }
    %add3A_183 = arith.constant 0 : i32
    %add3A_184 = arith.addi %add3A, %add3A_183 : i32
    %mul3A_185 = arith.constant 256 : i32
    %mul3A_186 = arith.muli %add3A_184, %mul3A_185 : i32
    %multiple_of3A = tpu.assume_multiple %mul3A_186, 256 : i32
    %dma_start3A = arith.constant 0 : i32
    %dma_start3A_187 = arith.constant 0 : i32
    %dma_start3A_188 = arith.constant 0 : i32
    %dma_start3A_189 = tpu.memref_slice %arg5[%dma_start3A, %dma_start3A_187, %dma_start3A_188] : memref<3x64x256xf32, #tpu.memory_space<vmem>> -> memref<1x64x256xf32, #tpu.memory_space<vmem>>
    %dma_start3A_190 = tpu.memref_squeeze %dma_start3A_189 : memref<1x64x256xf32, #tpu.memory_space<vmem>> -> memref<64x256xf32, #tpu.memory_space<vmem>>
    %dma_start3A_191 = arith.constant 0 : i32
    %dma_start3A_192 = tpu.memref_slice %arg2[%dma_start3A_191, %multiple_of3A] : memref<64x1000000xf32, #tpu.memory_space<hbm>> -> memref<64x256xf32, #tpu.memory_space<hbm>>
    %dma_start3A_193 = arith.constant 0 : i32
    %dma_start3A_194 = arith.constant 0 : i32
    %dma_start3A_195 = tpu.memref_slice %arg5[%dma_start3A, %dma_start3A_193, %dma_start3A_194] : memref<3x64x256xf32, #tpu.memory_space<vmem>> -> memref<1x64x256xf32, #tpu.memory_space<vmem>>
    %dma_start3A_196 = tpu.memref_squeeze %dma_start3A_195 : memref<1x64x256xf32, #tpu.memory_space<vmem>> -> memref<64x256xf32, #tpu.memory_space<vmem>>
    %dma_start3A_197 = arith.constant 0 : i32
    %dma_start3A_198 = tpu.memref_slice %arg2[%dma_start3A_197, %multiple_of3A] : memref<64x1000000xf32, #tpu.memory_space<hbm>> -> memref<64x256xf32, #tpu.memory_space<hbm>>
    tpu.enqueue_dma source(%dma_start3A_198 : memref<64x256xf32, #tpu.memory_space<hbm>>) target(%dma_start3A_196 : memref<64x256xf32, #tpu.memory_space<vmem>>) target_semaphore(%arg8 : memref<!tpu.dma_semaphore, #tpu.memory_space<semaphore_mem>>)
    %add3A_199 = arith.constant 32 : i32
    %add3A_200 = arith.addi %add3A, %add3A_199 : i32
    %mul3A_201 = arith.constant 256 : i32
    %mul3A_202 = arith.muli %add3A_200, %mul3A_201 : i32
    %multiple_of3A_203 = tpu.assume_multiple %mul3A_202, 256 : i32
    %dma_start3A_204 = arith.constant 1 : i32
    %dma_start3A_205 = arith.constant 0 : i32
    %dma_start3A_206 = arith.constant 0 : i32
    %dma_start3A_207 = tpu.memref_slice %arg5[%dma_start3A_204, %dma_start3A_205, %dma_start3A_206] : memref<3x64x256xf32, #tpu.memory_space<vmem>> -> memref<1x64x256xf32, #tpu.memory_space<vmem>>
    %dma_start3A_208 = tpu.memref_squeeze %dma_start3A_207 : memref<1x64x256xf32, #tpu.memory_space<vmem>> -> memref<64x256xf32, #tpu.memory_space<vmem>>
    %dma_start3A_209 = arith.constant 0 : i32
    %dma_start3A_210 = tpu.memref_slice %arg2[%dma_start3A_209, %multiple_of3A_203] : memref<64x1000000xf32, #tpu.memory_space<hbm>> -> memref<64x256xf32, #tpu.memory_space<hbm>>
    %dma_start3A_211 = arith.constant 0 : i32
    %dma_start3A_212 = arith.constant 0 : i32
    %dma_start3A_213 = tpu.memref_slice %arg5[%dma_start3A_204, %dma_start3A_211, %dma_start3A_212] : memref<3x64x256xf32, #tpu.memory_space<vmem>> -> memref<1x64x256xf32, #tpu.memory_space<vmem>>
    %dma_start3A_214 = tpu.memref_squeeze %dma_start3A_213 : memref<1x64x256xf32, #tpu.memory_space<vmem>> -> memref<64x256xf32, #tpu.memory_space<vmem>>
    %dma_start3A_215 = arith.constant 0 : i32
    %dma_start3A_216 = tpu.memref_slice %arg2[%dma_start3A_215, %multiple_of3A_203] : memref<64x1000000xf32, #tpu.memory_space<hbm>> -> memref<64x256xf32, #tpu.memory_space<hbm>>
    tpu.enqueue_dma source(%dma_start3A_216 : memref<64x256xf32, #tpu.memory_space<hbm>>) target(%dma_start3A_214 : memref<64x256xf32, #tpu.memory_space<vmem>>) target_semaphore(%arg8 : memref<!tpu.dma_semaphore, #tpu.memory_space<semaphore_mem>>)
    %while3A = arith.constant 0 : i32
    %while3A_217 = arith.subi %add3A_180, %while3A : i32
    %while3A_218 = arith.addi %while3A, %while3A_217 : i32
    %while3A_219 = arith.constant 1 : i32
    %while3A_220 = arith.divsi %while3A_217, %while3A_219 : i32
    %while3A_221 = arith.muli %while3A_220, %while3A_219 : i32
    %while3A_222 = arith.addi %while3A, %while3A_221 : i32
    %while3A_223 = arith.constant 1 : i32
    scf.for %while3A_281 = %while3A to %while3A_222 step %while3A_223  : i32 {
      %rem3A_282 = arith.constant 3 : i32
      %rem3A_283 = arith.remsi %while3A_281, %rem3A_282 : i32
      %mul3A_284 = arith.constant 32 : i32
      %mul3A_285 = arith.muli %while3A_281, %mul3A_284 : i32
      %add3A_286 = arith.addi %add3A, %mul3A_285 : i32
      %mul3A_287 = arith.constant 256 : i32
      %mul3A_288 = arith.muli %add3A_286, %mul3A_287 : i32
      %multiple_of3A_289 = tpu.assume_multiple %mul3A_288, 256 : i32
      %dma_wait3A_290 = arith.constant 0 : i32
      %dma_wait3A_291 = arith.constant 0 : i32
      %dma_wait3A_292 = tpu.memref_slice %arg5[%rem3A_283, %dma_wait3A_290, %dma_wait3A_291] : memref<3x64x256xf32, #tpu.memory_space<vmem>> -> memref<1x64x256xf32, #tpu.memory_space<vmem>>
      %dma_wait3A_293 = tpu.memref_squeeze %dma_wait3A_292 : memref<1x64x256xf32, #tpu.memory_space<vmem>> -> memref<64x256xf32, #tpu.memory_space<vmem>>
      %dma_wait3A_294 = arith.constant 0 : i32
      %dma_wait3A_295 = tpu.memref_slice %arg2[%dma_wait3A_294, %multiple_of3A_289] : memref<64x1000000xf32, #tpu.memory_space<hbm>> -> memref<64x256xf32, #tpu.memory_space<hbm>>
      %dma_wait3A_296 = arith.constant 0 : i32
      %dma_wait3A_297 = arith.constant 0 : i32
      %dma_wait3A_298 = tpu.memref_slice %arg5[%rem3A_283, %dma_wait3A_296, %dma_wait3A_297] : memref<3x64x256xf32, #tpu.memory_space<vmem>> -> memref<1x64x256xf32, #tpu.memory_space<vmem>>
      %dma_wait3A_299 = tpu.memref_squeeze %dma_wait3A_298 : memref<1x64x256xf32, #tpu.memory_space<vmem>> -> memref<64x256xf32, #tpu.memory_space<vmem>>
      %dma_wait3A_300 = arith.constant 0 : i32
      %dma_wait3A_301 = tpu.memref_slice %arg2[%dma_wait3A_300, %multiple_of3A_289] : memref<64x1000000xf32, #tpu.memory_space<hbm>> -> memref<64x256xf32, #tpu.memory_space<hbm>>
      tpu.wait_dma2 semaphore(%arg8 : memref<!tpu.dma_semaphore, #tpu.memory_space<semaphore_mem>>) src(%dma_wait3A_301 : memref<64x256xf32, #tpu.memory_space<hbm>>) dst(%dma_wait3A_299 : memref<64x256xf32, #tpu.memory_space<vmem>>)
      %add3A_302 = arith.constant 2 : i32
      %add3A_303 = arith.addi %while3A_281, %add3A_302 : i32
      %lt3A = arith.cmpi slt, %add3A_303, %add3A_180 : i32
      %convert_element_type3A_304 = arith.extui %lt3A : i1 to i32
      %cond3A_305 = arith.constant 0 : i32
      %cond3A_306 = arith.cmpi ne, %convert_element_type3A_304, %cond3A_305 : i32
      scf.if %cond3A_306 {
        %add3A_345 = arith.constant 2 : i32
        %add3A_346 = arith.addi %while3A_281, %add3A_345 : i32
        %add3A_347 = arith.constant 2 : i32
        %add3A_348 = arith.addi %while3A_281, %add3A_347 : i32
        %rem3A_349 = arith.constant 3 : i32
        %rem3A_350 = arith.remsi %add3A_348, %rem3A_349 : i32
        %mul3A_351 = arith.constant 32 : i32
        %mul3A_352 = arith.muli %add3A_346, %mul3A_351 : i32
        %add3A_353 = arith.addi %add3A, %mul3A_352 : i32
        %mul3A_354 = arith.constant 256 : i32
        %mul3A_355 = arith.muli %add3A_353, %mul3A_354 : i32
        %multiple_of3A_356 = tpu.assume_multiple %mul3A_355, 256 : i32
        %dma_start3A_357 = arith.constant 0 : i32
        %dma_start3A_358 = arith.constant 0 : i32
        %dma_start3A_359 = tpu.memref_slice %arg5[%rem3A_350, %dma_start3A_357, %dma_start3A_358] : memref<3x64x256xf32, #tpu.memory_space<vmem>> -> memref<1x64x256xf32, #tpu.memory_space<vmem>>
        %dma_start3A_360 = tpu.memref_squeeze %dma_start3A_359 : memref<1x64x256xf32, #tpu.memory_space<vmem>> -> memref<64x256xf32, #tpu.memory_space<vmem>>
        %dma_start3A_361 = arith.constant 0 : i32
        %dma_start3A_362 = tpu.memref_slice %arg2[%dma_start3A_361, %multiple_of3A_356] : memref<64x1000000xf32, #tpu.memory_space<hbm>> -> memref<64x256xf32, #tpu.memory_space<hbm>>
        %dma_start3A_363 = arith.constant 0 : i32
        %dma_start3A_364 = arith.constant 0 : i32
        %dma_start3A_365 = tpu.memref_slice %arg5[%rem3A_350, %dma_start3A_363, %dma_start3A_364] : memref<3x64x256xf32, #tpu.memory_space<vmem>> -> memref<1x64x256xf32, #tpu.memory_space<vmem>>
        %dma_start3A_366 = tpu.memref_squeeze %dma_start3A_365 : memref<1x64x256xf32, #tpu.memory_space<vmem>> -> memref<64x256xf32, #tpu.memory_space<vmem>>
        %dma_start3A_367 = arith.constant 0 : i32
        %dma_start3A_368 = tpu.memref_slice %arg2[%dma_start3A_367, %multiple_of3A_356] : memref<64x1000000xf32, #tpu.memory_space<hbm>> -> memref<64x256xf32, #tpu.memory_space<hbm>>
        tpu.enqueue_dma source(%dma_start3A_368 : memref<64x256xf32, #tpu.memory_space<hbm>>) target(%dma_start3A_366 : memref<64x256xf32, #tpu.memory_space<vmem>>) target_semaphore(%arg8 : memref<!tpu.dma_semaphore, #tpu.memory_space<semaphore_mem>>)
      } else {
      }
      %ge3A = arith.constant 3 : i32
      %ge3A_307 = arith.cmpi sge, %while3A_281, %ge3A : i32
      %convert_element_type3A_308 = arith.extui %ge3A_307 : i1 to i32
      %cond3A_309 = arith.constant 0 : i32
      %cond3A_310 = arith.cmpi ne, %convert_element_type3A_308, %cond3A_309 : i32
      scf.if %cond3A_310 {
        %sub3A_345 = arith.constant 3 : i32
        %sub3A_346 = arith.subi %while3A_281, %sub3A_345 : i32
        %mul3A_347 = arith.constant 32 : i32
        %mul3A_348 = arith.muli %sub3A_346, %mul3A_347 : i32
        %add3A_349 = arith.addi %add3A, %mul3A_348 : i32
        %mul3A_350 = arith.constant 16384 : i32
        %mul3A_351 = arith.muli %add3A_349, %mul3A_350 : i32
        %multiple_of3A_352 = tpu.assume_multiple %mul3A_351, 16384 : i32
        %mul3A_353 = arith.constant 16384 : i32
        %mul3A_354 = arith.muli %rem3A_283, %mul3A_353 : i32
        %multiple_of3A_355 = tpu.assume_multiple %mul3A_354, 16384 : i32
        %dma_wait3A_356 = tpu.memref_slice %arg6[%multiple_of3A_355] : memref<49152xf32, #tpu.memory_space<vmem>> -> memref<16384xf32, #tpu.memory_space<vmem>>
        %dma_wait3A_357 = tpu.memref_slice %arg4[%multiple_of3A_352] : memref<64000000xf32, #tpu.memory_space<hbm>> -> memref<16384xf32, #tpu.memory_space<hbm>>
        %dma_wait3A_358 = tpu.memref_slice %arg4[%multiple_of3A_352] : memref<64000000xf32, #tpu.memory_space<hbm>> -> memref<16384xf32, #tpu.memory_space<hbm>>
        %dma_wait3A_359 = tpu.memref_slice %arg6[%multiple_of3A_355] : memref<49152xf32, #tpu.memory_space<vmem>> -> memref<16384xf32, #tpu.memory_space<vmem>>
        tpu.wait_dma2 semaphore(%arg9 : memref<!tpu.dma_semaphore, #tpu.memory_space<semaphore_mem>>) src(%dma_wait3A_359 : memref<16384xf32, #tpu.memory_space<vmem>>) dst(%dma_wait3A_358 : memref<16384xf32, #tpu.memory_space<hbm>>)
      } else {
      }
      %mul3A_311 = arith.constant 16384 : i32
      %mul3A_312 = arith.muli %rem3A_283, %mul3A_311 : i32
      %scan3A = arith.constant 0 : i32
      %scan3A_313 = arith.constant 16 : i32
      %scan3A_314 = arith.addi %scan3A, %scan3A_313 : i32
      %scan3A_315 = arith.constant 1 : i32
      scf.for %scan3A_345 = %scan3A to %scan3A_314 step %scan3A_315  : i32 {
        %mul3A_346 = arith.constant 16 : i32
        %mul3A_347 = arith.muli %scan3A_345, %mul3A_346 : i32
        %add3A_348 = vector.broadcast %mul3A_347 : i32 to vector<16xi32>
        %add3A_349 = arith.addi %iota3A, %add3A_348 : vector<16xi32>
        %mul3A_350 = arith.constant 1024 : i32
        %mul3A_351 = arith.muli %scan3A_345, %mul3A_350 : i32
        %add3A_352 = arith.addi %mul3A_312, %mul3A_351 : i32
        %add3A_353 = arith.constant 0 : i32
        %add3A_354 = arith.addi %add3A_352, %add3A_353 : i32
        %gather3A = arith.constant 0 : i32
        %gather3A_355 = arith.constant 0 : i32
        %gather3A_356 = tpu.memref_slice %arg5[%rem3A_283, %gather3A, %gather3A_355] : memref<3x64x256xf32, #tpu.memory_space<vmem>> -> memref<1x16x256xf32, #tpu.memory_space<vmem>>
        %gather3A_357 = tpu.memref_squeeze %gather3A_356 : memref<1x16x256xf32, #tpu.memory_space<vmem>> -> memref<16x256xf32, #tpu.memory_space<vmem>>
        %gather3A_358 = tpu.vector_load_idx %gather3A_357[%and3A_5, %add3A_349] : memref<16x256xf32, #tpu.memory_space<vmem>>[vector<16xi32>, vector<16xi32>], vector<16xf32>,
        %gather3A_359 = arith.constant 0 : i32
        %gather3A_360 = arith.constant 0 : i32
        %gather3A_361 = tpu.memref_slice %arg5[%rem3A_283, %gather3A_359, %gather3A_360] : memref<3x64x256xf32, #tpu.memory_space<vmem>> -> memref<1x16x256xf32, #tpu.memory_space<vmem>>
        %gather3A_362 = tpu.memref_squeeze %gather3A_361 : memref<1x16x256xf32, #tpu.memory_space<vmem>> -> memref<16x256xf32, #tpu.memory_space<vmem>>
        %gather3A_363 = tpu.vector_load_idx %gather3A_362[%and3A_11, %add3A_349] : memref<16x256xf32, #tpu.memory_space<vmem>>[vector<16xi32>, vector<16xi32>], vector<16xf32>,
        %gather3A_364 = arith.constant 0 : i32
        %gather3A_365 = arith.constant 0 : i32
        %gather3A_366 = tpu.memref_slice %arg5[%rem3A_283, %gather3A_364, %gather3A_365] : memref<3x64x256xf32, #tpu.memory_space<vmem>> -> memref<1x16x256xf32, #tpu.memory_space<vmem>>
        %gather3A_367 = tpu.memref_squeeze %gather3A_366 : memref<1x16x256xf32, #tpu.memory_space<vmem>> -> memref<16x256xf32, #tpu.memory_space<vmem>>
        %gather3A_368 = tpu.vector_load_idx %gather3A_367[%and3A_17, %add3A_349] : memref<16x256xf32, #tpu.memory_space<vmem>>[vector<16xi32>, vector<16xi32>], vector<16xf32>,
        %gather3A_369 = arith.constant 0 : i32
        %gather3A_370 = arith.constant 0 : i32
        %gather3A_371 = tpu.memref_slice %arg5[%rem3A_283, %gather3A_369, %gather3A_370] : memref<3x64x256xf32, #tpu.memory_space<vmem>> -> memref<1x16x256xf32, #tpu.memory_space<vmem>>
        %gather3A_372 = tpu.memref_squeeze %gather3A_371 : memref<1x16x256xf32, #tpu.memory_space<vmem>> -> memref<16x256xf32, #tpu.memory_space<vmem>>
        %gather3A_373 = tpu.vector_load_idx %gather3A_372[%and3A_23, %add3A_349] : memref<16x256xf32, #tpu.memory_space<vmem>>[vector<16xi32>, vector<16xi32>], vector<16xf32>,
        %gather3A_374 = arith.constant 0 : i32
        %gather3A_375 = arith.constant 0 : i32
        %gather3A_376 = tpu.memref_slice %arg5[%rem3A_283, %gather3A_374, %gather3A_375] : memref<3x64x256xf32, #tpu.memory_space<vmem>> -> memref<1x16x256xf32, #tpu.memory_space<vmem>>
        %gather3A_377 = tpu.memref_squeeze %gather3A_376 : memref<1x16x256xf32, #tpu.memory_space<vmem>> -> memref<16x256xf32, #tpu.memory_space<vmem>>
        %gather3A_378 = tpu.vector_load_idx %gather3A_377[%and3A_29, %add3A_349] : memref<16x256xf32, #tpu.memory_space<vmem>>[vector<16xi32>, vector<16xi32>], vector<16xf32>,
        %gather3A_379 = arith.constant 0 : i32
        %gather3A_380 = arith.constant 0 : i32
        %gather3A_381 = tpu.memref_slice %arg5[%rem3A_283, %gather3A_379, %gather3A_380] : memref<3x64x256xf32, #tpu.memory_space<vmem>> -> memref<1x16x256xf32, #tpu.memory_space<vmem>>
        %gather3A_382 = tpu.memref_squeeze %gather3A_381 : memref<1x16x256xf32, #tpu.memory_space<vmem>> -> memref<16x256xf32, #tpu.memory_space<vmem>>
        %gather3A_383 = tpu.vector_load_idx %gather3A_382[%and3A_35, %add3A_349] : memref<16x256xf32, #tpu.memory_space<vmem>>[vector<16xi32>, vector<16xi32>], vector<16xf32>,
        %gather3A_384 = arith.constant 0 : i32
        %gather3A_385 = arith.constant 0 : i32
        %gather3A_386 = tpu.memref_slice %arg5[%rem3A_283, %gather3A_384, %gather3A_385] : memref<3x64x256xf32, #tpu.memory_space<vmem>> -> memref<1x16x256xf32, #tpu.memory_space<vmem>>
        %gather3A_387 = tpu.memref_squeeze %gather3A_386 : memref<1x16x256xf32, #tpu.memory_space<vmem>> -> memref<16x256xf32, #tpu.memory_space<vmem>>
        %gather3A_388 = tpu.vector_load_idx %gather3A_387[%and3A_41, %add3A_349] : memref<16x256xf32, #tpu.memory_space<vmem>>[vector<16xi32>, vector<16xi32>], vector<16xf32>,
        %gather3A_389 = arith.constant 0 : i32
        %gather3A_390 = arith.constant 0 : i32
        %gather3A_391 = tpu.memref_slice %arg5[%rem3A_283, %gather3A_389, %gather3A_390] : memref<3x64x256xf32, #tpu.memory_space<vmem>> -> memref<1x16x256xf32, #tpu.memory_space<vmem>>
        %gather3A_392 = tpu.memref_squeeze %gather3A_391 : memref<1x16x256xf32, #tpu.memory_space<vmem>> -> memref<16x256xf32, #tpu.memory_space<vmem>>
        %gather3A_393 = tpu.vector_load_idx %gather3A_392[%and3A_47, %add3A_349] : memref<16x256xf32, #tpu.memory_space<vmem>>[vector<16xi32>, vector<16xi32>], vector<16xf32>,
        %gather3A_394 = arith.constant 0 : i32
        %gather3A_395 = arith.constant 0 : i32
        %gather3A_396 = tpu.memref_slice %arg5[%rem3A_283, %gather3A_394, %gather3A_395] : memref<3x64x256xf32, #tpu.memory_space<vmem>> -> memref<1x16x256xf32, #tpu.memory_space<vmem>>
        %gather3A_397 = tpu.memref_squeeze %gather3A_396 : memref<1x16x256xf32, #tpu.memory_space<vmem>> -> memref<16x256xf32, #tpu.memory_space<vmem>>
        %gather3A_398 = tpu.vector_load_idx %gather3A_397[%and3A_53, %add3A_349] : memref<16x256xf32, #tpu.memory_space<vmem>>[vector<16xi32>, vector<16xi32>], vector<16xf32>,
        %gather3A_399 = arith.constant 0 : i32
        %gather3A_400 = arith.constant 0 : i32
        %gather3A_401 = tpu.memref_slice %arg5[%rem3A_283, %gather3A_399, %gather3A_400] : memref<3x64x256xf32, #tpu.memory_space<vmem>> -> memref<1x16x256xf32, #tpu.memory_space<vmem>>
        %gather3A_402 = tpu.memref_squeeze %gather3A_401 : memref<1x16x256xf32, #tpu.memory_space<vmem>> -> memref<16x256xf32, #tpu.memory_space<vmem>>
        %gather3A_403 = tpu.vector_load_idx %gather3A_402[%and3A_59, %add3A_349] : memref<16x256xf32, #tpu.memory_space<vmem>>[vector<16xi32>, vector<16xi32>], vector<16xf32>,
        %gather3A_404 = arith.constant 0 : i32
        %gather3A_405 = arith.constant 0 : i32
        %gather3A_406 = tpu.memref_slice %arg5[%rem3A_283, %gather3A_404, %gather3A_405] : memref<3x64x256xf32, #tpu.memory_space<vmem>> -> memref<1x16x256xf32, #tpu.memory_space<vmem>>
        %gather3A_407 = tpu.memref_squeeze %gather3A_406 : memref<1x16x256xf32, #tpu.memory_space<vmem>> -> memref<16x256xf32, #tpu.memory_space<vmem>>
        %gather3A_408 = tpu.vector_load_idx %gather3A_407[%and3A_65, %add3A_349] : memref<16x256xf32, #tpu.memory_space<vmem>>[vector<16xi32>, vector<16xi32>], vector<16xf32>,
        %gather3A_409 = arith.constant 0 : i32
        %gather3A_410 = arith.constant 0 : i32
        %gather3A_411 = tpu.memref_slice %arg5[%rem3A_283, %gather3A_409, %gather3A_410] : memref<3x64x256xf32, #tpu.memory_space<vmem>> -> memref<1x16x256xf32, #tpu.memory_space<vmem>>
        %gather3A_412 = tpu.memref_squeeze %gather3A_411 : memref<1x16x256xf32, #tpu.memory_space<vmem>> -> memref<16x256xf32, #tpu.memory_space<vmem>>
        %gather3A_413 = tpu.vector_load_idx %gather3A_412[%and3A_71, %add3A_349] : memref<16x256xf32, #tpu.memory_space<vmem>>[vector<16xi32>, vector<16xi32>], vector<16xf32>,
        %gather3A_414 = arith.constant 0 : i32
        %gather3A_415 = arith.constant 0 : i32
        %gather3A_416 = tpu.memref_slice %arg5[%rem3A_283, %gather3A_414, %gather3A_415] : memref<3x64x256xf32, #tpu.memory_space<vmem>> -> memref<1x16x256xf32, #tpu.memory_space<vmem>>
        %gather3A_417 = tpu.memref_squeeze %gather3A_416 : memref<1x16x256xf32, #tpu.memory_space<vmem>> -> memref<16x256xf32, #tpu.memory_space<vmem>>
        %gather3A_418 = tpu.vector_load_idx %gather3A_417[%and3A_77, %add3A_349] : memref<16x256xf32, #tpu.memory_space<vmem>>[vector<16xi32>, vector<16xi32>], vector<16xf32>,
        %gather3A_419 = arith.constant 0 : i32
        %gather3A_420 = arith.constant 0 : i32
        %gather3A_421 = tpu.memref_slice %arg5[%rem3A_283, %gather3A_419, %gather3A_420] : memref<3x64x256xf32, #tpu.memory_space<vmem>> -> memref<1x16x256xf32, #tpu.memory_space<vmem>>
        %gather3A_422 = tpu.memref_squeeze %gather3A_421 : memref<1x16x256xf32, #tpu.memory_space<vmem>> -> memref<16x256xf32, #tpu.memory_space<vmem>>
        %gather3A_423 = tpu.vector_load_idx %gather3A_422[%and3A_83, %add3A_349] : memref<16x256xf32, #tpu.memory_space<vmem>>[vector<16xi32>, vector<16xi32>], vector<16xf32>,
        %gather3A_424 = arith.constant 0 : i32
        %gather3A_425 = arith.constant 0 : i32
        %gather3A_426 = tpu.memref_slice %arg5[%rem3A_283, %gather3A_424, %gather3A_425] : memref<3x64x256xf32, #tpu.memory_space<vmem>> -> memref<1x16x256xf32, #tpu.memory_space<vmem>>
        %gather3A_427 = tpu.memref_squeeze %gather3A_426 : memref<1x16x256xf32, #tpu.memory_space<vmem>> -> memref<16x256xf32, #tpu.memory_space<vmem>>
        %gather3A_428 = tpu.vector_load_idx %gather3A_427[%and3A_89, %add3A_349] : memref<16x256xf32, #tpu.memory_space<vmem>>[vector<16xi32>, vector<16xi32>], vector<16xf32>,
        %gather3A_429 = arith.constant 0 : i32
        %gather3A_430 = arith.constant 0 : i32
        %gather3A_431 = tpu.memref_slice %arg5[%rem3A_283, %gather3A_429, %gather3A_430] : memref<3x64x256xf32, #tpu.memory_space<vmem>> -> memref<1x16x256xf32, #tpu.memory_space<vmem>>
        %gather3A_432 = tpu.memref_squeeze %gather3A_431 : memref<1x16x256xf32, #tpu.memory_space<vmem>> -> memref<16x256xf32, #tpu.memory_space<vmem>>
        %gather3A_433 = tpu.vector_load_idx %gather3A_432[%and3A_95, %add3A_349] : memref<16x256xf32, #tpu.memory_space<vmem>>[vector<16xi32>, vector<16xi32>], vector<16xf32>,
        %add3A_434 = vector.broadcast %add3A_354 : i32 to vector<16xi32>
        %add3A_435 = arith.addi %add3A_99, %add3A_434 : vector<16xi32>
        tpu.vector_store_idx %arg6[%add3A_435], %gather3A_358 : memref<49152xf32, #tpu.memory_space<vmem>>[vector<16xi32>], vector<16xf32>,
        %add3A_436 = vector.broadcast %add3A_354 : i32 to vector<16xi32>
        %add3A_437 = arith.addi %add3A_103, %add3A_436 : vector<16xi32>
        tpu.vector_store_idx %arg6[%add3A_437], %gather3A_363 : memref<49152xf32, #tpu.memory_space<vmem>>[vector<16xi32>], vector<16xf32>,
        %add3A_438 = vector.broadcast %add3A_354 : i32 to vector<16xi32>
        %add3A_439 = arith.addi %add3A_107, %add3A_438 : vector<16xi32>
        tpu.vector_store_idx %arg6[%add3A_439], %gather3A_368 : memref<49152xf32, #tpu.memory_space<vmem>>[vector<16xi32>], vector<16xf32>,
        %add3A_440 = vector.broadcast %add3A_354 : i32 to vector<16xi32>
        %add3A_441 = arith.addi %add3A_111, %add3A_440 : vector<16xi32>
        tpu.vector_store_idx %arg6[%add3A_441], %gather3A_373 : memref<49152xf32, #tpu.memory_space<vmem>>[vector<16xi32>], vector<16xf32>,
        %add3A_442 = vector.broadcast %add3A_354 : i32 to vector<16xi32>
        %add3A_443 = arith.addi %add3A_115, %add3A_442 : vector<16xi32>
        tpu.vector_store_idx %arg6[%add3A_443], %gather3A_378 : memref<49152xf32, #tpu.memory_space<vmem>>[vector<16xi32>], vector<16xf32>,
        %add3A_444 = vector.broadcast %add3A_354 : i32 to vector<16xi32>
        %add3A_445 = arith.addi %add3A_119, %add3A_444 : vector<16xi32>
        tpu.vector_store_idx %arg6[%add3A_445], %gather3A_383 : memref<49152xf32, #tpu.memory_space<vmem>>[vector<16xi32>], vector<16xf32>,
        %add3A_446 = vector.broadcast %add3A_354 : i32 to vector<16xi32>
        %add3A_447 = arith.addi %add3A_123, %add3A_446 : vector<16xi32>
        tpu.vector_store_idx %arg6[%add3A_447], %gather3A_388 : memref<49152xf32, #tpu.memory_space<vmem>>[vector<16xi32>], vector<16xf32>,
        %add3A_448 = vector.broadcast %add3A_354 : i32 to vector<16xi32>
        %add3A_449 = arith.addi %add3A_127, %add3A_448 : vector<16xi32>
        tpu.vector_store_idx %arg6[%add3A_449], %gather3A_393 : memref<49152xf32, #tpu.memory_space<vmem>>[vector<16xi32>], vector<16xf32>,
        %add3A_450 = vector.broadcast %add3A_354 : i32 to vector<16xi32>
        %add3A_451 = arith.addi %add3A_131, %add3A_450 : vector<16xi32>
        tpu.vector_store_idx %arg6[%add3A_451], %gather3A_398 : memref<49152xf32, #tpu.memory_space<vmem>>[vector<16xi32>], vector<16xf32>,
        %add3A_452 = vector.broadcast %add3A_354 : i32 to vector<16xi32>
        %add3A_453 = arith.addi %add3A_135, %add3A_452 : vector<16xi32>
        tpu.vector_store_idx %arg6[%add3A_453], %gather3A_403 : memref<49152xf32, #tpu.memory_space<vmem>>[vector<16xi32>], vector<16xf32>,
        %add3A_454 = vector.broadcast %add3A_354 : i32 to vector<16xi32>
        %add3A_455 = arith.addi %add3A_139, %add3A_454 : vector<16xi32>
        tpu.vector_store_idx %arg6[%add3A_455], %gather3A_408 : memref<49152xf32, #tpu.memory_space<vmem>>[vector<16xi32>], vector<16xf32>,
        %add3A_456 = vector.broadcast %add3A_354 : i32 to vector<16xi32>
        %add3A_457 = arith.addi %add3A_143, %add3A_456 : vector<16xi32>
        tpu.vector_store_idx %arg6[%add3A_457], %gather3A_413 : memref<49152xf32, #tpu.memory_space<vmem>>[vector<16xi32>], vector<16xf32>,
        %add3A_458 = vector.broadcast %add3A_354 : i32 to vector<16xi32>
        %add3A_459 = arith.addi %add3A_147, %add3A_458 : vector<16xi32>
        tpu.vector_store_idx %arg6[%add3A_459], %gather3A_418 : memref<49152xf32, #tpu.memory_space<vmem>>[vector<16xi32>], vector<16xf32>,
        %add3A_460 = vector.broadcast %add3A_354 : i32 to vector<16xi32>
        %add3A_461 = arith.addi %add3A_151, %add3A_460 : vector<16xi32>
        tpu.vector_store_idx %arg6[%add3A_461], %gather3A_423 : memref<49152xf32, #tpu.memory_space<vmem>>[vector<16xi32>], vector<16xf32>,
        %add3A_462 = vector.broadcast %add3A_354 : i32 to vector<16xi32>
        %add3A_463 = arith.addi %add3A_155, %add3A_462 : vector<16xi32>
        tpu.vector_store_idx %arg6[%add3A_463], %gather3A_428 : memref<49152xf32, #tpu.memory_space<vmem>>[vector<16xi32>], vector<16xf32>,
        %add3A_464 = vector.broadcast %add3A_354 : i32 to vector<16xi32>
        %add3A_465 = arith.addi %add3A_159, %add3A_464 : vector<16xi32>
        tpu.vector_store_idx %arg6[%add3A_465], %gather3A_433 : memref<49152xf32, #tpu.memory_space<vmem>>[vector<16xi32>], vector<16xf32>,
      }
      %scan3A_316 = arith.constant 16 : i32
      %scan3A_317 = arith.constant 0 : i32
      %scan3A_318 = arith.constant 16 : i32
      %scan3A_319 = arith.addi %scan3A_317, %scan3A_318 : i32
      %scan3A_320 = arith.constant 1 : i32
      scf.for %scan3A_345 = %scan3A_317 to %scan3A_319 step %scan3A_320  : i32 {
        %mul3A_346 = arith.constant 16 : i32
        %mul3A_347 = arith.muli %scan3A_345, %mul3A_346 : i32
        %add3A_348 = vector.broadcast %mul3A_347 : i32 to vector<16xi32>
        %add3A_349 = arith.addi %iota3A, %add3A_348 : vector<16xi32>
        %mul3A_350 = arith.constant 1024 : i32
        %mul3A_351 = arith.muli %scan3A_345, %mul3A_350 : i32
        %add3A_352 = arith.addi %mul3A_312, %mul3A_351 : i32
        %add3A_353 = arith.constant 16 : i32
        %add3A_354 = arith.addi %add3A_352, %add3A_353 : i32
        %gather3A = arith.constant 16 : i32
        %gather3A_355 = arith.constant 0 : i32
        %gather3A_356 = tpu.memref_slice %arg5[%rem3A_283, %gather3A, %gather3A_355] : memref<3x64x256xf32, #tpu.memory_space<vmem>> -> memref<1x16x256xf32, #tpu.memory_space<vmem>>
        %gather3A_357 = tpu.memref_squeeze %gather3A_356 : memref<1x16x256xf32, #tpu.memory_space<vmem>> -> memref<16x256xf32, #tpu.memory_space<vmem>>
        %gather3A_358 = tpu.vector_load_idx %gather3A_357[%and3A_5, %add3A_349] : memref<16x256xf32, #tpu.memory_space<vmem>>[vector<16xi32>, vector<16xi32>], vector<16xf32>,
        %gather3A_359 = arith.constant 16 : i32
        %gather3A_360 = arith.constant 0 : i32
        %gather3A_361 = tpu.memref_slice %arg5[%rem3A_283, %gather3A_359, %gather3A_360] : memref<3x64x256xf32, #tpu.memory_space<vmem>> -> memref<1x16x256xf32, #tpu.memory_space<vmem>>
        %gather3A_362 = tpu.memref_squeeze %gather3A_361 : memref<1x16x256xf32, #tpu.memory_space<vmem>> -> memref<16x256xf32, #tpu.memory_space<vmem>>
        %gather3A_363 = tpu.vector_load_idx %gather3A_362[%and3A_11, %add3A_349] : memref<16x256xf32, #tpu.memory_space<vmem>>[vector<16xi32>, vector<16xi32>], vector<16xf32>,
        %gather3A_364 = arith.constant 16 : i32
        %gather3A_365 = arith.constant 0 : i32
        %gather3A_366 = tpu.memref_slice %arg5[%rem3A_283, %gather3A_364, %gather3A_365] : memref<3x64x256xf32, #tpu.memory_space<vmem>> -> memref<1x16x256xf32, #tpu.memory_space<vmem>>
        %gather3A_367 = tpu.memref_squeeze %gather3A_366 : memref<1x16x256xf32, #tpu.memory_space<vmem>> -> memref<16x256xf32, #tpu.memory_space<vmem>>
        %gather3A_368 = tpu.vector_load_idx %gather3A_367[%and3A_17, %add3A_349] : memref<16x256xf32, #tpu.memory_space<vmem>>[vector<16xi32>, vector<16xi32>], vector<16xf32>,
        %gather3A_369 = arith.constant 16 : i32
        %gather3A_370 = arith.constant 0 : i32
        %gather3A_371 = tpu.memref_slice %arg5[%rem3A_283, %gather3A_369, %gather3A_370] : memref<3x64x256xf32, #tpu.memory_space<vmem>> -> memref<1x16x256xf32, #tpu.memory_space<vmem>>
        %gather3A_372 = tpu.memref_squeeze %gather3A_371 : memref<1x16x256xf32, #tpu.memory_space<vmem>> -> memref<16x256xf32, #tpu.memory_space<vmem>>
        %gather3A_373 = tpu.vector_load_idx %gather3A_372[%and3A_23, %add3A_349] : memref<16x256xf32, #tpu.memory_space<vmem>>[vector<16xi32>, vector<16xi32>], vector<16xf32>,
        %gather3A_374 = arith.constant 16 : i32
        %gather3A_375 = arith.constant 0 : i32
        %gather3A_376 = tpu.memref_slice %arg5[%rem3A_283, %gather3A_374, %gather3A_375] : memref<3x64x256xf32, #tpu.memory_space<vmem>> -> memref<1x16x256xf32, #tpu.memory_space<vmem>>
        %gather3A_377 = tpu.memref_squeeze %gather3A_376 : memref<1x16x256xf32, #tpu.memory_space<vmem>> -> memref<16x256xf32, #tpu.memory_space<vmem>>
        %gather3A_378 = tpu.vector_load_idx %gather3A_377[%and3A_29, %add3A_349] : memref<16x256xf32, #tpu.memory_space<vmem>>[vector<16xi32>, vector<16xi32>], vector<16xf32>,
        %gather3A_379 = arith.constant 16 : i32
        %gather3A_380 = arith.constant 0 : i32
        %gather3A_381 = tpu.memref_slice %arg5[%rem3A_283, %gather3A_379, %gather3A_380] : memref<3x64x256xf32, #tpu.memory_space<vmem>> -> memref<1x16x256xf32, #tpu.memory_space<vmem>>
        %gather3A_382 = tpu.memref_squeeze %gather3A_381 : memref<1x16x256xf32, #tpu.memory_space<vmem>> -> memref<16x256xf32, #tpu.memory_space<vmem>>
        %gather3A_383 = tpu.vector_load_idx %gather3A_382[%and3A_35, %add3A_349] : memref<16x256xf32, #tpu.memory_space<vmem>>[vector<16xi32>, vector<16xi32>], vector<16xf32>,
        %gather3A_384 = arith.constant 16 : i32
        %gather3A_385 = arith.constant 0 : i32
        %gather3A_386 = tpu.memref_slice %arg5[%rem3A_283, %gather3A_384, %gather3A_385] : memref<3x64x256xf32, #tpu.memory_space<vmem>> -> memref<1x16x256xf32, #tpu.memory_space<vmem>>
        %gather3A_387 = tpu.memref_squeeze %gather3A_386 : memref<1x16x256xf32, #tpu.memory_space<vmem>> -> memref<16x256xf32, #tpu.memory_space<vmem>>
        %gather3A_388 = tpu.vector_load_idx %gather3A_387[%and3A_41, %add3A_349] : memref<16x256xf32, #tpu.memory_space<vmem>>[vector<16xi32>, vector<16xi32>], vector<16xf32>,
        %gather3A_389 = arith.constant 16 : i32
        %gather3A_390 = arith.constant 0 : i32
        %gather3A_391 = tpu.memref_slice %arg5[%rem3A_283, %gather3A_389, %gather3A_390] : memref<3x64x256xf32, #tpu.memory_space<vmem>> -> memref<1x16x256xf32, #tpu.memory_space<vmem>>
        %gather3A_392 = tpu.memref_squeeze %gather3A_391 : memref<1x16x256xf32, #tpu.memory_space<vmem>> -> memref<16x256xf32, #tpu.memory_space<vmem>>
        %gather3A_393 = tpu.vector_load_idx %gather3A_392[%and3A_47, %add3A_349] : memref<16x256xf32, #tpu.memory_space<vmem>>[vector<16xi32>, vector<16xi32>], vector<16xf32>,
        %gather3A_394 = arith.constant 16 : i32
        %gather3A_395 = arith.constant 0 : i32
        %gather3A_396 = tpu.memref_slice %arg5[%rem3A_283, %gather3A_394, %gather3A_395] : memref<3x64x256xf32, #tpu.memory_space<vmem>> -> memref<1x16x256xf32, #tpu.memory_space<vmem>>
        %gather3A_397 = tpu.memref_squeeze %gather3A_396 : memref<1x16x256xf32, #tpu.memory_space<vmem>> -> memref<16x256xf32, #tpu.memory_space<vmem>>
        %gather3A_398 = tpu.vector_load_idx %gather3A_397[%and3A_53, %add3A_349] : memref<16x256xf32, #tpu.memory_space<vmem>>[vector<16xi32>, vector<16xi32>], vector<16xf32>,
        %gather3A_399 = arith.constant 16 : i32
        %gather3A_400 = arith.constant 0 : i32
        %gather3A_401 = tpu.memref_slice %arg5[%rem3A_283, %gather3A_399, %gather3A_400] : memref<3x64x256xf32, #tpu.memory_space<vmem>> -> memref<1x16x256xf32, #tpu.memory_space<vmem>>
        %gather3A_402 = tpu.memref_squeeze %gather3A_401 : memref<1x16x256xf32, #tpu.memory_space<vmem>> -> memref<16x256xf32, #tpu.memory_space<vmem>>
        %gather3A_403 = tpu.vector_load_idx %gather3A_402[%and3A_59, %add3A_349] : memref<16x256xf32, #tpu.memory_space<vmem>>[vector<16xi32>, vector<16xi32>], vector<16xf32>,
        %gather3A_404 = arith.constant 16 : i32
        %gather3A_405 = arith.constant 0 : i32
        %gather3A_406 = tpu.memref_slice %arg5[%rem3A_283, %gather3A_404, %gather3A_405] : memref<3x64x256xf32, #tpu.memory_space<vmem>> -> memref<1x16x256xf32, #tpu.memory_space<vmem>>
        %gather3A_407 = tpu.memref_squeeze %gather3A_406 : memref<1x16x256xf32, #tpu.memory_space<vmem>> -> memref<16x256xf32, #tpu.memory_space<vmem>>
        %gather3A_408 = tpu.vector_load_idx %gather3A_407[%and3A_65, %add3A_349] : memref<16x256xf32, #tpu.memory_space<vmem>>[vector<16xi32>, vector<16xi32>], vector<16xf32>,
        %gather3A_409 = arith.constant 16 : i32
        %gather3A_410 = arith.constant 0 : i32
        %gather3A_411 = tpu.memref_slice %arg5[%rem3A_283, %gather3A_409, %gather3A_410] : memref<3x64x256xf32, #tpu.memory_space<vmem>> -> memref<1x16x256xf32, #tpu.memory_space<vmem>>
        %gather3A_412 = tpu.memref_squeeze %gather3A_411 : memref<1x16x256xf32, #tpu.memory_space<vmem>> -> memref<16x256xf32, #tpu.memory_space<vmem>>
        %gather3A_413 = tpu.vector_load_idx %gather3A_412[%and3A_71, %add3A_349] : memref<16x256xf32, #tpu.memory_space<vmem>>[vector<16xi32>, vector<16xi32>], vector<16xf32>,
        %gather3A_414 = arith.constant 16 : i32
        %gather3A_415 = arith.constant 0 : i32
        %gather3A_416 = tpu.memref_slice %arg5[%rem3A_283, %gather3A_414, %gather3A_415] : memref<3x64x256xf32, #tpu.memory_space<vmem>> -> memref<1x16x256xf32, #tpu.memory_space<vmem>>
        %gather3A_417 = tpu.memref_squeeze %gather3A_416 : memref<1x16x256xf32, #tpu.memory_space<vmem>> -> memref<16x256xf32, #tpu.memory_space<vmem>>
        %gather3A_418 = tpu.vector_load_idx %gather3A_417[%and3A_77, %add3A_349] : memref<16x256xf32, #tpu.memory_space<vmem>>[vector<16xi32>, vector<16xi32>], vector<16xf32>,
        %gather3A_419 = arith.constant 16 : i32
        %gather3A_420 = arith.constant 0 : i32
        %gather3A_421 = tpu.memref_slice %arg5[%rem3A_283, %gather3A_419, %gather3A_420] : memref<3x64x256xf32, #tpu.memory_space<vmem>> -> memref<1x16x256xf32, #tpu.memory_space<vmem>>
        %gather3A_422 = tpu.memref_squeeze %gather3A_421 : memref<1x16x256xf32, #tpu.memory_space<vmem>> -> memref<16x256xf32, #tpu.memory_space<vmem>>
        %gather3A_423 = tpu.vector_load_idx %gather3A_422[%and3A_83, %add3A_349] : memref<16x256xf32, #tpu.memory_space<vmem>>[vector<16xi32>, vector<16xi32>], vector<16xf32>,
        %gather3A_424 = arith.constant 16 : i32
        %gather3A_425 = arith.constant 0 : i32
        %gather3A_426 = tpu.memref_slice %arg5[%rem3A_283, %gather3A_424, %gather3A_425] : memref<3x64x256xf32, #tpu.memory_space<vmem>> -> memref<1x16x256xf32, #tpu.memory_space<vmem>>
        %gather3A_427 = tpu.memref_squeeze %gather3A_426 : memref<1x16x256xf32, #tpu.memory_space<vmem>> -> memref<16x256xf32, #tpu.memory_space<vmem>>
        %gather3A_428 = tpu.vector_load_idx %gather3A_427[%and3A_89, %add3A_349] : memref<16x256xf32, #tpu.memory_space<vmem>>[vector<16xi32>, vector<16xi32>], vector<16xf32>,
        %gather3A_429 = arith.constant 16 : i32
        %gather3A_430 = arith.constant 0 : i32
        %gather3A_431 = tpu.memref_slice %arg5[%rem3A_283, %gather3A_429, %gather3A_430] : memref<3x64x256xf32, #tpu.memory_space<vmem>> -> memref<1x16x256xf32, #tpu.memory_space<vmem>>
        %gather3A_432 = tpu.memref_squeeze %gather3A_431 : memref<1x16x256xf32, #tpu.memory_space<vmem>> -> memref<16x256xf32, #tpu.memory_space<vmem>>
        %gather3A_433 = tpu.vector_load_idx %gather3A_432[%and3A_95, %add3A_349] : memref<16x256xf32, #tpu.memory_space<vmem>>[vector<16xi32>, vector<16xi32>], vector<16xf32>,
        %add3A_434 = vector.broadcast %add3A_354 : i32 to vector<16xi32>
        %add3A_435 = arith.addi %add3A_99, %add3A_434 : vector<16xi32>
        tpu.vector_store_idx %arg6[%add3A_435], %gather3A_358 : memref<49152xf32, #tpu.memory_space<vmem>>[vector<16xi32>], vector<16xf32>,
        %add3A_436 = vector.broadcast %add3A_354 : i32 to vector<16xi32>
        %add3A_437 = arith.addi %add3A_103, %add3A_436 : vector<16xi32>
        tpu.vector_store_idx %arg6[%add3A_437], %gather3A_363 : memref<49152xf32, #tpu.memory_space<vmem>>[vector<16xi32>], vector<16xf32>,
        %add3A_438 = vector.broadcast %add3A_354 : i32 to vector<16xi32>
        %add3A_439 = arith.addi %add3A_107, %add3A_438 : vector<16xi32>
        tpu.vector_store_idx %arg6[%add3A_439], %gather3A_368 : memref<49152xf32, #tpu.memory_space<vmem>>[vector<16xi32>], vector<16xf32>,
        %add3A_440 = vector.broadcast %add3A_354 : i32 to vector<16xi32>
        %add3A_441 = arith.addi %add3A_111, %add3A_440 : vector<16xi32>
        tpu.vector_store_idx %arg6[%add3A_441], %gather3A_373 : memref<49152xf32, #tpu.memory_space<vmem>>[vector<16xi32>], vector<16xf32>,
        %add3A_442 = vector.broadcast %add3A_354 : i32 to vector<16xi32>
        %add3A_443 = arith.addi %add3A_115, %add3A_442 : vector<16xi32>
        tpu.vector_store_idx %arg6[%add3A_443], %gather3A_378 : memref<49152xf32, #tpu.memory_space<vmem>>[vector<16xi32>], vector<16xf32>,
        %add3A_444 = vector.broadcast %add3A_354 : i32 to vector<16xi32>
        %add3A_445 = arith.addi %add3A_119, %add3A_444 : vector<16xi32>
        tpu.vector_store_idx %arg6[%add3A_445], %gather3A_383 : memref<49152xf32, #tpu.memory_space<vmem>>[vector<16xi32>], vector<16xf32>,
        %add3A_446 = vector.broadcast %add3A_354 : i32 to vector<16xi32>
        %add3A_447 = arith.addi %add3A_123, %add3A_446 : vector<16xi32>
        tpu.vector_store_idx %arg6[%add3A_447], %gather3A_388 : memref<49152xf32, #tpu.memory_space<vmem>>[vector<16xi32>], vector<16xf32>,
        %add3A_448 = vector.broadcast %add3A_354 : i32 to vector<16xi32>
        %add3A_449 = arith.addi %add3A_127, %add3A_448 : vector<16xi32>
        tpu.vector_store_idx %arg6[%add3A_449], %gather3A_393 : memref<49152xf32, #tpu.memory_space<vmem>>[vector<16xi32>], vector<16xf32>,
        %add3A_450 = vector.broadcast %add3A_354 : i32 to vector<16xi32>
        %add3A_451 = arith.addi %add3A_131, %add3A_450 : vector<16xi32>
        tpu.vector_store_idx %arg6[%add3A_451], %gather3A_398 : memref<49152xf32, #tpu.memory_space<vmem>>[vector<16xi32>], vector<16xf32>,
        %add3A_452 = vector.broadcast %add3A_354 : i32 to vector<16xi32>
        %add3A_453 = arith.addi %add3A_135, %add3A_452 : vector<16xi32>
        tpu.vector_store_idx %arg6[%add3A_453], %gather3A_403 : memref<49152xf32, #tpu.memory_space<vmem>>[vector<16xi32>], vector<16xf32>,
        %add3A_454 = vector.broadcast %add3A_354 : i32 to vector<16xi32>
        %add3A_455 = arith.addi %add3A_139, %add3A_454 : vector<16xi32>
        tpu.vector_store_idx %arg6[%add3A_455], %gather3A_408 : memref<49152xf32, #tpu.memory_space<vmem>>[vector<16xi32>], vector<16xf32>,
        %add3A_456 = vector.broadcast %add3A_354 : i32 to vector<16xi32>
        %add3A_457 = arith.addi %add3A_143, %add3A_456 : vector<16xi32>
        tpu.vector_store_idx %arg6[%add3A_457], %gather3A_413 : memref<49152xf32, #tpu.memory_space<vmem>>[vector<16xi32>], vector<16xf32>,
        %add3A_458 = vector.broadcast %add3A_354 : i32 to vector<16xi32>
        %add3A_459 = arith.addi %add3A_147, %add3A_458 : vector<16xi32>
        tpu.vector_store_idx %arg6[%add3A_459], %gather3A_418 : memref<49152xf32, #tpu.memory_space<vmem>>[vector<16xi32>], vector<16xf32>,
        %add3A_460 = vector.broadcast %add3A_354 : i32 to vector<16xi32>
        %add3A_461 = arith.addi %add3A_151, %add3A_460 : vector<16xi32>
        tpu.vector_store_idx %arg6[%add3A_461], %gather3A_423 : memref<49152xf32, #tpu.memory_space<vmem>>[vector<16xi32>], vector<16xf32>,
        %add3A_462 = vector.broadcast %add3A_354 : i32 to vector<16xi32>
        %add3A_463 = arith.addi %add3A_155, %add3A_462 : vector<16xi32>
        tpu.vector_store_idx %arg6[%add3A_463], %gather3A_428 : memref<49152xf32, #tpu.memory_space<vmem>>[vector<16xi32>], vector<16xf32>,
        %add3A_464 = vector.broadcast %add3A_354 : i32 to vector<16xi32>
        %add3A_465 = arith.addi %add3A_159, %add3A_464 : vector<16xi32>
        tpu.vector_store_idx %arg6[%add3A_465], %gather3A_433 : memref<49152xf32, #tpu.memory_space<vmem>>[vector<16xi32>], vector<16xf32>,
      }
      %scan3A_321 = arith.constant 16 : i32
      %scan3A_322 = arith.constant 0 : i32
      %scan3A_323 = arith.constant 16 : i32
      %scan3A_324 = arith.addi %scan3A_322, %scan3A_323 : i32
      %scan3A_325 = arith.constant 1 : i32
      scf.for %scan3A_345 = %scan3A_322 to %scan3A_324 step %scan3A_325  : i32 {
        %mul3A_346 = arith.constant 16 : i32
        %mul3A_347 = arith.muli %scan3A_345, %mul3A_346 : i32
        %add3A_348 = vector.broadcast %mul3A_347 : i32 to vector<16xi32>
        %add3A_349 = arith.addi %iota3A, %add3A_348 : vector<16xi32>
        %mul3A_350 = arith.constant 1024 : i32
        %mul3A_351 = arith.muli %scan3A_345, %mul3A_350 : i32
        %add3A_352 = arith.addi %mul3A_312, %mul3A_351 : i32
        %add3A_353 = arith.constant 32 : i32
        %add3A_354 = arith.addi %add3A_352, %add3A_353 : i32
        %gather3A = arith.constant 32 : i32
        %gather3A_355 = arith.constant 0 : i32
        %gather3A_356 = tpu.memref_slice %arg5[%rem3A_283, %gather3A, %gather3A_355] : memref<3x64x256xf32, #tpu.memory_space<vmem>> -> memref<1x16x256xf32, #tpu.memory_space<vmem>>
        %gather3A_357 = tpu.memref_squeeze %gather3A_356 : memref<1x16x256xf32, #tpu.memory_space<vmem>> -> memref<16x256xf32, #tpu.memory_space<vmem>>
        %gather3A_358 = tpu.vector_load_idx %gather3A_357[%and3A_5, %add3A_349] : memref<16x256xf32, #tpu.memory_space<vmem>>[vector<16xi32>, vector<16xi32>], vector<16xf32>,
        %gather3A_359 = arith.constant 32 : i32
        %gather3A_360 = arith.constant 0 : i32
        %gather3A_361 = tpu.memref_slice %arg5[%rem3A_283, %gather3A_359, %gather3A_360] : memref<3x64x256xf32, #tpu.memory_space<vmem>> -> memref<1x16x256xf32, #tpu.memory_space<vmem>>
        %gather3A_362 = tpu.memref_squeeze %gather3A_361 : memref<1x16x256xf32, #tpu.memory_space<vmem>> -> memref<16x256xf32, #tpu.memory_space<vmem>>
        %gather3A_363 = tpu.vector_load_idx %gather3A_362[%and3A_11, %add3A_349] : memref<16x256xf32, #tpu.memory_space<vmem>>[vector<16xi32>, vector<16xi32>], vector<16xf32>,
        %gather3A_364 = arith.constant 32 : i32
        %gather3A_365 = arith.constant 0 : i32
        %gather3A_366 = tpu.memref_slice %arg5[%rem3A_283, %gather3A_364, %gather3A_365] : memref<3x64x256xf32, #tpu.memory_space<vmem>> -> memref<1x16x256xf32, #tpu.memory_space<vmem>>
        %gather3A_367 = tpu.memref_squeeze %gather3A_366 : memref<1x16x256xf32, #tpu.memory_space<vmem>> -> memref<16x256xf32, #tpu.memory_space<vmem>>
        %gather3A_368 = tpu.vector_load_idx %gather3A_367[%and3A_17, %add3A_349] : memref<16x256xf32, #tpu.memory_space<vmem>>[vector<16xi32>, vector<16xi32>], vector<16xf32>,
        %gather3A_369 = arith.constant 32 : i32
        %gather3A_370 = arith.constant 0 : i32
        %gather3A_371 = tpu.memref_slice %arg5[%rem3A_283, %gather3A_369, %gather3A_370] : memref<3x64x256xf32, #tpu.memory_space<vmem>> -> memref<1x16x256xf32, #tpu.memory_space<vmem>>
        %gather3A_372 = tpu.memref_squeeze %gather3A_371 : memref<1x16x256xf32, #tpu.memory_space<vmem>> -> memref<16x256xf32, #tpu.memory_space<vmem>>
        %gather3A_373 = tpu.vector_load_idx %gather3A_372[%and3A_23, %add3A_349] : memref<16x256xf32, #tpu.memory_space<vmem>>[vector<16xi32>, vector<16xi32>], vector<16xf32>,
        %gather3A_374 = arith.constant 32 : i32
        %gather3A_375 = arith.constant 0 : i32
        %gather3A_376 = tpu.memref_slice %arg5[%rem3A_283, %gather3A_374, %gather3A_375] : memref<3x64x256xf32, #tpu.memory_space<vmem>> -> memref<1x16x256xf32, #tpu.memory_space<vmem>>
        %gather3A_377 = tpu.memref_squeeze %gather3A_376 : memref<1x16x256xf32, #tpu.memory_space<vmem>> -> memref<16x256xf32, #tpu.memory_space<vmem>>
        %gather3A_378 = tpu.vector_load_idx %gather3A_377[%and3A_29, %add3A_349] : memref<16x256xf32, #tpu.memory_space<vmem>>[vector<16xi32>, vector<16xi32>], vector<16xf32>,
        %gather3A_379 = arith.constant 32 : i32
        %gather3A_380 = arith.constant 0 : i32
        %gather3A_381 = tpu.memref_slice %arg5[%rem3A_283, %gather3A_379, %gather3A_380] : memref<3x64x256xf32, #tpu.memory_space<vmem>> -> memref<1x16x256xf32, #tpu.memory_space<vmem>>
        %gather3A_382 = tpu.memref_squeeze %gather3A_381 : memref<1x16x256xf32, #tpu.memory_space<vmem>> -> memref<16x256xf32, #tpu.memory_space<vmem>>
        %gather3A_383 = tpu.vector_load_idx %gather3A_382[%and3A_35, %add3A_349] : memref<16x256xf32, #tpu.memory_space<vmem>>[vector<16xi32>, vector<16xi32>], vector<16xf32>,
        %gather3A_384 = arith.constant 32 : i32
        %gather3A_385 = arith.constant 0 : i32
        %gather3A_386 = tpu.memref_slice %arg5[%rem3A_283, %gather3A_384, %gather3A_385] : memref<3x64x256xf32, #tpu.memory_space<vmem>> -> memref<1x16x256xf32, #tpu.memory_space<vmem>>
        %gather3A_387 = tpu.memref_squeeze %gather3A_386 : memref<1x16x256xf32, #tpu.memory_space<vmem>> -> memref<16x256xf32, #tpu.memory_space<vmem>>
        %gather3A_388 = tpu.vector_load_idx %gather3A_387[%and3A_41, %add3A_349] : memref<16x256xf32, #tpu.memory_space<vmem>>[vector<16xi32>, vector<16xi32>], vector<16xf32>,
        %gather3A_389 = arith.constant 32 : i32
        %gather3A_390 = arith.constant 0 : i32
        %gather3A_391 = tpu.memref_slice %arg5[%rem3A_283, %gather3A_389, %gather3A_390] : memref<3x64x256xf32, #tpu.memory_space<vmem>> -> memref<1x16x256xf32, #tpu.memory_space<vmem>>
        %gather3A_392 = tpu.memref_squeeze %gather3A_391 : memref<1x16x256xf32, #tpu.memory_space<vmem>> -> memref<16x256xf32, #tpu.memory_space<vmem>>
        %gather3A_393 = tpu.vector_load_idx %gather3A_392[%and3A_47, %add3A_349] : memref<16x256xf32, #tpu.memory_space<vmem>>[vector<16xi32>, vector<16xi32>], vector<16xf32>,
        %gather3A_394 = arith.constant 32 : i32
        %gather3A_395 = arith.constant 0 : i32
        %gather3A_396 = tpu.memref_slice %arg5[%rem3A_283, %gather3A_394, %gather3A_395] : memref<3x64x256xf32, #tpu.memory_space<vmem>> -> memref<1x16x256xf32, #tpu.memory_space<vmem>>
        %gather3A_397 = tpu.memref_squeeze %gather3A_396 : memref<1x16x256xf32, #tpu.memory_space<vmem>> -> memref<16x256xf32, #tpu.memory_space<vmem>>
        %gather3A_398 = tpu.vector_load_idx %gather3A_397[%and3A_53, %add3A_349] : memref<16x256xf32, #tpu.memory_space<vmem>>[vector<16xi32>, vector<16xi32>], vector<16xf32>,
        %gather3A_399 = arith.constant 32 : i32
        %gather3A_400 = arith.constant 0 : i32
        %gather3A_401 = tpu.memref_slice %arg5[%rem3A_283, %gather3A_399, %gather3A_400] : memref<3x64x256xf32, #tpu.memory_space<vmem>> -> memref<1x16x256xf32, #tpu.memory_space<vmem>>
        %gather3A_402 = tpu.memref_squeeze %gather3A_401 : memref<1x16x256xf32, #tpu.memory_space<vmem>> -> memref<16x256xf32, #tpu.memory_space<vmem>>
        %gather3A_403 = tpu.vector_load_idx %gather3A_402[%and3A_59, %add3A_349] : memref<16x256xf32, #tpu.memory_space<vmem>>[vector<16xi32>, vector<16xi32>], vector<16xf32>,
        %gather3A_404 = arith.constant 32 : i32
        %gather3A_405 = arith.constant 0 : i32
        %gather3A_406 = tpu.memref_slice %arg5[%rem3A_283, %gather3A_404, %gather3A_405] : memref<3x64x256xf32, #tpu.memory_space<vmem>> -> memref<1x16x256xf32, #tpu.memory_space<vmem>>
        %gather3A_407 = tpu.memref_squeeze %gather3A_406 : memref<1x16x256xf32, #tpu.memory_space<vmem>> -> memref<16x256xf32, #tpu.memory_space<vmem>>
        %gather3A_408 = tpu.vector_load_idx %gather3A_407[%and3A_65, %add3A_349] : memref<16x256xf32, #tpu.memory_space<vmem>>[vector<16xi32>, vector<16xi32>], vector<16xf32>,
        %gather3A_409 = arith.constant 32 : i32
        %gather3A_410 = arith.constant 0 : i32
        %gather3A_411 = tpu.memref_slice %arg5[%rem3A_283, %gather3A_409, %gather3A_410] : memref<3x64x256xf32, #tpu.memory_space<vmem>> -> memref<1x16x256xf32, #tpu.memory_space<vmem>>
        %gather3A_412 = tpu.memref_squeeze %gather3A_411 : memref<1x16x256xf32, #tpu.memory_space<vmem>> -> memref<16x256xf32, #tpu.memory_space<vmem>>
        %gather3A_413 = tpu.vector_load_idx %gather3A_412[%and3A_71, %add3A_349] : memref<16x256xf32, #tpu.memory_space<vmem>>[vector<16xi32>, vector<16xi32>], vector<16xf32>,
        %gather3A_414 = arith.constant 32 : i32
        %gather3A_415 = arith.constant 0 : i32
        %gather3A_416 = tpu.memref_slice %arg5[%rem3A_283, %gather3A_414, %gather3A_415] : memref<3x64x256xf32, #tpu.memory_space<vmem>> -> memref<1x16x256xf32, #tpu.memory_space<vmem>>
        %gather3A_417 = tpu.memref_squeeze %gather3A_416 : memref<1x16x256xf32, #tpu.memory_space<vmem>> -> memref<16x256xf32, #tpu.memory_space<vmem>>
        %gather3A_418 = tpu.vector_load_idx %gather3A_417[%and3A_77, %add3A_349] : memref<16x256xf32, #tpu.memory_space<vmem>>[vector<16xi32>, vector<16xi32>], vector<16xf32>,
        %gather3A_419 = arith.constant 32 : i32
        %gather3A_420 = arith.constant 0 : i32
        %gather3A_421 = tpu.memref_slice %arg5[%rem3A_283, %gather3A_419, %gather3A_420] : memref<3x64x256xf32, #tpu.memory_space<vmem>> -> memref<1x16x256xf32, #tpu.memory_space<vmem>>
        %gather3A_422 = tpu.memref_squeeze %gather3A_421 : memref<1x16x256xf32, #tpu.memory_space<vmem>> -> memref<16x256xf32, #tpu.memory_space<vmem>>
        %gather3A_423 = tpu.vector_load_idx %gather3A_422[%and3A_83, %add3A_349] : memref<16x256xf32, #tpu.memory_space<vmem>>[vector<16xi32>, vector<16xi32>], vector<16xf32>,
        %gather3A_424 = arith.constant 32 : i32
        %gather3A_425 = arith.constant 0 : i32
        %gather3A_426 = tpu.memref_slice %arg5[%rem3A_283, %gather3A_424, %gather3A_425] : memref<3x64x256xf32, #tpu.memory_space<vmem>> -> memref<1x16x256xf32, #tpu.memory_space<vmem>>
        %gather3A_427 = tpu.memref_squeeze %gather3A_426 : memref<1x16x256xf32, #tpu.memory_space<vmem>> -> memref<16x256xf32, #tpu.memory_space<vmem>>
        %gather3A_428 = tpu.vector_load_idx %gather3A_427[%and3A_89, %add3A_349] : memref<16x256xf32, #tpu.memory_space<vmem>>[vector<16xi32>, vector<16xi32>], vector<16xf32>,
        %gather3A_429 = arith.constant 32 : i32
        %gather3A_430 = arith.constant 0 : i32
        %gather3A_431 = tpu.memref_slice %arg5[%rem3A_283, %gather3A_429, %gather3A_430] : memref<3x64x256xf32, #tpu.memory_space<vmem>> -> memref<1x16x256xf32, #tpu.memory_space<vmem>>
        %gather3A_432 = tpu.memref_squeeze %gather3A_431 : memref<1x16x256xf32, #tpu.memory_space<vmem>> -> memref<16x256xf32, #tpu.memory_space<vmem>>
        %gather3A_433 = tpu.vector_load_idx %gather3A_432[%and3A_95, %add3A_349] : memref<16x256xf32, #tpu.memory_space<vmem>>[vector<16xi32>, vector<16xi32>], vector<16xf32>,
        %add3A_434 = vector.broadcast %add3A_354 : i32 to vector<16xi32>
        %add3A_435 = arith.addi %add3A_99, %add3A_434 : vector<16xi32>
        tpu.vector_store_idx %arg6[%add3A_435], %gather3A_358 : memref<49152xf32, #tpu.memory_space<vmem>>[vector<16xi32>], vector<16xf32>,
        %add3A_436 = vector.broadcast %add3A_354 : i32 to vector<16xi32>
        %add3A_437 = arith.addi %add3A_103, %add3A_436 : vector<16xi32>
        tpu.vector_store_idx %arg6[%add3A_437], %gather3A_363 : memref<49152xf32, #tpu.memory_space<vmem>>[vector<16xi32>], vector<16xf32>,
        %add3A_438 = vector.broadcast %add3A_354 : i32 to vector<16xi32>
        %add3A_439 = arith.addi %add3A_107, %add3A_438 : vector<16xi32>
        tpu.vector_store_idx %arg6[%add3A_439], %gather3A_368 : memref<49152xf32, #tpu.memory_space<vmem>>[vector<16xi32>], vector<16xf32>,
        %add3A_440 = vector.broadcast %add3A_354 : i32 to vector<16xi32>
        %add3A_441 = arith.addi %add3A_111, %add3A_440 : vector<16xi32>
        tpu.vector_store_idx %arg6[%add3A_441], %gather3A_373 : memref<49152xf32, #tpu.memory_space<vmem>>[vector<16xi32>], vector<16xf32>,
        %add3A_442 = vector.broadcast %add3A_354 : i32 to vector<16xi32>
        %add3A_443 = arith.addi %add3A_115, %add3A_442 : vector<16xi32>
        tpu.vector_store_idx %arg6[%add3A_443], %gather3A_378 : memref<49152xf32, #tpu.memory_space<vmem>>[vector<16xi32>], vector<16xf32>,
        %add3A_444 = vector.broadcast %add3A_354 : i32 to vector<16xi32>
        %add3A_445 = arith.addi %add3A_119, %add3A_444 : vector<16xi32>
        tpu.vector_store_idx %arg6[%add3A_445], %gather3A_383 : memref<49152xf32, #tpu.memory_space<vmem>>[vector<16xi32>], vector<16xf32>,
        %add3A_446 = vector.broadcast %add3A_354 : i32 to vector<16xi32>
        %add3A_447 = arith.addi %add3A_123, %add3A_446 : vector<16xi32>
        tpu.vector_store_idx %arg6[%add3A_447], %gather3A_388 : memref<49152xf32, #tpu.memory_space<vmem>>[vector<16xi32>], vector<16xf32>,
        %add3A_448 = vector.broadcast %add3A_354 : i32 to vector<16xi32>
        %add3A_449 = arith.addi %add3A_127, %add3A_448 : vector<16xi32>
        tpu.vector_store_idx %arg6[%add3A_449], %gather3A_393 : memref<49152xf32, #tpu.memory_space<vmem>>[vector<16xi32>], vector<16xf32>,
        %add3A_450 = vector.broadcast %add3A_354 : i32 to vector<16xi32>
        %add3A_451 = arith.addi %add3A_131, %add3A_450 : vector<16xi32>
        tpu.vector_store_idx %arg6[%add3A_451], %gather3A_398 : memref<49152xf32, #tpu.memory_space<vmem>>[vector<16xi32>], vector<16xf32>,
        %add3A_452 = vector.broadcast %add3A_354 : i32 to vector<16xi32>
        %add3A_453 = arith.addi %add3A_135, %add3A_452 : vector<16xi32>
        tpu.vector_store_idx %arg6[%add3A_453], %gather3A_403 : memref<49152xf32, #tpu.memory_space<vmem>>[vector<16xi32>], vector<16xf32>,
        %add3A_454 = vector.broadcast %add3A_354 : i32 to vector<16xi32>
        %add3A_455 = arith.addi %add3A_139, %add3A_454 : vector<16xi32>
        tpu.vector_store_idx %arg6[%add3A_455], %gather3A_408 : memref<49152xf32, #tpu.memory_space<vmem>>[vector<16xi32>], vector<16xf32>,
        %add3A_456 = vector.broadcast %add3A_354 : i32 to vector<16xi32>
        %add3A_457 = arith.addi %add3A_143, %add3A_456 : vector<16xi32>
        tpu.vector_store_idx %arg6[%add3A_457], %gather3A_413 : memref<49152xf32, #tpu.memory_space<vmem>>[vector<16xi32>], vector<16xf32>,
        %add3A_458 = vector.broadcast %add3A_354 : i32 to vector<16xi32>
        %add3A_459 = arith.addi %add3A_147, %add3A_458 : vector<16xi32>
        tpu.vector_store_idx %arg6[%add3A_459], %gather3A_418 : memref<49152xf32, #tpu.memory_space<vmem>>[vector<16xi32>], vector<16xf32>,
        %add3A_460 = vector.broadcast %add3A_354 : i32 to vector<16xi32>
        %add3A_461 = arith.addi %add3A_151, %add3A_460 : vector<16xi32>
        tpu.vector_store_idx %arg6[%add3A_461], %gather3A_423 : memref<49152xf32, #tpu.memory_space<vmem>>[vector<16xi32>], vector<16xf32>,
        %add3A_462 = vector.broadcast %add3A_354 : i32 to vector<16xi32>
        %add3A_463 = arith.addi %add3A_155, %add3A_462 : vector<16xi32>
        tpu.vector_store_idx %arg6[%add3A_463], %gather3A_428 : memref<49152xf32, #tpu.memory_space<vmem>>[vector<16xi32>], vector<16xf32>,
        %add3A_464 = vector.broadcast %add3A_354 : i32 to vector<16xi32>
        %add3A_465 = arith.addi %add3A_159, %add3A_464 : vector<16xi32>
        tpu.vector_store_idx %arg6[%add3A_465], %gather3A_433 : memref<49152xf32, #tpu.memory_space<vmem>>[vector<16xi32>], vector<16xf32>,
      }
      %scan3A_326 = arith.constant 16 : i32
      %scan3A_327 = arith.constant 0 : i32
      %scan3A_328 = arith.constant 16 : i32
      %scan3A_329 = arith.addi %scan3A_327, %scan3A_328 : i32
      %scan3A_330 = arith.constant 1 : i32
      scf.for %scan3A_345 = %scan3A_327 to %scan3A_329 step %scan3A_330  : i32 {
        %mul3A_346 = arith.constant 16 : i32
        %mul3A_347 = arith.muli %scan3A_345, %mul3A_346 : i32
        %add3A_348 = vector.broadcast %mul3A_347 : i32 to vector<16xi32>
        %add3A_349 = arith.addi %iota3A, %add3A_348 : vector<16xi32>
        %mul3A_350 = arith.constant 1024 : i32
        %mul3A_351 = arith.muli %scan3A_345, %mul3A_350 : i32
        %add3A_352 = arith.addi %mul3A_312, %mul3A_351 : i32
        %add3A_353 = arith.constant 48 : i32
        %add3A_354 = arith.addi %add3A_352, %add3A_353 : i32
        %gather3A = arith.constant 48 : i32
        %gather3A_355 = arith.constant 0 : i32
        %gather3A_356 = tpu.memref_slice %arg5[%rem3A_283, %gather3A, %gather3A_355] : memref<3x64x256xf32, #tpu.memory_space<vmem>> -> memref<1x16x256xf32, #tpu.memory_space<vmem>>
        %gather3A_357 = tpu.memref_squeeze %gather3A_356 : memref<1x16x256xf32, #tpu.memory_space<vmem>> -> memref<16x256xf32, #tpu.memory_space<vmem>>
        %gather3A_358 = tpu.vector_load_idx %gather3A_357[%and3A_5, %add3A_349] : memref<16x256xf32, #tpu.memory_space<vmem>>[vector<16xi32>, vector<16xi32>], vector<16xf32>,
        %gather3A_359 = arith.constant 48 : i32
        %gather3A_360 = arith.constant 0 : i32
        %gather3A_361 = tpu.memref_slice %arg5[%rem3A_283, %gather3A_359, %gather3A_360] : memref<3x64x256xf32, #tpu.memory_space<vmem>> -> memref<1x16x256xf32, #tpu.memory_space<vmem>>
        %gather3A_362 = tpu.memref_squeeze %gather3A_361 : memref<1x16x256xf32, #tpu.memory_space<vmem>> -> memref<16x256xf32, #tpu.memory_space<vmem>>
        %gather3A_363 = tpu.vector_load_idx %gather3A_362[%and3A_11, %add3A_349] : memref<16x256xf32, #tpu.memory_space<vmem>>[vector<16xi32>, vector<16xi32>], vector<16xf32>,
        %gather3A_364 = arith.constant 48 : i32
        %gather3A_365 = arith.constant 0 : i32
        %gather3A_366 = tpu.memref_slice %arg5[%rem3A_283, %gather3A_364, %gather3A_365] : memref<3x64x256xf32, #tpu.memory_space<vmem>> -> memref<1x16x256xf32, #tpu.memory_space<vmem>>
        %gather3A_367 = tpu.memref_squeeze %gather3A_366 : memref<1x16x256xf32, #tpu.memory_space<vmem>> -> memref<16x256xf32, #tpu.memory_space<vmem>>
        %gather3A_368 = tpu.vector_load_idx %gather3A_367[%and3A_17, %add3A_349] : memref<16x256xf32, #tpu.memory_space<vmem>>[vector<16xi32>, vector<16xi32>], vector<16xf32>,
        %gather3A_369 = arith.constant 48 : i32
        %gather3A_370 = arith.constant 0 : i32
        %gather3A_371 = tpu.memref_slice %arg5[%rem3A_283, %gather3A_369, %gather3A_370] : memref<3x64x256xf32, #tpu.memory_space<vmem>> -> memref<1x16x256xf32, #tpu.memory_space<vmem>>
        %gather3A_372 = tpu.memref_squeeze %gather3A_371 : memref<1x16x256xf32, #tpu.memory_space<vmem>> -> memref<16x256xf32, #tpu.memory_space<vmem>>
        %gather3A_373 = tpu.vector_load_idx %gather3A_372[%and3A_23, %add3A_349] : memref<16x256xf32, #tpu.memory_space<vmem>>[vector<16xi32>, vector<16xi32>], vector<16xf32>,
        %gather3A_374 = arith.constant 48 : i32
        %gather3A_375 = arith.constant 0 : i32
        %gather3A_376 = tpu.memref_slice %arg5[%rem3A_283, %gather3A_374, %gather3A_375] : memref<3x64x256xf32, #tpu.memory_space<vmem>> -> memref<1x16x256xf32, #tpu.memory_space<vmem>>
        %gather3A_377 = tpu.memref_squeeze %gather3A_376 : memref<1x16x256xf32, #tpu.memory_space<vmem>> -> memref<16x256xf32, #tpu.memory_space<vmem>>
        %gather3A_378 = tpu.vector_load_idx %gather3A_377[%and3A_29, %add3A_349] : memref<16x256xf32, #tpu.memory_space<vmem>>[vector<16xi32>, vector<16xi32>], vector<16xf32>,
        %gather3A_379 = arith.constant 48 : i32
        %gather3A_380 = arith.constant 0 : i32
        %gather3A_381 = tpu.memref_slice %arg5[%rem3A_283, %gather3A_379, %gather3A_380] : memref<3x64x256xf32, #tpu.memory_space<vmem>> -> memref<1x16x256xf32, #tpu.memory_space<vmem>>
        %gather3A_382 = tpu.memref_squeeze %gather3A_381 : memref<1x16x256xf32, #tpu.memory_space<vmem>> -> memref<16x256xf32, #tpu.memory_space<vmem>>
        %gather3A_383 = tpu.vector_load_idx %gather3A_382[%and3A_35, %add3A_349] : memref<16x256xf32, #tpu.memory_space<vmem>>[vector<16xi32>, vector<16xi32>], vector<16xf32>,
        %gather3A_384 = arith.constant 48 : i32
        %gather3A_385 = arith.constant 0 : i32
        %gather3A_386 = tpu.memref_slice %arg5[%rem3A_283, %gather3A_384, %gather3A_385] : memref<3x64x256xf32, #tpu.memory_space<vmem>> -> memref<1x16x256xf32, #tpu.memory_space<vmem>>
        %gather3A_387 = tpu.memref_squeeze %gather3A_386 : memref<1x16x256xf32, #tpu.memory_space<vmem>> -> memref<16x256xf32, #tpu.memory_space<vmem>>
        %gather3A_388 = tpu.vector_load_idx %gather3A_387[%and3A_41, %add3A_349] : memref<16x256xf32, #tpu.memory_space<vmem>>[vector<16xi32>, vector<16xi32>], vector<16xf32>,
        %gather3A_389 = arith.constant 48 : i32
        %gather3A_390 = arith.constant 0 : i32
        %gather3A_391 = tpu.memref_slice %arg5[%rem3A_283, %gather3A_389, %gather3A_390] : memref<3x64x256xf32, #tpu.memory_space<vmem>> -> memref<1x16x256xf32, #tpu.memory_space<vmem>>
        %gather3A_392 = tpu.memref_squeeze %gather3A_391 : memref<1x16x256xf32, #tpu.memory_space<vmem>> -> memref<16x256xf32, #tpu.memory_space<vmem>>
        %gather3A_393 = tpu.vector_load_idx %gather3A_392[%and3A_47, %add3A_349] : memref<16x256xf32, #tpu.memory_space<vmem>>[vector<16xi32>, vector<16xi32>], vector<16xf32>,
        %gather3A_394 = arith.constant 48 : i32
        %gather3A_395 = arith.constant 0 : i32
        %gather3A_396 = tpu.memref_slice %arg5[%rem3A_283, %gather3A_394, %gather3A_395] : memref<3x64x256xf32, #tpu.memory_space<vmem>> -> memref<1x16x256xf32, #tpu.memory_space<vmem>>
        %gather3A_397 = tpu.memref_squeeze %gather3A_396 : memref<1x16x256xf32, #tpu.memory_space<vmem>> -> memref<16x256xf32, #tpu.memory_space<vmem>>
        %gather3A_398 = tpu.vector_load_idx %gather3A_397[%and3A_53, %add3A_349] : memref<16x256xf32, #tpu.memory_space<vmem>>[vector<16xi32>, vector<16xi32>], vector<16xf32>,
        %gather3A_399 = arith.constant 48 : i32
        %gather3A_400 = arith.constant 0 : i32
        %gather3A_401 = tpu.memref_slice %arg5[%rem3A_283, %gather3A_399, %gather3A_400] : memref<3x64x256xf32, #tpu.memory_space<vmem>> -> memref<1x16x256xf32, #tpu.memory_space<vmem>>
        %gather3A_402 = tpu.memref_squeeze %gather3A_401 : memref<1x16x256xf32, #tpu.memory_space<vmem>> -> memref<16x256xf32, #tpu.memory_space<vmem>>
        %gather3A_403 = tpu.vector_load_idx %gather3A_402[%and3A_59, %add3A_349] : memref<16x256xf32, #tpu.memory_space<vmem>>[vector<16xi32>, vector<16xi32>], vector<16xf32>,
        %gather3A_404 = arith.constant 48 : i32
        %gather3A_405 = arith.constant 0 : i32
        %gather3A_406 = tpu.memref_slice %arg5[%rem3A_283, %gather3A_404, %gather3A_405] : memref<3x64x256xf32, #tpu.memory_space<vmem>> -> memref<1x16x256xf32, #tpu.memory_space<vmem>>
        %gather3A_407 = tpu.memref_squeeze %gather3A_406 : memref<1x16x256xf32, #tpu.memory_space<vmem>> -> memref<16x256xf32, #tpu.memory_space<vmem>>
        %gather3A_408 = tpu.vector_load_idx %gather3A_407[%and3A_65, %add3A_349] : memref<16x256xf32, #tpu.memory_space<vmem>>[vector<16xi32>, vector<16xi32>], vector<16xf32>,
        %gather3A_409 = arith.constant 48 : i32
        %gather3A_410 = arith.constant 0 : i32
        %gather3A_411 = tpu.memref_slice %arg5[%rem3A_283, %gather3A_409, %gather3A_410] : memref<3x64x256xf32, #tpu.memory_space<vmem>> -> memref<1x16x256xf32, #tpu.memory_space<vmem>>
        %gather3A_412 = tpu.memref_squeeze %gather3A_411 : memref<1x16x256xf32, #tpu.memory_space<vmem>> -> memref<16x256xf32, #tpu.memory_space<vmem>>
        %gather3A_413 = tpu.vector_load_idx %gather3A_412[%and3A_71, %add3A_349] : memref<16x256xf32, #tpu.memory_space<vmem>>[vector<16xi32>, vector<16xi32>], vector<16xf32>,
        %gather3A_414 = arith.constant 48 : i32
        %gather3A_415 = arith.constant 0 : i32
        %gather3A_416 = tpu.memref_slice %arg5[%rem3A_283, %gather3A_414, %gather3A_415] : memref<3x64x256xf32, #tpu.memory_space<vmem>> -> memref<1x16x256xf32, #tpu.memory_space<vmem>>
        %gather3A_417 = tpu.memref_squeeze %gather3A_416 : memref<1x16x256xf32, #tpu.memory_space<vmem>> -> memref<16x256xf32, #tpu.memory_space<vmem>>
        %gather3A_418 = tpu.vector_load_idx %gather3A_417[%and3A_77, %add3A_349] : memref<16x256xf32, #tpu.memory_space<vmem>>[vector<16xi32>, vector<16xi32>], vector<16xf32>,
        %gather3A_419 = arith.constant 48 : i32
        %gather3A_420 = arith.constant 0 : i32
        %gather3A_421 = tpu.memref_slice %arg5[%rem3A_283, %gather3A_419, %gather3A_420] : memref<3x64x256xf32, #tpu.memory_space<vmem>> -> memref<1x16x256xf32, #tpu.memory_space<vmem>>
        %gather3A_422 = tpu.memref_squeeze %gather3A_421 : memref<1x16x256xf32, #tpu.memory_space<vmem>> -> memref<16x256xf32, #tpu.memory_space<vmem>>
        %gather3A_423 = tpu.vector_load_idx %gather3A_422[%and3A_83, %add3A_349] : memref<16x256xf32, #tpu.memory_space<vmem>>[vector<16xi32>, vector<16xi32>], vector<16xf32>,
        %gather3A_424 = arith.constant 48 : i32
        %gather3A_425 = arith.constant 0 : i32
        %gather3A_426 = tpu.memref_slice %arg5[%rem3A_283, %gather3A_424, %gather3A_425] : memref<3x64x256xf32, #tpu.memory_space<vmem>> -> memref<1x16x256xf32, #tpu.memory_space<vmem>>
        %gather3A_427 = tpu.memref_squeeze %gather3A_426 : memref<1x16x256xf32, #tpu.memory_space<vmem>> -> memref<16x256xf32, #tpu.memory_space<vmem>>
        %gather3A_428 = tpu.vector_load_idx %gather3A_427[%and3A_89, %add3A_349] : memref<16x256xf32, #tpu.memory_space<vmem>>[vector<16xi32>, vector<16xi32>], vector<16xf32>,
        %gather3A_429 = arith.constant 48 : i32
        %gather3A_430 = arith.constant 0 : i32
        %gather3A_431 = tpu.memref_slice %arg5[%rem3A_283, %gather3A_429, %gather3A_430] : memref<3x64x256xf32, #tpu.memory_space<vmem>> -> memref<1x16x256xf32, #tpu.memory_space<vmem>>
        %gather3A_432 = tpu.memref_squeeze %gather3A_431 : memref<1x16x256xf32, #tpu.memory_space<vmem>> -> memref<16x256xf32, #tpu.memory_space<vmem>>
        %gather3A_433 = tpu.vector_load_idx %gather3A_432[%and3A_95, %add3A_349] : memref<16x256xf32, #tpu.memory_space<vmem>>[vector<16xi32>, vector<16xi32>], vector<16xf32>,
        %add3A_434 = vector.broadcast %add3A_354 : i32 to vector<16xi32>
        %add3A_435 = arith.addi %add3A_99, %add3A_434 : vector<16xi32>
        tpu.vector_store_idx %arg6[%add3A_435], %gather3A_358 : memref<49152xf32, #tpu.memory_space<vmem>>[vector<16xi32>], vector<16xf32>,
        %add3A_436 = vector.broadcast %add3A_354 : i32 to vector<16xi32>
        %add3A_437 = arith.addi %add3A_103, %add3A_436 : vector<16xi32>
        tpu.vector_store_idx %arg6[%add3A_437], %gather3A_363 : memref<49152xf32, #tpu.memory_space<vmem>>[vector<16xi32>], vector<16xf32>,
        %add3A_438 = vector.broadcast %add3A_354 : i32 to vector<16xi32>
        %add3A_439 = arith.addi %add3A_107, %add3A_438 : vector<16xi32>
        tpu.vector_store_idx %arg6[%add3A_439], %gather3A_368 : memref<49152xf32, #tpu.memory_space<vmem>>[vector<16xi32>], vector<16xf32>,
        %add3A_440 = vector.broadcast %add3A_354 : i32 to vector<16xi32>
        %add3A_441 = arith.addi %add3A_111, %add3A_440 : vector<16xi32>
        tpu.vector_store_idx %arg6[%add3A_441], %gather3A_373 : memref<49152xf32, #tpu.memory_space<vmem>>[vector<16xi32>], vector<16xf32>,
        %add3A_442 = vector.broadcast %add3A_354 : i32 to vector<16xi32>
        %add3A_443 = arith.addi %add3A_115, %add3A_442 : vector<16xi32>
        tpu.vector_store_idx %arg6[%add3A_443], %gather3A_378 : memref<49152xf32, #tpu.memory_space<vmem>>[vector<16xi32>], vector<16xf32>,
        %add3A_444 = vector.broadcast %add3A_354 : i32 to vector<16xi32>
        %add3A_445 = arith.addi %add3A_119, %add3A_444 : vector<16xi32>
        tpu.vector_store_idx %arg6[%add3A_445], %gather3A_383 : memref<49152xf32, #tpu.memory_space<vmem>>[vector<16xi32>], vector<16xf32>,
        %add3A_446 = vector.broadcast %add3A_354 : i32 to vector<16xi32>
        %add3A_447 = arith.addi %add3A_123, %add3A_446 : vector<16xi32>
        tpu.vector_store_idx %arg6[%add3A_447], %gather3A_388 : memref<49152xf32, #tpu.memory_space<vmem>>[vector<16xi32>], vector<16xf32>,
        %add3A_448 = vector.broadcast %add3A_354 : i32 to vector<16xi32>
        %add3A_449 = arith.addi %add3A_127, %add3A_448 : vector<16xi32>
        tpu.vector_store_idx %arg6[%add3A_449], %gather3A_393 : memref<49152xf32, #tpu.memory_space<vmem>>[vector<16xi32>], vector<16xf32>,
        %add3A_450 = vector.broadcast %add3A_354 : i32 to vector<16xi32>
        %add3A_451 = arith.addi %add3A_131, %add3A_450 : vector<16xi32>
        tpu.vector_store_idx %arg6[%add3A_451], %gather3A_398 : memref<49152xf32, #tpu.memory_space<vmem>>[vector<16xi32>], vector<16xf32>,
        %add3A_452 = vector.broadcast %add3A_354 : i32 to vector<16xi32>
        %add3A_453 = arith.addi %add3A_135, %add3A_452 : vector<16xi32>
        tpu.vector_store_idx %arg6[%add3A_453], %gather3A_403 : memref<49152xf32, #tpu.memory_space<vmem>>[vector<16xi32>], vector<16xf32>,
        %add3A_454 = vector.broadcast %add3A_354 : i32 to vector<16xi32>
        %add3A_455 = arith.addi %add3A_139, %add3A_454 : vector<16xi32>
        tpu.vector_store_idx %arg6[%add3A_455], %gather3A_408 : memref<49152xf32, #tpu.memory_space<vmem>>[vector<16xi32>], vector<16xf32>,
        %add3A_456 = vector.broadcast %add3A_354 : i32 to vector<16xi32>
        %add3A_457 = arith.addi %add3A_143, %add3A_456 : vector<16xi32>
        tpu.vector_store_idx %arg6[%add3A_457], %gather3A_413 : memref<49152xf32, #tpu.memory_space<vmem>>[vector<16xi32>], vector<16xf32>,
        %add3A_458 = vector.broadcast %add3A_354 : i32 to vector<16xi32>
        %add3A_459 = arith.addi %add3A_147, %add3A_458 : vector<16xi32>
        tpu.vector_store_idx %arg6[%add3A_459], %gather3A_418 : memref<49152xf32, #tpu.memory_space<vmem>>[vector<16xi32>], vector<16xf32>,
        %add3A_460 = vector.broadcast %add3A_354 : i32 to vector<16xi32>
        %add3A_461 = arith.addi %add3A_151, %add3A_460 : vector<16xi32>
        tpu.vector_store_idx %arg6[%add3A_461], %gather3A_423 : memref<49152xf32, #tpu.memory_space<vmem>>[vector<16xi32>], vector<16xf32>,
        %add3A_462 = vector.broadcast %add3A_354 : i32 to vector<16xi32>
        %add3A_463 = arith.addi %add3A_155, %add3A_462 : vector<16xi32>
        tpu.vector_store_idx %arg6[%add3A_463], %gather3A_428 : memref<49152xf32, #tpu.memory_space<vmem>>[vector<16xi32>], vector<16xf32>,
        %add3A_464 = vector.broadcast %add3A_354 : i32 to vector<16xi32>
        %add3A_465 = arith.addi %add3A_159, %add3A_464 : vector<16xi32>
        tpu.vector_store_idx %arg6[%add3A_465], %gather3A_433 : memref<49152xf32, #tpu.memory_space<vmem>>[vector<16xi32>], vector<16xf32>,
      }
      %scan3A_331 = arith.constant 16 : i32
      %mul3A_332 = arith.constant 32 : i32
      %mul3A_333 = arith.muli %while3A_281, %mul3A_332 : i32
      %add3A_334 = arith.addi %add3A, %mul3A_333 : i32
      %mul3A_335 = arith.constant 16384 : i32
      %mul3A_336 = arith.muli %add3A_334, %mul3A_335 : i32
      %multiple_of3A_337 = tpu.assume_multiple %mul3A_336, 16384 : i32
      %mul3A_338 = arith.constant 16384 : i32
      %mul3A_339 = arith.muli %rem3A_283, %mul3A_338 : i32
      %multiple_of3A_340 = tpu.assume_multiple %mul3A_339, 16384 : i32
      %dma_start3A_341 = tpu.memref_slice %arg6[%multiple_of3A_340] : memref<49152xf32, #tpu.memory_space<vmem>> -> memref<16384xf32, #tpu.memory_space<vmem>>
      %dma_start3A_342 = tpu.memref_slice %arg4[%multiple_of3A_337] : memref<64000000xf32, #tpu.memory_space<hbm>> -> memref<16384xf32, #tpu.memory_space<hbm>>
      %dma_start3A_343 = tpu.memref_slice %arg4[%multiple_of3A_337] : memref<64000000xf32, #tpu.memory_space<hbm>> -> memref<16384xf32, #tpu.memory_space<hbm>>
      %dma_start3A_344 = tpu.memref_slice %arg6[%multiple_of3A_340] : memref<49152xf32, #tpu.memory_space<vmem>> -> memref<16384xf32, #tpu.memory_space<vmem>>
      tpu.enqueue_dma source(%dma_start3A_344 : memref<16384xf32, #tpu.memory_space<vmem>>) target(%dma_start3A_343 : memref<16384xf32, #tpu.memory_space<hbm>>) target_semaphore(%arg9 : memref<!tpu.dma_semaphore, #tpu.memory_space<semaphore_mem>>)
    }
    %while3A_224 = arith.constant 1 : i32
    scf.for %while3A_281 = %while3A_222 to %while3A_218 step %while3A_224  : i32 {
      %rem3A_282 = arith.constant 3 : i32
      %rem3A_283 = arith.remsi %while3A_281, %rem3A_282 : i32
      %mul3A_284 = arith.constant 32 : i32
      %mul3A_285 = arith.muli %while3A_281, %mul3A_284 : i32
      %add3A_286 = arith.addi %add3A, %mul3A_285 : i32
      %mul3A_287 = arith.constant 256 : i32
      %mul3A_288 = arith.muli %add3A_286, %mul3A_287 : i32
      %multiple_of3A_289 = tpu.assume_multiple %mul3A_288, 256 : i32
      %dma_wait3A_290 = arith.constant 0 : i32
      %dma_wait3A_291 = arith.constant 0 : i32
      %dma_wait3A_292 = tpu.memref_slice %arg5[%rem3A_283, %dma_wait3A_290, %dma_wait3A_291] : memref<3x64x256xf32, #tpu.memory_space<vmem>> -> memref<1x64x256xf32, #tpu.memory_space<vmem>>
      %dma_wait3A_293 = tpu.memref_squeeze %dma_wait3A_292 : memref<1x64x256xf32, #tpu.memory_space<vmem>> -> memref<64x256xf32, #tpu.memory_space<vmem>>
      %dma_wait3A_294 = arith.constant 0 : i32
      %dma_wait3A_295 = tpu.memref_slice %arg2[%dma_wait3A_294, %multiple_of3A_289] : memref<64x1000000xf32, #tpu.memory_space<hbm>> -> memref<64x256xf32, #tpu.memory_space<hbm>>
      %dma_wait3A_296 = arith.constant 0 : i32
      %dma_wait3A_297 = arith.constant 0 : i32
      %dma_wait3A_298 = tpu.memref_slice %arg5[%rem3A_283, %dma_wait3A_296, %dma_wait3A_297] : memref<3x64x256xf32, #tpu.memory_space<vmem>> -> memref<1x64x256xf32, #tpu.memory_space<vmem>>
      %dma_wait3A_299 = tpu.memref_squeeze %dma_wait3A_298 : memref<1x64x256xf32, #tpu.memory_space<vmem>> -> memref<64x256xf32, #tpu.memory_space<vmem>>
      %dma_wait3A_300 = arith.constant 0 : i32
      %dma_wait3A_301 = tpu.memref_slice %arg2[%dma_wait3A_300, %multiple_of3A_289] : memref<64x1000000xf32, #tpu.memory_space<hbm>> -> memref<64x256xf32, #tpu.memory_space<hbm>>
      tpu.wait_dma2 semaphore(%arg8 : memref<!tpu.dma_semaphore, #tpu.memory_space<semaphore_mem>>) src(%dma_wait3A_301 : memref<64x256xf32, #tpu.memory_space<hbm>>) dst(%dma_wait3A_299 : memref<64x256xf32, #tpu.memory_space<vmem>>)
      %add3A_302 = arith.constant 2 : i32
      %add3A_303 = arith.addi %while3A_281, %add3A_302 : i32
      %lt3A = arith.cmpi slt, %add3A_303, %add3A_180 : i32
      %convert_element_type3A_304 = arith.extui %lt3A : i1 to i32
      %cond3A_305 = arith.constant 0 : i32
      %cond3A_306 = arith.cmpi ne, %convert_element_type3A_304, %cond3A_305 : i32
      scf.if %cond3A_306 {
        %add3A_345 = arith.constant 2 : i32
        %add3A_346 = arith.addi %while3A_281, %add3A_345 : i32
        %add3A_347 = arith.constant 2 : i32
        %add3A_348 = arith.addi %while3A_281, %add3A_347 : i32
        %rem3A_349 = arith.constant 3 : i32
        %rem3A_350 = arith.remsi %add3A_348, %rem3A_349 : i32
        %mul3A_351 = arith.constant 32 : i32
        %mul3A_352 = arith.muli %add3A_346, %mul3A_351 : i32
        %add3A_353 = arith.addi %add3A, %mul3A_352 : i32
        %mul3A_354 = arith.constant 256 : i32
        %mul3A_355 = arith.muli %add3A_353, %mul3A_354 : i32
        %multiple_of3A_356 = tpu.assume_multiple %mul3A_355, 256 : i32
        %dma_start3A_357 = arith.constant 0 : i32
        %dma_start3A_358 = arith.constant 0 : i32
        %dma_start3A_359 = tpu.memref_slice %arg5[%rem3A_350, %dma_start3A_357, %dma_start3A_358] : memref<3x64x256xf32, #tpu.memory_space<vmem>> -> memref<1x64x256xf32, #tpu.memory_space<vmem>>
        %dma_start3A_360 = tpu.memref_squeeze %dma_start3A_359 : memref<1x64x256xf32, #tpu.memory_space<vmem>> -> memref<64x256xf32, #tpu.memory_space<vmem>>
        %dma_start3A_361 = arith.constant 0 : i32
        %dma_start3A_362 = tpu.memref_slice %arg2[%dma_start3A_361, %multiple_of3A_356] : memref<64x1000000xf32, #tpu.memory_space<hbm>> -> memref<64x256xf32, #tpu.memory_space<hbm>>
        %dma_start3A_363 = arith.constant 0 : i32
        %dma_start3A_364 = arith.constant 0 : i32
        %dma_start3A_365 = tpu.memref_slice %arg5[%rem3A_350, %dma_start3A_363, %dma_start3A_364] : memref<3x64x256xf32, #tpu.memory_space<vmem>> -> memref<1x64x256xf32, #tpu.memory_space<vmem>>
        %dma_start3A_366 = tpu.memref_squeeze %dma_start3A_365 : memref<1x64x256xf32, #tpu.memory_space<vmem>> -> memref<64x256xf32, #tpu.memory_space<vmem>>
        %dma_start3A_367 = arith.constant 0 : i32
        %dma_start3A_368 = tpu.memref_slice %arg2[%dma_start3A_367, %multiple_of3A_356] : memref<64x1000000xf32, #tpu.memory_space<hbm>> -> memref<64x256xf32, #tpu.memory_space<hbm>>
        tpu.enqueue_dma source(%dma_start3A_368 : memref<64x256xf32, #tpu.memory_space<hbm>>) target(%dma_start3A_366 : memref<64x256xf32, #tpu.memory_space<vmem>>) target_semaphore(%arg8 : memref<!tpu.dma_semaphore, #tpu.memory_space<semaphore_mem>>)
      } else {
      }
      %ge3A = arith.constant 3 : i32
      %ge3A_307 = arith.cmpi sge, %while3A_281, %ge3A : i32
      %convert_element_type3A_308 = arith.extui %ge3A_307 : i1 to i32
      %cond3A_309 = arith.constant 0 : i32
      %cond3A_310 = arith.cmpi ne, %convert_element_type3A_308, %cond3A_309 : i32
      scf.if %cond3A_310 {
        %sub3A_345 = arith.constant 3 : i32
        %sub3A_346 = arith.subi %while3A_281, %sub3A_345 : i32
        %mul3A_347 = arith.constant 32 : i32
        %mul3A_348 = arith.muli %sub3A_346, %mul3A_347 : i32
        %add3A_349 = arith.addi %add3A, %mul3A_348 : i32
        %mul3A_350 = arith.constant 16384 : i32
        %mul3A_351 = arith.muli %add3A_349, %mul3A_350 : i32
        %multiple_of3A_352 = tpu.assume_multiple %mul3A_351, 16384 : i32
        %mul3A_353 = arith.constant 16384 : i32
        %mul3A_354 = arith.muli %rem3A_283, %mul3A_353 : i32
        %multiple_of3A_355 = tpu.assume_multiple %mul3A_354, 16384 : i32
        %dma_wait3A_356 = tpu.memref_slice %arg6[%multiple_of3A_355] : memref<49152xf32, #tpu.memory_space<vmem>> -> memref<16384xf32, #tpu.memory_space<vmem>>
        %dma_wait3A_357 = tpu.memref_slice %arg4[%multiple_of3A_352] : memref<64000000xf32, #tpu.memory_space<hbm>> -> memref<16384xf32, #tpu.memory_space<hbm>>
        %dma_wait3A_358 = tpu.memref_slice %arg4[%multiple_of3A_352] : memref<64000000xf32, #tpu.memory_space<hbm>> -> memref<16384xf32, #tpu.memory_space<hbm>>
        %dma_wait3A_359 = tpu.memref_slice %arg6[%multiple_of3A_355] : memref<49152xf32, #tpu.memory_space<vmem>> -> memref<16384xf32, #tpu.memory_space<vmem>>
        tpu.wait_dma2 semaphore(%arg9 : memref<!tpu.dma_semaphore, #tpu.memory_space<semaphore_mem>>) src(%dma_wait3A_359 : memref<16384xf32, #tpu.memory_space<vmem>>) dst(%dma_wait3A_358 : memref<16384xf32, #tpu.memory_space<hbm>>)
      } else {
      }
      %mul3A_311 = arith.constant 16384 : i32
      %mul3A_312 = arith.muli %rem3A_283, %mul3A_311 : i32
      %scan3A = arith.constant 0 : i32
      %scan3A_313 = arith.constant 16 : i32
      %scan3A_314 = arith.addi %scan3A, %scan3A_313 : i32
      %scan3A_315 = arith.constant 1 : i32
      scf.for %scan3A_345 = %scan3A to %scan3A_314 step %scan3A_315  : i32 {
        %mul3A_346 = arith.constant 16 : i32
        %mul3A_347 = arith.muli %scan3A_345, %mul3A_346 : i32
        %add3A_348 = vector.broadcast %mul3A_347 : i32 to vector<16xi32>
        %add3A_349 = arith.addi %iota3A, %add3A_348 : vector<16xi32>
        %mul3A_350 = arith.constant 1024 : i32
        %mul3A_351 = arith.muli %scan3A_345, %mul3A_350 : i32
        %add3A_352 = arith.addi %mul3A_312, %mul3A_351 : i32
        %add3A_353 = arith.constant 0 : i32
        %add3A_354 = arith.addi %add3A_352, %add3A_353 : i32
        %gather3A = arith.constant 0 : i32
        %gather3A_355 = arith.constant 0 : i32
        %gather3A_356 = tpu.memref_slice %arg5[%rem3A_283, %gather3A, %gather3A_355] : memref<3x64x256xf32, #tpu.memory_space<vmem>> -> memref<1x16x256xf32, #tpu.memory_space<vmem>>
        %gather3A_357 = tpu.memref_squeeze %gather3A_356 : memref<1x16x256xf32, #tpu.memory_space<vmem>> -> memref<16x256xf32, #tpu.memory_space<vmem>>
        %gather3A_358 = tpu.vector_load_idx %gather3A_357[%and3A_5, %add3A_349] : memref<16x256xf32, #tpu.memory_space<vmem>>[vector<16xi32>, vector<16xi32>], vector<16xf32>,
        %gather3A_359 = arith.constant 0 : i32
        %gather3A_360 = arith.constant 0 : i32
        %gather3A_361 = tpu.memref_slice %arg5[%rem3A_283, %gather3A_359, %gather3A_360] : memref<3x64x256xf32, #tpu.memory_space<vmem>> -> memref<1x16x256xf32, #tpu.memory_space<vmem>>
        %gather3A_362 = tpu.memref_squeeze %gather3A_361 : memref<1x16x256xf32, #tpu.memory_space<vmem>> -> memref<16x256xf32, #tpu.memory_space<vmem>>
        %gather3A_363 = tpu.vector_load_idx %gather3A_362[%and3A_11, %add3A_349] : memref<16x256xf32, #tpu.memory_space<vmem>>[vector<16xi32>, vector<16xi32>], vector<16xf32>,
        %gather3A_364 = arith.constant 0 : i32
        %gather3A_365 = arith.constant 0 : i32
        %gather3A_366 = tpu.memref_slice %arg5[%rem3A_283, %gather3A_364, %gather3A_365] : memref<3x64x256xf32, #tpu.memory_space<vmem>> -> memref<1x16x256xf32, #tpu.memory_space<vmem>>
        %gather3A_367 = tpu.memref_squeeze %gather3A_366 : memref<1x16x256xf32, #tpu.memory_space<vmem>> -> memref<16x256xf32, #tpu.memory_space<vmem>>
        %gather3A_368 = tpu.vector_load_idx %gather3A_367[%and3A_17, %add3A_349] : memref<16x256xf32, #tpu.memory_space<vmem>>[vector<16xi32>, vector<16xi32>], vector<16xf32>,
        %gather3A_369 = arith.constant 0 : i32
        %gather3A_370 = arith.constant 0 : i32
        %gather3A_371 = tpu.memref_slice %arg5[%rem3A_283, %gather3A_369, %gather3A_370] : memref<3x64x256xf32, #tpu.memory_space<vmem>> -> memref<1x16x256xf32, #tpu.memory_space<vmem>>
        %gather3A_372 = tpu.memref_squeeze %gather3A_371 : memref<1x16x256xf32, #tpu.memory_space<vmem>> -> memref<16x256xf32, #tpu.memory_space<vmem>>
        %gather3A_373 = tpu.vector_load_idx %gather3A_372[%and3A_23, %add3A_349] : memref<16x256xf32, #tpu.memory_space<vmem>>[vector<16xi32>, vector<16xi32>], vector<16xf32>,
        %gather3A_374 = arith.constant 0 : i32
        %gather3A_375 = arith.constant 0 : i32
        %gather3A_376 = tpu.memref_slice %arg5[%rem3A_283, %gather3A_374, %gather3A_375] : memref<3x64x256xf32, #tpu.memory_space<vmem>> -> memref<1x16x256xf32, #tpu.memory_space<vmem>>
        %gather3A_377 = tpu.memref_squeeze %gather3A_376 : memref<1x16x256xf32, #tpu.memory_space<vmem>> -> memref<16x256xf32, #tpu.memory_space<vmem>>
        %gather3A_378 = tpu.vector_load_idx %gather3A_377[%and3A_29, %add3A_349] : memref<16x256xf32, #tpu.memory_space<vmem>>[vector<16xi32>, vector<16xi32>], vector<16xf32>,
        %gather3A_379 = arith.constant 0 : i32
        %gather3A_380 = arith.constant 0 : i32
        %gather3A_381 = tpu.memref_slice %arg5[%rem3A_283, %gather3A_379, %gather3A_380] : memref<3x64x256xf32, #tpu.memory_space<vmem>> -> memref<1x16x256xf32, #tpu.memory_space<vmem>>
        %gather3A_382 = tpu.memref_squeeze %gather3A_381 : memref<1x16x256xf32, #tpu.memory_space<vmem>> -> memref<16x256xf32, #tpu.memory_space<vmem>>
        %gather3A_383 = tpu.vector_load_idx %gather3A_382[%and3A_35, %add3A_349] : memref<16x256xf32, #tpu.memory_space<vmem>>[vector<16xi32>, vector<16xi32>], vector<16xf32>,
        %gather3A_384 = arith.constant 0 : i32
        %gather3A_385 = arith.constant 0 : i32
        %gather3A_386 = tpu.memref_slice %arg5[%rem3A_283, %gather3A_384, %gather3A_385] : memref<3x64x256xf32, #tpu.memory_space<vmem>> -> memref<1x16x256xf32, #tpu.memory_space<vmem>>
        %gather3A_387 = tpu.memref_squeeze %gather3A_386 : memref<1x16x256xf32, #tpu.memory_space<vmem>> -> memref<16x256xf32, #tpu.memory_space<vmem>>
        %gather3A_388 = tpu.vector_load_idx %gather3A_387[%and3A_41, %add3A_349] : memref<16x256xf32, #tpu.memory_space<vmem>>[vector<16xi32>, vector<16xi32>], vector<16xf32>,
        %gather3A_389 = arith.constant 0 : i32
        %gather3A_390 = arith.constant 0 : i32
        %gather3A_391 = tpu.memref_slice %arg5[%rem3A_283, %gather3A_389, %gather3A_390] : memref<3x64x256xf32, #tpu.memory_space<vmem>> -> memref<1x16x256xf32, #tpu.memory_space<vmem>>
        %gather3A_392 = tpu.memref_squeeze %gather3A_391 : memref<1x16x256xf32, #tpu.memory_space<vmem>> -> memref<16x256xf32, #tpu.memory_space<vmem>>
        %gather3A_393 = tpu.vector_load_idx %gather3A_392[%and3A_47, %add3A_349] : memref<16x256xf32, #tpu.memory_space<vmem>>[vector<16xi32>, vector<16xi32>], vector<16xf32>,
        %gather3A_394 = arith.constant 0 : i32
        %gather3A_395 = arith.constant 0 : i32
        %gather3A_396 = tpu.memref_slice %arg5[%rem3A_283, %gather3A_394, %gather3A_395] : memref<3x64x256xf32, #tpu.memory_space<vmem>> -> memref<1x16x256xf32, #tpu.memory_space<vmem>>
        %gather3A_397 = tpu.memref_squeeze %gather3A_396 : memref<1x16x256xf32, #tpu.memory_space<vmem>> -> memref<16x256xf32, #tpu.memory_space<vmem>>
        %gather3A_398 = tpu.vector_load_idx %gather3A_397[%and3A_53, %add3A_349] : memref<16x256xf32, #tpu.memory_space<vmem>>[vector<16xi32>, vector<16xi32>], vector<16xf32>,
        %gather3A_399 = arith.constant 0 : i32
        %gather3A_400 = arith.constant 0 : i32
        %gather3A_401 = tpu.memref_slice %arg5[%rem3A_283, %gather3A_399, %gather3A_400] : memref<3x64x256xf32, #tpu.memory_space<vmem>> -> memref<1x16x256xf32, #tpu.memory_space<vmem>>
        %gather3A_402 = tpu.memref_squeeze %gather3A_401 : memref<1x16x256xf32, #tpu.memory_space<vmem>> -> memref<16x256xf32, #tpu.memory_space<vmem>>
        %gather3A_403 = tpu.vector_load_idx %gather3A_402[%and3A_59, %add3A_349] : memref<16x256xf32, #tpu.memory_space<vmem>>[vector<16xi32>, vector<16xi32>], vector<16xf32>,
        %gather3A_404 = arith.constant 0 : i32
        %gather3A_405 = arith.constant 0 : i32
        %gather3A_406 = tpu.memref_slice %arg5[%rem3A_283, %gather3A_404, %gather3A_405] : memref<3x64x256xf32, #tpu.memory_space<vmem>> -> memref<1x16x256xf32, #tpu.memory_space<vmem>>
        %gather3A_407 = tpu.memref_squeeze %gather3A_406 : memref<1x16x256xf32, #tpu.memory_space<vmem>> -> memref<16x256xf32, #tpu.memory_space<vmem>>
        %gather3A_408 = tpu.vector_load_idx %gather3A_407[%and3A_65, %add3A_349] : memref<16x256xf32, #tpu.memory_space<vmem>>[vector<16xi32>, vector<16xi32>], vector<16xf32>,
        %gather3A_409 = arith.constant 0 : i32
        %gather3A_410 = arith.constant 0 : i32
        %gather3A_411 = tpu.memref_slice %arg5[%rem3A_283, %gather3A_409, %gather3A_410] : memref<3x64x256xf32, #tpu.memory_space<vmem>> -> memref<1x16x256xf32, #tpu.memory_space<vmem>>
        %gather3A_412 = tpu.memref_squeeze %gather3A_411 : memref<1x16x256xf32, #tpu.memory_space<vmem>> -> memref<16x256xf32, #tpu.memory_space<vmem>>
        %gather3A_413 = tpu.vector_load_idx %gather3A_412[%and3A_71, %add3A_349] : memref<16x256xf32, #tpu.memory_space<vmem>>[vector<16xi32>, vector<16xi32>], vector<16xf32>,
        %gather3A_414 = arith.constant 0 : i32
        %gather3A_415 = arith.constant 0 : i32
        %gather3A_416 = tpu.memref_slice %arg5[%rem3A_283, %gather3A_414, %gather3A_415] : memref<3x64x256xf32, #tpu.memory_space<vmem>> -> memref<1x16x256xf32, #tpu.memory_space<vmem>>
        %gather3A_417 = tpu.memref_squeeze %gather3A_416 : memref<1x16x256xf32, #tpu.memory_space<vmem>> -> memref<16x256xf32, #tpu.memory_space<vmem>>
        %gather3A_418 = tpu.vector_load_idx %gather3A_417[%and3A_77, %add3A_349] : memref<16x256xf32, #tpu.memory_space<vmem>>[vector<16xi32>, vector<16xi32>], vector<16xf32>,
        %gather3A_419 = arith.constant 0 : i32
        %gather3A_420 = arith.constant 0 : i32
        %gather3A_421 = tpu.memref_slice %arg5[%rem3A_283, %gather3A_419, %gather3A_420] : memref<3x64x256xf32, #tpu.memory_space<vmem>> -> memref<1x16x256xf32, #tpu.memory_space<vmem>>
        %gather3A_422 = tpu.memref_squeeze %gather3A_421 : memref<1x16x256xf32, #tpu.memory_space<vmem>> -> memref<16x256xf32, #tpu.memory_space<vmem>>
        %gather3A_423 = tpu.vector_load_idx %gather3A_422[%and3A_83, %add3A_349] : memref<16x256xf32, #tpu.memory_space<vmem>>[vector<16xi32>, vector<16xi32>], vector<16xf32>,
        %gather3A_424 = arith.constant 0 : i32
        %gather3A_425 = arith.constant 0 : i32
        %gather3A_426 = tpu.memref_slice %arg5[%rem3A_283, %gather3A_424, %gather3A_425] : memref<3x64x256xf32, #tpu.memory_space<vmem>> -> memref<1x16x256xf32, #tpu.memory_space<vmem>>
        %gather3A_427 = tpu.memref_squeeze %gather3A_426 : memref<1x16x256xf32, #tpu.memory_space<vmem>> -> memref<16x256xf32, #tpu.memory_space<vmem>>
        %gather3A_428 = tpu.vector_load_idx %gather3A_427[%and3A_89, %add3A_349] : memref<16x256xf32, #tpu.memory_space<vmem>>[vector<16xi32>, vector<16xi32>], vector<16xf32>,
        %gather3A_429 = arith.constant 0 : i32
        %gather3A_430 = arith.constant 0 : i32
        %gather3A_431 = tpu.memref_slice %arg5[%rem3A_283, %gather3A_429, %gather3A_430] : memref<3x64x256xf32, #tpu.memory_space<vmem>> -> memref<1x16x256xf32, #tpu.memory_space<vmem>>
        %gather3A_432 = tpu.memref_squeeze %gather3A_431 : memref<1x16x256xf32, #tpu.memory_space<vmem>> -> memref<16x256xf32, #tpu.memory_space<vmem>>
        %gather3A_433 = tpu.vector_load_idx %gather3A_432[%and3A_95, %add3A_349] : memref<16x256xf32, #tpu.memory_space<vmem>>[vector<16xi32>, vector<16xi32>], vector<16xf32>,
        %add3A_434 = vector.broadcast %add3A_354 : i32 to vector<16xi32>
        %add3A_435 = arith.addi %add3A_99, %add3A_434 : vector<16xi32>
        tpu.vector_store_idx %arg6[%add3A_435], %gather3A_358 : memref<49152xf32, #tpu.memory_space<vmem>>[vector<16xi32>], vector<16xf32>,
        %add3A_436 = vector.broadcast %add3A_354 : i32 to vector<16xi32>
        %add3A_437 = arith.addi %add3A_103, %add3A_436 : vector<16xi32>
        tpu.vector_store_idx %arg6[%add3A_437], %gather3A_363 : memref<49152xf32, #tpu.memory_space<vmem>>[vector<16xi32>], vector<16xf32>,
        %add3A_438 = vector.broadcast %add3A_354 : i32 to vector<16xi32>
        %add3A_439 = arith.addi %add3A_107, %add3A_438 : vector<16xi32>
        tpu.vector_store_idx %arg6[%add3A_439], %gather3A_368 : memref<49152xf32, #tpu.memory_space<vmem>>[vector<16xi32>], vector<16xf32>,
        %add3A_440 = vector.broadcast %add3A_354 : i32 to vector<16xi32>
        %add3A_441 = arith.addi %add3A_111, %add3A_440 : vector<16xi32>
        tpu.vector_store_idx %arg6[%add3A_441], %gather3A_373 : memref<49152xf32, #tpu.memory_space<vmem>>[vector<16xi32>], vector<16xf32>,
        %add3A_442 = vector.broadcast %add3A_354 : i32 to vector<16xi32>
        %add3A_443 = arith.addi %add3A_115, %add3A_442 : vector<16xi32>
        tpu.vector_store_idx %arg6[%add3A_443], %gather3A_378 : memref<49152xf32, #tpu.memory_space<vmem>>[vector<16xi32>], vector<16xf32>,
        %add3A_444 = vector.broadcast %add3A_354 : i32 to vector<16xi32>
        %add3A_445 = arith.addi %add3A_119, %add3A_444 : vector<16xi32>
        tpu.vector_store_idx %arg6[%add3A_445], %gather3A_383 : memref<49152xf32, #tpu.memory_space<vmem>>[vector<16xi32>], vector<16xf32>,
        %add3A_446 = vector.broadcast %add3A_354 : i32 to vector<16xi32>
        %add3A_447 = arith.addi %add3A_123, %add3A_446 : vector<16xi32>
        tpu.vector_store_idx %arg6[%add3A_447], %gather3A_388 : memref<49152xf32, #tpu.memory_space<vmem>>[vector<16xi32>], vector<16xf32>,
        %add3A_448 = vector.broadcast %add3A_354 : i32 to vector<16xi32>
        %add3A_449 = arith.addi %add3A_127, %add3A_448 : vector<16xi32>
        tpu.vector_store_idx %arg6[%add3A_449], %gather3A_393 : memref<49152xf32, #tpu.memory_space<vmem>>[vector<16xi32>], vector<16xf32>,
        %add3A_450 = vector.broadcast %add3A_354 : i32 to vector<16xi32>
        %add3A_451 = arith.addi %add3A_131, %add3A_450 : vector<16xi32>
        tpu.vector_store_idx %arg6[%add3A_451], %gather3A_398 : memref<49152xf32, #tpu.memory_space<vmem>>[vector<16xi32>], vector<16xf32>,
        %add3A_452 = vector.broadcast %add3A_354 : i32 to vector<16xi32>
        %add3A_453 = arith.addi %add3A_135, %add3A_452 : vector<16xi32>
        tpu.vector_store_idx %arg6[%add3A_453], %gather3A_403 : memref<49152xf32, #tpu.memory_space<vmem>>[vector<16xi32>], vector<16xf32>,
        %add3A_454 = vector.broadcast %add3A_354 : i32 to vector<16xi32>
        %add3A_455 = arith.addi %add3A_139, %add3A_454 : vector<16xi32>
        tpu.vector_store_idx %arg6[%add3A_455], %gather3A_408 : memref<49152xf32, #tpu.memory_space<vmem>>[vector<16xi32>], vector<16xf32>,
        %add3A_456 = vector.broadcast %add3A_354 : i32 to vector<16xi32>
        %add3A_457 = arith.addi %add3A_143, %add3A_456 : vector<16xi32>
        tpu.vector_store_idx %arg6[%add3A_457], %gather3A_413 : memref<49152xf32, #tpu.memory_space<vmem>>[vector<16xi32>], vector<16xf32>,
        %add3A_458 = vector.broadcast %add3A_354 : i32 to vector<16xi32>
        %add3A_459 = arith.addi %add3A_147, %add3A_458 : vector<16xi32>
        tpu.vector_store_idx %arg6[%add3A_459], %gather3A_418 : memref<49152xf32, #tpu.memory_space<vmem>>[vector<16xi32>], vector<16xf32>,
        %add3A_460 = vector.broadcast %add3A_354 : i32 to vector<16xi32>
        %add3A_461 = arith.addi %add3A_151, %add3A_460 : vector<16xi32>
        tpu.vector_store_idx %arg6[%add3A_461], %gather3A_423 : memref<49152xf32, #tpu.memory_space<vmem>>[vector<16xi32>], vector<16xf32>,
        %add3A_462 = vector.broadcast %add3A_354 : i32 to vector<16xi32>
        %add3A_463 = arith.addi %add3A_155, %add3A_462 : vector<16xi32>
        tpu.vector_store_idx %arg6[%add3A_463], %gather3A_428 : memref<49152xf32, #tpu.memory_space<vmem>>[vector<16xi32>], vector<16xf32>,
        %add3A_464 = vector.broadcast %add3A_354 : i32 to vector<16xi32>
        %add3A_465 = arith.addi %add3A_159, %add3A_464 : vector<16xi32>
        tpu.vector_store_idx %arg6[%add3A_465], %gather3A_433 : memref<49152xf32, #tpu.memory_space<vmem>>[vector<16xi32>], vector<16xf32>,
      }
      %scan3A_316 = arith.constant 16 : i32
      %scan3A_317 = arith.constant 0 : i32
      %scan3A_318 = arith.constant 16 : i32
      %scan3A_319 = arith.addi %scan3A_317, %scan3A_318 : i32
      %scan3A_320 = arith.constant 1 : i32
      scf.for %scan3A_345 = %scan3A_317 to %scan3A_319 step %scan3A_320  : i32 {
        %mul3A_346 = arith.constant 16 : i32
        %mul3A_347 = arith.muli %scan3A_345, %mul3A_346 : i32
        %add3A_348 = vector.broadcast %mul3A_347 : i32 to vector<16xi32>
        %add3A_349 = arith.addi %iota3A, %add3A_348 : vector<16xi32>
        %mul3A_350 = arith.constant 1024 : i32
        %mul3A_351 = arith.muli %scan3A_345, %mul3A_350 : i32
        %add3A_352 = arith.addi %mul3A_312, %mul3A_351 : i32
        %add3A_353 = arith.constant 16 : i32
        %add3A_354 = arith.addi %add3A_352, %add3A_353 : i32
        %gather3A = arith.constant 16 : i32
        %gather3A_355 = arith.constant 0 : i32
        %gather3A_356 = tpu.memref_slice %arg5[%rem3A_283, %gather3A, %gather3A_355] : memref<3x64x256xf32, #tpu.memory_space<vmem>> -> memref<1x16x256xf32, #tpu.memory_space<vmem>>
        %gather3A_357 = tpu.memref_squeeze %gather3A_356 : memref<1x16x256xf32, #tpu.memory_space<vmem>> -> memref<16x256xf32, #tpu.memory_space<vmem>>
        %gather3A_358 = tpu.vector_load_idx %gather3A_357[%and3A_5, %add3A_349] : memref<16x256xf32, #tpu.memory_space<vmem>>[vector<16xi32>, vector<16xi32>], vector<16xf32>,
        %gather3A_359 = arith.constant 16 : i32
        %gather3A_360 = arith.constant 0 : i32
        %gather3A_361 = tpu.memref_slice %arg5[%rem3A_283, %gather3A_359, %gather3A_360] : memref<3x64x256xf32, #tpu.memory_space<vmem>> -> memref<1x16x256xf32, #tpu.memory_space<vmem>>
        %gather3A_362 = tpu.memref_squeeze %gather3A_361 : memref<1x16x256xf32, #tpu.memory_space<vmem>> -> memref<16x256xf32, #tpu.memory_space<vmem>>
        %gather3A_363 = tpu.vector_load_idx %gather3A_362[%and3A_11, %add3A_349] : memref<16x256xf32, #tpu.memory_space<vmem>>[vector<16xi32>, vector<16xi32>], vector<16xf32>,
        %gather3A_364 = arith.constant 16 : i32
        %gather3A_365 = arith.constant 0 : i32
        %gather3A_366 = tpu.memref_slice %arg5[%rem3A_283, %gather3A_364, %gather3A_365] : memref<3x64x256xf32, #tpu.memory_space<vmem>> -> memref<1x16x256xf32, #tpu.memory_space<vmem>>
        %gather3A_367 = tpu.memref_squeeze %gather3A_366 : memref<1x16x256xf32, #tpu.memory_space<vmem>> -> memref<16x256xf32, #tpu.memory_space<vmem>>
        %gather3A_368 = tpu.vector_load_idx %gather3A_367[%and3A_17, %add3A_349] : memref<16x256xf32, #tpu.memory_space<vmem>>[vector<16xi32>, vector<16xi32>], vector<16xf32>,
        %gather3A_369 = arith.constant 16 : i32
        %gather3A_370 = arith.constant 0 : i32
        %gather3A_371 = tpu.memref_slice %arg5[%rem3A_283, %gather3A_369, %gather3A_370] : memref<3x64x256xf32, #tpu.memory_space<vmem>> -> memref<1x16x256xf32, #tpu.memory_space<vmem>>
        %gather3A_372 = tpu.memref_squeeze %gather3A_371 : memref<1x16x256xf32, #tpu.memory_space<vmem>> -> memref<16x256xf32, #tpu.memory_space<vmem>>
        %gather3A_373 = tpu.vector_load_idx %gather3A_372[%and3A_23, %add3A_349] : memref<16x256xf32, #tpu.memory_space<vmem>>[vector<16xi32>, vector<16xi32>], vector<16xf32>,
        %gather3A_374 = arith.constant 16 : i32
        %gather3A_375 = arith.constant 0 : i32
        %gather3A_376 = tpu.memref_slice %arg5[%rem3A_283, %gather3A_374, %gather3A_375] : memref<3x64x256xf32, #tpu.memory_space<vmem>> -> memref<1x16x256xf32, #tpu.memory_space<vmem>>
        %gather3A_377 = tpu.memref_squeeze %gather3A_376 : memref<1x16x256xf32, #tpu.memory_space<vmem>> -> memref<16x256xf32, #tpu.memory_space<vmem>>
        %gather3A_378 = tpu.vector_load_idx %gather3A_377[%and3A_29, %add3A_349] : memref<16x256xf32, #tpu.memory_space<vmem>>[vector<16xi32>, vector<16xi32>], vector<16xf32>,
        %gather3A_379 = arith.constant 16 : i32
        %gather3A_380 = arith.constant 0 : i32
        %gather3A_381 = tpu.memref_slice %arg5[%rem3A_283, %gather3A_379, %gather3A_380] : memref<3x64x256xf32, #tpu.memory_space<vmem>> -> memref<1x16x256xf32, #tpu.memory_space<vmem>>
        %gather3A_382 = tpu.memref_squeeze %gather3A_381 : memref<1x16x256xf32, #tpu.memory_space<vmem>> -> memref<16x256xf32, #tpu.memory_space<vmem>>
        %gather3A_383 = tpu.vector_load_idx %gather3A_382[%and3A_35, %add3A_349] : memref<16x256xf32, #tpu.memory_space<vmem>>[vector<16xi32>, vector<16xi32>], vector<16xf32>,
        %gather3A_384 = arith.constant 16 : i32
        %gather3A_385 = arith.constant 0 : i32
        %gather3A_386 = tpu.memref_slice %arg5[%rem3A_283, %gather3A_384, %gather3A_385] : memref<3x64x256xf32, #tpu.memory_space<vmem>> -> memref<1x16x256xf32, #tpu.memory_space<vmem>>
        %gather3A_387 = tpu.memref_squeeze %gather3A_386 : memref<1x16x256xf32, #tpu.memory_space<vmem>> -> memref<16x256xf32, #tpu.memory_space<vmem>>
        %gather3A_388 = tpu.vector_load_idx %gather3A_387[%and3A_41, %add3A_349] : memref<16x256xf32, #tpu.memory_space<vmem>>[vector<16xi32>, vector<16xi32>], vector<16xf32>,
        %gather3A_389 = arith.constant 16 : i32
        %gather3A_390 = arith.constant 0 : i32
        %gather3A_391 = tpu.memref_slice %arg5[%rem3A_283, %gather3A_389, %gather3A_390] : memref<3x64x256xf32, #tpu.memory_space<vmem>> -> memref<1x16x256xf32, #tpu.memory_space<vmem>>
        %gather3A_392 = tpu.memref_squeeze %gather3A_391 : memref<1x16x256xf32, #tpu.memory_space<vmem>> -> memref<16x256xf32, #tpu.memory_space<vmem>>
        %gather3A_393 = tpu.vector_load_idx %gather3A_392[%and3A_47, %add3A_349] : memref<16x256xf32, #tpu.memory_space<vmem>>[vector<16xi32>, vector<16xi32>], vector<16xf32>,
        %gather3A_394 = arith.constant 16 : i32
        %gather3A_395 = arith.constant 0 : i32
        %gather3A_396 = tpu.memref_slice %arg5[%rem3A_283, %gather3A_394, %gather3A_395] : memref<3x64x256xf32, #tpu.memory_space<vmem>> -> memref<1x16x256xf32, #tpu.memory_space<vmem>>
        %gather3A_397 = tpu.memref_squeeze %gather3A_396 : memref<1x16x256xf32, #tpu.memory_space<vmem>> -> memref<16x256xf32, #tpu.memory_space<vmem>>
        %gather3A_398 = tpu.vector_load_idx %gather3A_397[%and3A_53, %add3A_349] : memref<16x256xf32, #tpu.memory_space<vmem>>[vector<16xi32>, vector<16xi32>], vector<16xf32>,
        %gather3A_399 = arith.constant 16 : i32
        %gather3A_400 = arith.constant 0 : i32
        %gather3A_401 = tpu.memref_slice %arg5[%rem3A_283, %gather3A_399, %gather3A_400] : memref<3x64x256xf32, #tpu.memory_space<vmem>> -> memref<1x16x256xf32, #tpu.memory_space<vmem>>
        %gather3A_402 = tpu.memref_squeeze %gather3A_401 : memref<1x16x256xf32, #tpu.memory_space<vmem>> -> memref<16x256xf32, #tpu.memory_space<vmem>>
        %gather3A_403 = tpu.vector_load_idx %gather3A_402[%and3A_59, %add3A_349] : memref<16x256xf32, #tpu.memory_space<vmem>>[vector<16xi32>, vector<16xi32>], vector<16xf32>,
        %gather3A_404 = arith.constant 16 : i32
        %gather3A_405 = arith.constant 0 : i32
        %gather3A_406 = tpu.memref_slice %arg5[%rem3A_283, %gather3A_404, %gather3A_405] : memref<3x64x256xf32, #tpu.memory_space<vmem>> -> memref<1x16x256xf32, #tpu.memory_space<vmem>>
        %gather3A_407 = tpu.memref_squeeze %gather3A_406 : memref<1x16x256xf32, #tpu.memory_space<vmem>> -> memref<16x256xf32, #tpu.memory_space<vmem>>
        %gather3A_408 = tpu.vector_load_idx %gather3A_407[%and3A_65, %add3A_349] : memref<16x256xf32, #tpu.memory_space<vmem>>[vector<16xi32>, vector<16xi32>], vector<16xf32>,
        %gather3A_409 = arith.constant 16 : i32
        %gather3A_410 = arith.constant 0 : i32
        %gather3A_411 = tpu.memref_slice %arg5[%rem3A_283, %gather3A_409, %gather3A_410] : memref<3x64x256xf32, #tpu.memory_space<vmem>> -> memref<1x16x256xf32, #tpu.memory_space<vmem>>
        %gather3A_412 = tpu.memref_squeeze %gather3A_411 : memref<1x16x256xf32, #tpu.memory_space<vmem>> -> memref<16x256xf32, #tpu.memory_space<vmem>>
        %gather3A_413 = tpu.vector_load_idx %gather3A_412[%and3A_71, %add3A_349] : memref<16x256xf32, #tpu.memory_space<vmem>>[vector<16xi32>, vector<16xi32>], vector<16xf32>,
        %gather3A_414 = arith.constant 16 : i32
        %gather3A_415 = arith.constant 0 : i32
        %gather3A_416 = tpu.memref_slice %arg5[%rem3A_283, %gather3A_414, %gather3A_415] : memref<3x64x256xf32, #tpu.memory_space<vmem>> -> memref<1x16x256xf32, #tpu.memory_space<vmem>>
        %gather3A_417 = tpu.memref_squeeze %gather3A_416 : memref<1x16x256xf32, #tpu.memory_space<vmem>> -> memref<16x256xf32, #tpu.memory_space<vmem>>
        %gather3A_418 = tpu.vector_load_idx %gather3A_417[%and3A_77, %add3A_349] : memref<16x256xf32, #tpu.memory_space<vmem>>[vector<16xi32>, vector<16xi32>], vector<16xf32>,
        %gather3A_419 = arith.constant 16 : i32
        %gather3A_420 = arith.constant 0 : i32
        %gather3A_421 = tpu.memref_slice %arg5[%rem3A_283, %gather3A_419, %gather3A_420] : memref<3x64x256xf32, #tpu.memory_space<vmem>> -> memref<1x16x256xf32, #tpu.memory_space<vmem>>
        %gather3A_422 = tpu.memref_squeeze %gather3A_421 : memref<1x16x256xf32, #tpu.memory_space<vmem>> -> memref<16x256xf32, #tpu.memory_space<vmem>>
        %gather3A_423 = tpu.vector_load_idx %gather3A_422[%and3A_83, %add3A_349] : memref<16x256xf32, #tpu.memory_space<vmem>>[vector<16xi32>, vector<16xi32>], vector<16xf32>,
        %gather3A_424 = arith.constant 16 : i32
        %gather3A_425 = arith.constant 0 : i32
        %gather3A_426 = tpu.memref_slice %arg5[%rem3A_283, %gather3A_424, %gather3A_425] : memref<3x64x256xf32, #tpu.memory_space<vmem>> -> memref<1x16x256xf32, #tpu.memory_space<vmem>>
        %gather3A_427 = tpu.memref_squeeze %gather3A_426 : memref<1x16x256xf32, #tpu.memory_space<vmem>> -> memref<16x256xf32, #tpu.memory_space<vmem>>
        %gather3A_428 = tpu.vector_load_idx %gather3A_427[%and3A_89, %add3A_349] : memref<16x256xf32, #tpu.memory_space<vmem>>[vector<16xi32>, vector<16xi32>], vector<16xf32>,
        %gather3A_429 = arith.constant 16 : i32
        %gather3A_430 = arith.constant 0 : i32
        %gather3A_431 = tpu.memref_slice %arg5[%rem3A_283, %gather3A_429, %gather3A_430] : memref<3x64x256xf32, #tpu.memory_space<vmem>> -> memref<1x16x256xf32, #tpu.memory_space<vmem>>
        %gather3A_432 = tpu.memref_squeeze %gather3A_431 : memref<1x16x256xf32, #tpu.memory_space<vmem>> -> memref<16x256xf32, #tpu.memory_space<vmem>>
        %gather3A_433 = tpu.vector_load_idx %gather3A_432[%and3A_95, %add3A_349] : memref<16x256xf32, #tpu.memory_space<vmem>>[vector<16xi32>, vector<16xi32>], vector<16xf32>,
        %add3A_434 = vector.broadcast %add3A_354 : i32 to vector<16xi32>
        %add3A_435 = arith.addi %add3A_99, %add3A_434 : vector<16xi32>
        tpu.vector_store_idx %arg6[%add3A_435], %gather3A_358 : memref<49152xf32, #tpu.memory_space<vmem>>[vector<16xi32>], vector<16xf32>,
        %add3A_436 = vector.broadcast %add3A_354 : i32 to vector<16xi32>
        %add3A_437 = arith.addi %add3A_103, %add3A_436 : vector<16xi32>
        tpu.vector_store_idx %arg6[%add3A_437], %gather3A_363 : memref<49152xf32, #tpu.memory_space<vmem>>[vector<16xi32>], vector<16xf32>,
        %add3A_438 = vector.broadcast %add3A_354 : i32 to vector<16xi32>
        %add3A_439 = arith.addi %add3A_107, %add3A_438 : vector<16xi32>
        tpu.vector_store_idx %arg6[%add3A_439], %gather3A_368 : memref<49152xf32, #tpu.memory_space<vmem>>[vector<16xi32>], vector<16xf32>,
        %add3A_440 = vector.broadcast %add3A_354 : i32 to vector<16xi32>
        %add3A_441 = arith.addi %add3A_111, %add3A_440 : vector<16xi32>
        tpu.vector_store_idx %arg6[%add3A_441], %gather3A_373 : memref<49152xf32, #tpu.memory_space<vmem>>[vector<16xi32>], vector<16xf32>,
        %add3A_442 = vector.broadcast %add3A_354 : i32 to vector<16xi32>
        %add3A_443 = arith.addi %add3A_115, %add3A_442 : vector<16xi32>
        tpu.vector_store_idx %arg6[%add3A_443], %gather3A_378 : memref<49152xf32, #tpu.memory_space<vmem>>[vector<16xi32>], vector<16xf32>,
        %add3A_444 = vector.broadcast %add3A_354 : i32 to vector<16xi32>
        %add3A_445 = arith.addi %add3A_119, %add3A_444 : vector<16xi32>
        tpu.vector_store_idx %arg6[%add3A_445], %gather3A_383 : memref<49152xf32, #tpu.memory_space<vmem>>[vector<16xi32>], vector<16xf32>,
        %add3A_446 = vector.broadcast %add3A_354 : i32 to vector<16xi32>
        %add3A_447 = arith.addi %add3A_123, %add3A_446 : vector<16xi32>
        tpu.vector_store_idx %arg6[%add3A_447], %gather3A_388 : memref<49152xf32, #tpu.memory_space<vmem>>[vector<16xi32>], vector<16xf32>,
        %add3A_448 = vector.broadcast %add3A_354 : i32 to vector<16xi32>
        %add3A_449 = arith.addi %add3A_127, %add3A_448 : vector<16xi32>
        tpu.vector_store_idx %arg6[%add3A_449], %gather3A_393 : memref<49152xf32, #tpu.memory_space<vmem>>[vector<16xi32>], vector<16xf32>,
        %add3A_450 = vector.broadcast %add3A_354 : i32 to vector<16xi32>
        %add3A_451 = arith.addi %add3A_131, %add3A_450 : vector<16xi32>
        tpu.vector_store_idx %arg6[%add3A_451], %gather3A_398 : memref<49152xf32, #tpu.memory_space<vmem>>[vector<16xi32>], vector<16xf32>,
        %add3A_452 = vector.broadcast %add3A_354 : i32 to vector<16xi32>
        %add3A_453 = arith.addi %add3A_135, %add3A_452 : vector<16xi32>
        tpu.vector_store_idx %arg6[%add3A_453], %gather3A_403 : memref<49152xf32, #tpu.memory_space<vmem>>[vector<16xi32>], vector<16xf32>,
        %add3A_454 = vector.broadcast %add3A_354 : i32 to vector<16xi32>
        %add3A_455 = arith.addi %add3A_139, %add3A_454 : vector<16xi32>
        tpu.vector_store_idx %arg6[%add3A_455], %gather3A_408 : memref<49152xf32, #tpu.memory_space<vmem>>[vector<16xi32>], vector<16xf32>,
        %add3A_456 = vector.broadcast %add3A_354 : i32 to vector<16xi32>
        %add3A_457 = arith.addi %add3A_143, %add3A_456 : vector<16xi32>
        tpu.vector_store_idx %arg6[%add3A_457], %gather3A_413 : memref<49152xf32, #tpu.memory_space<vmem>>[vector<16xi32>], vector<16xf32>,
        %add3A_458 = vector.broadcast %add3A_354 : i32 to vector<16xi32>
        %add3A_459 = arith.addi %add3A_147, %add3A_458 : vector<16xi32>
        tpu.vector_store_idx %arg6[%add3A_459], %gather3A_418 : memref<49152xf32, #tpu.memory_space<vmem>>[vector<16xi32>], vector<16xf32>,
        %add3A_460 = vector.broadcast %add3A_354 : i32 to vector<16xi32>
        %add3A_461 = arith.addi %add3A_151, %add3A_460 : vector<16xi32>
        tpu.vector_store_idx %arg6[%add3A_461], %gather3A_423 : memref<49152xf32, #tpu.memory_space<vmem>>[vector<16xi32>], vector<16xf32>,
        %add3A_462 = vector.broadcast %add3A_354 : i32 to vector<16xi32>
        %add3A_463 = arith.addi %add3A_155, %add3A_462 : vector<16xi32>
        tpu.vector_store_idx %arg6[%add3A_463], %gather3A_428 : memref<49152xf32, #tpu.memory_space<vmem>>[vector<16xi32>], vector<16xf32>,
        %add3A_464 = vector.broadcast %add3A_354 : i32 to vector<16xi32>
        %add3A_465 = arith.addi %add3A_159, %add3A_464 : vector<16xi32>
        tpu.vector_store_idx %arg6[%add3A_465], %gather3A_433 : memref<49152xf32, #tpu.memory_space<vmem>>[vector<16xi32>], vector<16xf32>,
      }
      %scan3A_321 = arith.constant 16 : i32
      %scan3A_322 = arith.constant 0 : i32
      %scan3A_323 = arith.constant 16 : i32
      %scan3A_324 = arith.addi %scan3A_322, %scan3A_323 : i32
      %scan3A_325 = arith.constant 1 : i32
      scf.for %scan3A_345 = %scan3A_322 to %scan3A_324 step %scan3A_325  : i32 {
        %mul3A_346 = arith.constant 16 : i32
        %mul3A_347 = arith.muli %scan3A_345, %mul3A_346 : i32
        %add3A_348 = vector.broadcast %mul3A_347 : i32 to vector<16xi32>
        %add3A_349 = arith.addi %iota3A, %add3A_348 : vector<16xi32>
        %mul3A_350 = arith.constant 1024 : i32
        %mul3A_351 = arith.muli %scan3A_345, %mul3A_350 : i32
        %add3A_352 = arith.addi %mul3A_312, %mul3A_351 : i32
        %add3A_353 = arith.constant 32 : i32
        %add3A_354 = arith.addi %add3A_352, %add3A_353 : i32
        %gather3A = arith.constant 32 : i32
        %gather3A_355 = arith.constant 0 : i32
        %gather3A_356 = tpu.memref_slice %arg5[%rem3A_283, %gather3A, %gather3A_355] : memref<3x64x256xf32, #tpu.memory_space<vmem>> -> memref<1x16x256xf32, #tpu.memory_space<vmem>>
        %gather3A_357 = tpu.memref_squeeze %gather3A_356 : memref<1x16x256xf32, #tpu.memory_space<vmem>> -> memref<16x256xf32, #tpu.memory_space<vmem>>
        %gather3A_358 = tpu.vector_load_idx %gather3A_357[%and3A_5, %add3A_349] : memref<16x256xf32, #tpu.memory_space<vmem>>[vector<16xi32>, vector<16xi32>], vector<16xf32>,
        %gather3A_359 = arith.constant 32 : i32
        %gather3A_360 = arith.constant 0 : i32
        %gather3A_361 = tpu.memref_slice %arg5[%rem3A_283, %gather3A_359, %gather3A_360] : memref<3x64x256xf32, #tpu.memory_space<vmem>> -> memref<1x16x256xf32, #tpu.memory_space<vmem>>
        %gather3A_362 = tpu.memref_squeeze %gather3A_361 : memref<1x16x256xf32, #tpu.memory_space<vmem>> -> memref<16x256xf32, #tpu.memory_space<vmem>>
        %gather3A_363 = tpu.vector_load_idx %gather3A_362[%and3A_11, %add3A_349] : memref<16x256xf32, #tpu.memory_space<vmem>>[vector<16xi32>, vector<16xi32>], vector<16xf32>,
        %gather3A_364 = arith.constant 32 : i32
        %gather3A_365 = arith.constant 0 : i32
        %gather3A_366 = tpu.memref_slice %arg5[%rem3A_283, %gather3A_364, %gather3A_365] : memref<3x64x256xf32, #tpu.memory_space<vmem>> -> memref<1x16x256xf32, #tpu.memory_space<vmem>>
        %gather3A_367 = tpu.memref_squeeze %gather3A_366 : memref<1x16x256xf32, #tpu.memory_space<vmem>> -> memref<16x256xf32, #tpu.memory_space<vmem>>
        %gather3A_368 = tpu.vector_load_idx %gather3A_367[%and3A_17, %add3A_349] : memref<16x256xf32, #tpu.memory_space<vmem>>[vector<16xi32>, vector<16xi32>], vector<16xf32>,
        %gather3A_369 = arith.constant 32 : i32
        %gather3A_370 = arith.constant 0 : i32
        %gather3A_371 = tpu.memref_slice %arg5[%rem3A_283, %gather3A_369, %gather3A_370] : memref<3x64x256xf32, #tpu.memory_space<vmem>> -> memref<1x16x256xf32, #tpu.memory_space<vmem>>
        %gather3A_372 = tpu.memref_squeeze %gather3A_371 : memref<1x16x256xf32, #tpu.memory_space<vmem>> -> memref<16x256xf32, #tpu.memory_space<vmem>>
        %gather3A_373 = tpu.vector_load_idx %gather3A_372[%and3A_23, %add3A_349] : memref<16x256xf32, #tpu.memory_space<vmem>>[vector<16xi32>, vector<16xi32>], vector<16xf32>,
        %gather3A_374 = arith.constant 32 : i32
        %gather3A_375 = arith.constant 0 : i32
        %gather3A_376 = tpu.memref_slice %arg5[%rem3A_283, %gather3A_374, %gather3A_375] : memref<3x64x256xf32, #tpu.memory_space<vmem>> -> memref<1x16x256xf32, #tpu.memory_space<vmem>>
        %gather3A_377 = tpu.memref_squeeze %gather3A_376 : memref<1x16x256xf32, #tpu.memory_space<vmem>> -> memref<16x256xf32, #tpu.memory_space<vmem>>
        %gather3A_378 = tpu.vector_load_idx %gather3A_377[%and3A_29, %add3A_349] : memref<16x256xf32, #tpu.memory_space<vmem>>[vector<16xi32>, vector<16xi32>], vector<16xf32>,
        %gather3A_379 = arith.constant 32 : i32
        %gather3A_380 = arith.constant 0 : i32
        %gather3A_381 = tpu.memref_slice %arg5[%rem3A_283, %gather3A_379, %gather3A_380] : memref<3x64x256xf32, #tpu.memory_space<vmem>> -> memref<1x16x256xf32, #tpu.memory_space<vmem>>
        %gather3A_382 = tpu.memref_squeeze %gather3A_381 : memref<1x16x256xf32, #tpu.memory_space<vmem>> -> memref<16x256xf32, #tpu.memory_space<vmem>>
        %gather3A_383 = tpu.vector_load_idx %gather3A_382[%and3A_35, %add3A_349] : memref<16x256xf32, #tpu.memory_space<vmem>>[vector<16xi32>, vector<16xi32>], vector<16xf32>,
        %gather3A_384 = arith.constant 32 : i32
        %gather3A_385 = arith.constant 0 : i32
        %gather3A_386 = tpu.memref_slice %arg5[%rem3A_283, %gather3A_384, %gather3A_385] : memref<3x64x256xf32, #tpu.memory_space<vmem>> -> memref<1x16x256xf32, #tpu.memory_space<vmem>>
        %gather3A_387 = tpu.memref_squeeze %gather3A_386 : memref<1x16x256xf32, #tpu.memory_space<vmem>> -> memref<16x256xf32, #tpu.memory_space<vmem>>
        %gather3A_388 = tpu.vector_load_idx %gather3A_387[%and3A_41, %add3A_349] : memref<16x256xf32, #tpu.memory_space<vmem>>[vector<16xi32>, vector<16xi32>], vector<16xf32>,
        %gather3A_389 = arith.constant 32 : i32
        %gather3A_390 = arith.constant 0 : i32
        %gather3A_391 = tpu.memref_slice %arg5[%rem3A_283, %gather3A_389, %gather3A_390] : memref<3x64x256xf32, #tpu.memory_space<vmem>> -> memref<1x16x256xf32, #tpu.memory_space<vmem>>
        %gather3A_392 = tpu.memref_squeeze %gather3A_391 : memref<1x16x256xf32, #tpu.memory_space<vmem>> -> memref<16x256xf32, #tpu.memory_space<vmem>>
        %gather3A_393 = tpu.vector_load_idx %gather3A_392[%and3A_47, %add3A_349] : memref<16x256xf32, #tpu.memory_space<vmem>>[vector<16xi32>, vector<16xi32>], vector<16xf32>,
        %gather3A_394 = arith.constant 32 : i32
        %gather3A_395 = arith.constant 0 : i32
        %gather3A_396 = tpu.memref_slice %arg5[%rem3A_283, %gather3A_394, %gather3A_395] : memref<3x64x256xf32, #tpu.memory_space<vmem>> -> memref<1x16x256xf32, #tpu.memory_space<vmem>>
        %gather3A_397 = tpu.memref_squeeze %gather3A_396 : memref<1x16x256xf32, #tpu.memory_space<vmem>> -> memref<16x256xf32, #tpu.memory_space<vmem>>
        %gather3A_398 = tpu.vector_load_idx %gather3A_397[%and3A_53, %add3A_349] : memref<16x256xf32, #tpu.memory_space<vmem>>[vector<16xi32>, vector<16xi32>], vector<16xf32>,
        %gather3A_399 = arith.constant 32 : i32
        %gather3A_400 = arith.constant 0 : i32
        %gather3A_401 = tpu.memref_slice %arg5[%rem3A_283, %gather3A_399, %gather3A_400] : memref<3x64x256xf32, #tpu.memory_space<vmem>> -> memref<1x16x256xf32, #tpu.memory_space<vmem>>
        %gather3A_402 = tpu.memref_squeeze %gather3A_401 : memref<1x16x256xf32, #tpu.memory_space<vmem>> -> memref<16x256xf32, #tpu.memory_space<vmem>>
        %gather3A_403 = tpu.vector_load_idx %gather3A_402[%and3A_59, %add3A_349] : memref<16x256xf32, #tpu.memory_space<vmem>>[vector<16xi32>, vector<16xi32>], vector<16xf32>,
        %gather3A_404 = arith.constant 32 : i32
        %gather3A_405 = arith.constant 0 : i32
        %gather3A_406 = tpu.memref_slice %arg5[%rem3A_283, %gather3A_404, %gather3A_405] : memref<3x64x256xf32, #tpu.memory_space<vmem>> -> memref<1x16x256xf32, #tpu.memory_space<vmem>>
        %gather3A_407 = tpu.memref_squeeze %gather3A_406 : memref<1x16x256xf32, #tpu.memory_space<vmem>> -> memref<16x256xf32, #tpu.memory_space<vmem>>
        %gather3A_408 = tpu.vector_load_idx %gather3A_407[%and3A_65, %add3A_349] : memref<16x256xf32, #tpu.memory_space<vmem>>[vector<16xi32>, vector<16xi32>], vector<16xf32>,
        %gather3A_409 = arith.constant 32 : i32
        %gather3A_410 = arith.constant 0 : i32
        %gather3A_411 = tpu.memref_slice %arg5[%rem3A_283, %gather3A_409, %gather3A_410] : memref<3x64x256xf32, #tpu.memory_space<vmem>> -> memref<1x16x256xf32, #tpu.memory_space<vmem>>
        %gather3A_412 = tpu.memref_squeeze %gather3A_411 : memref<1x16x256xf32, #tpu.memory_space<vmem>> -> memref<16x256xf32, #tpu.memory_space<vmem>>
        %gather3A_413 = tpu.vector_load_idx %gather3A_412[%and3A_71, %add3A_349] : memref<16x256xf32, #tpu.memory_space<vmem>>[vector<16xi32>, vector<16xi32>], vector<16xf32>,
        %gather3A_414 = arith.constant 32 : i32
        %gather3A_415 = arith.constant 0 : i32
        %gather3A_416 = tpu.memref_slice %arg5[%rem3A_283, %gather3A_414, %gather3A_415] : memref<3x64x256xf32, #tpu.memory_space<vmem>> -> memref<1x16x256xf32, #tpu.memory_space<vmem>>
        %gather3A_417 = tpu.memref_squeeze %gather3A_416 : memref<1x16x256xf32, #tpu.memory_space<vmem>> -> memref<16x256xf32, #tpu.memory_space<vmem>>
        %gather3A_418 = tpu.vector_load_idx %gather3A_417[%and3A_77, %add3A_349] : memref<16x256xf32, #tpu.memory_space<vmem>>[vector<16xi32>, vector<16xi32>], vector<16xf32>,
        %gather3A_419 = arith.constant 32 : i32
        %gather3A_420 = arith.constant 0 : i32
        %gather3A_421 = tpu.memref_slice %arg5[%rem3A_283, %gather3A_419, %gather3A_420] : memref<3x64x256xf32, #tpu.memory_space<vmem>> -> memref<1x16x256xf32, #tpu.memory_space<vmem>>
        %gather3A_422 = tpu.memref_squeeze %gather3A_421 : memref<1x16x256xf32, #tpu.memory_space<vmem>> -> memref<16x256xf32, #tpu.memory_space<vmem>>
        %gather3A_423 = tpu.vector_load_idx %gather3A_422[%and3A_83, %add3A_349] : memref<16x256xf32, #tpu.memory_space<vmem>>[vector<16xi32>, vector<16xi32>], vector<16xf32>,
        %gather3A_424 = arith.constant 32 : i32
        %gather3A_425 = arith.constant 0 : i32
        %gather3A_426 = tpu.memref_slice %arg5[%rem3A_283, %gather3A_424, %gather3A_425] : memref<3x64x256xf32, #tpu.memory_space<vmem>> -> memref<1x16x256xf32, #tpu.memory_space<vmem>>
        %gather3A_427 = tpu.memref_squeeze %gather3A_426 : memref<1x16x256xf32, #tpu.memory_space<vmem>> -> memref<16x256xf32, #tpu.memory_space<vmem>>
        %gather3A_428 = tpu.vector_load_idx %gather3A_427[%and3A_89, %add3A_349] : memref<16x256xf32, #tpu.memory_space<vmem>>[vector<16xi32>, vector<16xi32>], vector<16xf32>,
        %gather3A_429 = arith.constant 32 : i32
        %gather3A_430 = arith.constant 0 : i32
        %gather3A_431 = tpu.memref_slice %arg5[%rem3A_283, %gather3A_429, %gather3A_430] : memref<3x64x256xf32, #tpu.memory_space<vmem>> -> memref<1x16x256xf32, #tpu.memory_space<vmem>>
        %gather3A_432 = tpu.memref_squeeze %gather3A_431 : memref<1x16x256xf32, #tpu.memory_space<vmem>> -> memref<16x256xf32, #tpu.memory_space<vmem>>
        %gather3A_433 = tpu.vector_load_idx %gather3A_432[%and3A_95, %add3A_349] : memref<16x256xf32, #tpu.memory_space<vmem>>[vector<16xi32>, vector<16xi32>], vector<16xf32>,
        %add3A_434 = vector.broadcast %add3A_354 : i32 to vector<16xi32>
        %add3A_435 = arith.addi %add3A_99, %add3A_434 : vector<16xi32>
        tpu.vector_store_idx %arg6[%add3A_435], %gather3A_358 : memref<49152xf32, #tpu.memory_space<vmem>>[vector<16xi32>], vector<16xf32>,
        %add3A_436 = vector.broadcast %add3A_354 : i32 to vector<16xi32>
        %add3A_437 = arith.addi %add3A_103, %add3A_436 : vector<16xi32>
        tpu.vector_store_idx %arg6[%add3A_437], %gather3A_363 : memref<49152xf32, #tpu.memory_space<vmem>>[vector<16xi32>], vector<16xf32>,
        %add3A_438 = vector.broadcast %add3A_354 : i32 to vector<16xi32>
        %add3A_439 = arith.addi %add3A_107, %add3A_438 : vector<16xi32>
        tpu.vector_store_idx %arg6[%add3A_439], %gather3A_368 : memref<49152xf32, #tpu.memory_space<vmem>>[vector<16xi32>], vector<16xf32>,
        %add3A_440 = vector.broadcast %add3A_354 : i32 to vector<16xi32>
        %add3A_441 = arith.addi %add3A_111, %add3A_440 : vector<16xi32>
        tpu.vector_store_idx %arg6[%add3A_441], %gather3A_373 : memref<49152xf32, #tpu.memory_space<vmem>>[vector<16xi32>], vector<16xf32>,
        %add3A_442 = vector.broadcast %add3A_354 : i32 to vector<16xi32>
        %add3A_443 = arith.addi %add3A_115, %add3A_442 : vector<16xi32>
        tpu.vector_store_idx %arg6[%add3A_443], %gather3A_378 : memref<49152xf32, #tpu.memory_space<vmem>>[vector<16xi32>], vector<16xf32>,
        %add3A_444 = vector.broadcast %add3A_354 : i32 to vector<16xi32>
        %add3A_445 = arith.addi %add3A_119, %add3A_444 : vector<16xi32>
        tpu.vector_store_idx %arg6[%add3A_445], %gather3A_383 : memref<49152xf32, #tpu.memory_space<vmem>>[vector<16xi32>], vector<16xf32>,
        %add3A_446 = vector.broadcast %add3A_354 : i32 to vector<16xi32>
        %add3A_447 = arith.addi %add3A_123, %add3A_446 : vector<16xi32>
        tpu.vector_store_idx %arg6[%add3A_447], %gather3A_388 : memref<49152xf32, #tpu.memory_space<vmem>>[vector<16xi32>], vector<16xf32>,
        %add3A_448 = vector.broadcast %add3A_354 : i32 to vector<16xi32>
        %add3A_449 = arith.addi %add3A_127, %add3A_448 : vector<16xi32>
        tpu.vector_store_idx %arg6[%add3A_449], %gather3A_393 : memref<49152xf32, #tpu.memory_space<vmem>>[vector<16xi32>], vector<16xf32>,
        %add3A_450 = vector.broadcast %add3A_354 : i32 to vector<16xi32>
        %add3A_451 = arith.addi %add3A_131, %add3A_450 : vector<16xi32>
        tpu.vector_store_idx %arg6[%add3A_451], %gather3A_398 : memref<49152xf32, #tpu.memory_space<vmem>>[vector<16xi32>], vector<16xf32>,
        %add3A_452 = vector.broadcast %add3A_354 : i32 to vector<16xi32>
        %add3A_453 = arith.addi %add3A_135, %add3A_452 : vector<16xi32>
        tpu.vector_store_idx %arg6[%add3A_453], %gather3A_403 : memref<49152xf32, #tpu.memory_space<vmem>>[vector<16xi32>], vector<16xf32>,
        %add3A_454 = vector.broadcast %add3A_354 : i32 to vector<16xi32>
        %add3A_455 = arith.addi %add3A_139, %add3A_454 : vector<16xi32>
        tpu.vector_store_idx %arg6[%add3A_455], %gather3A_408 : memref<49152xf32, #tpu.memory_space<vmem>>[vector<16xi32>], vector<16xf32>,
        %add3A_456 = vector.broadcast %add3A_354 : i32 to vector<16xi32>
        %add3A_457 = arith.addi %add3A_143, %add3A_456 : vector<16xi32>
        tpu.vector_store_idx %arg6[%add3A_457], %gather3A_413 : memref<49152xf32, #tpu.memory_space<vmem>>[vector<16xi32>], vector<16xf32>,
        %add3A_458 = vector.broadcast %add3A_354 : i32 to vector<16xi32>
        %add3A_459 = arith.addi %add3A_147, %add3A_458 : vector<16xi32>
        tpu.vector_store_idx %arg6[%add3A_459], %gather3A_418 : memref<49152xf32, #tpu.memory_space<vmem>>[vector<16xi32>], vector<16xf32>,
        %add3A_460 = vector.broadcast %add3A_354 : i32 to vector<16xi32>
        %add3A_461 = arith.addi %add3A_151, %add3A_460 : vector<16xi32>
        tpu.vector_store_idx %arg6[%add3A_461], %gather3A_423 : memref<49152xf32, #tpu.memory_space<vmem>>[vector<16xi32>], vector<16xf32>,
        %add3A_462 = vector.broadcast %add3A_354 : i32 to vector<16xi32>
        %add3A_463 = arith.addi %add3A_155, %add3A_462 : vector<16xi32>
        tpu.vector_store_idx %arg6[%add3A_463], %gather3A_428 : memref<49152xf32, #tpu.memory_space<vmem>>[vector<16xi32>], vector<16xf32>,
        %add3A_464 = vector.broadcast %add3A_354 : i32 to vector<16xi32>
        %add3A_465 = arith.addi %add3A_159, %add3A_464 : vector<16xi32>
        tpu.vector_store_idx %arg6[%add3A_465], %gather3A_433 : memref<49152xf32, #tpu.memory_space<vmem>>[vector<16xi32>], vector<16xf32>,
      }
      %scan3A_326 = arith.constant 16 : i32
      %scan3A_327 = arith.constant 0 : i32
      %scan3A_328 = arith.constant 16 : i32
      %scan3A_329 = arith.addi %scan3A_327, %scan3A_328 : i32
      %scan3A_330 = arith.constant 1 : i32
      scf.for %scan3A_345 = %scan3A_327 to %scan3A_329 step %scan3A_330  : i32 {
        %mul3A_346 = arith.constant 16 : i32
        %mul3A_347 = arith.muli %scan3A_345, %mul3A_346 : i32
        %add3A_348 = vector.broadcast %mul3A_347 : i32 to vector<16xi32>
        %add3A_349 = arith.addi %iota3A, %add3A_348 : vector<16xi32>
        %mul3A_350 = arith.constant 1024 : i32
        %mul3A_351 = arith.muli %scan3A_345, %mul3A_350 : i32
        %add3A_352 = arith.addi %mul3A_312, %mul3A_351 : i32
        %add3A_353 = arith.constant 48 : i32
        %add3A_354 = arith.addi %add3A_352, %add3A_353 : i32
        %gather3A = arith.constant 48 : i32
        %gather3A_355 = arith.constant 0 : i32
        %gather3A_356 = tpu.memref_slice %arg5[%rem3A_283, %gather3A, %gather3A_355] : memref<3x64x256xf32, #tpu.memory_space<vmem>> -> memref<1x16x256xf32, #tpu.memory_space<vmem>>
        %gather3A_357 = tpu.memref_squeeze %gather3A_356 : memref<1x16x256xf32, #tpu.memory_space<vmem>> -> memref<16x256xf32, #tpu.memory_space<vmem>>
        %gather3A_358 = tpu.vector_load_idx %gather3A_357[%and3A_5, %add3A_349] : memref<16x256xf32, #tpu.memory_space<vmem>>[vector<16xi32>, vector<16xi32>], vector<16xf32>,
        %gather3A_359 = arith.constant 48 : i32
        %gather3A_360 = arith.constant 0 : i32
        %gather3A_361 = tpu.memref_slice %arg5[%rem3A_283, %gather3A_359, %gather3A_360] : memref<3x64x256xf32, #tpu.memory_space<vmem>> -> memref<1x16x256xf32, #tpu.memory_space<vmem>>
        %gather3A_362 = tpu.memref_squeeze %gather3A_361 : memref<1x16x256xf32, #tpu.memory_space<vmem>> -> memref<16x256xf32, #tpu.memory_space<vmem>>
        %gather3A_363 = tpu.vector_load_idx %gather3A_362[%and3A_11, %add3A_349] : memref<16x256xf32, #tpu.memory_space<vmem>>[vector<16xi32>, vector<16xi32>], vector<16xf32>,
        %gather3A_364 = arith.constant 48 : i32
        %gather3A_365 = arith.constant 0 : i32
        %gather3A_366 = tpu.memref_slice %arg5[%rem3A_283, %gather3A_364, %gather3A_365] : memref<3x64x256xf32, #tpu.memory_space<vmem>> -> memref<1x16x256xf32, #tpu.memory_space<vmem>>
        %gather3A_367 = tpu.memref_squeeze %gather3A_366 : memref<1x16x256xf32, #tpu.memory_space<vmem>> -> memref<16x256xf32, #tpu.memory_space<vmem>>
        %gather3A_368 = tpu.vector_load_idx %gather3A_367[%and3A_17, %add3A_349] : memref<16x256xf32, #tpu.memory_space<vmem>>[vector<16xi32>, vector<16xi32>], vector<16xf32>,
        %gather3A_369 = arith.constant 48 : i32
        %gather3A_370 = arith.constant 0 : i32
        %gather3A_371 = tpu.memref_slice %arg5[%rem3A_283, %gather3A_369, %gather3A_370] : memref<3x64x256xf32, #tpu.memory_space<vmem>> -> memref<1x16x256xf32, #tpu.memory_space<vmem>>
        %gather3A_372 = tpu.memref_squeeze %gather3A_371 : memref<1x16x256xf32, #tpu.memory_space<vmem>> -> memref<16x256xf32, #tpu.memory_space<vmem>>
        %gather3A_373 = tpu.vector_load_idx %gather3A_372[%and3A_23, %add3A_349] : memref<16x256xf32, #tpu.memory_space<vmem>>[vector<16xi32>, vector<16xi32>], vector<16xf32>,
        %gather3A_374 = arith.constant 48 : i32
        %gather3A_375 = arith.constant 0 : i32
        %gather3A_376 = tpu.memref_slice %arg5[%rem3A_283, %gather3A_374, %gather3A_375] : memref<3x64x256xf32, #tpu.memory_space<vmem>> -> memref<1x16x256xf32, #tpu.memory_space<vmem>>
        %gather3A_377 = tpu.memref_squeeze %gather3A_376 : memref<1x16x256xf32, #tpu.memory_space<vmem>> -> memref<16x256xf32, #tpu.memory_space<vmem>>
        %gather3A_378 = tpu.vector_load_idx %gather3A_377[%and3A_29, %add3A_349] : memref<16x256xf32, #tpu.memory_space<vmem>>[vector<16xi32>, vector<16xi32>], vector<16xf32>,
        %gather3A_379 = arith.constant 48 : i32
        %gather3A_380 = arith.constant 0 : i32
        %gather3A_381 = tpu.memref_slice %arg5[%rem3A_283, %gather3A_379, %gather3A_380] : memref<3x64x256xf32, #tpu.memory_space<vmem>> -> memref<1x16x256xf32, #tpu.memory_space<vmem>>
        %gather3A_382 = tpu.memref_squeeze %gather3A_381 : memref<1x16x256xf32, #tpu.memory_space<vmem>> -> memref<16x256xf32, #tpu.memory_space<vmem>>
        %gather3A_383 = tpu.vector_load_idx %gather3A_382[%and3A_35, %add3A_349] : memref<16x256xf32, #tpu.memory_space<vmem>>[vector<16xi32>, vector<16xi32>], vector<16xf32>,
        %gather3A_384 = arith.constant 48 : i32
        %gather3A_385 = arith.constant 0 : i32
        %gather3A_386 = tpu.memref_slice %arg5[%rem3A_283, %gather3A_384, %gather3A_385] : memref<3x64x256xf32, #tpu.memory_space<vmem>> -> memref<1x16x256xf32, #tpu.memory_space<vmem>>
        %gather3A_387 = tpu.memref_squeeze %gather3A_386 : memref<1x16x256xf32, #tpu.memory_space<vmem>> -> memref<16x256xf32, #tpu.memory_space<vmem>>
        %gather3A_388 = tpu.vector_load_idx %gather3A_387[%and3A_41, %add3A_349] : memref<16x256xf32, #tpu.memory_space<vmem>>[vector<16xi32>, vector<16xi32>], vector<16xf32>,
        %gather3A_389 = arith.constant 48 : i32
        %gather3A_390 = arith.constant 0 : i32
        %gather3A_391 = tpu.memref_slice %arg5[%rem3A_283, %gather3A_389, %gather3A_390] : memref<3x64x256xf32, #tpu.memory_space<vmem>> -> memref<1x16x256xf32, #tpu.memory_space<vmem>>
        %gather3A_392 = tpu.memref_squeeze %gather3A_391 : memref<1x16x256xf32, #tpu.memory_space<vmem>> -> memref<16x256xf32, #tpu.memory_space<vmem>>
        %gather3A_393 = tpu.vector_load_idx %gather3A_392[%and3A_47, %add3A_349] : memref<16x256xf32, #tpu.memory_space<vmem>>[vector<16xi32>, vector<16xi32>], vector<16xf32>,
        %gather3A_394 = arith.constant 48 : i32
        %gather3A_395 = arith.constant 0 : i32
        %gather3A_396 = tpu.memref_slice %arg5[%rem3A_283, %gather3A_394, %gather3A_395] : memref<3x64x256xf32, #tpu.memory_space<vmem>> -> memref<1x16x256xf32, #tpu.memory_space<vmem>>
        %gather3A_397 = tpu.memref_squeeze %gather3A_396 : memref<1x16x256xf32, #tpu.memory_space<vmem>> -> memref<16x256xf32, #tpu.memory_space<vmem>>
        %gather3A_398 = tpu.vector_load_idx %gather3A_397[%and3A_53, %add3A_349] : memref<16x256xf32, #tpu.memory_space<vmem>>[vector<16xi32>, vector<16xi32>], vector<16xf32>,
        %gather3A_399 = arith.constant 48 : i32
        %gather3A_400 = arith.constant 0 : i32
        %gather3A_401 = tpu.memref_slice %arg5[%rem3A_283, %gather3A_399, %gather3A_400] : memref<3x64x256xf32, #tpu.memory_space<vmem>> -> memref<1x16x256xf32, #tpu.memory_space<vmem>>
        %gather3A_402 = tpu.memref_squeeze %gather3A_401 : memref<1x16x256xf32, #tpu.memory_space<vmem>> -> memref<16x256xf32, #tpu.memory_space<vmem>>
        %gather3A_403 = tpu.vector_load_idx %gather3A_402[%and3A_59, %add3A_349] : memref<16x256xf32, #tpu.memory_space<vmem>>[vector<16xi32>, vector<16xi32>], vector<16xf32>,
        %gather3A_404 = arith.constant 48 : i32
        %gather3A_405 = arith.constant 0 : i32
        %gather3A_406 = tpu.memref_slice %arg5[%rem3A_283, %gather3A_404, %gather3A_405] : memref<3x64x256xf32, #tpu.memory_space<vmem>> -> memref<1x16x256xf32, #tpu.memory_space<vmem>>
        %gather3A_407 = tpu.memref_squeeze %gather3A_406 : memref<1x16x256xf32, #tpu.memory_space<vmem>> -> memref<16x256xf32, #tpu.memory_space<vmem>>
        %gather3A_408 = tpu.vector_load_idx %gather3A_407[%and3A_65, %add3A_349] : memref<16x256xf32, #tpu.memory_space<vmem>>[vector<16xi32>, vector<16xi32>], vector<16xf32>,
        %gather3A_409 = arith.constant 48 : i32
        %gather3A_410 = arith.constant 0 : i32
        %gather3A_411 = tpu.memref_slice %arg5[%rem3A_283, %gather3A_409, %gather3A_410] : memref<3x64x256xf32, #tpu.memory_space<vmem>> -> memref<1x16x256xf32, #tpu.memory_space<vmem>>
        %gather3A_412 = tpu.memref_squeeze %gather3A_411 : memref<1x16x256xf32, #tpu.memory_space<vmem>> -> memref<16x256xf32, #tpu.memory_space<vmem>>
        %gather3A_413 = tpu.vector_load_idx %gather3A_412[%and3A_71, %add3A_349] : memref<16x256xf32, #tpu.memory_space<vmem>>[vector<16xi32>, vector<16xi32>], vector<16xf32>,
        %gather3A_414 = arith.constant 48 : i32
        %gather3A_415 = arith.constant 0 : i32
        %gather3A_416 = tpu.memref_slice %arg5[%rem3A_283, %gather3A_414, %gather3A_415] : memref<3x64x256xf32, #tpu.memory_space<vmem>> -> memref<1x16x256xf32, #tpu.memory_space<vmem>>
        %gather3A_417 = tpu.memref_squeeze %gather3A_416 : memref<1x16x256xf32, #tpu.memory_space<vmem>> -> memref<16x256xf32, #tpu.memory_space<vmem>>
        %gather3A_418 = tpu.vector_load_idx %gather3A_417[%and3A_77, %add3A_349] : memref<16x256xf32, #tpu.memory_space<vmem>>[vector<16xi32>, vector<16xi32>], vector<16xf32>,
        %gather3A_419 = arith.constant 48 : i32
        %gather3A_420 = arith.constant 0 : i32
        %gather3A_421 = tpu.memref_slice %arg5[%rem3A_283, %gather3A_419, %gather3A_420] : memref<3x64x256xf32, #tpu.memory_space<vmem>> -> memref<1x16x256xf32, #tpu.memory_space<vmem>>
        %gather3A_422 = tpu.memref_squeeze %gather3A_421 : memref<1x16x256xf32, #tpu.memory_space<vmem>> -> memref<16x256xf32, #tpu.memory_space<vmem>>
        %gather3A_423 = tpu.vector_load_idx %gather3A_422[%and3A_83, %add3A_349] : memref<16x256xf32, #tpu.memory_space<vmem>>[vector<16xi32>, vector<16xi32>], vector<16xf32>,
        %gather3A_424 = arith.constant 48 : i32
        %gather3A_425 = arith.constant 0 : i32
        %gather3A_426 = tpu.memref_slice %arg5[%rem3A_283, %gather3A_424, %gather3A_425] : memref<3x64x256xf32, #tpu.memory_space<vmem>> -> memref<1x16x256xf32, #tpu.memory_space<vmem>>
        %gather3A_427 = tpu.memref_squeeze %gather3A_426 : memref<1x16x256xf32, #tpu.memory_space<vmem>> -> memref<16x256xf32, #tpu.memory_space<vmem>>
        %gather3A_428 = tpu.vector_load_idx %gather3A_427[%and3A_89, %add3A_349] : memref<16x256xf32, #tpu.memory_space<vmem>>[vector<16xi32>, vector<16xi32>], vector<16xf32>,
        %gather3A_429 = arith.constant 48 : i32
        %gather3A_430 = arith.constant 0 : i32
        %gather3A_431 = tpu.memref_slice %arg5[%rem3A_283, %gather3A_429, %gather3A_430] : memref<3x64x256xf32, #tpu.memory_space<vmem>> -> memref<1x16x256xf32, #tpu.memory_space<vmem>>
        %gather3A_432 = tpu.memref_squeeze %gather3A_431 : memref<1x16x256xf32, #tpu.memory_space<vmem>> -> memref<16x256xf32, #tpu.memory_space<vmem>>
        %gather3A_433 = tpu.vector_load_idx %gather3A_432[%and3A_95, %add3A_349] : memref<16x256xf32, #tpu.memory_space<vmem>>[vector<16xi32>, vector<16xi32>], vector<16xf32>,
        %add3A_434 = vector.broadcast %add3A_354 : i32 to vector<16xi32>
        %add3A_435 = arith.addi %add3A_99, %add3A_434 : vector<16xi32>
        tpu.vector_store_idx %arg6[%add3A_435], %gather3A_358 : memref<49152xf32, #tpu.memory_space<vmem>>[vector<16xi32>], vector<16xf32>,
        %add3A_436 = vector.broadcast %add3A_354 : i32 to vector<16xi32>
        %add3A_437 = arith.addi %add3A_103, %add3A_436 : vector<16xi32>
        tpu.vector_store_idx %arg6[%add3A_437], %gather3A_363 : memref<49152xf32, #tpu.memory_space<vmem>>[vector<16xi32>], vector<16xf32>,
        %add3A_438 = vector.broadcast %add3A_354 : i32 to vector<16xi32>
        %add3A_439 = arith.addi %add3A_107, %add3A_438 : vector<16xi32>
        tpu.vector_store_idx %arg6[%add3A_439], %gather3A_368 : memref<49152xf32, #tpu.memory_space<vmem>>[vector<16xi32>], vector<16xf32>,
        %add3A_440 = vector.broadcast %add3A_354 : i32 to vector<16xi32>
        %add3A_441 = arith.addi %add3A_111, %add3A_440 : vector<16xi32>
        tpu.vector_store_idx %arg6[%add3A_441], %gather3A_373 : memref<49152xf32, #tpu.memory_space<vmem>>[vector<16xi32>], vector<16xf32>,
        %add3A_442 = vector.broadcast %add3A_354 : i32 to vector<16xi32>
        %add3A_443 = arith.addi %add3A_115, %add3A_442 : vector<16xi32>
        tpu.vector_store_idx %arg6[%add3A_443], %gather3A_378 : memref<49152xf32, #tpu.memory_space<vmem>>[vector<16xi32>], vector<16xf32>,
        %add3A_444 = vector.broadcast %add3A_354 : i32 to vector<16xi32>
        %add3A_445 = arith.addi %add3A_119, %add3A_444 : vector<16xi32>
        tpu.vector_store_idx %arg6[%add3A_445], %gather3A_383 : memref<49152xf32, #tpu.memory_space<vmem>>[vector<16xi32>], vector<16xf32>,
        %add3A_446 = vector.broadcast %add3A_354 : i32 to vector<16xi32>
        %add3A_447 = arith.addi %add3A_123, %add3A_446 : vector<16xi32>
        tpu.vector_store_idx %arg6[%add3A_447], %gather3A_388 : memref<49152xf32, #tpu.memory_space<vmem>>[vector<16xi32>], vector<16xf32>,
        %add3A_448 = vector.broadcast %add3A_354 : i32 to vector<16xi32>
        %add3A_449 = arith.addi %add3A_127, %add3A_448 : vector<16xi32>
        tpu.vector_store_idx %arg6[%add3A_449], %gather3A_393 : memref<49152xf32, #tpu.memory_space<vmem>>[vector<16xi32>], vector<16xf32>,
        %add3A_450 = vector.broadcast %add3A_354 : i32 to vector<16xi32>
        %add3A_451 = arith.addi %add3A_131, %add3A_450 : vector<16xi32>
        tpu.vector_store_idx %arg6[%add3A_451], %gather3A_398 : memref<49152xf32, #tpu.memory_space<vmem>>[vector<16xi32>], vector<16xf32>,
        %add3A_452 = vector.broadcast %add3A_354 : i32 to vector<16xi32>
        %add3A_453 = arith.addi %add3A_135, %add3A_452 : vector<16xi32>
        tpu.vector_store_idx %arg6[%add3A_453], %gather3A_403 : memref<49152xf32, #tpu.memory_space<vmem>>[vector<16xi32>], vector<16xf32>,
        %add3A_454 = vector.broadcast %add3A_354 : i32 to vector<16xi32>
        %add3A_455 = arith.addi %add3A_139, %add3A_454 : vector<16xi32>
        tpu.vector_store_idx %arg6[%add3A_455], %gather3A_408 : memref<49152xf32, #tpu.memory_space<vmem>>[vector<16xi32>], vector<16xf32>,
        %add3A_456 = vector.broadcast %add3A_354 : i32 to vector<16xi32>
        %add3A_457 = arith.addi %add3A_143, %add3A_456 : vector<16xi32>
        tpu.vector_store_idx %arg6[%add3A_457], %gather3A_413 : memref<49152xf32, #tpu.memory_space<vmem>>[vector<16xi32>], vector<16xf32>,
        %add3A_458 = vector.broadcast %add3A_354 : i32 to vector<16xi32>
        %add3A_459 = arith.addi %add3A_147, %add3A_458 : vector<16xi32>
        tpu.vector_store_idx %arg6[%add3A_459], %gather3A_418 : memref<49152xf32, #tpu.memory_space<vmem>>[vector<16xi32>], vector<16xf32>,
        %add3A_460 = vector.broadcast %add3A_354 : i32 to vector<16xi32>
        %add3A_461 = arith.addi %add3A_151, %add3A_460 : vector<16xi32>
        tpu.vector_store_idx %arg6[%add3A_461], %gather3A_423 : memref<49152xf32, #tpu.memory_space<vmem>>[vector<16xi32>], vector<16xf32>,
        %add3A_462 = vector.broadcast %add3A_354 : i32 to vector<16xi32>
        %add3A_463 = arith.addi %add3A_155, %add3A_462 : vector<16xi32>
        tpu.vector_store_idx %arg6[%add3A_463], %gather3A_428 : memref<49152xf32, #tpu.memory_space<vmem>>[vector<16xi32>], vector<16xf32>,
        %add3A_464 = vector.broadcast %add3A_354 : i32 to vector<16xi32>
        %add3A_465 = arith.addi %add3A_159, %add3A_464 : vector<16xi32>
        tpu.vector_store_idx %arg6[%add3A_465], %gather3A_433 : memref<49152xf32, #tpu.memory_space<vmem>>[vector<16xi32>], vector<16xf32>,
      }
      %scan3A_331 = arith.constant 16 : i32
      %mul3A_332 = arith.constant 32 : i32
      %mul3A_333 = arith.muli %while3A_281, %mul3A_332 : i32
      %add3A_334 = arith.addi %add3A, %mul3A_333 : i32
      %mul3A_335 = arith.constant 16384 : i32
      %mul3A_336 = arith.muli %add3A_334, %mul3A_335 : i32
      %multiple_of3A_337 = tpu.assume_multiple %mul3A_336, 16384 : i32
      %mul3A_338 = arith.constant 16384 : i32
      %mul3A_339 = arith.muli %rem3A_283, %mul3A_338 : i32
      %multiple_of3A_340 = tpu.assume_multiple %mul3A_339, 16384 : i32
      %dma_start3A_341 = tpu.memref_slice %arg6[%multiple_of3A_340] : memref<49152xf32, #tpu.memory_space<vmem>> -> memref<16384xf32, #tpu.memory_space<vmem>>
      %dma_start3A_342 = tpu.memref_slice %arg4[%multiple_of3A_337] : memref<64000000xf32, #tpu.memory_space<hbm>> -> memref<16384xf32, #tpu.memory_space<hbm>>
      %dma_start3A_343 = tpu.memref_slice %arg4[%multiple_of3A_337] : memref<64000000xf32, #tpu.memory_space<hbm>> -> memref<16384xf32, #tpu.memory_space<hbm>>
      %dma_start3A_344 = tpu.memref_slice %arg6[%multiple_of3A_340] : memref<49152xf32, #tpu.memory_space<vmem>> -> memref<16384xf32, #tpu.memory_space<vmem>>
      tpu.enqueue_dma source(%dma_start3A_344 : memref<16384xf32, #tpu.memory_space<vmem>>) target(%dma_start3A_343 : memref<16384xf32, #tpu.memory_space<hbm>>) target_semaphore(%arg9 : memref<!tpu.dma_semaphore, #tpu.memory_space<semaphore_mem>>)
    }
    %sub3A_225 = arith.constant 3 : i32
    %sub3A_226 = arith.subi %add3A_180, %sub3A_225 : i32
    %sub3A_227 = arith.constant 3 : i32
    %sub3A_228 = arith.subi %add3A_180, %sub3A_227 : i32
    %rem3A_229 = arith.constant 3 : i32
    %rem3A_230 = arith.remsi %sub3A_228, %rem3A_229 : i32
    %mul3A_231 = arith.constant 32 : i32
    %mul3A_232 = arith.muli %sub3A_226, %mul3A_231 : i32
    %add3A_233 = arith.addi %add3A, %mul3A_232 : i32
    %mul3A_234 = arith.constant 16384 : i32
    %mul3A_235 = arith.muli %add3A_233, %mul3A_234 : i32
    %multiple_of3A_236 = tpu.assume_multiple %mul3A_235, 16384 : i32
    %mul3A_237 = arith.constant 16384 : i32
    %mul3A_238 = arith.muli %rem3A_230, %mul3A_237 : i32
    %multiple_of3A_239 = tpu.assume_multiple %mul3A_238, 16384 : i32
    %dma_wait3A = tpu.memref_slice %arg6[%multiple_of3A_239] : memref<49152xf32, #tpu.memory_space<vmem>> -> memref<16384xf32, #tpu.memory_space<vmem>>
    %dma_wait3A_240 = tpu.memref_slice %arg4[%multiple_of3A_236] : memref<64000000xf32, #tpu.memory_space<hbm>> -> memref<16384xf32, #tpu.memory_space<hbm>>
    %dma_wait3A_241 = tpu.memref_slice %arg4[%multiple_of3A_236] : memref<64000000xf32, #tpu.memory_space<hbm>> -> memref<16384xf32, #tpu.memory_space<hbm>>
    %dma_wait3A_242 = tpu.memref_slice %arg6[%multiple_of3A_239] : memref<49152xf32, #tpu.memory_space<vmem>> -> memref<16384xf32, #tpu.memory_space<vmem>>
    tpu.wait_dma2 semaphore(%arg9 : memref<!tpu.dma_semaphore, #tpu.memory_space<semaphore_mem>>) src(%dma_wait3A_242 : memref<16384xf32, #tpu.memory_space<vmem>>) dst(%dma_wait3A_241 : memref<16384xf32, #tpu.memory_space<hbm>>)
    %sub3A_243 = arith.constant 2 : i32
    %sub3A_244 = arith.subi %add3A_180, %sub3A_243 : i32
    %sub3A_245 = arith.constant 2 : i32
    %sub3A_246 = arith.subi %add3A_180, %sub3A_245 : i32
    %rem3A_247 = arith.constant 3 : i32
    %rem3A_248 = arith.remsi %sub3A_246, %rem3A_247 : i32
    %mul3A_249 = arith.constant 32 : i32
    %mul3A_250 = arith.muli %sub3A_244, %mul3A_249 : i32
    %add3A_251 = arith.addi %add3A, %mul3A_250 : i32
    %mul3A_252 = arith.constant 16384 : i32
    %mul3A_253 = arith.muli %add3A_251, %mul3A_252 : i32
    %multiple_of3A_254 = tpu.assume_multiple %mul3A_253, 16384 : i32
    %mul3A_255 = arith.constant 16384 : i32
    %mul3A_256 = arith.muli %rem3A_248, %mul3A_255 : i32
    %multiple_of3A_257 = tpu.assume_multiple %mul3A_256, 16384 : i32
    %dma_wait3A_258 = tpu.memref_slice %arg6[%multiple_of3A_257] : memref<49152xf32, #tpu.memory_space<vmem>> -> memref<16384xf32, #tpu.memory_space<vmem>>
    %dma_wait3A_259 = tpu.memref_slice %arg4[%multiple_of3A_254] : memref<64000000xf32, #tpu.memory_space<hbm>> -> memref<16384xf32, #tpu.memory_space<hbm>>
    %dma_wait3A_260 = tpu.memref_slice %arg4[%multiple_of3A_254] : memref<64000000xf32, #tpu.memory_space<hbm>> -> memref<16384xf32, #tpu.memory_space<hbm>>
    %dma_wait3A_261 = tpu.memref_slice %arg6[%multiple_of3A_257] : memref<49152xf32, #tpu.memory_space<vmem>> -> memref<16384xf32, #tpu.memory_space<vmem>>
    tpu.wait_dma2 semaphore(%arg9 : memref<!tpu.dma_semaphore, #tpu.memory_space<semaphore_mem>>) src(%dma_wait3A_261 : memref<16384xf32, #tpu.memory_space<vmem>>) dst(%dma_wait3A_260 : memref<16384xf32, #tpu.memory_space<hbm>>)
    %sub3A_262 = arith.constant 1 : i32
    %sub3A_263 = arith.subi %add3A_180, %sub3A_262 : i32
    %sub3A_264 = arith.constant 1 : i32
    %sub3A_265 = arith.subi %add3A_180, %sub3A_264 : i32
    %rem3A_266 = arith.constant 3 : i32
    %rem3A_267 = arith.remsi %sub3A_265, %rem3A_266 : i32
    %mul3A_268 = arith.constant 32 : i32
    %mul3A_269 = arith.muli %sub3A_263, %mul3A_268 : i32
    %add3A_270 = arith.addi %add3A, %mul3A_269 : i32
    %mul3A_271 = arith.constant 16384 : i32
    %mul3A_272 = arith.muli %add3A_270, %mul3A_271 : i32
    %multiple_of3A_273 = tpu.assume_multiple %mul3A_272, 16384 : i32
    %mul3A_274 = arith.constant 16384 : i32
    %mul3A_275 = arith.muli %rem3A_267, %mul3A_274 : i32
    %multiple_of3A_276 = tpu.assume_multiple %mul3A_275, 16384 : i32
    %dma_wait3A_277 = tpu.memref_slice %arg6[%multiple_of3A_276] : memref<49152xf32, #tpu.memory_space<vmem>> -> memref<16384xf32, #tpu.memory_space<vmem>>
    %dma_wait3A_278 = tpu.memref_slice %arg4[%multiple_of3A_273] : memref<64000000xf32, #tpu.memory_space<hbm>> -> memref<16384xf32, #tpu.memory_space<hbm>>
    %dma_wait3A_279 = tpu.memref_slice %arg4[%multiple_of3A_273] : memref<64000000xf32, #tpu.memory_space<hbm>> -> memref<16384xf32, #tpu.memory_space<hbm>>
    %dma_wait3A_280 = tpu.memref_slice %arg6[%multiple_of3A_276] : memref<49152xf32, #tpu.memory_space<vmem>> -> memref<16384xf32, #tpu.memory_space<vmem>>
    tpu.wait_dma2 semaphore(%arg9 : memref<!tpu.dma_semaphore, #tpu.memory_space<semaphore_mem>>) src(%dma_wait3A_280 : memref<16384xf32, #tpu.memory_space<vmem>>) dst(%dma_wait3A_279 : memref<16384xf32, #tpu.memory_space<hbm>>)
    return
  }
}

#map = affine_map<(d0, d1) -> (0, 0, 0)>
#map1 = affine_map<(d0, d1) -> (0, 0)>
#map2 = affine_map<(d0, d1) -> (0)>
module attributes {stable_mosaic.version = 14 : i64} {
  func.func @_sc_gather(%arg0: i32, %arg1: i32, %arg2: memref<32x50x128xi32, #tpu.memory_space<hbm>>, %arg3: memref<1000000x64xf32, #tpu.memory_space<hbm>>, %arg4: memref<13107200xf32, #tpu.memory_space<hbm>>, %arg5: memref<50x128xi32, #tpu.memory_space<vmem>>, %arg6: memref<3x128x64xf32, #tpu.memory_space<vmem>>, %arg7: memref<16384xf32, #tpu.memory_space<vmem>>, %arg8: memref<!tpu.dma_semaphore, #tpu.memory_space<semaphore_mem>>, %arg9: memref<!tpu.dma_semaphore, #tpu.memory_space<semaphore_mem>>) attributes {dimension_semantics = [#tpu.dimension_semantics<core_parallel>, #tpu.dimension_semantics<subcore_parallel>], iteration_bounds = array<i64: 2, 16>, scalar_prefetch = 0 : i64, scratch_operands = 5 : i64, tpu.core_type = #tpu.core_type<sc_vector_subcore>, window_params = [{transform_indices = #map}, {transform_indices = #map1}, {transform_indices = #map2}]} {
    %mul3A = arith.constant 2 : i32
    %mul3A_0 = arith.muli %arg1, %mul3A : i32
    %add3A = arith.addi %mul3A_0, %arg0 : i32
    %iota3A = tpu.iota {dimensions = array<i32: 0>} : vector<16xi32>
    %add3A_1 = arith.constant 0 : i32
    %add3A_2 = vector.broadcast %add3A_1 : i32 to vector<16xi32>
    %add3A_3 = arith.addi %iota3A, %add3A_2 : vector<16xi32>
    %and3A = arith.constant 15 : i32
    %and3A_4 = vector.broadcast %and3A : i32 to vector<16xi32>
    %and3A_5 = arith.andi %add3A_3, %and3A_4 : vector<16xi32>
    %add3A_6 = arith.constant 1 : i32
    %add3A_7 = vector.broadcast %add3A_6 : i32 to vector<16xi32>
    %add3A_8 = arith.addi %iota3A, %add3A_7 : vector<16xi32>
    %and3A_9 = arith.constant 15 : i32
    %and3A_10 = vector.broadcast %and3A_9 : i32 to vector<16xi32>
    %and3A_11 = arith.andi %add3A_8, %and3A_10 : vector<16xi32>
    %add3A_12 = arith.constant 2 : i32
    %add3A_13 = vector.broadcast %add3A_12 : i32 to vector<16xi32>
    %add3A_14 = arith.addi %iota3A, %add3A_13 : vector<16xi32>
    %and3A_15 = arith.constant 15 : i32
    %and3A_16 = vector.broadcast %and3A_15 : i32 to vector<16xi32>
    %and3A_17 = arith.andi %add3A_14, %and3A_16 : vector<16xi32>
    %add3A_18 = arith.constant 3 : i32
    %add3A_19 = vector.broadcast %add3A_18 : i32 to vector<16xi32>
    %add3A_20 = arith.addi %iota3A, %add3A_19 : vector<16xi32>
    %and3A_21 = arith.constant 15 : i32
    %and3A_22 = vector.broadcast %and3A_21 : i32 to vector<16xi32>
    %and3A_23 = arith.andi %add3A_20, %and3A_22 : vector<16xi32>
    %add3A_24 = arith.constant 4 : i32
    %add3A_25 = vector.broadcast %add3A_24 : i32 to vector<16xi32>
    %add3A_26 = arith.addi %iota3A, %add3A_25 : vector<16xi32>
    %and3A_27 = arith.constant 15 : i32
    %and3A_28 = vector.broadcast %and3A_27 : i32 to vector<16xi32>
    %and3A_29 = arith.andi %add3A_26, %and3A_28 : vector<16xi32>
    %add3A_30 = arith.constant 5 : i32
    %add3A_31 = vector.broadcast %add3A_30 : i32 to vector<16xi32>
    %add3A_32 = arith.addi %iota3A, %add3A_31 : vector<16xi32>
    %and3A_33 = arith.constant 15 : i32
    %and3A_34 = vector.broadcast %and3A_33 : i32 to vector<16xi32>
    %and3A_35 = arith.andi %add3A_32, %and3A_34 : vector<16xi32>
    %add3A_36 = arith.constant 6 : i32
    %add3A_37 = vector.broadcast %add3A_36 : i32 to vector<16xi32>
    %add3A_38 = arith.addi %iota3A, %add3A_37 : vector<16xi32>
    %and3A_39 = arith.constant 15 : i32
    %and3A_40 = vector.broadcast %and3A_39 : i32 to vector<16xi32>
    %and3A_41 = arith.andi %add3A_38, %and3A_40 : vector<16xi32>
    %add3A_42 = arith.constant 7 : i32
    %add3A_43 = vector.broadcast %add3A_42 : i32 to vector<16xi32>
    %add3A_44 = arith.addi %iota3A, %add3A_43 : vector<16xi32>
    %and3A_45 = arith.constant 15 : i32
    %and3A_46 = vector.broadcast %and3A_45 : i32 to vector<16xi32>
    %and3A_47 = arith.andi %add3A_44, %and3A_46 : vector<16xi32>
    %add3A_48 = arith.constant 8 : i32
    %add3A_49 = vector.broadcast %add3A_48 : i32 to vector<16xi32>
    %add3A_50 = arith.addi %iota3A, %add3A_49 : vector<16xi32>
    %and3A_51 = arith.constant 15 : i32
    %and3A_52 = vector.broadcast %and3A_51 : i32 to vector<16xi32>
    %and3A_53 = arith.andi %add3A_50, %and3A_52 : vector<16xi32>
    %add3A_54 = arith.constant 9 : i32
    %add3A_55 = vector.broadcast %add3A_54 : i32 to vector<16xi32>
    %add3A_56 = arith.addi %iota3A, %add3A_55 : vector<16xi32>
    %and3A_57 = arith.constant 15 : i32
    %and3A_58 = vector.broadcast %and3A_57 : i32 to vector<16xi32>
    %and3A_59 = arith.andi %add3A_56, %and3A_58 : vector<16xi32>
    %add3A_60 = arith.constant 10 : i32
    %add3A_61 = vector.broadcast %add3A_60 : i32 to vector<16xi32>
    %add3A_62 = arith.addi %iota3A, %add3A_61 : vector<16xi32>
    %and3A_63 = arith.constant 15 : i32
    %and3A_64 = vector.broadcast %and3A_63 : i32 to vector<16xi32>
    %and3A_65 = arith.andi %add3A_62, %and3A_64 : vector<16xi32>
    %add3A_66 = arith.constant 11 : i32
    %add3A_67 = vector.broadcast %add3A_66 : i32 to vector<16xi32>
    %add3A_68 = arith.addi %iota3A, %add3A_67 : vector<16xi32>
    %and3A_69 = arith.constant 15 : i32
    %and3A_70 = vector.broadcast %and3A_69 : i32 to vector<16xi32>
    %and3A_71 = arith.andi %add3A_68, %and3A_70 : vector<16xi32>
    %add3A_72 = arith.constant 12 : i32
    %add3A_73 = vector.broadcast %add3A_72 : i32 to vector<16xi32>
    %add3A_74 = arith.addi %iota3A, %add3A_73 : vector<16xi32>
    %and3A_75 = arith.constant 15 : i32
    %and3A_76 = vector.broadcast %and3A_75 : i32 to vector<16xi32>
    %and3A_77 = arith.andi %add3A_74, %and3A_76 : vector<16xi32>
    %add3A_78 = arith.constant 13 : i32
    %add3A_79 = vector.broadcast %add3A_78 : i32 to vector<16xi32>
    %add3A_80 = arith.addi %iota3A, %add3A_79 : vector<16xi32>
    %and3A_81 = arith.constant 15 : i32
    %and3A_82 = vector.broadcast %and3A_81 : i32 to vector<16xi32>
    %and3A_83 = arith.andi %add3A_80, %and3A_82 : vector<16xi32>
    %add3A_84 = arith.constant 14 : i32
    %add3A_85 = vector.broadcast %add3A_84 : i32 to vector<16xi32>
    %add3A_86 = arith.addi %iota3A, %add3A_85 : vector<16xi32>
    %and3A_87 = arith.constant 15 : i32
    %and3A_88 = vector.broadcast %and3A_87 : i32 to vector<16xi32>
    %and3A_89 = arith.andi %add3A_86, %and3A_88 : vector<16xi32>
    %add3A_90 = arith.constant 15 : i32
    %add3A_91 = vector.broadcast %add3A_90 : i32 to vector<16xi32>
    %add3A_92 = arith.addi %iota3A, %add3A_91 : vector<16xi32>
    %and3A_93 = arith.constant 15 : i32
    %and3A_94 = vector.broadcast %and3A_93 : i32 to vector<16xi32>
    %and3A_95 = arith.andi %add3A_92, %and3A_94 : vector<16xi32>
    %mul3A_96 = arith.constant 128 : i32
    %mul3A_97 = vector.broadcast %mul3A_96 : i32 to vector<16xi32>
    %mul3A_98 = arith.muli %and3A_5, %mul3A_97 : vector<16xi32>
    %add3A_99 = arith.addi %mul3A_98, %iota3A : vector<16xi32>
    %mul3A_100 = arith.constant 128 : i32
    %mul3A_101 = vector.broadcast %mul3A_100 : i32 to vector<16xi32>
    %mul3A_102 = arith.muli %and3A_11, %mul3A_101 : vector<16xi32>
    %add3A_103 = arith.addi %mul3A_102, %iota3A : vector<16xi32>
    %mul3A_104 = arith.constant 128 : i32
    %mul3A_105 = vector.broadcast %mul3A_104 : i32 to vector<16xi32>
    %mul3A_106 = arith.muli %and3A_17, %mul3A_105 : vector<16xi32>
    %add3A_107 = arith.addi %mul3A_106, %iota3A : vector<16xi32>
    %mul3A_108 = arith.constant 128 : i32
    %mul3A_109 = vector.broadcast %mul3A_108 : i32 to vector<16xi32>
    %mul3A_110 = arith.muli %and3A_23, %mul3A_109 : vector<16xi32>
    %add3A_111 = arith.addi %mul3A_110, %iota3A : vector<16xi32>
    %mul3A_112 = arith.constant 128 : i32
    %mul3A_113 = vector.broadcast %mul3A_112 : i32 to vector<16xi32>
    %mul3A_114 = arith.muli %and3A_29, %mul3A_113 : vector<16xi32>
    %add3A_115 = arith.addi %mul3A_114, %iota3A : vector<16xi32>
    %mul3A_116 = arith.constant 128 : i32
    %mul3A_117 = vector.broadcast %mul3A_116 : i32 to vector<16xi32>
    %mul3A_118 = arith.muli %and3A_35, %mul3A_117 : vector<16xi32>
    %add3A_119 = arith.addi %mul3A_118, %iota3A : vector<16xi32>
    %mul3A_120 = arith.constant 128 : i32
    %mul3A_121 = vector.broadcast %mul3A_120 : i32 to vector<16xi32>
    %mul3A_122 = arith.muli %and3A_41, %mul3A_121 : vector<16xi32>
    %add3A_123 = arith.addi %mul3A_122, %iota3A : vector<16xi32>
    %mul3A_124 = arith.constant 128 : i32
    %mul3A_125 = vector.broadcast %mul3A_124 : i32 to vector<16xi32>
    %mul3A_126 = arith.muli %and3A_47, %mul3A_125 : vector<16xi32>
    %add3A_127 = arith.addi %mul3A_126, %iota3A : vector<16xi32>
    %mul3A_128 = arith.constant 128 : i32
    %mul3A_129 = vector.broadcast %mul3A_128 : i32 to vector<16xi32>
    %mul3A_130 = arith.muli %and3A_53, %mul3A_129 : vector<16xi32>
    %add3A_131 = arith.addi %mul3A_130, %iota3A : vector<16xi32>
    %mul3A_132 = arith.constant 128 : i32
    %mul3A_133 = vector.broadcast %mul3A_132 : i32 to vector<16xi32>
    %mul3A_134 = arith.muli %and3A_59, %mul3A_133 : vector<16xi32>
    %add3A_135 = arith.addi %mul3A_134, %iota3A : vector<16xi32>
    %mul3A_136 = arith.constant 128 : i32
    %mul3A_137 = vector.broadcast %mul3A_136 : i32 to vector<16xi32>
    %mul3A_138 = arith.muli %and3A_65, %mul3A_137 : vector<16xi32>
    %add3A_139 = arith.addi %mul3A_138, %iota3A : vector<16xi32>
    %mul3A_140 = arith.constant 128 : i32
    %mul3A_141 = vector.broadcast %mul3A_140 : i32 to vector<16xi32>
    %mul3A_142 = arith.muli %and3A_71, %mul3A_141 : vector<16xi32>
    %add3A_143 = arith.addi %mul3A_142, %iota3A : vector<16xi32>
    %mul3A_144 = arith.constant 128 : i32
    %mul3A_145 = vector.broadcast %mul3A_144 : i32 to vector<16xi32>
    %mul3A_146 = arith.muli %and3A_77, %mul3A_145 : vector<16xi32>
    %add3A_147 = arith.addi %mul3A_146, %iota3A : vector<16xi32>
    %mul3A_148 = arith.constant 128 : i32
    %mul3A_149 = vector.broadcast %mul3A_148 : i32 to vector<16xi32>
    %mul3A_150 = arith.muli %and3A_83, %mul3A_149 : vector<16xi32>
    %add3A_151 = arith.addi %mul3A_150, %iota3A : vector<16xi32>
    %mul3A_152 = arith.constant 128 : i32
    %mul3A_153 = vector.broadcast %mul3A_152 : i32 to vector<16xi32>
    %mul3A_154 = arith.muli %and3A_89, %mul3A_153 : vector<16xi32>
    %add3A_155 = arith.addi %mul3A_154, %iota3A : vector<16xi32>
    %mul3A_156 = arith.constant 128 : i32
    %mul3A_157 = vector.broadcast %mul3A_156 : i32 to vector<16xi32>
    %mul3A_158 = arith.muli %and3A_95, %mul3A_157 : vector<16xi32>
    %add3A_159 = arith.addi %mul3A_158, %iota3A : vector<16xi32>
    "tpu.region"() ({
      %run_scoped3A = tpu.sem_alloc : memref<!tpu.dma_semaphore, #tpu.memory_space<semaphore_mem>>
      %dma_start3A_336 = arith.constant 0 : i32
      %dma_start3A_337 = arith.constant 0 : i32
      %dma_start3A_338 = tpu.memref_slice %arg2[%add3A, %dma_start3A_336, %dma_start3A_337] : memref<32x50x128xi32, #tpu.memory_space<hbm>> -> memref<1x50x128xi32, #tpu.memory_space<hbm>>
      %dma_start3A_339 = tpu.memref_squeeze %dma_start3A_338 : memref<1x50x128xi32, #tpu.memory_space<hbm>> -> memref<50x128xi32, #tpu.memory_space<hbm>>
      %dma_start3A_340 = arith.constant 0 : i32
      %dma_start3A_341 = arith.constant 0 : i32
      %dma_start3A_342 = tpu.memref_slice %arg2[%add3A, %dma_start3A_340, %dma_start3A_341] : memref<32x50x128xi32, #tpu.memory_space<hbm>> -> memref<1x50x128xi32, #tpu.memory_space<hbm>>
      %dma_start3A_343 = tpu.memref_squeeze %dma_start3A_342 : memref<1x50x128xi32, #tpu.memory_space<hbm>> -> memref<50x128xi32, #tpu.memory_space<hbm>>
      tpu.enqueue_dma source(%dma_start3A_343 : memref<50x128xi32, #tpu.memory_space<hbm>>) target(%arg5 : memref<50x128xi32, #tpu.memory_space<vmem>>) target_semaphore(%run_scoped3A : memref<!tpu.dma_semaphore, #tpu.memory_space<semaphore_mem>>)
      %dma_wait3A_344 = arith.constant 0 : i32
      %dma_wait3A_345 = arith.constant 0 : i32
      %dma_wait3A_346 = tpu.memref_slice %arg2[%add3A, %dma_wait3A_344, %dma_wait3A_345] : memref<32x50x128xi32, #tpu.memory_space<hbm>> -> memref<1x50x128xi32, #tpu.memory_space<hbm>>
      %dma_wait3A_347 = tpu.memref_squeeze %dma_wait3A_346 : memref<1x50x128xi32, #tpu.memory_space<hbm>> -> memref<50x128xi32, #tpu.memory_space<hbm>>
      %dma_wait3A_348 = arith.constant 0 : i32
      %dma_wait3A_349 = arith.constant 0 : i32
      %dma_wait3A_350 = tpu.memref_slice %arg2[%add3A, %dma_wait3A_348, %dma_wait3A_349] : memref<32x50x128xi32, #tpu.memory_space<hbm>> -> memref<1x50x128xi32, #tpu.memory_space<hbm>>
      %dma_wait3A_351 = tpu.memref_squeeze %dma_wait3A_350 : memref<1x50x128xi32, #tpu.memory_space<hbm>> -> memref<50x128xi32, #tpu.memory_space<hbm>>
      tpu.wait_dma2 semaphore(%run_scoped3A : memref<!tpu.dma_semaphore, #tpu.memory_space<semaphore_mem>>) src(%dma_wait3A_351 : memref<50x128xi32, #tpu.memory_space<hbm>>) dst(%arg5 : memref<50x128xi32, #tpu.memory_space<vmem>>)
      tpu.yield
    }) : () -> ()
    %dma_start3A = arith.constant 0 : i32
    %dma_start3A_160 = arith.constant 0 : i32
    %dma_start3A_161 = arith.constant 0 : i32
    %dma_start3A_162 = arith.constant 0 : i32
    %dma_start3A_163 = tpu.memref_slice %arg6[%dma_start3A_160, %dma_start3A_161, %dma_start3A_162] : memref<3x128x64xf32, #tpu.memory_space<vmem>> -> memref<1x128x64xf32, #tpu.memory_space<vmem>>
    %dma_start3A_164 = tpu.memref_squeeze %dma_start3A_163 : memref<1x128x64xf32, #tpu.memory_space<vmem>> -> memref<128x64xf32, #tpu.memory_space<vmem>>
    %dma_start3A_165 = arith.constant 0 : i32
    %dma_start3A_166 = tpu.memref_slice %arg5[%dma_start3A, %dma_start3A_165] : memref<50x128xi32, #tpu.memory_space<vmem>> -> memref<1x128xi32, #tpu.memory_space<vmem>>
    %dma_start3A_167 = tpu.memref_squeeze %dma_start3A_166 : memref<1x128xi32, #tpu.memory_space<vmem>> -> memref<128xi32, #tpu.memory_space<vmem>>
    %dma_start3A_168 = arith.constant 0 : i32
    %dma_start3A_169 = arith.constant 0 : i32
    %dma_start3A_170 = tpu.memref_slice %arg3[%dma_start3A_168, %dma_start3A_169] : memref<1000000x64xf32, #tpu.memory_space<hbm>> -> memref<1000000x64xf32, #tpu.memory_space<hbm>>
    tpu.enqueue_indirect_dma source(%dma_start3A_170 : memref<1000000x64xf32, #tpu.memory_space<hbm>>) target(%dma_start3A_164 : memref<128x64xf32, #tpu.memory_space<vmem>>) offsets(%dma_start3A_167 : memref<128xi32, #tpu.memory_space<vmem>>) semaphore(%arg8 : memref<!tpu.dma_semaphore, #tpu.memory_space<semaphore_mem>>)
    %dma_start3A_171 = arith.constant 1 : i32
    %dma_start3A_172 = arith.constant 1 : i32
    %dma_start3A_173 = arith.constant 0 : i32
    %dma_start3A_174 = arith.constant 0 : i32
    %dma_start3A_175 = tpu.memref_slice %arg6[%dma_start3A_172, %dma_start3A_173, %dma_start3A_174] : memref<3x128x64xf32, #tpu.memory_space<vmem>> -> memref<1x128x64xf32, #tpu.memory_space<vmem>>
    %dma_start3A_176 = tpu.memref_squeeze %dma_start3A_175 : memref<1x128x64xf32, #tpu.memory_space<vmem>> -> memref<128x64xf32, #tpu.memory_space<vmem>>
    %dma_start3A_177 = arith.constant 0 : i32
    %dma_start3A_178 = tpu.memref_slice %arg5[%dma_start3A_171, %dma_start3A_177] : memref<50x128xi32, #tpu.memory_space<vmem>> -> memref<1x128xi32, #tpu.memory_space<vmem>>
    %dma_start3A_179 = tpu.memref_squeeze %dma_start3A_178 : memref<1x128xi32, #tpu.memory_space<vmem>> -> memref<128xi32, #tpu.memory_space<vmem>>
    %dma_start3A_180 = arith.constant 0 : i32
    %dma_start3A_181 = arith.constant 0 : i32
    %dma_start3A_182 = tpu.memref_slice %arg3[%dma_start3A_180, %dma_start3A_181] : memref<1000000x64xf32, #tpu.memory_space<hbm>> -> memref<1000000x64xf32, #tpu.memory_space<hbm>>
    tpu.enqueue_indirect_dma source(%dma_start3A_182 : memref<1000000x64xf32, #tpu.memory_space<hbm>>) target(%dma_start3A_176 : memref<128x64xf32, #tpu.memory_space<vmem>>) offsets(%dma_start3A_179 : memref<128xi32, #tpu.memory_space<vmem>>) semaphore(%arg8 : memref<!tpu.dma_semaphore, #tpu.memory_space<semaphore_mem>>)
    %scan3A = arith.constant 0 : i32
    %scan3A_183 = arith.constant 50 : i32
    %scan3A_184 = arith.addi %scan3A, %scan3A_183 : i32
    %scan3A_185 = arith.constant 1 : i32
    scf.for %scan3A_336 = %scan3A to %scan3A_184 step %scan3A_185  : i32 {
      %rem3A_337 = arith.constant 3 : i32
      %rem3A_338 = arith.remsi %scan3A_336, %rem3A_337 : i32
      %rem3A_339 = arith.constant 2 : i32
      %rem3A_340 = arith.remsi %scan3A_336, %rem3A_339 : i32
      %dma_wait3A_341 = arith.constant 0 : i32
      %dma_wait3A_342 = arith.constant 0 : i32
      %dma_wait3A_343 = tpu.memref_slice %arg6[%rem3A_338, %dma_wait3A_341, %dma_wait3A_342] : memref<3x128x64xf32, #tpu.memory_space<vmem>> -> memref<1x128x64xf32, #tpu.memory_space<vmem>>
      %dma_wait3A_344 = tpu.memref_squeeze %dma_wait3A_343 : memref<1x128x64xf32, #tpu.memory_space<vmem>> -> memref<128x64xf32, #tpu.memory_space<vmem>>
      %dma_wait3A_345 = arith.constant 0 : i32
      %dma_wait3A_346 = tpu.memref_slice %arg5[%scan3A_336, %dma_wait3A_345] : memref<50x128xi32, #tpu.memory_space<vmem>> -> memref<1x128xi32, #tpu.memory_space<vmem>>
      %dma_wait3A_347 = tpu.memref_squeeze %dma_wait3A_346 : memref<1x128xi32, #tpu.memory_space<vmem>> -> memref<128xi32, #tpu.memory_space<vmem>>
      %dma_wait3A_348 = arith.constant 0 : i32
      %dma_wait3A_349 = arith.constant 0 : i32
      %dma_wait3A_350 = tpu.memref_slice %arg3[%dma_wait3A_348, %dma_wait3A_349] : memref<1000000x64xf32, #tpu.memory_space<hbm>> -> memref<1000000x64xf32, #tpu.memory_space<hbm>>
      tpu.wait_indirect_dma semaphore(%arg8 : memref<!tpu.dma_semaphore, #tpu.memory_space<semaphore_mem>>) src(%dma_wait3A_350 : memref<1000000x64xf32, #tpu.memory_space<hbm>>) dst(%dma_wait3A_344 : memref<128x64xf32, #tpu.memory_space<vmem>>)
      %add3A_351 = arith.constant 2 : i32
      %add3A_352 = arith.addi %scan3A_336, %add3A_351 : i32
      %lt3A = arith.constant 50 : i32
      %lt3A_353 = arith.cmpi slt, %add3A_352, %lt3A : i32
      %convert_element_type3A = arith.extui %lt3A_353 : i1 to i32
      %cond3A = arith.constant 0 : i32
      %cond3A_354 = arith.cmpi ne, %convert_element_type3A, %cond3A : i32
      scf.if %cond3A_354 {
        %add3A_445 = arith.constant 2 : i32
        %add3A_446 = arith.addi %scan3A_336, %add3A_445 : i32
        %add3A_447 = arith.constant 2 : i32
        %add3A_448 = arith.addi %scan3A_336, %add3A_447 : i32
        %rem3A_449 = arith.constant 3 : i32
        %rem3A_450 = arith.remsi %add3A_448, %rem3A_449 : i32
        %dma_start3A_451 = arith.constant 0 : i32
        %dma_start3A_452 = arith.constant 0 : i32
        %dma_start3A_453 = tpu.memref_slice %arg6[%rem3A_450, %dma_start3A_451, %dma_start3A_452] : memref<3x128x64xf32, #tpu.memory_space<vmem>> -> memref<1x128x64xf32, #tpu.memory_space<vmem>>
        %dma_start3A_454 = tpu.memref_squeeze %dma_start3A_453 : memref<1x128x64xf32, #tpu.memory_space<vmem>> -> memref<128x64xf32, #tpu.memory_space<vmem>>
        %dma_start3A_455 = arith.constant 0 : i32
        %dma_start3A_456 = tpu.memref_slice %arg5[%add3A_446, %dma_start3A_455] : memref<50x128xi32, #tpu.memory_space<vmem>> -> memref<1x128xi32, #tpu.memory_space<vmem>>
        %dma_start3A_457 = tpu.memref_squeeze %dma_start3A_456 : memref<1x128xi32, #tpu.memory_space<vmem>> -> memref<128xi32, #tpu.memory_space<vmem>>
        %dma_start3A_458 = arith.constant 0 : i32
        %dma_start3A_459 = arith.constant 0 : i32
        %dma_start3A_460 = tpu.memref_slice %arg3[%dma_start3A_458, %dma_start3A_459] : memref<1000000x64xf32, #tpu.memory_space<hbm>> -> memref<1000000x64xf32, #tpu.memory_space<hbm>>
        tpu.enqueue_indirect_dma source(%dma_start3A_460 : memref<1000000x64xf32, #tpu.memory_space<hbm>>) target(%dma_start3A_454 : memref<128x64xf32, #tpu.memory_space<vmem>>) offsets(%dma_start3A_457 : memref<128xi32, #tpu.memory_space<vmem>>) semaphore(%arg8 : memref<!tpu.dma_semaphore, #tpu.memory_space<semaphore_mem>>)
      } else {
      }
      %ge3A = arith.constant 2 : i32
      %ge3A_355 = arith.cmpi sge, %scan3A_336, %ge3A : i32
      %convert_element_type3A_356 = arith.extui %ge3A_355 : i1 to i32
      %cond3A_357 = arith.constant 0 : i32
      %cond3A_358 = arith.cmpi ne, %convert_element_type3A_356, %cond3A_357 : i32
      scf.if %cond3A_358 {
        %sub3A = arith.constant 2 : i32
        %sub3A_445 = arith.subi %scan3A_336, %sub3A : i32
        %mul3A_446 = arith.constant 8192 : i32
        %mul3A_447 = arith.muli %rem3A_340, %mul3A_446 : i32
        %multiple_of3A_448 = tpu.assume_multiple %mul3A_447, 8192 : i32
        %mul3A_449 = arith.constant 262144 : i32
        %mul3A_450 = arith.muli %sub3A_445, %mul3A_449 : i32
        %mul3A_451 = arith.constant 128 : i32
        %mul3A_452 = arith.muli %add3A, %mul3A_451 : i32
        %mul3A_453 = arith.constant 8 : i32
        %mul3A_454 = arith.muli %mul3A_452, %mul3A_453 : i32
        %add3A_455 = arith.addi %mul3A_450, %mul3A_454 : i32
        %add3A_456 = arith.constant 0 : i32
        %add3A_457 = arith.addi %multiple_of3A_448, %add3A_456 : i32
        %add3A_458 = arith.constant 0 : i32
        %add3A_459 = arith.addi %add3A_455, %add3A_458 : i32
        %add3A_460 = arith.constant 1024 : i32
        %add3A_461 = arith.addi %multiple_of3A_448, %add3A_460 : i32
        %add3A_462 = arith.constant 32768 : i32
        %add3A_463 = arith.addi %add3A_455, %add3A_462 : i32
        %add3A_464 = arith.constant 2048 : i32
        %add3A_465 = arith.addi %multiple_of3A_448, %add3A_464 : i32
        %add3A_466 = arith.constant 65536 : i32
        %add3A_467 = arith.addi %add3A_455, %add3A_466 : i32
        %add3A_468 = arith.constant 3072 : i32
        %add3A_469 = arith.addi %multiple_of3A_448, %add3A_468 : i32
        %add3A_470 = arith.constant 98304 : i32
        %add3A_471 = arith.addi %add3A_455, %add3A_470 : i32
        %add3A_472 = arith.constant 4096 : i32
        %add3A_473 = arith.addi %multiple_of3A_448, %add3A_472 : i32
        %add3A_474 = arith.constant 131072 : i32
        %add3A_475 = arith.addi %add3A_455, %add3A_474 : i32
        %add3A_476 = arith.constant 5120 : i32
        %add3A_477 = arith.addi %multiple_of3A_448, %add3A_476 : i32
        %add3A_478 = arith.constant 163840 : i32
        %add3A_479 = arith.addi %add3A_455, %add3A_478 : i32
        %add3A_480 = arith.constant 6144 : i32
        %add3A_481 = arith.addi %multiple_of3A_448, %add3A_480 : i32
        %add3A_482 = arith.constant 196608 : i32
        %add3A_483 = arith.addi %add3A_455, %add3A_482 : i32
        %add3A_484 = arith.constant 7168 : i32
        %add3A_485 = arith.addi %multiple_of3A_448, %add3A_484 : i32
        %add3A_486 = arith.constant 229376 : i32
        %add3A_487 = arith.addi %add3A_455, %add3A_486 : i32
        %dma_wait3A_488 = tpu.memref_slice %arg7[%add3A_457] : memref<16384xf32, #tpu.memory_space<vmem>> -> memref<1024xf32, #tpu.memory_space<vmem>>
        %dma_wait3A_489 = tpu.memref_slice %arg4[%add3A_459] : memref<13107200xf32, #tpu.memory_space<hbm>> -> memref<1024xf32, #tpu.memory_space<hbm>>
        %dma_wait3A_490 = tpu.memref_slice %arg4[%add3A_459] : memref<13107200xf32, #tpu.memory_space<hbm>> -> memref<1024xf32, #tpu.memory_space<hbm>>
        %dma_wait3A_491 = tpu.memref_slice %arg7[%add3A_457] : memref<16384xf32, #tpu.memory_space<vmem>> -> memref<1024xf32, #tpu.memory_space<vmem>>
        tpu.wait_dma2 semaphore(%arg9 : memref<!tpu.dma_semaphore, #tpu.memory_space<semaphore_mem>>) src(%dma_wait3A_491 : memref<1024xf32, #tpu.memory_space<vmem>>) dst(%dma_wait3A_490 : memref<1024xf32, #tpu.memory_space<hbm>>)
        %dma_wait3A_492 = tpu.memref_slice %arg7[%add3A_461] : memref<16384xf32, #tpu.memory_space<vmem>> -> memref<1024xf32, #tpu.memory_space<vmem>>
        %dma_wait3A_493 = tpu.memref_slice %arg4[%add3A_463] : memref<13107200xf32, #tpu.memory_space<hbm>> -> memref<1024xf32, #tpu.memory_space<hbm>>
        %dma_wait3A_494 = tpu.memref_slice %arg4[%add3A_463] : memref<13107200xf32, #tpu.memory_space<hbm>> -> memref<1024xf32, #tpu.memory_space<hbm>>
        %dma_wait3A_495 = tpu.memref_slice %arg7[%add3A_461] : memref<16384xf32, #tpu.memory_space<vmem>> -> memref<1024xf32, #tpu.memory_space<vmem>>
        tpu.wait_dma2 semaphore(%arg9 : memref<!tpu.dma_semaphore, #tpu.memory_space<semaphore_mem>>) src(%dma_wait3A_495 : memref<1024xf32, #tpu.memory_space<vmem>>) dst(%dma_wait3A_494 : memref<1024xf32, #tpu.memory_space<hbm>>)
        %dma_wait3A_496 = tpu.memref_slice %arg7[%add3A_465] : memref<16384xf32, #tpu.memory_space<vmem>> -> memref<1024xf32, #tpu.memory_space<vmem>>
        %dma_wait3A_497 = tpu.memref_slice %arg4[%add3A_467] : memref<13107200xf32, #tpu.memory_space<hbm>> -> memref<1024xf32, #tpu.memory_space<hbm>>
        %dma_wait3A_498 = tpu.memref_slice %arg4[%add3A_467] : memref<13107200xf32, #tpu.memory_space<hbm>> -> memref<1024xf32, #tpu.memory_space<hbm>>
        %dma_wait3A_499 = tpu.memref_slice %arg7[%add3A_465] : memref<16384xf32, #tpu.memory_space<vmem>> -> memref<1024xf32, #tpu.memory_space<vmem>>
        tpu.wait_dma2 semaphore(%arg9 : memref<!tpu.dma_semaphore, #tpu.memory_space<semaphore_mem>>) src(%dma_wait3A_499 : memref<1024xf32, #tpu.memory_space<vmem>>) dst(%dma_wait3A_498 : memref<1024xf32, #tpu.memory_space<hbm>>)
        %dma_wait3A_500 = tpu.memref_slice %arg7[%add3A_469] : memref<16384xf32, #tpu.memory_space<vmem>> -> memref<1024xf32, #tpu.memory_space<vmem>>
        %dma_wait3A_501 = tpu.memref_slice %arg4[%add3A_471] : memref<13107200xf32, #tpu.memory_space<hbm>> -> memref<1024xf32, #tpu.memory_space<hbm>>
        %dma_wait3A_502 = tpu.memref_slice %arg4[%add3A_471] : memref<13107200xf32, #tpu.memory_space<hbm>> -> memref<1024xf32, #tpu.memory_space<hbm>>
        %dma_wait3A_503 = tpu.memref_slice %arg7[%add3A_469] : memref<16384xf32, #tpu.memory_space<vmem>> -> memref<1024xf32, #tpu.memory_space<vmem>>
        tpu.wait_dma2 semaphore(%arg9 : memref<!tpu.dma_semaphore, #tpu.memory_space<semaphore_mem>>) src(%dma_wait3A_503 : memref<1024xf32, #tpu.memory_space<vmem>>) dst(%dma_wait3A_502 : memref<1024xf32, #tpu.memory_space<hbm>>)
        %dma_wait3A_504 = tpu.memref_slice %arg7[%add3A_473] : memref<16384xf32, #tpu.memory_space<vmem>> -> memref<1024xf32, #tpu.memory_space<vmem>>
        %dma_wait3A_505 = tpu.memref_slice %arg4[%add3A_475] : memref<13107200xf32, #tpu.memory_space<hbm>> -> memref<1024xf32, #tpu.memory_space<hbm>>
        %dma_wait3A_506 = tpu.memref_slice %arg4[%add3A_475] : memref<13107200xf32, #tpu.memory_space<hbm>> -> memref<1024xf32, #tpu.memory_space<hbm>>
        %dma_wait3A_507 = tpu.memref_slice %arg7[%add3A_473] : memref<16384xf32, #tpu.memory_space<vmem>> -> memref<1024xf32, #tpu.memory_space<vmem>>
        tpu.wait_dma2 semaphore(%arg9 : memref<!tpu.dma_semaphore, #tpu.memory_space<semaphore_mem>>) src(%dma_wait3A_507 : memref<1024xf32, #tpu.memory_space<vmem>>) dst(%dma_wait3A_506 : memref<1024xf32, #tpu.memory_space<hbm>>)
        %dma_wait3A_508 = tpu.memref_slice %arg7[%add3A_477] : memref<16384xf32, #tpu.memory_space<vmem>> -> memref<1024xf32, #tpu.memory_space<vmem>>
        %dma_wait3A_509 = tpu.memref_slice %arg4[%add3A_479] : memref<13107200xf32, #tpu.memory_space<hbm>> -> memref<1024xf32, #tpu.memory_space<hbm>>
        %dma_wait3A_510 = tpu.memref_slice %arg4[%add3A_479] : memref<13107200xf32, #tpu.memory_space<hbm>> -> memref<1024xf32, #tpu.memory_space<hbm>>
        %dma_wait3A_511 = tpu.memref_slice %arg7[%add3A_477] : memref<16384xf32, #tpu.memory_space<vmem>> -> memref<1024xf32, #tpu.memory_space<vmem>>
        tpu.wait_dma2 semaphore(%arg9 : memref<!tpu.dma_semaphore, #tpu.memory_space<semaphore_mem>>) src(%dma_wait3A_511 : memref<1024xf32, #tpu.memory_space<vmem>>) dst(%dma_wait3A_510 : memref<1024xf32, #tpu.memory_space<hbm>>)
        %dma_wait3A_512 = tpu.memref_slice %arg7[%add3A_481] : memref<16384xf32, #tpu.memory_space<vmem>> -> memref<1024xf32, #tpu.memory_space<vmem>>
        %dma_wait3A_513 = tpu.memref_slice %arg4[%add3A_483] : memref<13107200xf32, #tpu.memory_space<hbm>> -> memref<1024xf32, #tpu.memory_space<hbm>>
        %dma_wait3A_514 = tpu.memref_slice %arg4[%add3A_483] : memref<13107200xf32, #tpu.memory_space<hbm>> -> memref<1024xf32, #tpu.memory_space<hbm>>
        %dma_wait3A_515 = tpu.memref_slice %arg7[%add3A_481] : memref<16384xf32, #tpu.memory_space<vmem>> -> memref<1024xf32, #tpu.memory_space<vmem>>
        tpu.wait_dma2 semaphore(%arg9 : memref<!tpu.dma_semaphore, #tpu.memory_space<semaphore_mem>>) src(%dma_wait3A_515 : memref<1024xf32, #tpu.memory_space<vmem>>) dst(%dma_wait3A_514 : memref<1024xf32, #tpu.memory_space<hbm>>)
        %dma_wait3A_516 = tpu.memref_slice %arg7[%add3A_485] : memref<16384xf32, #tpu.memory_space<vmem>> -> memref<1024xf32, #tpu.memory_space<vmem>>
        %dma_wait3A_517 = tpu.memref_slice %arg4[%add3A_487] : memref<13107200xf32, #tpu.memory_space<hbm>> -> memref<1024xf32, #tpu.memory_space<hbm>>
        %dma_wait3A_518 = tpu.memref_slice %arg4[%add3A_487] : memref<13107200xf32, #tpu.memory_space<hbm>> -> memref<1024xf32, #tpu.memory_space<hbm>>
        %dma_wait3A_519 = tpu.memref_slice %arg7[%add3A_485] : memref<16384xf32, #tpu.memory_space<vmem>> -> memref<1024xf32, #tpu.memory_space<vmem>>
        tpu.wait_dma2 semaphore(%arg9 : memref<!tpu.dma_semaphore, #tpu.memory_space<semaphore_mem>>) src(%dma_wait3A_519 : memref<1024xf32, #tpu.memory_space<vmem>>) dst(%dma_wait3A_518 : memref<1024xf32, #tpu.memory_space<hbm>>)
      } else {
      }
      %mul3A_359 = arith.constant 8192 : i32
      %mul3A_360 = arith.muli %rem3A_340, %mul3A_359 : i32
      %mul3A_361 = arith.constant 0 : i32
      %mul3A_362 = vector.broadcast %mul3A_361 : i32 to vector<16xi32>
      %mul3A_363 = arith.muli %iota3A, %mul3A_362 : vector<16xi32>
      %add3A_364 = vector.broadcast %rem3A_338 : i32 to vector<16xi32>
      %add3A_365 = arith.addi %mul3A_363, %add3A_364 : vector<16xi32>
      %scan3A_366 = arith.constant 0 : i32
      %scan3A_367 = arith.constant 8 : i32
      %scan3A_368 = arith.addi %scan3A_366, %scan3A_367 : i32
      %scan3A_369 = arith.constant 1 : i32
      scf.for %scan3A_445 = %scan3A_366 to %scan3A_368 step %scan3A_369  : i32 {
        %mul3A_446 = arith.constant 16 : i32
        %mul3A_447 = arith.muli %scan3A_445, %mul3A_446 : i32
        %add3A_448 = vector.broadcast %mul3A_447 : i32 to vector<16xi32>
        %add3A_449 = arith.addi %iota3A, %add3A_448 : vector<16xi32>
        %add3A_450 = arith.constant 0 : i32
        %add3A_451 = vector.broadcast %add3A_450 : i32 to vector<16xi32>
        %add3A_452 = arith.addi %and3A_5, %add3A_451 : vector<16xi32>
        %gather3A = tpu.vector_load_idx %arg6[%add3A_365, %add3A_449, %add3A_452] : memref<3x128x64xf32, #tpu.memory_space<vmem>>[vector<16xi32>, vector<16xi32>, vector<16xi32>], vector<16xf32>,
        %add3A_453 = arith.constant 0 : i32
        %add3A_454 = vector.broadcast %add3A_453 : i32 to vector<16xi32>
        %add3A_455 = arith.addi %and3A_11, %add3A_454 : vector<16xi32>
        %gather3A_456 = tpu.vector_load_idx %arg6[%add3A_365, %add3A_449, %add3A_455] : memref<3x128x64xf32, #tpu.memory_space<vmem>>[vector<16xi32>, vector<16xi32>, vector<16xi32>], vector<16xf32>,
        %add3A_457 = arith.constant 0 : i32
        %add3A_458 = vector.broadcast %add3A_457 : i32 to vector<16xi32>
        %add3A_459 = arith.addi %and3A_17, %add3A_458 : vector<16xi32>
        %gather3A_460 = tpu.vector_load_idx %arg6[%add3A_365, %add3A_449, %add3A_459] : memref<3x128x64xf32, #tpu.memory_space<vmem>>[vector<16xi32>, vector<16xi32>, vector<16xi32>], vector<16xf32>,
        %add3A_461 = arith.constant 0 : i32
        %add3A_462 = vector.broadcast %add3A_461 : i32 to vector<16xi32>
        %add3A_463 = arith.addi %and3A_23, %add3A_462 : vector<16xi32>
        %gather3A_464 = tpu.vector_load_idx %arg6[%add3A_365, %add3A_449, %add3A_463] : memref<3x128x64xf32, #tpu.memory_space<vmem>>[vector<16xi32>, vector<16xi32>, vector<16xi32>], vector<16xf32>,
        %add3A_465 = arith.constant 0 : i32
        %add3A_466 = vector.broadcast %add3A_465 : i32 to vector<16xi32>
        %add3A_467 = arith.addi %and3A_29, %add3A_466 : vector<16xi32>
        %gather3A_468 = tpu.vector_load_idx %arg6[%add3A_365, %add3A_449, %add3A_467] : memref<3x128x64xf32, #tpu.memory_space<vmem>>[vector<16xi32>, vector<16xi32>, vector<16xi32>], vector<16xf32>,
        %add3A_469 = arith.constant 0 : i32
        %add3A_470 = vector.broadcast %add3A_469 : i32 to vector<16xi32>
        %add3A_471 = arith.addi %and3A_35, %add3A_470 : vector<16xi32>
        %gather3A_472 = tpu.vector_load_idx %arg6[%add3A_365, %add3A_449, %add3A_471] : memref<3x128x64xf32, #tpu.memory_space<vmem>>[vector<16xi32>, vector<16xi32>, vector<16xi32>], vector<16xf32>,
        %add3A_473 = arith.constant 0 : i32
        %add3A_474 = vector.broadcast %add3A_473 : i32 to vector<16xi32>
        %add3A_475 = arith.addi %and3A_41, %add3A_474 : vector<16xi32>
        %gather3A_476 = tpu.vector_load_idx %arg6[%add3A_365, %add3A_449, %add3A_475] : memref<3x128x64xf32, #tpu.memory_space<vmem>>[vector<16xi32>, vector<16xi32>, vector<16xi32>], vector<16xf32>,
        %add3A_477 = arith.constant 0 : i32
        %add3A_478 = vector.broadcast %add3A_477 : i32 to vector<16xi32>
        %add3A_479 = arith.addi %and3A_47, %add3A_478 : vector<16xi32>
        %gather3A_480 = tpu.vector_load_idx %arg6[%add3A_365, %add3A_449, %add3A_479] : memref<3x128x64xf32, #tpu.memory_space<vmem>>[vector<16xi32>, vector<16xi32>, vector<16xi32>], vector<16xf32>,
        %add3A_481 = arith.constant 0 : i32
        %add3A_482 = vector.broadcast %add3A_481 : i32 to vector<16xi32>
        %add3A_483 = arith.addi %and3A_53, %add3A_482 : vector<16xi32>
        %gather3A_484 = tpu.vector_load_idx %arg6[%add3A_365, %add3A_449, %add3A_483] : memref<3x128x64xf32, #tpu.memory_space<vmem>>[vector<16xi32>, vector<16xi32>, vector<16xi32>], vector<16xf32>,
        %add3A_485 = arith.constant 0 : i32
        %add3A_486 = vector.broadcast %add3A_485 : i32 to vector<16xi32>
        %add3A_487 = arith.addi %and3A_59, %add3A_486 : vector<16xi32>
        %gather3A_488 = tpu.vector_load_idx %arg6[%add3A_365, %add3A_449, %add3A_487] : memref<3x128x64xf32, #tpu.memory_space<vmem>>[vector<16xi32>, vector<16xi32>, vector<16xi32>], vector<16xf32>,
        %add3A_489 = arith.constant 0 : i32
        %add3A_490 = vector.broadcast %add3A_489 : i32 to vector<16xi32>
        %add3A_491 = arith.addi %and3A_65, %add3A_490 : vector<16xi32>
        %gather3A_492 = tpu.vector_load_idx %arg6[%add3A_365, %add3A_449, %add3A_491] : memref<3x128x64xf32, #tpu.memory_space<vmem>>[vector<16xi32>, vector<16xi32>, vector<16xi32>], vector<16xf32>,
        %add3A_493 = arith.constant 0 : i32
        %add3A_494 = vector.broadcast %add3A_493 : i32 to vector<16xi32>
        %add3A_495 = arith.addi %and3A_71, %add3A_494 : vector<16xi32>
        %gather3A_496 = tpu.vector_load_idx %arg6[%add3A_365, %add3A_449, %add3A_495] : memref<3x128x64xf32, #tpu.memory_space<vmem>>[vector<16xi32>, vector<16xi32>, vector<16xi32>], vector<16xf32>,
        %add3A_497 = arith.constant 0 : i32
        %add3A_498 = vector.broadcast %add3A_497 : i32 to vector<16xi32>
        %add3A_499 = arith.addi %and3A_77, %add3A_498 : vector<16xi32>
        %gather3A_500 = tpu.vector_load_idx %arg6[%add3A_365, %add3A_449, %add3A_499] : memref<3x128x64xf32, #tpu.memory_space<vmem>>[vector<16xi32>, vector<16xi32>, vector<16xi32>], vector<16xf32>,
        %add3A_501 = arith.constant 0 : i32
        %add3A_502 = vector.broadcast %add3A_501 : i32 to vector<16xi32>
        %add3A_503 = arith.addi %and3A_83, %add3A_502 : vector<16xi32>
        %gather3A_504 = tpu.vector_load_idx %arg6[%add3A_365, %add3A_449, %add3A_503] : memref<3x128x64xf32, #tpu.memory_space<vmem>>[vector<16xi32>, vector<16xi32>, vector<16xi32>], vector<16xf32>,
        %add3A_505 = arith.constant 0 : i32
        %add3A_506 = vector.broadcast %add3A_505 : i32 to vector<16xi32>
        %add3A_507 = arith.addi %and3A_89, %add3A_506 : vector<16xi32>
        %gather3A_508 = tpu.vector_load_idx %arg6[%add3A_365, %add3A_449, %add3A_507] : memref<3x128x64xf32, #tpu.memory_space<vmem>>[vector<16xi32>, vector<16xi32>, vector<16xi32>], vector<16xf32>,
        %add3A_509 = arith.constant 0 : i32
        %add3A_510 = vector.broadcast %add3A_509 : i32 to vector<16xi32>
        %add3A_511 = arith.addi %and3A_95, %add3A_510 : vector<16xi32>
        %gather3A_512 = tpu.vector_load_idx %arg6[%add3A_365, %add3A_449, %add3A_511] : memref<3x128x64xf32, #tpu.memory_space<vmem>>[vector<16xi32>, vector<16xi32>, vector<16xi32>], vector<16xf32>,
        %add3A_513 = arith.constant 0 : i32
        %add3A_514 = arith.addi %mul3A_360, %add3A_513 : i32
        %mul3A_515 = arith.constant 16 : i32
        %mul3A_516 = arith.muli %scan3A_445, %mul3A_515 : i32
        %add3A_517 = arith.addi %add3A_514, %mul3A_516 : i32
        %add3A_518 = vector.broadcast %add3A_517 : i32 to vector<16xi32>
        %add3A_519 = arith.addi %add3A_99, %add3A_518 : vector<16xi32>
        tpu.vector_store_idx %arg7[%add3A_519], %gather3A : memref<16384xf32, #tpu.memory_space<vmem>>[vector<16xi32>], vector<16xf32>,
        %add3A_520 = vector.broadcast %add3A_517 : i32 to vector<16xi32>
        %add3A_521 = arith.addi %add3A_103, %add3A_520 : vector<16xi32>
        tpu.vector_store_idx %arg7[%add3A_521], %gather3A_456 : memref<16384xf32, #tpu.memory_space<vmem>>[vector<16xi32>], vector<16xf32>,
        %add3A_522 = vector.broadcast %add3A_517 : i32 to vector<16xi32>
        %add3A_523 = arith.addi %add3A_107, %add3A_522 : vector<16xi32>
        tpu.vector_store_idx %arg7[%add3A_523], %gather3A_460 : memref<16384xf32, #tpu.memory_space<vmem>>[vector<16xi32>], vector<16xf32>,
        %add3A_524 = vector.broadcast %add3A_517 : i32 to vector<16xi32>
        %add3A_525 = arith.addi %add3A_111, %add3A_524 : vector<16xi32>
        tpu.vector_store_idx %arg7[%add3A_525], %gather3A_464 : memref<16384xf32, #tpu.memory_space<vmem>>[vector<16xi32>], vector<16xf32>,
        %add3A_526 = vector.broadcast %add3A_517 : i32 to vector<16xi32>
        %add3A_527 = arith.addi %add3A_115, %add3A_526 : vector<16xi32>
        tpu.vector_store_idx %arg7[%add3A_527], %gather3A_468 : memref<16384xf32, #tpu.memory_space<vmem>>[vector<16xi32>], vector<16xf32>,
        %add3A_528 = vector.broadcast %add3A_517 : i32 to vector<16xi32>
        %add3A_529 = arith.addi %add3A_119, %add3A_528 : vector<16xi32>
        tpu.vector_store_idx %arg7[%add3A_529], %gather3A_472 : memref<16384xf32, #tpu.memory_space<vmem>>[vector<16xi32>], vector<16xf32>,
        %add3A_530 = vector.broadcast %add3A_517 : i32 to vector<16xi32>
        %add3A_531 = arith.addi %add3A_123, %add3A_530 : vector<16xi32>
        tpu.vector_store_idx %arg7[%add3A_531], %gather3A_476 : memref<16384xf32, #tpu.memory_space<vmem>>[vector<16xi32>], vector<16xf32>,
        %add3A_532 = vector.broadcast %add3A_517 : i32 to vector<16xi32>
        %add3A_533 = arith.addi %add3A_127, %add3A_532 : vector<16xi32>
        tpu.vector_store_idx %arg7[%add3A_533], %gather3A_480 : memref<16384xf32, #tpu.memory_space<vmem>>[vector<16xi32>], vector<16xf32>,
        %add3A_534 = vector.broadcast %add3A_517 : i32 to vector<16xi32>
        %add3A_535 = arith.addi %add3A_131, %add3A_534 : vector<16xi32>
        tpu.vector_store_idx %arg7[%add3A_535], %gather3A_484 : memref<16384xf32, #tpu.memory_space<vmem>>[vector<16xi32>], vector<16xf32>,
        %add3A_536 = vector.broadcast %add3A_517 : i32 to vector<16xi32>
        %add3A_537 = arith.addi %add3A_135, %add3A_536 : vector<16xi32>
        tpu.vector_store_idx %arg7[%add3A_537], %gather3A_488 : memref<16384xf32, #tpu.memory_space<vmem>>[vector<16xi32>], vector<16xf32>,
        %add3A_538 = vector.broadcast %add3A_517 : i32 to vector<16xi32>
        %add3A_539 = arith.addi %add3A_139, %add3A_538 : vector<16xi32>
        tpu.vector_store_idx %arg7[%add3A_539], %gather3A_492 : memref<16384xf32, #tpu.memory_space<vmem>>[vector<16xi32>], vector<16xf32>,
        %add3A_540 = vector.broadcast %add3A_517 : i32 to vector<16xi32>
        %add3A_541 = arith.addi %add3A_143, %add3A_540 : vector<16xi32>
        tpu.vector_store_idx %arg7[%add3A_541], %gather3A_496 : memref<16384xf32, #tpu.memory_space<vmem>>[vector<16xi32>], vector<16xf32>,
        %add3A_542 = vector.broadcast %add3A_517 : i32 to vector<16xi32>
        %add3A_543 = arith.addi %add3A_147, %add3A_542 : vector<16xi32>
        tpu.vector_store_idx %arg7[%add3A_543], %gather3A_500 : memref<16384xf32, #tpu.memory_space<vmem>>[vector<16xi32>], vector<16xf32>,
        %add3A_544 = vector.broadcast %add3A_517 : i32 to vector<16xi32>
        %add3A_545 = arith.addi %add3A_151, %add3A_544 : vector<16xi32>
        tpu.vector_store_idx %arg7[%add3A_545], %gather3A_504 : memref<16384xf32, #tpu.memory_space<vmem>>[vector<16xi32>], vector<16xf32>,
        %add3A_546 = vector.broadcast %add3A_517 : i32 to vector<16xi32>
        %add3A_547 = arith.addi %add3A_155, %add3A_546 : vector<16xi32>
        tpu.vector_store_idx %arg7[%add3A_547], %gather3A_508 : memref<16384xf32, #tpu.memory_space<vmem>>[vector<16xi32>], vector<16xf32>,
        %add3A_548 = vector.broadcast %add3A_517 : i32 to vector<16xi32>
        %add3A_549 = arith.addi %add3A_159, %add3A_548 : vector<16xi32>
        tpu.vector_store_idx %arg7[%add3A_549], %gather3A_512 : memref<16384xf32, #tpu.memory_space<vmem>>[vector<16xi32>], vector<16xf32>,
        %add3A_550 = arith.constant 16 : i32
        %add3A_551 = vector.broadcast %add3A_550 : i32 to vector<16xi32>
        %add3A_552 = arith.addi %and3A_5, %add3A_551 : vector<16xi32>
        %gather3A_553 = tpu.vector_load_idx %arg6[%add3A_365, %add3A_449, %add3A_552] : memref<3x128x64xf32, #tpu.memory_space<vmem>>[vector<16xi32>, vector<16xi32>, vector<16xi32>], vector<16xf32>,
        %add3A_554 = arith.constant 16 : i32
        %add3A_555 = vector.broadcast %add3A_554 : i32 to vector<16xi32>
        %add3A_556 = arith.addi %and3A_11, %add3A_555 : vector<16xi32>
        %gather3A_557 = tpu.vector_load_idx %arg6[%add3A_365, %add3A_449, %add3A_556] : memref<3x128x64xf32, #tpu.memory_space<vmem>>[vector<16xi32>, vector<16xi32>, vector<16xi32>], vector<16xf32>,
        %add3A_558 = arith.constant 16 : i32
        %add3A_559 = vector.broadcast %add3A_558 : i32 to vector<16xi32>
        %add3A_560 = arith.addi %and3A_17, %add3A_559 : vector<16xi32>
        %gather3A_561 = tpu.vector_load_idx %arg6[%add3A_365, %add3A_449, %add3A_560] : memref<3x128x64xf32, #tpu.memory_space<vmem>>[vector<16xi32>, vector<16xi32>, vector<16xi32>], vector<16xf32>,
        %add3A_562 = arith.constant 16 : i32
        %add3A_563 = vector.broadcast %add3A_562 : i32 to vector<16xi32>
        %add3A_564 = arith.addi %and3A_23, %add3A_563 : vector<16xi32>
        %gather3A_565 = tpu.vector_load_idx %arg6[%add3A_365, %add3A_449, %add3A_564] : memref<3x128x64xf32, #tpu.memory_space<vmem>>[vector<16xi32>, vector<16xi32>, vector<16xi32>], vector<16xf32>,
        %add3A_566 = arith.constant 16 : i32
        %add3A_567 = vector.broadcast %add3A_566 : i32 to vector<16xi32>
        %add3A_568 = arith.addi %and3A_29, %add3A_567 : vector<16xi32>
        %gather3A_569 = tpu.vector_load_idx %arg6[%add3A_365, %add3A_449, %add3A_568] : memref<3x128x64xf32, #tpu.memory_space<vmem>>[vector<16xi32>, vector<16xi32>, vector<16xi32>], vector<16xf32>,
        %add3A_570 = arith.constant 16 : i32
        %add3A_571 = vector.broadcast %add3A_570 : i32 to vector<16xi32>
        %add3A_572 = arith.addi %and3A_35, %add3A_571 : vector<16xi32>
        %gather3A_573 = tpu.vector_load_idx %arg6[%add3A_365, %add3A_449, %add3A_572] : memref<3x128x64xf32, #tpu.memory_space<vmem>>[vector<16xi32>, vector<16xi32>, vector<16xi32>], vector<16xf32>,
        %add3A_574 = arith.constant 16 : i32
        %add3A_575 = vector.broadcast %add3A_574 : i32 to vector<16xi32>
        %add3A_576 = arith.addi %and3A_41, %add3A_575 : vector<16xi32>
        %gather3A_577 = tpu.vector_load_idx %arg6[%add3A_365, %add3A_449, %add3A_576] : memref<3x128x64xf32, #tpu.memory_space<vmem>>[vector<16xi32>, vector<16xi32>, vector<16xi32>], vector<16xf32>,
        %add3A_578 = arith.constant 16 : i32
        %add3A_579 = vector.broadcast %add3A_578 : i32 to vector<16xi32>
        %add3A_580 = arith.addi %and3A_47, %add3A_579 : vector<16xi32>
        %gather3A_581 = tpu.vector_load_idx %arg6[%add3A_365, %add3A_449, %add3A_580] : memref<3x128x64xf32, #tpu.memory_space<vmem>>[vector<16xi32>, vector<16xi32>, vector<16xi32>], vector<16xf32>,
        %add3A_582 = arith.constant 16 : i32
        %add3A_583 = vector.broadcast %add3A_582 : i32 to vector<16xi32>
        %add3A_584 = arith.addi %and3A_53, %add3A_583 : vector<16xi32>
        %gather3A_585 = tpu.vector_load_idx %arg6[%add3A_365, %add3A_449, %add3A_584] : memref<3x128x64xf32, #tpu.memory_space<vmem>>[vector<16xi32>, vector<16xi32>, vector<16xi32>], vector<16xf32>,
        %add3A_586 = arith.constant 16 : i32
        %add3A_587 = vector.broadcast %add3A_586 : i32 to vector<16xi32>
        %add3A_588 = arith.addi %and3A_59, %add3A_587 : vector<16xi32>
        %gather3A_589 = tpu.vector_load_idx %arg6[%add3A_365, %add3A_449, %add3A_588] : memref<3x128x64xf32, #tpu.memory_space<vmem>>[vector<16xi32>, vector<16xi32>, vector<16xi32>], vector<16xf32>,
        %add3A_590 = arith.constant 16 : i32
        %add3A_591 = vector.broadcast %add3A_590 : i32 to vector<16xi32>
        %add3A_592 = arith.addi %and3A_65, %add3A_591 : vector<16xi32>
        %gather3A_593 = tpu.vector_load_idx %arg6[%add3A_365, %add3A_449, %add3A_592] : memref<3x128x64xf32, #tpu.memory_space<vmem>>[vector<16xi32>, vector<16xi32>, vector<16xi32>], vector<16xf32>,
        %add3A_594 = arith.constant 16 : i32
        %add3A_595 = vector.broadcast %add3A_594 : i32 to vector<16xi32>
        %add3A_596 = arith.addi %and3A_71, %add3A_595 : vector<16xi32>
        %gather3A_597 = tpu.vector_load_idx %arg6[%add3A_365, %add3A_449, %add3A_596] : memref<3x128x64xf32, #tpu.memory_space<vmem>>[vector<16xi32>, vector<16xi32>, vector<16xi32>], vector<16xf32>,
        %add3A_598 = arith.constant 16 : i32
        %add3A_599 = vector.broadcast %add3A_598 : i32 to vector<16xi32>
        %add3A_600 = arith.addi %and3A_77, %add3A_599 : vector<16xi32>
        %gather3A_601 = tpu.vector_load_idx %arg6[%add3A_365, %add3A_449, %add3A_600] : memref<3x128x64xf32, #tpu.memory_space<vmem>>[vector<16xi32>, vector<16xi32>, vector<16xi32>], vector<16xf32>,
        %add3A_602 = arith.constant 16 : i32
        %add3A_603 = vector.broadcast %add3A_602 : i32 to vector<16xi32>
        %add3A_604 = arith.addi %and3A_83, %add3A_603 : vector<16xi32>
        %gather3A_605 = tpu.vector_load_idx %arg6[%add3A_365, %add3A_449, %add3A_604] : memref<3x128x64xf32, #tpu.memory_space<vmem>>[vector<16xi32>, vector<16xi32>, vector<16xi32>], vector<16xf32>,
        %add3A_606 = arith.constant 16 : i32
        %add3A_607 = vector.broadcast %add3A_606 : i32 to vector<16xi32>
        %add3A_608 = arith.addi %and3A_89, %add3A_607 : vector<16xi32>
        %gather3A_609 = tpu.vector_load_idx %arg6[%add3A_365, %add3A_449, %add3A_608] : memref<3x128x64xf32, #tpu.memory_space<vmem>>[vector<16xi32>, vector<16xi32>, vector<16xi32>], vector<16xf32>,
        %add3A_610 = arith.constant 16 : i32
        %add3A_611 = vector.broadcast %add3A_610 : i32 to vector<16xi32>
        %add3A_612 = arith.addi %and3A_95, %add3A_611 : vector<16xi32>
        %gather3A_613 = tpu.vector_load_idx %arg6[%add3A_365, %add3A_449, %add3A_612] : memref<3x128x64xf32, #tpu.memory_space<vmem>>[vector<16xi32>, vector<16xi32>, vector<16xi32>], vector<16xf32>,
        %add3A_614 = arith.constant 2048 : i32
        %add3A_615 = arith.addi %mul3A_360, %add3A_614 : i32
        %mul3A_616 = arith.constant 16 : i32
        %mul3A_617 = arith.muli %scan3A_445, %mul3A_616 : i32
        %add3A_618 = arith.addi %add3A_615, %mul3A_617 : i32
        %add3A_619 = vector.broadcast %add3A_618 : i32 to vector<16xi32>
        %add3A_620 = arith.addi %add3A_99, %add3A_619 : vector<16xi32>
        tpu.vector_store_idx %arg7[%add3A_620], %gather3A_553 : memref<16384xf32, #tpu.memory_space<vmem>>[vector<16xi32>], vector<16xf32>,
        %add3A_621 = vector.broadcast %add3A_618 : i32 to vector<16xi32>
        %add3A_622 = arith.addi %add3A_103, %add3A_621 : vector<16xi32>
        tpu.vector_store_idx %arg7[%add3A_622], %gather3A_557 : memref<16384xf32, #tpu.memory_space<vmem>>[vector<16xi32>], vector<16xf32>,
        %add3A_623 = vector.broadcast %add3A_618 : i32 to vector<16xi32>
        %add3A_624 = arith.addi %add3A_107, %add3A_623 : vector<16xi32>
        tpu.vector_store_idx %arg7[%add3A_624], %gather3A_561 : memref<16384xf32, #tpu.memory_space<vmem>>[vector<16xi32>], vector<16xf32>,
        %add3A_625 = vector.broadcast %add3A_618 : i32 to vector<16xi32>
        %add3A_626 = arith.addi %add3A_111, %add3A_625 : vector<16xi32>
        tpu.vector_store_idx %arg7[%add3A_626], %gather3A_565 : memref<16384xf32, #tpu.memory_space<vmem>>[vector<16xi32>], vector<16xf32>,
        %add3A_627 = vector.broadcast %add3A_618 : i32 to vector<16xi32>
        %add3A_628 = arith.addi %add3A_115, %add3A_627 : vector<16xi32>
        tpu.vector_store_idx %arg7[%add3A_628], %gather3A_569 : memref<16384xf32, #tpu.memory_space<vmem>>[vector<16xi32>], vector<16xf32>,
        %add3A_629 = vector.broadcast %add3A_618 : i32 to vector<16xi32>
        %add3A_630 = arith.addi %add3A_119, %add3A_629 : vector<16xi32>
        tpu.vector_store_idx %arg7[%add3A_630], %gather3A_573 : memref<16384xf32, #tpu.memory_space<vmem>>[vector<16xi32>], vector<16xf32>,
        %add3A_631 = vector.broadcast %add3A_618 : i32 to vector<16xi32>
        %add3A_632 = arith.addi %add3A_123, %add3A_631 : vector<16xi32>
        tpu.vector_store_idx %arg7[%add3A_632], %gather3A_577 : memref<16384xf32, #tpu.memory_space<vmem>>[vector<16xi32>], vector<16xf32>,
        %add3A_633 = vector.broadcast %add3A_618 : i32 to vector<16xi32>
        %add3A_634 = arith.addi %add3A_127, %add3A_633 : vector<16xi32>
        tpu.vector_store_idx %arg7[%add3A_634], %gather3A_581 : memref<16384xf32, #tpu.memory_space<vmem>>[vector<16xi32>], vector<16xf32>,
        %add3A_635 = vector.broadcast %add3A_618 : i32 to vector<16xi32>
        %add3A_636 = arith.addi %add3A_131, %add3A_635 : vector<16xi32>
        tpu.vector_store_idx %arg7[%add3A_636], %gather3A_585 : memref<16384xf32, #tpu.memory_space<vmem>>[vector<16xi32>], vector<16xf32>,
        %add3A_637 = vector.broadcast %add3A_618 : i32 to vector<16xi32>
        %add3A_638 = arith.addi %add3A_135, %add3A_637 : vector<16xi32>
        tpu.vector_store_idx %arg7[%add3A_638], %gather3A_589 : memref<16384xf32, #tpu.memory_space<vmem>>[vector<16xi32>], vector<16xf32>,
        %add3A_639 = vector.broadcast %add3A_618 : i32 to vector<16xi32>
        %add3A_640 = arith.addi %add3A_139, %add3A_639 : vector<16xi32>
        tpu.vector_store_idx %arg7[%add3A_640], %gather3A_593 : memref<16384xf32, #tpu.memory_space<vmem>>[vector<16xi32>], vector<16xf32>,
        %add3A_641 = vector.broadcast %add3A_618 : i32 to vector<16xi32>
        %add3A_642 = arith.addi %add3A_143, %add3A_641 : vector<16xi32>
        tpu.vector_store_idx %arg7[%add3A_642], %gather3A_597 : memref<16384xf32, #tpu.memory_space<vmem>>[vector<16xi32>], vector<16xf32>,
        %add3A_643 = vector.broadcast %add3A_618 : i32 to vector<16xi32>
        %add3A_644 = arith.addi %add3A_147, %add3A_643 : vector<16xi32>
        tpu.vector_store_idx %arg7[%add3A_644], %gather3A_601 : memref<16384xf32, #tpu.memory_space<vmem>>[vector<16xi32>], vector<16xf32>,
        %add3A_645 = vector.broadcast %add3A_618 : i32 to vector<16xi32>
        %add3A_646 = arith.addi %add3A_151, %add3A_645 : vector<16xi32>
        tpu.vector_store_idx %arg7[%add3A_646], %gather3A_605 : memref<16384xf32, #tpu.memory_space<vmem>>[vector<16xi32>], vector<16xf32>,
        %add3A_647 = vector.broadcast %add3A_618 : i32 to vector<16xi32>
        %add3A_648 = arith.addi %add3A_155, %add3A_647 : vector<16xi32>
        tpu.vector_store_idx %arg7[%add3A_648], %gather3A_609 : memref<16384xf32, #tpu.memory_space<vmem>>[vector<16xi32>], vector<16xf32>,
        %add3A_649 = vector.broadcast %add3A_618 : i32 to vector<16xi32>
        %add3A_650 = arith.addi %add3A_159, %add3A_649 : vector<16xi32>
        tpu.vector_store_idx %arg7[%add3A_650], %gather3A_613 : memref<16384xf32, #tpu.memory_space<vmem>>[vector<16xi32>], vector<16xf32>,
        %add3A_651 = arith.constant 32 : i32
        %add3A_652 = vector.broadcast %add3A_651 : i32 to vector<16xi32>
        %add3A_653 = arith.addi %and3A_5, %add3A_652 : vector<16xi32>
        %gather3A_654 = tpu.vector_load_idx %arg6[%add3A_365, %add3A_449, %add3A_653] : memref<3x128x64xf32, #tpu.memory_space<vmem>>[vector<16xi32>, vector<16xi32>, vector<16xi32>], vector<16xf32>,
        %add3A_655 = arith.constant 32 : i32
        %add3A_656 = vector.broadcast %add3A_655 : i32 to vector<16xi32>
        %add3A_657 = arith.addi %and3A_11, %add3A_656 : vector<16xi32>
        %gather3A_658 = tpu.vector_load_idx %arg6[%add3A_365, %add3A_449, %add3A_657] : memref<3x128x64xf32, #tpu.memory_space<vmem>>[vector<16xi32>, vector<16xi32>, vector<16xi32>], vector<16xf32>,
        %add3A_659 = arith.constant 32 : i32
        %add3A_660 = vector.broadcast %add3A_659 : i32 to vector<16xi32>
        %add3A_661 = arith.addi %and3A_17, %add3A_660 : vector<16xi32>
        %gather3A_662 = tpu.vector_load_idx %arg6[%add3A_365, %add3A_449, %add3A_661] : memref<3x128x64xf32, #tpu.memory_space<vmem>>[vector<16xi32>, vector<16xi32>, vector<16xi32>], vector<16xf32>,
        %add3A_663 = arith.constant 32 : i32
        %add3A_664 = vector.broadcast %add3A_663 : i32 to vector<16xi32>
        %add3A_665 = arith.addi %and3A_23, %add3A_664 : vector<16xi32>
        %gather3A_666 = tpu.vector_load_idx %arg6[%add3A_365, %add3A_449, %add3A_665] : memref<3x128x64xf32, #tpu.memory_space<vmem>>[vector<16xi32>, vector<16xi32>, vector<16xi32>], vector<16xf32>,
        %add3A_667 = arith.constant 32 : i32
        %add3A_668 = vector.broadcast %add3A_667 : i32 to vector<16xi32>
        %add3A_669 = arith.addi %and3A_29, %add3A_668 : vector<16xi32>
        %gather3A_670 = tpu.vector_load_idx %arg6[%add3A_365, %add3A_449, %add3A_669] : memref<3x128x64xf32, #tpu.memory_space<vmem>>[vector<16xi32>, vector<16xi32>, vector<16xi32>], vector<16xf32>,
        %add3A_671 = arith.constant 32 : i32
        %add3A_672 = vector.broadcast %add3A_671 : i32 to vector<16xi32>
        %add3A_673 = arith.addi %and3A_35, %add3A_672 : vector<16xi32>
        %gather3A_674 = tpu.vector_load_idx %arg6[%add3A_365, %add3A_449, %add3A_673] : memref<3x128x64xf32, #tpu.memory_space<vmem>>[vector<16xi32>, vector<16xi32>, vector<16xi32>], vector<16xf32>,
        %add3A_675 = arith.constant 32 : i32
        %add3A_676 = vector.broadcast %add3A_675 : i32 to vector<16xi32>
        %add3A_677 = arith.addi %and3A_41, %add3A_676 : vector<16xi32>
        %gather3A_678 = tpu.vector_load_idx %arg6[%add3A_365, %add3A_449, %add3A_677] : memref<3x128x64xf32, #tpu.memory_space<vmem>>[vector<16xi32>, vector<16xi32>, vector<16xi32>], vector<16xf32>,
        %add3A_679 = arith.constant 32 : i32
        %add3A_680 = vector.broadcast %add3A_679 : i32 to vector<16xi32>
        %add3A_681 = arith.addi %and3A_47, %add3A_680 : vector<16xi32>
        %gather3A_682 = tpu.vector_load_idx %arg6[%add3A_365, %add3A_449, %add3A_681] : memref<3x128x64xf32, #tpu.memory_space<vmem>>[vector<16xi32>, vector<16xi32>, vector<16xi32>], vector<16xf32>,
        %add3A_683 = arith.constant 32 : i32
        %add3A_684 = vector.broadcast %add3A_683 : i32 to vector<16xi32>
        %add3A_685 = arith.addi %and3A_53, %add3A_684 : vector<16xi32>
        %gather3A_686 = tpu.vector_load_idx %arg6[%add3A_365, %add3A_449, %add3A_685] : memref<3x128x64xf32, #tpu.memory_space<vmem>>[vector<16xi32>, vector<16xi32>, vector<16xi32>], vector<16xf32>,
        %add3A_687 = arith.constant 32 : i32
        %add3A_688 = vector.broadcast %add3A_687 : i32 to vector<16xi32>
        %add3A_689 = arith.addi %and3A_59, %add3A_688 : vector<16xi32>
        %gather3A_690 = tpu.vector_load_idx %arg6[%add3A_365, %add3A_449, %add3A_689] : memref<3x128x64xf32, #tpu.memory_space<vmem>>[vector<16xi32>, vector<16xi32>, vector<16xi32>], vector<16xf32>,
        %add3A_691 = arith.constant 32 : i32
        %add3A_692 = vector.broadcast %add3A_691 : i32 to vector<16xi32>
        %add3A_693 = arith.addi %and3A_65, %add3A_692 : vector<16xi32>
        %gather3A_694 = tpu.vector_load_idx %arg6[%add3A_365, %add3A_449, %add3A_693] : memref<3x128x64xf32, #tpu.memory_space<vmem>>[vector<16xi32>, vector<16xi32>, vector<16xi32>], vector<16xf32>,
        %add3A_695 = arith.constant 32 : i32
        %add3A_696 = vector.broadcast %add3A_695 : i32 to vector<16xi32>
        %add3A_697 = arith.addi %and3A_71, %add3A_696 : vector<16xi32>
        %gather3A_698 = tpu.vector_load_idx %arg6[%add3A_365, %add3A_449, %add3A_697] : memref<3x128x64xf32, #tpu.memory_space<vmem>>[vector<16xi32>, vector<16xi32>, vector<16xi32>], vector<16xf32>,
        %add3A_699 = arith.constant 32 : i32
        %add3A_700 = vector.broadcast %add3A_699 : i32 to vector<16xi32>
        %add3A_701 = arith.addi %and3A_77, %add3A_700 : vector<16xi32>
        %gather3A_702 = tpu.vector_load_idx %arg6[%add3A_365, %add3A_449, %add3A_701] : memref<3x128x64xf32, #tpu.memory_space<vmem>>[vector<16xi32>, vector<16xi32>, vector<16xi32>], vector<16xf32>,
        %add3A_703 = arith.constant 32 : i32
        %add3A_704 = vector.broadcast %add3A_703 : i32 to vector<16xi32>
        %add3A_705 = arith.addi %and3A_83, %add3A_704 : vector<16xi32>
        %gather3A_706 = tpu.vector_load_idx %arg6[%add3A_365, %add3A_449, %add3A_705] : memref<3x128x64xf32, #tpu.memory_space<vmem>>[vector<16xi32>, vector<16xi32>, vector<16xi32>], vector<16xf32>,
        %add3A_707 = arith.constant 32 : i32
        %add3A_708 = vector.broadcast %add3A_707 : i32 to vector<16xi32>
        %add3A_709 = arith.addi %and3A_89, %add3A_708 : vector<16xi32>
        %gather3A_710 = tpu.vector_load_idx %arg6[%add3A_365, %add3A_449, %add3A_709] : memref<3x128x64xf32, #tpu.memory_space<vmem>>[vector<16xi32>, vector<16xi32>, vector<16xi32>], vector<16xf32>,
        %add3A_711 = arith.constant 32 : i32
        %add3A_712 = vector.broadcast %add3A_711 : i32 to vector<16xi32>
        %add3A_713 = arith.addi %and3A_95, %add3A_712 : vector<16xi32>
        %gather3A_714 = tpu.vector_load_idx %arg6[%add3A_365, %add3A_449, %add3A_713] : memref<3x128x64xf32, #tpu.memory_space<vmem>>[vector<16xi32>, vector<16xi32>, vector<16xi32>], vector<16xf32>,
        %add3A_715 = arith.constant 4096 : i32
        %add3A_716 = arith.addi %mul3A_360, %add3A_715 : i32
        %mul3A_717 = arith.constant 16 : i32
        %mul3A_718 = arith.muli %scan3A_445, %mul3A_717 : i32
        %add3A_719 = arith.addi %add3A_716, %mul3A_718 : i32
        %add3A_720 = vector.broadcast %add3A_719 : i32 to vector<16xi32>
        %add3A_721 = arith.addi %add3A_99, %add3A_720 : vector<16xi32>
        tpu.vector_store_idx %arg7[%add3A_721], %gather3A_654 : memref<16384xf32, #tpu.memory_space<vmem>>[vector<16xi32>], vector<16xf32>,
        %add3A_722 = vector.broadcast %add3A_719 : i32 to vector<16xi32>
        %add3A_723 = arith.addi %add3A_103, %add3A_722 : vector<16xi32>
        tpu.vector_store_idx %arg7[%add3A_723], %gather3A_658 : memref<16384xf32, #tpu.memory_space<vmem>>[vector<16xi32>], vector<16xf32>,
        %add3A_724 = vector.broadcast %add3A_719 : i32 to vector<16xi32>
        %add3A_725 = arith.addi %add3A_107, %add3A_724 : vector<16xi32>
        tpu.vector_store_idx %arg7[%add3A_725], %gather3A_662 : memref<16384xf32, #tpu.memory_space<vmem>>[vector<16xi32>], vector<16xf32>,
        %add3A_726 = vector.broadcast %add3A_719 : i32 to vector<16xi32>
        %add3A_727 = arith.addi %add3A_111, %add3A_726 : vector<16xi32>
        tpu.vector_store_idx %arg7[%add3A_727], %gather3A_666 : memref<16384xf32, #tpu.memory_space<vmem>>[vector<16xi32>], vector<16xf32>,
        %add3A_728 = vector.broadcast %add3A_719 : i32 to vector<16xi32>
        %add3A_729 = arith.addi %add3A_115, %add3A_728 : vector<16xi32>
        tpu.vector_store_idx %arg7[%add3A_729], %gather3A_670 : memref<16384xf32, #tpu.memory_space<vmem>>[vector<16xi32>], vector<16xf32>,
        %add3A_730 = vector.broadcast %add3A_719 : i32 to vector<16xi32>
        %add3A_731 = arith.addi %add3A_119, %add3A_730 : vector<16xi32>
        tpu.vector_store_idx %arg7[%add3A_731], %gather3A_674 : memref<16384xf32, #tpu.memory_space<vmem>>[vector<16xi32>], vector<16xf32>,
        %add3A_732 = vector.broadcast %add3A_719 : i32 to vector<16xi32>
        %add3A_733 = arith.addi %add3A_123, %add3A_732 : vector<16xi32>
        tpu.vector_store_idx %arg7[%add3A_733], %gather3A_678 : memref<16384xf32, #tpu.memory_space<vmem>>[vector<16xi32>], vector<16xf32>,
        %add3A_734 = vector.broadcast %add3A_719 : i32 to vector<16xi32>
        %add3A_735 = arith.addi %add3A_127, %add3A_734 : vector<16xi32>
        tpu.vector_store_idx %arg7[%add3A_735], %gather3A_682 : memref<16384xf32, #tpu.memory_space<vmem>>[vector<16xi32>], vector<16xf32>,
        %add3A_736 = vector.broadcast %add3A_719 : i32 to vector<16xi32>
        %add3A_737 = arith.addi %add3A_131, %add3A_736 : vector<16xi32>
        tpu.vector_store_idx %arg7[%add3A_737], %gather3A_686 : memref<16384xf32, #tpu.memory_space<vmem>>[vector<16xi32>], vector<16xf32>,
        %add3A_738 = vector.broadcast %add3A_719 : i32 to vector<16xi32>
        %add3A_739 = arith.addi %add3A_135, %add3A_738 : vector<16xi32>
        tpu.vector_store_idx %arg7[%add3A_739], %gather3A_690 : memref<16384xf32, #tpu.memory_space<vmem>>[vector<16xi32>], vector<16xf32>,
        %add3A_740 = vector.broadcast %add3A_719 : i32 to vector<16xi32>
        %add3A_741 = arith.addi %add3A_139, %add3A_740 : vector<16xi32>
        tpu.vector_store_idx %arg7[%add3A_741], %gather3A_694 : memref<16384xf32, #tpu.memory_space<vmem>>[vector<16xi32>], vector<16xf32>,
        %add3A_742 = vector.broadcast %add3A_719 : i32 to vector<16xi32>
        %add3A_743 = arith.addi %add3A_143, %add3A_742 : vector<16xi32>
        tpu.vector_store_idx %arg7[%add3A_743], %gather3A_698 : memref<16384xf32, #tpu.memory_space<vmem>>[vector<16xi32>], vector<16xf32>,
        %add3A_744 = vector.broadcast %add3A_719 : i32 to vector<16xi32>
        %add3A_745 = arith.addi %add3A_147, %add3A_744 : vector<16xi32>
        tpu.vector_store_idx %arg7[%add3A_745], %gather3A_702 : memref<16384xf32, #tpu.memory_space<vmem>>[vector<16xi32>], vector<16xf32>,
        %add3A_746 = vector.broadcast %add3A_719 : i32 to vector<16xi32>
        %add3A_747 = arith.addi %add3A_151, %add3A_746 : vector<16xi32>
        tpu.vector_store_idx %arg7[%add3A_747], %gather3A_706 : memref<16384xf32, #tpu.memory_space<vmem>>[vector<16xi32>], vector<16xf32>,
        %add3A_748 = vector.broadcast %add3A_719 : i32 to vector<16xi32>
        %add3A_749 = arith.addi %add3A_155, %add3A_748 : vector<16xi32>
        tpu.vector_store_idx %arg7[%add3A_749], %gather3A_710 : memref<16384xf32, #tpu.memory_space<vmem>>[vector<16xi32>], vector<16xf32>,
        %add3A_750 = vector.broadcast %add3A_719 : i32 to vector<16xi32>
        %add3A_751 = arith.addi %add3A_159, %add3A_750 : vector<16xi32>
        tpu.vector_store_idx %arg7[%add3A_751], %gather3A_714 : memref<16384xf32, #tpu.memory_space<vmem>>[vector<16xi32>], vector<16xf32>,
        %add3A_752 = arith.constant 48 : i32
        %add3A_753 = vector.broadcast %add3A_752 : i32 to vector<16xi32>
        %add3A_754 = arith.addi %and3A_5, %add3A_753 : vector<16xi32>
        %gather3A_755 = tpu.vector_load_idx %arg6[%add3A_365, %add3A_449, %add3A_754] : memref<3x128x64xf32, #tpu.memory_space<vmem>>[vector<16xi32>, vector<16xi32>, vector<16xi32>], vector<16xf32>,
        %add3A_756 = arith.constant 48 : i32
        %add3A_757 = vector.broadcast %add3A_756 : i32 to vector<16xi32>
        %add3A_758 = arith.addi %and3A_11, %add3A_757 : vector<16xi32>
        %gather3A_759 = tpu.vector_load_idx %arg6[%add3A_365, %add3A_449, %add3A_758] : memref<3x128x64xf32, #tpu.memory_space<vmem>>[vector<16xi32>, vector<16xi32>, vector<16xi32>], vector<16xf32>,
        %add3A_760 = arith.constant 48 : i32
        %add3A_761 = vector.broadcast %add3A_760 : i32 to vector<16xi32>
        %add3A_762 = arith.addi %and3A_17, %add3A_761 : vector<16xi32>
        %gather3A_763 = tpu.vector_load_idx %arg6[%add3A_365, %add3A_449, %add3A_762] : memref<3x128x64xf32, #tpu.memory_space<vmem>>[vector<16xi32>, vector<16xi32>, vector<16xi32>], vector<16xf32>,
        %add3A_764 = arith.constant 48 : i32
        %add3A_765 = vector.broadcast %add3A_764 : i32 to vector<16xi32>
        %add3A_766 = arith.addi %and3A_23, %add3A_765 : vector<16xi32>
        %gather3A_767 = tpu.vector_load_idx %arg6[%add3A_365, %add3A_449, %add3A_766] : memref<3x128x64xf32, #tpu.memory_space<vmem>>[vector<16xi32>, vector<16xi32>, vector<16xi32>], vector<16xf32>,
        %add3A_768 = arith.constant 48 : i32
        %add3A_769 = vector.broadcast %add3A_768 : i32 to vector<16xi32>
        %add3A_770 = arith.addi %and3A_29, %add3A_769 : vector<16xi32>
        %gather3A_771 = tpu.vector_load_idx %arg6[%add3A_365, %add3A_449, %add3A_770] : memref<3x128x64xf32, #tpu.memory_space<vmem>>[vector<16xi32>, vector<16xi32>, vector<16xi32>], vector<16xf32>,
        %add3A_772 = arith.constant 48 : i32
        %add3A_773 = vector.broadcast %add3A_772 : i32 to vector<16xi32>
        %add3A_774 = arith.addi %and3A_35, %add3A_773 : vector<16xi32>
        %gather3A_775 = tpu.vector_load_idx %arg6[%add3A_365, %add3A_449, %add3A_774] : memref<3x128x64xf32, #tpu.memory_space<vmem>>[vector<16xi32>, vector<16xi32>, vector<16xi32>], vector<16xf32>,
        %add3A_776 = arith.constant 48 : i32
        %add3A_777 = vector.broadcast %add3A_776 : i32 to vector<16xi32>
        %add3A_778 = arith.addi %and3A_41, %add3A_777 : vector<16xi32>
        %gather3A_779 = tpu.vector_load_idx %arg6[%add3A_365, %add3A_449, %add3A_778] : memref<3x128x64xf32, #tpu.memory_space<vmem>>[vector<16xi32>, vector<16xi32>, vector<16xi32>], vector<16xf32>,
        %add3A_780 = arith.constant 48 : i32
        %add3A_781 = vector.broadcast %add3A_780 : i32 to vector<16xi32>
        %add3A_782 = arith.addi %and3A_47, %add3A_781 : vector<16xi32>
        %gather3A_783 = tpu.vector_load_idx %arg6[%add3A_365, %add3A_449, %add3A_782] : memref<3x128x64xf32, #tpu.memory_space<vmem>>[vector<16xi32>, vector<16xi32>, vector<16xi32>], vector<16xf32>,
        %add3A_784 = arith.constant 48 : i32
        %add3A_785 = vector.broadcast %add3A_784 : i32 to vector<16xi32>
        %add3A_786 = arith.addi %and3A_53, %add3A_785 : vector<16xi32>
        %gather3A_787 = tpu.vector_load_idx %arg6[%add3A_365, %add3A_449, %add3A_786] : memref<3x128x64xf32, #tpu.memory_space<vmem>>[vector<16xi32>, vector<16xi32>, vector<16xi32>], vector<16xf32>,
        %add3A_788 = arith.constant 48 : i32
        %add3A_789 = vector.broadcast %add3A_788 : i32 to vector<16xi32>
        %add3A_790 = arith.addi %and3A_59, %add3A_789 : vector<16xi32>
        %gather3A_791 = tpu.vector_load_idx %arg6[%add3A_365, %add3A_449, %add3A_790] : memref<3x128x64xf32, #tpu.memory_space<vmem>>[vector<16xi32>, vector<16xi32>, vector<16xi32>], vector<16xf32>,
        %add3A_792 = arith.constant 48 : i32
        %add3A_793 = vector.broadcast %add3A_792 : i32 to vector<16xi32>
        %add3A_794 = arith.addi %and3A_65, %add3A_793 : vector<16xi32>
        %gather3A_795 = tpu.vector_load_idx %arg6[%add3A_365, %add3A_449, %add3A_794] : memref<3x128x64xf32, #tpu.memory_space<vmem>>[vector<16xi32>, vector<16xi32>, vector<16xi32>], vector<16xf32>,
        %add3A_796 = arith.constant 48 : i32
        %add3A_797 = vector.broadcast %add3A_796 : i32 to vector<16xi32>
        %add3A_798 = arith.addi %and3A_71, %add3A_797 : vector<16xi32>
        %gather3A_799 = tpu.vector_load_idx %arg6[%add3A_365, %add3A_449, %add3A_798] : memref<3x128x64xf32, #tpu.memory_space<vmem>>[vector<16xi32>, vector<16xi32>, vector<16xi32>], vector<16xf32>,
        %add3A_800 = arith.constant 48 : i32
        %add3A_801 = vector.broadcast %add3A_800 : i32 to vector<16xi32>
        %add3A_802 = arith.addi %and3A_77, %add3A_801 : vector<16xi32>
        %gather3A_803 = tpu.vector_load_idx %arg6[%add3A_365, %add3A_449, %add3A_802] : memref<3x128x64xf32, #tpu.memory_space<vmem>>[vector<16xi32>, vector<16xi32>, vector<16xi32>], vector<16xf32>,
        %add3A_804 = arith.constant 48 : i32
        %add3A_805 = vector.broadcast %add3A_804 : i32 to vector<16xi32>
        %add3A_806 = arith.addi %and3A_83, %add3A_805 : vector<16xi32>
        %gather3A_807 = tpu.vector_load_idx %arg6[%add3A_365, %add3A_449, %add3A_806] : memref<3x128x64xf32, #tpu.memory_space<vmem>>[vector<16xi32>, vector<16xi32>, vector<16xi32>], vector<16xf32>,
        %add3A_808 = arith.constant 48 : i32
        %add3A_809 = vector.broadcast %add3A_808 : i32 to vector<16xi32>
        %add3A_810 = arith.addi %and3A_89, %add3A_809 : vector<16xi32>
        %gather3A_811 = tpu.vector_load_idx %arg6[%add3A_365, %add3A_449, %add3A_810] : memref<3x128x64xf32, #tpu.memory_space<vmem>>[vector<16xi32>, vector<16xi32>, vector<16xi32>], vector<16xf32>,
        %add3A_812 = arith.constant 48 : i32
        %add3A_813 = vector.broadcast %add3A_812 : i32 to vector<16xi32>
        %add3A_814 = arith.addi %and3A_95, %add3A_813 : vector<16xi32>
        %gather3A_815 = tpu.vector_load_idx %arg6[%add3A_365, %add3A_449, %add3A_814] : memref<3x128x64xf32, #tpu.memory_space<vmem>>[vector<16xi32>, vector<16xi32>, vector<16xi32>], vector<16xf32>,
        %add3A_816 = arith.constant 6144 : i32
        %add3A_817 = arith.addi %mul3A_360, %add3A_816 : i32
        %mul3A_818 = arith.constant 16 : i32
        %mul3A_819 = arith.muli %scan3A_445, %mul3A_818 : i32
        %add3A_820 = arith.addi %add3A_817, %mul3A_819 : i32
        %add3A_821 = vector.broadcast %add3A_820 : i32 to vector<16xi32>
        %add3A_822 = arith.addi %add3A_99, %add3A_821 : vector<16xi32>
        tpu.vector_store_idx %arg7[%add3A_822], %gather3A_755 : memref<16384xf32, #tpu.memory_space<vmem>>[vector<16xi32>], vector<16xf32>,
        %add3A_823 = vector.broadcast %add3A_820 : i32 to vector<16xi32>
        %add3A_824 = arith.addi %add3A_103, %add3A_823 : vector<16xi32>
        tpu.vector_store_idx %arg7[%add3A_824], %gather3A_759 : memref<16384xf32, #tpu.memory_space<vmem>>[vector<16xi32>], vector<16xf32>,
        %add3A_825 = vector.broadcast %add3A_820 : i32 to vector<16xi32>
        %add3A_826 = arith.addi %add3A_107, %add3A_825 : vector<16xi32>
        tpu.vector_store_idx %arg7[%add3A_826], %gather3A_763 : memref<16384xf32, #tpu.memory_space<vmem>>[vector<16xi32>], vector<16xf32>,
        %add3A_827 = vector.broadcast %add3A_820 : i32 to vector<16xi32>
        %add3A_828 = arith.addi %add3A_111, %add3A_827 : vector<16xi32>
        tpu.vector_store_idx %arg7[%add3A_828], %gather3A_767 : memref<16384xf32, #tpu.memory_space<vmem>>[vector<16xi32>], vector<16xf32>,
        %add3A_829 = vector.broadcast %add3A_820 : i32 to vector<16xi32>
        %add3A_830 = arith.addi %add3A_115, %add3A_829 : vector<16xi32>
        tpu.vector_store_idx %arg7[%add3A_830], %gather3A_771 : memref<16384xf32, #tpu.memory_space<vmem>>[vector<16xi32>], vector<16xf32>,
        %add3A_831 = vector.broadcast %add3A_820 : i32 to vector<16xi32>
        %add3A_832 = arith.addi %add3A_119, %add3A_831 : vector<16xi32>
        tpu.vector_store_idx %arg7[%add3A_832], %gather3A_775 : memref<16384xf32, #tpu.memory_space<vmem>>[vector<16xi32>], vector<16xf32>,
        %add3A_833 = vector.broadcast %add3A_820 : i32 to vector<16xi32>
        %add3A_834 = arith.addi %add3A_123, %add3A_833 : vector<16xi32>
        tpu.vector_store_idx %arg7[%add3A_834], %gather3A_779 : memref<16384xf32, #tpu.memory_space<vmem>>[vector<16xi32>], vector<16xf32>,
        %add3A_835 = vector.broadcast %add3A_820 : i32 to vector<16xi32>
        %add3A_836 = arith.addi %add3A_127, %add3A_835 : vector<16xi32>
        tpu.vector_store_idx %arg7[%add3A_836], %gather3A_783 : memref<16384xf32, #tpu.memory_space<vmem>>[vector<16xi32>], vector<16xf32>,
        %add3A_837 = vector.broadcast %add3A_820 : i32 to vector<16xi32>
        %add3A_838 = arith.addi %add3A_131, %add3A_837 : vector<16xi32>
        tpu.vector_store_idx %arg7[%add3A_838], %gather3A_787 : memref<16384xf32, #tpu.memory_space<vmem>>[vector<16xi32>], vector<16xf32>,
        %add3A_839 = vector.broadcast %add3A_820 : i32 to vector<16xi32>
        %add3A_840 = arith.addi %add3A_135, %add3A_839 : vector<16xi32>
        tpu.vector_store_idx %arg7[%add3A_840], %gather3A_791 : memref<16384xf32, #tpu.memory_space<vmem>>[vector<16xi32>], vector<16xf32>,
        %add3A_841 = vector.broadcast %add3A_820 : i32 to vector<16xi32>
        %add3A_842 = arith.addi %add3A_139, %add3A_841 : vector<16xi32>
        tpu.vector_store_idx %arg7[%add3A_842], %gather3A_795 : memref<16384xf32, #tpu.memory_space<vmem>>[vector<16xi32>], vector<16xf32>,
        %add3A_843 = vector.broadcast %add3A_820 : i32 to vector<16xi32>
        %add3A_844 = arith.addi %add3A_143, %add3A_843 : vector<16xi32>
        tpu.vector_store_idx %arg7[%add3A_844], %gather3A_799 : memref<16384xf32, #tpu.memory_space<vmem>>[vector<16xi32>], vector<16xf32>,
        %add3A_845 = vector.broadcast %add3A_820 : i32 to vector<16xi32>
        %add3A_846 = arith.addi %add3A_147, %add3A_845 : vector<16xi32>
        tpu.vector_store_idx %arg7[%add3A_846], %gather3A_803 : memref<16384xf32, #tpu.memory_space<vmem>>[vector<16xi32>], vector<16xf32>,
        %add3A_847 = vector.broadcast %add3A_820 : i32 to vector<16xi32>
        %add3A_848 = arith.addi %add3A_151, %add3A_847 : vector<16xi32>
        tpu.vector_store_idx %arg7[%add3A_848], %gather3A_807 : memref<16384xf32, #tpu.memory_space<vmem>>[vector<16xi32>], vector<16xf32>,
        %add3A_849 = vector.broadcast %add3A_820 : i32 to vector<16xi32>
        %add3A_850 = arith.addi %add3A_155, %add3A_849 : vector<16xi32>
        tpu.vector_store_idx %arg7[%add3A_850], %gather3A_811 : memref<16384xf32, #tpu.memory_space<vmem>>[vector<16xi32>], vector<16xf32>,
        %add3A_851 = vector.broadcast %add3A_820 : i32 to vector<16xi32>
        %add3A_852 = arith.addi %add3A_159, %add3A_851 : vector<16xi32>
        tpu.vector_store_idx %arg7[%add3A_852], %gather3A_815 : memref<16384xf32, #tpu.memory_space<vmem>>[vector<16xi32>], vector<16xf32>,
      }
      %scan3A_370 = arith.constant 8 : i32
      %mul3A_371 = arith.constant 8192 : i32
      %mul3A_372 = arith.muli %rem3A_340, %mul3A_371 : i32
      %multiple_of3A_373 = tpu.assume_multiple %mul3A_372, 8192 : i32
      %mul3A_374 = arith.constant 262144 : i32
      %mul3A_375 = arith.muli %scan3A_336, %mul3A_374 : i32
      %mul3A_376 = arith.constant 128 : i32
      %mul3A_377 = arith.muli %add3A, %mul3A_376 : i32
      %mul3A_378 = arith.constant 8 : i32
      %mul3A_379 = arith.muli %mul3A_377, %mul3A_378 : i32
      %add3A_380 = arith.addi %mul3A_375, %mul3A_379 : i32
      %add3A_381 = arith.constant 0 : i32
      %add3A_382 = arith.addi %multiple_of3A_373, %add3A_381 : i32
      %add3A_383 = arith.constant 0 : i32
      %add3A_384 = arith.addi %add3A_380, %add3A_383 : i32
      %add3A_385 = arith.constant 1024 : i32
      %add3A_386 = arith.addi %multiple_of3A_373, %add3A_385 : i32
      %add3A_387 = arith.constant 32768 : i32
      %add3A_388 = arith.addi %add3A_380, %add3A_387 : i32
      %add3A_389 = arith.constant 2048 : i32
      %add3A_390 = arith.addi %multiple_of3A_373, %add3A_389 : i32
      %add3A_391 = arith.constant 65536 : i32
      %add3A_392 = arith.addi %add3A_380, %add3A_391 : i32
      %add3A_393 = arith.constant 3072 : i32
      %add3A_394 = arith.addi %multiple_of3A_373, %add3A_393 : i32
      %add3A_395 = arith.constant 98304 : i32
      %add3A_396 = arith.addi %add3A_380, %add3A_395 : i32
      %add3A_397 = arith.constant 4096 : i32
      %add3A_398 = arith.addi %multiple_of3A_373, %add3A_397 : i32
      %add3A_399 = arith.constant 131072 : i32
      %add3A_400 = arith.addi %add3A_380, %add3A_399 : i32
      %add3A_401 = arith.constant 5120 : i32
      %add3A_402 = arith.addi %multiple_of3A_373, %add3A_401 : i32
      %add3A_403 = arith.constant 163840 : i32
      %add3A_404 = arith.addi %add3A_380, %add3A_403 : i32
      %add3A_405 = arith.constant 6144 : i32
      %add3A_406 = arith.addi %multiple_of3A_373, %add3A_405 : i32
      %add3A_407 = arith.constant 196608 : i32
      %add3A_408 = arith.addi %add3A_380, %add3A_407 : i32
      %add3A_409 = arith.constant 7168 : i32
      %add3A_410 = arith.addi %multiple_of3A_373, %add3A_409 : i32
      %add3A_411 = arith.constant 229376 : i32
      %add3A_412 = arith.addi %add3A_380, %add3A_411 : i32
      %dma_start3A_413 = tpu.memref_slice %arg7[%add3A_382] : memref<16384xf32, #tpu.memory_space<vmem>> -> memref<1024xf32, #tpu.memory_space<vmem>>
      %dma_start3A_414 = tpu.memref_slice %arg4[%add3A_384] : memref<13107200xf32, #tpu.memory_space<hbm>> -> memref<1024xf32, #tpu.memory_space<hbm>>
      %dma_start3A_415 = tpu.memref_slice %arg4[%add3A_384] : memref<13107200xf32, #tpu.memory_space<hbm>> -> memref<1024xf32, #tpu.memory_space<hbm>>
      %dma_start3A_416 = tpu.memref_slice %arg7[%add3A_382] : memref<16384xf32, #tpu.memory_space<vmem>> -> memref<1024xf32, #tpu.memory_space<vmem>>
      tpu.enqueue_dma source(%dma_start3A_416 : memref<1024xf32, #tpu.memory_space<vmem>>) target(%dma_start3A_415 : memref<1024xf32, #tpu.memory_space<hbm>>) target_semaphore(%arg9 : memref<!tpu.dma_semaphore, #tpu.memory_space<semaphore_mem>>)
      %dma_start3A_417 = tpu.memref_slice %arg7[%add3A_386] : memref<16384xf32, #tpu.memory_space<vmem>> -> memref<1024xf32, #tpu.memory_space<vmem>>
      %dma_start3A_418 = tpu.memref_slice %arg4[%add3A_388] : memref<13107200xf32, #tpu.memory_space<hbm>> -> memref<1024xf32, #tpu.memory_space<hbm>>
      %dma_start3A_419 = tpu.memref_slice %arg4[%add3A_388] : memref<13107200xf32, #tpu.memory_space<hbm>> -> memref<1024xf32, #tpu.memory_space<hbm>>
      %dma_start3A_420 = tpu.memref_slice %arg7[%add3A_386] : memref<16384xf32, #tpu.memory_space<vmem>> -> memref<1024xf32, #tpu.memory_space<vmem>>
      tpu.enqueue_dma source(%dma_start3A_420 : memref<1024xf32, #tpu.memory_space<vmem>>) target(%dma_start3A_419 : memref<1024xf32, #tpu.memory_space<hbm>>) target_semaphore(%arg9 : memref<!tpu.dma_semaphore, #tpu.memory_space<semaphore_mem>>)
      %dma_start3A_421 = tpu.memref_slice %arg7[%add3A_390] : memref<16384xf32, #tpu.memory_space<vmem>> -> memref<1024xf32, #tpu.memory_space<vmem>>
      %dma_start3A_422 = tpu.memref_slice %arg4[%add3A_392] : memref<13107200xf32, #tpu.memory_space<hbm>> -> memref<1024xf32, #tpu.memory_space<hbm>>
      %dma_start3A_423 = tpu.memref_slice %arg4[%add3A_392] : memref<13107200xf32, #tpu.memory_space<hbm>> -> memref<1024xf32, #tpu.memory_space<hbm>>
      %dma_start3A_424 = tpu.memref_slice %arg7[%add3A_390] : memref<16384xf32, #tpu.memory_space<vmem>> -> memref<1024xf32, #tpu.memory_space<vmem>>
      tpu.enqueue_dma source(%dma_start3A_424 : memref<1024xf32, #tpu.memory_space<vmem>>) target(%dma_start3A_423 : memref<1024xf32, #tpu.memory_space<hbm>>) target_semaphore(%arg9 : memref<!tpu.dma_semaphore, #tpu.memory_space<semaphore_mem>>)
      %dma_start3A_425 = tpu.memref_slice %arg7[%add3A_394] : memref<16384xf32, #tpu.memory_space<vmem>> -> memref<1024xf32, #tpu.memory_space<vmem>>
      %dma_start3A_426 = tpu.memref_slice %arg4[%add3A_396] : memref<13107200xf32, #tpu.memory_space<hbm>> -> memref<1024xf32, #tpu.memory_space<hbm>>
      %dma_start3A_427 = tpu.memref_slice %arg4[%add3A_396] : memref<13107200xf32, #tpu.memory_space<hbm>> -> memref<1024xf32, #tpu.memory_space<hbm>>
      %dma_start3A_428 = tpu.memref_slice %arg7[%add3A_394] : memref<16384xf32, #tpu.memory_space<vmem>> -> memref<1024xf32, #tpu.memory_space<vmem>>
      tpu.enqueue_dma source(%dma_start3A_428 : memref<1024xf32, #tpu.memory_space<vmem>>) target(%dma_start3A_427 : memref<1024xf32, #tpu.memory_space<hbm>>) target_semaphore(%arg9 : memref<!tpu.dma_semaphore, #tpu.memory_space<semaphore_mem>>)
      %dma_start3A_429 = tpu.memref_slice %arg7[%add3A_398] : memref<16384xf32, #tpu.memory_space<vmem>> -> memref<1024xf32, #tpu.memory_space<vmem>>
      %dma_start3A_430 = tpu.memref_slice %arg4[%add3A_400] : memref<13107200xf32, #tpu.memory_space<hbm>> -> memref<1024xf32, #tpu.memory_space<hbm>>
      %dma_start3A_431 = tpu.memref_slice %arg4[%add3A_400] : memref<13107200xf32, #tpu.memory_space<hbm>> -> memref<1024xf32, #tpu.memory_space<hbm>>
      %dma_start3A_432 = tpu.memref_slice %arg7[%add3A_398] : memref<16384xf32, #tpu.memory_space<vmem>> -> memref<1024xf32, #tpu.memory_space<vmem>>
      tpu.enqueue_dma source(%dma_start3A_432 : memref<1024xf32, #tpu.memory_space<vmem>>) target(%dma_start3A_431 : memref<1024xf32, #tpu.memory_space<hbm>>) target_semaphore(%arg9 : memref<!tpu.dma_semaphore, #tpu.memory_space<semaphore_mem>>)
      %dma_start3A_433 = tpu.memref_slice %arg7[%add3A_402] : memref<16384xf32, #tpu.memory_space<vmem>> -> memref<1024xf32, #tpu.memory_space<vmem>>
      %dma_start3A_434 = tpu.memref_slice %arg4[%add3A_404] : memref<13107200xf32, #tpu.memory_space<hbm>> -> memref<1024xf32, #tpu.memory_space<hbm>>
      %dma_start3A_435 = tpu.memref_slice %arg4[%add3A_404] : memref<13107200xf32, #tpu.memory_space<hbm>> -> memref<1024xf32, #tpu.memory_space<hbm>>
      %dma_start3A_436 = tpu.memref_slice %arg7[%add3A_402] : memref<16384xf32, #tpu.memory_space<vmem>> -> memref<1024xf32, #tpu.memory_space<vmem>>
      tpu.enqueue_dma source(%dma_start3A_436 : memref<1024xf32, #tpu.memory_space<vmem>>) target(%dma_start3A_435 : memref<1024xf32, #tpu.memory_space<hbm>>) target_semaphore(%arg9 : memref<!tpu.dma_semaphore, #tpu.memory_space<semaphore_mem>>)
      %dma_start3A_437 = tpu.memref_slice %arg7[%add3A_406] : memref<16384xf32, #tpu.memory_space<vmem>> -> memref<1024xf32, #tpu.memory_space<vmem>>
      %dma_start3A_438 = tpu.memref_slice %arg4[%add3A_408] : memref<13107200xf32, #tpu.memory_space<hbm>> -> memref<1024xf32, #tpu.memory_space<hbm>>
      %dma_start3A_439 = tpu.memref_slice %arg4[%add3A_408] : memref<13107200xf32, #tpu.memory_space<hbm>> -> memref<1024xf32, #tpu.memory_space<hbm>>
      %dma_start3A_440 = tpu.memref_slice %arg7[%add3A_406] : memref<16384xf32, #tpu.memory_space<vmem>> -> memref<1024xf32, #tpu.memory_space<vmem>>
      tpu.enqueue_dma source(%dma_start3A_440 : memref<1024xf32, #tpu.memory_space<vmem>>) target(%dma_start3A_439 : memref<1024xf32, #tpu.memory_space<hbm>>) target_semaphore(%arg9 : memref<!tpu.dma_semaphore, #tpu.memory_space<semaphore_mem>>)
      %dma_start3A_441 = tpu.memref_slice %arg7[%add3A_410] : memref<16384xf32, #tpu.memory_space<vmem>> -> memref<1024xf32, #tpu.memory_space<vmem>>
      %dma_start3A_442 = tpu.memref_slice %arg4[%add3A_412] : memref<13107200xf32, #tpu.memory_space<hbm>> -> memref<1024xf32, #tpu.memory_space<hbm>>
      %dma_start3A_443 = tpu.memref_slice %arg4[%add3A_412] : memref<13107200xf32, #tpu.memory_space<hbm>> -> memref<1024xf32, #tpu.memory_space<hbm>>
      %dma_start3A_444 = tpu.memref_slice %arg7[%add3A_410] : memref<16384xf32, #tpu.memory_space<vmem>> -> memref<1024xf32, #tpu.memory_space<vmem>>
      tpu.enqueue_dma source(%dma_start3A_444 : memref<1024xf32, #tpu.memory_space<vmem>>) target(%dma_start3A_443 : memref<1024xf32, #tpu.memory_space<hbm>>) target_semaphore(%arg9 : memref<!tpu.dma_semaphore, #tpu.memory_space<semaphore_mem>>)
    }
    %scan3A_186 = arith.constant 50 : i32
    %rem3A = arith.constant 48 : i32
    %rem3A_187 = arith.constant 2 : i32
    %rem3A_188 = arith.remsi %rem3A, %rem3A_187 : i32
    %mul3A_189 = arith.constant 8192 : i32
    %mul3A_190 = arith.muli %rem3A_188, %mul3A_189 : i32
    %multiple_of3A = tpu.assume_multiple %mul3A_190, 8192 : i32
    %mul3A_191 = arith.constant 128 : i32
    %mul3A_192 = arith.muli %add3A, %mul3A_191 : i32
    %mul3A_193 = arith.constant 8 : i32
    %mul3A_194 = arith.muli %mul3A_192, %mul3A_193 : i32
    %add3A_195 = arith.constant 12582912 : i32
    %add3A_196 = arith.addi %add3A_195, %mul3A_194 : i32
    %add3A_197 = arith.constant 0 : i32
    %add3A_198 = arith.addi %multiple_of3A, %add3A_197 : i32
    %add3A_199 = arith.constant 0 : i32
    %add3A_200 = arith.addi %add3A_196, %add3A_199 : i32
    %add3A_201 = arith.constant 1024 : i32
    %add3A_202 = arith.addi %multiple_of3A, %add3A_201 : i32
    %add3A_203 = arith.constant 32768 : i32
    %add3A_204 = arith.addi %add3A_196, %add3A_203 : i32
    %add3A_205 = arith.constant 2048 : i32
    %add3A_206 = arith.addi %multiple_of3A, %add3A_205 : i32
    %add3A_207 = arith.constant 65536 : i32
    %add3A_208 = arith.addi %add3A_196, %add3A_207 : i32
    %add3A_209 = arith.constant 3072 : i32
    %add3A_210 = arith.addi %multiple_of3A, %add3A_209 : i32
    %add3A_211 = arith.constant 98304 : i32
    %add3A_212 = arith.addi %add3A_196, %add3A_211 : i32
    %add3A_213 = arith.constant 4096 : i32
    %add3A_214 = arith.addi %multiple_of3A, %add3A_213 : i32
    %add3A_215 = arith.constant 131072 : i32
    %add3A_216 = arith.addi %add3A_196, %add3A_215 : i32
    %add3A_217 = arith.constant 5120 : i32
    %add3A_218 = arith.addi %multiple_of3A, %add3A_217 : i32
    %add3A_219 = arith.constant 163840 : i32
    %add3A_220 = arith.addi %add3A_196, %add3A_219 : i32
    %add3A_221 = arith.constant 6144 : i32
    %add3A_222 = arith.addi %multiple_of3A, %add3A_221 : i32
    %add3A_223 = arith.constant 196608 : i32
    %add3A_224 = arith.addi %add3A_196, %add3A_223 : i32
    %add3A_225 = arith.constant 7168 : i32
    %add3A_226 = arith.addi %multiple_of3A, %add3A_225 : i32
    %add3A_227 = arith.constant 229376 : i32
    %add3A_228 = arith.addi %add3A_196, %add3A_227 : i32
    %dma_wait3A = tpu.memref_slice %arg7[%add3A_198] : memref<16384xf32, #tpu.memory_space<vmem>> -> memref<1024xf32, #tpu.memory_space<vmem>>
    %dma_wait3A_229 = tpu.memref_slice %arg4[%add3A_200] : memref<13107200xf32, #tpu.memory_space<hbm>> -> memref<1024xf32, #tpu.memory_space<hbm>>
    %dma_wait3A_230 = tpu.memref_slice %arg4[%add3A_200] : memref<13107200xf32, #tpu.memory_space<hbm>> -> memref<1024xf32, #tpu.memory_space<hbm>>
    %dma_wait3A_231 = tpu.memref_slice %arg7[%add3A_198] : memref<16384xf32, #tpu.memory_space<vmem>> -> memref<1024xf32, #tpu.memory_space<vmem>>
    tpu.wait_dma2 semaphore(%arg9 : memref<!tpu.dma_semaphore, #tpu.memory_space<semaphore_mem>>) src(%dma_wait3A_231 : memref<1024xf32, #tpu.memory_space<vmem>>) dst(%dma_wait3A_230 : memref<1024xf32, #tpu.memory_space<hbm>>)
    %dma_wait3A_232 = tpu.memref_slice %arg7[%add3A_202] : memref<16384xf32, #tpu.memory_space<vmem>> -> memref<1024xf32, #tpu.memory_space<vmem>>
    %dma_wait3A_233 = tpu.memref_slice %arg4[%add3A_204] : memref<13107200xf32, #tpu.memory_space<hbm>> -> memref<1024xf32, #tpu.memory_space<hbm>>
    %dma_wait3A_234 = tpu.memref_slice %arg4[%add3A_204] : memref<13107200xf32, #tpu.memory_space<hbm>> -> memref<1024xf32, #tpu.memory_space<hbm>>
    %dma_wait3A_235 = tpu.memref_slice %arg7[%add3A_202] : memref<16384xf32, #tpu.memory_space<vmem>> -> memref<1024xf32, #tpu.memory_space<vmem>>
    tpu.wait_dma2 semaphore(%arg9 : memref<!tpu.dma_semaphore, #tpu.memory_space<semaphore_mem>>) src(%dma_wait3A_235 : memref<1024xf32, #tpu.memory_space<vmem>>) dst(%dma_wait3A_234 : memref<1024xf32, #tpu.memory_space<hbm>>)
    %dma_wait3A_236 = tpu.memref_slice %arg7[%add3A_206] : memref<16384xf32, #tpu.memory_space<vmem>> -> memref<1024xf32, #tpu.memory_space<vmem>>
    %dma_wait3A_237 = tpu.memref_slice %arg4[%add3A_208] : memref<13107200xf32, #tpu.memory_space<hbm>> -> memref<1024xf32, #tpu.memory_space<hbm>>
    %dma_wait3A_238 = tpu.memref_slice %arg4[%add3A_208] : memref<13107200xf32, #tpu.memory_space<hbm>> -> memref<1024xf32, #tpu.memory_space<hbm>>
    %dma_wait3A_239 = tpu.memref_slice %arg7[%add3A_206] : memref<16384xf32, #tpu.memory_space<vmem>> -> memref<1024xf32, #tpu.memory_space<vmem>>
    tpu.wait_dma2 semaphore(%arg9 : memref<!tpu.dma_semaphore, #tpu.memory_space<semaphore_mem>>) src(%dma_wait3A_239 : memref<1024xf32, #tpu.memory_space<vmem>>) dst(%dma_wait3A_238 : memref<1024xf32, #tpu.memory_space<hbm>>)
    %dma_wait3A_240 = tpu.memref_slice %arg7[%add3A_210] : memref<16384xf32, #tpu.memory_space<vmem>> -> memref<1024xf32, #tpu.memory_space<vmem>>
    %dma_wait3A_241 = tpu.memref_slice %arg4[%add3A_212] : memref<13107200xf32, #tpu.memory_space<hbm>> -> memref<1024xf32, #tpu.memory_space<hbm>>
    %dma_wait3A_242 = tpu.memref_slice %arg4[%add3A_212] : memref<13107200xf32, #tpu.memory_space<hbm>> -> memref<1024xf32, #tpu.memory_space<hbm>>
    %dma_wait3A_243 = tpu.memref_slice %arg7[%add3A_210] : memref<16384xf32, #tpu.memory_space<vmem>> -> memref<1024xf32, #tpu.memory_space<vmem>>
    tpu.wait_dma2 semaphore(%arg9 : memref<!tpu.dma_semaphore, #tpu.memory_space<semaphore_mem>>) src(%dma_wait3A_243 : memref<1024xf32, #tpu.memory_space<vmem>>) dst(%dma_wait3A_242 : memref<1024xf32, #tpu.memory_space<hbm>>)
    %dma_wait3A_244 = tpu.memref_slice %arg7[%add3A_214] : memref<16384xf32, #tpu.memory_space<vmem>> -> memref<1024xf32, #tpu.memory_space<vmem>>
    %dma_wait3A_245 = tpu.memref_slice %arg4[%add3A_216] : memref<13107200xf32, #tpu.memory_space<hbm>> -> memref<1024xf32, #tpu.memory_space<hbm>>
    %dma_wait3A_246 = tpu.memref_slice %arg4[%add3A_216] : memref<13107200xf32, #tpu.memory_space<hbm>> -> memref<1024xf32, #tpu.memory_space<hbm>>
    %dma_wait3A_247 = tpu.memref_slice %arg7[%add3A_214] : memref<16384xf32, #tpu.memory_space<vmem>> -> memref<1024xf32, #tpu.memory_space<vmem>>
    tpu.wait_dma2 semaphore(%arg9 : memref<!tpu.dma_semaphore, #tpu.memory_space<semaphore_mem>>) src(%dma_wait3A_247 : memref<1024xf32, #tpu.memory_space<vmem>>) dst(%dma_wait3A_246 : memref<1024xf32, #tpu.memory_space<hbm>>)
    %dma_wait3A_248 = tpu.memref_slice %arg7[%add3A_218] : memref<16384xf32, #tpu.memory_space<vmem>> -> memref<1024xf32, #tpu.memory_space<vmem>>
    %dma_wait3A_249 = tpu.memref_slice %arg4[%add3A_220] : memref<13107200xf32, #tpu.memory_space<hbm>> -> memref<1024xf32, #tpu.memory_space<hbm>>
    %dma_wait3A_250 = tpu.memref_slice %arg4[%add3A_220] : memref<13107200xf32, #tpu.memory_space<hbm>> -> memref<1024xf32, #tpu.memory_space<hbm>>
    %dma_wait3A_251 = tpu.memref_slice %arg7[%add3A_218] : memref<16384xf32, #tpu.memory_space<vmem>> -> memref<1024xf32, #tpu.memory_space<vmem>>
    tpu.wait_dma2 semaphore(%arg9 : memref<!tpu.dma_semaphore, #tpu.memory_space<semaphore_mem>>) src(%dma_wait3A_251 : memref<1024xf32, #tpu.memory_space<vmem>>) dst(%dma_wait3A_250 : memref<1024xf32, #tpu.memory_space<hbm>>)
    %dma_wait3A_252 = tpu.memref_slice %arg7[%add3A_222] : memref<16384xf32, #tpu.memory_space<vmem>> -> memref<1024xf32, #tpu.memory_space<vmem>>
    %dma_wait3A_253 = tpu.memref_slice %arg4[%add3A_224] : memref<13107200xf32, #tpu.memory_space<hbm>> -> memref<1024xf32, #tpu.memory_space<hbm>>
    %dma_wait3A_254 = tpu.memref_slice %arg4[%add3A_224] : memref<13107200xf32, #tpu.memory_space<hbm>> -> memref<1024xf32, #tpu.memory_space<hbm>>
    %dma_wait3A_255 = tpu.memref_slice %arg7[%add3A_222] : memref<16384xf32, #tpu.memory_space<vmem>> -> memref<1024xf32, #tpu.memory_space<vmem>>
    tpu.wait_dma2 semaphore(%arg9 : memref<!tpu.dma_semaphore, #tpu.memory_space<semaphore_mem>>) src(%dma_wait3A_255 : memref<1024xf32, #tpu.memory_space<vmem>>) dst(%dma_wait3A_254 : memref<1024xf32, #tpu.memory_space<hbm>>)
    %dma_wait3A_256 = tpu.memref_slice %arg7[%add3A_226] : memref<16384xf32, #tpu.memory_space<vmem>> -> memref<1024xf32, #tpu.memory_space<vmem>>
    %dma_wait3A_257 = tpu.memref_slice %arg4[%add3A_228] : memref<13107200xf32, #tpu.memory_space<hbm>> -> memref<1024xf32, #tpu.memory_space<hbm>>
    %dma_wait3A_258 = tpu.memref_slice %arg4[%add3A_228] : memref<13107200xf32, #tpu.memory_space<hbm>> -> memref<1024xf32, #tpu.memory_space<hbm>>
    %dma_wait3A_259 = tpu.memref_slice %arg7[%add3A_226] : memref<16384xf32, #tpu.memory_space<vmem>> -> memref<1024xf32, #tpu.memory_space<vmem>>
    tpu.wait_dma2 semaphore(%arg9 : memref<!tpu.dma_semaphore, #tpu.memory_space<semaphore_mem>>) src(%dma_wait3A_259 : memref<1024xf32, #tpu.memory_space<vmem>>) dst(%dma_wait3A_258 : memref<1024xf32, #tpu.memory_space<hbm>>)
    %rem3A_260 = arith.constant 49 : i32
    %rem3A_261 = arith.constant 2 : i32
    %rem3A_262 = arith.remsi %rem3A_260, %rem3A_261 : i32
    %mul3A_263 = arith.constant 8192 : i32
    %mul3A_264 = arith.muli %rem3A_262, %mul3A_263 : i32
    %multiple_of3A_265 = tpu.assume_multiple %mul3A_264, 8192 : i32
    %mul3A_266 = arith.constant 128 : i32
    %mul3A_267 = arith.muli %add3A, %mul3A_266 : i32
    %mul3A_268 = arith.constant 8 : i32
    %mul3A_269 = arith.muli %mul3A_267, %mul3A_268 : i32
    %add3A_270 = arith.constant 12845056 : i32
    %add3A_271 = arith.addi %add3A_270, %mul3A_269 : i32
    %add3A_272 = arith.constant 0 : i32
    %add3A_273 = arith.addi %multiple_of3A_265, %add3A_272 : i32
    %add3A_274 = arith.constant 0 : i32
    %add3A_275 = arith.addi %add3A_271, %add3A_274 : i32
    %add3A_276 = arith.constant 1024 : i32
    %add3A_277 = arith.addi %multiple_of3A_265, %add3A_276 : i32
    %add3A_278 = arith.constant 32768 : i32
    %add3A_279 = arith.addi %add3A_271, %add3A_278 : i32
    %add3A_280 = arith.constant 2048 : i32
    %add3A_281 = arith.addi %multiple_of3A_265, %add3A_280 : i32
    %add3A_282 = arith.constant 65536 : i32
    %add3A_283 = arith.addi %add3A_271, %add3A_282 : i32
    %add3A_284 = arith.constant 3072 : i32
    %add3A_285 = arith.addi %multiple_of3A_265, %add3A_284 : i32
    %add3A_286 = arith.constant 98304 : i32
    %add3A_287 = arith.addi %add3A_271, %add3A_286 : i32
    %add3A_288 = arith.constant 4096 : i32
    %add3A_289 = arith.addi %multiple_of3A_265, %add3A_288 : i32
    %add3A_290 = arith.constant 131072 : i32
    %add3A_291 = arith.addi %add3A_271, %add3A_290 : i32
    %add3A_292 = arith.constant 5120 : i32
    %add3A_293 = arith.addi %multiple_of3A_265, %add3A_292 : i32
    %add3A_294 = arith.constant 163840 : i32
    %add3A_295 = arith.addi %add3A_271, %add3A_294 : i32
    %add3A_296 = arith.constant 6144 : i32
    %add3A_297 = arith.addi %multiple_of3A_265, %add3A_296 : i32
    %add3A_298 = arith.constant 196608 : i32
    %add3A_299 = arith.addi %add3A_271, %add3A_298 : i32
    %add3A_300 = arith.constant 7168 : i32
    %add3A_301 = arith.addi %multiple_of3A_265, %add3A_300 : i32
    %add3A_302 = arith.constant 229376 : i32
    %add3A_303 = arith.addi %add3A_271, %add3A_302 : i32
    %dma_wait3A_304 = tpu.memref_slice %arg7[%add3A_273] : memref<16384xf32, #tpu.memory_space<vmem>> -> memref<1024xf32, #tpu.memory_space<vmem>>
    %dma_wait3A_305 = tpu.memref_slice %arg4[%add3A_275] : memref<13107200xf32, #tpu.memory_space<hbm>> -> memref<1024xf32, #tpu.memory_space<hbm>>
    %dma_wait3A_306 = tpu.memref_slice %arg4[%add3A_275] : memref<13107200xf32, #tpu.memory_space<hbm>> -> memref<1024xf32, #tpu.memory_space<hbm>>
    %dma_wait3A_307 = tpu.memref_slice %arg7[%add3A_273] : memref<16384xf32, #tpu.memory_space<vmem>> -> memref<1024xf32, #tpu.memory_space<vmem>>
    tpu.wait_dma2 semaphore(%arg9 : memref<!tpu.dma_semaphore, #tpu.memory_space<semaphore_mem>>) src(%dma_wait3A_307 : memref<1024xf32, #tpu.memory_space<vmem>>) dst(%dma_wait3A_306 : memref<1024xf32, #tpu.memory_space<hbm>>)
    %dma_wait3A_308 = tpu.memref_slice %arg7[%add3A_277] : memref<16384xf32, #tpu.memory_space<vmem>> -> memref<1024xf32, #tpu.memory_space<vmem>>
    %dma_wait3A_309 = tpu.memref_slice %arg4[%add3A_279] : memref<13107200xf32, #tpu.memory_space<hbm>> -> memref<1024xf32, #tpu.memory_space<hbm>>
    %dma_wait3A_310 = tpu.memref_slice %arg4[%add3A_279] : memref<13107200xf32, #tpu.memory_space<hbm>> -> memref<1024xf32, #tpu.memory_space<hbm>>
    %dma_wait3A_311 = tpu.memref_slice %arg7[%add3A_277] : memref<16384xf32, #tpu.memory_space<vmem>> -> memref<1024xf32, #tpu.memory_space<vmem>>
    tpu.wait_dma2 semaphore(%arg9 : memref<!tpu.dma_semaphore, #tpu.memory_space<semaphore_mem>>) src(%dma_wait3A_311 : memref<1024xf32, #tpu.memory_space<vmem>>) dst(%dma_wait3A_310 : memref<1024xf32, #tpu.memory_space<hbm>>)
    %dma_wait3A_312 = tpu.memref_slice %arg7[%add3A_281] : memref<16384xf32, #tpu.memory_space<vmem>> -> memref<1024xf32, #tpu.memory_space<vmem>>
    %dma_wait3A_313 = tpu.memref_slice %arg4[%add3A_283] : memref<13107200xf32, #tpu.memory_space<hbm>> -> memref<1024xf32, #tpu.memory_space<hbm>>
    %dma_wait3A_314 = tpu.memref_slice %arg4[%add3A_283] : memref<13107200xf32, #tpu.memory_space<hbm>> -> memref<1024xf32, #tpu.memory_space<hbm>>
    %dma_wait3A_315 = tpu.memref_slice %arg7[%add3A_281] : memref<16384xf32, #tpu.memory_space<vmem>> -> memref<1024xf32, #tpu.memory_space<vmem>>
    tpu.wait_dma2 semaphore(%arg9 : memref<!tpu.dma_semaphore, #tpu.memory_space<semaphore_mem>>) src(%dma_wait3A_315 : memref<1024xf32, #tpu.memory_space<vmem>>) dst(%dma_wait3A_314 : memref<1024xf32, #tpu.memory_space<hbm>>)
    %dma_wait3A_316 = tpu.memref_slice %arg7[%add3A_285] : memref<16384xf32, #tpu.memory_space<vmem>> -> memref<1024xf32, #tpu.memory_space<vmem>>
    %dma_wait3A_317 = tpu.memref_slice %arg4[%add3A_287] : memref<13107200xf32, #tpu.memory_space<hbm>> -> memref<1024xf32, #tpu.memory_space<hbm>>
    %dma_wait3A_318 = tpu.memref_slice %arg4[%add3A_287] : memref<13107200xf32, #tpu.memory_space<hbm>> -> memref<1024xf32, #tpu.memory_space<hbm>>
    %dma_wait3A_319 = tpu.memref_slice %arg7[%add3A_285] : memref<16384xf32, #tpu.memory_space<vmem>> -> memref<1024xf32, #tpu.memory_space<vmem>>
    tpu.wait_dma2 semaphore(%arg9 : memref<!tpu.dma_semaphore, #tpu.memory_space<semaphore_mem>>) src(%dma_wait3A_319 : memref<1024xf32, #tpu.memory_space<vmem>>) dst(%dma_wait3A_318 : memref<1024xf32, #tpu.memory_space<hbm>>)
    %dma_wait3A_320 = tpu.memref_slice %arg7[%add3A_289] : memref<16384xf32, #tpu.memory_space<vmem>> -> memref<1024xf32, #tpu.memory_space<vmem>>
    %dma_wait3A_321 = tpu.memref_slice %arg4[%add3A_291] : memref<13107200xf32, #tpu.memory_space<hbm>> -> memref<1024xf32, #tpu.memory_space<hbm>>
    %dma_wait3A_322 = tpu.memref_slice %arg4[%add3A_291] : memref<13107200xf32, #tpu.memory_space<hbm>> -> memref<1024xf32, #tpu.memory_space<hbm>>
    %dma_wait3A_323 = tpu.memref_slice %arg7[%add3A_289] : memref<16384xf32, #tpu.memory_space<vmem>> -> memref<1024xf32, #tpu.memory_space<vmem>>
    tpu.wait_dma2 semaphore(%arg9 : memref<!tpu.dma_semaphore, #tpu.memory_space<semaphore_mem>>) src(%dma_wait3A_323 : memref<1024xf32, #tpu.memory_space<vmem>>) dst(%dma_wait3A_322 : memref<1024xf32, #tpu.memory_space<hbm>>)
    %dma_wait3A_324 = tpu.memref_slice %arg7[%add3A_293] : memref<16384xf32, #tpu.memory_space<vmem>> -> memref<1024xf32, #tpu.memory_space<vmem>>
    %dma_wait3A_325 = tpu.memref_slice %arg4[%add3A_295] : memref<13107200xf32, #tpu.memory_space<hbm>> -> memref<1024xf32, #tpu.memory_space<hbm>>
    %dma_wait3A_326 = tpu.memref_slice %arg4[%add3A_295] : memref<13107200xf32, #tpu.memory_space<hbm>> -> memref<1024xf32, #tpu.memory_space<hbm>>
    %dma_wait3A_327 = tpu.memref_slice %arg7[%add3A_293] : memref<16384xf32, #tpu.memory_space<vmem>> -> memref<1024xf32, #tpu.memory_space<vmem>>
    tpu.wait_dma2 semaphore(%arg9 : memref<!tpu.dma_semaphore, #tpu.memory_space<semaphore_mem>>) src(%dma_wait3A_327 : memref<1024xf32, #tpu.memory_space<vmem>>) dst(%dma_wait3A_326 : memref<1024xf32, #tpu.memory_space<hbm>>)
    %dma_wait3A_328 = tpu.memref_slice %arg7[%add3A_297] : memref<16384xf32, #tpu.memory_space<vmem>> -> memref<1024xf32, #tpu.memory_space<vmem>>
    %dma_wait3A_329 = tpu.memref_slice %arg4[%add3A_299] : memref<13107200xf32, #tpu.memory_space<hbm>> -> memref<1024xf32, #tpu.memory_space<hbm>>
    %dma_wait3A_330 = tpu.memref_slice %arg4[%add3A_299] : memref<13107200xf32, #tpu.memory_space<hbm>> -> memref<1024xf32, #tpu.memory_space<hbm>>
    %dma_wait3A_331 = tpu.memref_slice %arg7[%add3A_297] : memref<16384xf32, #tpu.memory_space<vmem>> -> memref<1024xf32, #tpu.memory_space<vmem>>
    tpu.wait_dma2 semaphore(%arg9 : memref<!tpu.dma_semaphore, #tpu.memory_space<semaphore_mem>>) src(%dma_wait3A_331 : memref<1024xf32, #tpu.memory_space<vmem>>) dst(%dma_wait3A_330 : memref<1024xf32, #tpu.memory_space<hbm>>)
    %dma_wait3A_332 = tpu.memref_slice %arg7[%add3A_301] : memref<16384xf32, #tpu.memory_space<vmem>> -> memref<1024xf32, #tpu.memory_space<vmem>>
    %dma_wait3A_333 = tpu.memref_slice %arg4[%add3A_303] : memref<13107200xf32, #tpu.memory_space<hbm>> -> memref<1024xf32, #tpu.memory_space<hbm>>
    %dma_wait3A_334 = tpu.memref_slice %arg4[%add3A_303] : memref<13107200xf32, #tpu.memory_space<hbm>> -> memref<1024xf32, #tpu.memory_space<hbm>>
    %dma_wait3A_335 = tpu.memref_slice %arg7[%add3A_301] : memref<16384xf32, #tpu.memory_space<vmem>> -> memref<1024xf32, #tpu.memory_space<vmem>>
    tpu.wait_dma2 semaphore(%arg9 : memref<!tpu.dma_semaphore, #tpu.memory_space<semaphore_mem>>) src(%dma_wait3A_335 : memref<1024xf32, #tpu.memory_space<vmem>>) dst(%dma_wait3A_334 : memref<1024xf32, #tpu.memory_space<hbm>>)
    return
  }
}

</mosaic_0001>

<sc_bundles>
// kernel: kernel.4.cloned.1.call-start
scs
__scs_entry_jumppad:
0x0: {  	(pc) =	sbr.rel $0x88, $3  }
0x1: {  	(tag) =	ssettag $0x0;
	lr =	simm.s32 $0x1  }
0x2: {  	[smem:$0x3F9F] =	sst lr;
	_ =	strace $0xD0000000  }
0x3: {  	_ = 	snop  }
0x4: {  	_ = 	snop  }
0x5: {  	_ = 	snop  }
0x6: {  	_ = 	snop  }
0x7: {  	_ = 	snop  }
__scs_overlays_trampoline_lowered:
0x8: {  	[smem:$0x3FAE] =	sst s0  }
0x9: {  	[smem:$0x3FAF] =	sst s1  }
0xa: {  	[smem:$0x3FB0] =	sst s2  }
0xb: {  	[smem:$0x3FB1] =	sst s3  }
0xc: {  	[smem:$0x3FB2] =	sst s4  }
0xd: {  	[smem:$0x3FB3] =	sst s5  }
0xe: {  	[smem:$0x3FB4] =	sst s6  }
0xf: {  	[smem:$0x3FB5] =	sst s7  }
0x10: {  	[smem:$0x3FB6] =	sst s8  }
0x11: {  	[smem:$0x3FB7] =	sst s9;
	s0 =	simm.s32 @!p0 $0x0  }
0x12: {  	s1 =	sld [smem:$0x3F9D];
	s0 =	simm.s32 @p0 $0x1  }
0x13: {  	[smem:$0x3FB8] =	sst s0;
	s0 =	simm.s32 @!p1 $0x0  }
0x14: {  	s2 =	sld [smem:$0x3F9C];
	s0 =	simm.s32 @p1 $0x1  }
0x15: {  	[smem:$0x3FB9] =	sst s0;
	s0 =	simm.s32 @!p2 $0x0  }
0x16: {  	s3 =	sld [smem:$0x3FDB];
	s0 =	simm.s32 @p2 $0x1  }
0x17: {  	s4 =	simm.s32 $0x1BF5;
	[smem:$0x3FBB] =	sst s0  }
0x18: {  	s0 =	sld [smem:$0x3F9E];
	_ =	swait.ge [sflag:s4], $0x0  }
0x19: {  	s7 =	sld [smem:$0x3F9F]  }
0x1a: {  	s8 =	sadd.s32 $0xFFFFE003, lr  }
0x1b: {  	s9 =	sadd.s32 $0xFFFFFEF7, lr;
	s5 =	simm.s32 $0xFFFFFFFF;
	p2 =	slt.u32 s8, $0xFFFFF086  }
0x1c: {  	p1 =	slt.u32 s9, $0xF7A;
	s5 =	simm.s32 @!p2 $0x0  }
0x1d: {  	s5 =	simm.s32 @p1 $0x1;
	p0 =	seq.s32 s7, s2  }
0x1e: {  	s7 =	smul.u32 @!p0 $0xF7A, s2;
	p2 =	seq.s32 @!p0 s5, $0x0  }
0x1f: {  	s9 =	smul.u32 $0xF7A, s1;
	s8 =	simm.s32 @!p0 $0x1BF5;
	p2 =	por !p2, p0  }
0x20: {  	[sflag:s8] =	ssyncset.s32 @!p0 $0xFFFFF086;
	s6 =	sadd.s32 @!p0 s3, s7;
	s7 =	simm.s32 @!p0 $0x108  }
0x21: {  	s3 =	sadd.s32 s3, s9;
	s6 =	sadd.s32 @!p0 $0x88, s6;
	s7 =	simm.s32 @p2 $0x1082  }
0x22: {  	[simem:s7], [sflag:s8] =	dma.local @!p0 [hbm:s6], $0xF7A  }
0x23: {  	s9 =	sor.u32 $0xD0000000, s2;
	s6 =	simm.s32 $0x108;
	_ =	swait.ge @!p0 [sflag:s8], $0x0  }
0x24: {  	s3 =	sadd.s32 $0x88, s3;
	s6 =	simm.s32 @!p1 $0x1082;
	[sflag:s4] =	ssyncset.s32 $0xFFFFF086  }
0x25: {  	[simem:s6], [sflag:s4] =	dma.local [hbm:s3], $0xF7A  }
0x26: {  	[smem:$0x3F9F] =	sst s1;
	(tag) =	ssettag s2;
	_ =	strace s9  }
0x27: {  	s1 =	sld [smem:$0x3FAF]  }
0x28: {  	s2 =	sld [smem:$0x3FB0]  }
0x29: {  	s4 =	sld [smem:$0x3FB2]  }
0x2a: {  	p0 =	seq.s32 s5, $0x0;
	s5 =	sld [smem:$0x3FB3]  }
0x2b: {  	s6 =	sld [smem:$0x3FB4]  }
0x2c: {  	s7 =	sld [smem:$0x3FB5]  }
0x2d: {  	s3 =	simm.s32 $0x108;
	s8 =	sld [smem:$0x3FB6]  }
0x2e: {  	s3 =	simm.s32 @!p0 $0x1082;
	s9 =	sld [smem:$0x3FB7]  }
0x2f: {  	lr =	sadd.s32 s0, s3;
	s0 =	sld [smem:$0x3FAE]  }
0x30: {  	s3 =	sld [smem:$0x3FB1]  }
0x31: {  	[smem:$0x3FBA] =	sst s10  }
0x32: {  	s10 =	sld [smem:$0x3FB8];
	_ =	sdelay $0x3  }
0x33: {  	p0 =	seq.s32 s10, $0x1;
	s10 =	sld [smem:$0x3FBA];
	_ =	sdelay $0x3  }
0x34: {  	[smem:$0x3FBA] =	sst s10  }
0x35: {  	s10 =	sld [smem:$0x3FB9];
	_ =	sdelay $0x3  }
0x36: {  	p1 =	seq.s32 s10, $0x1;
	s10 =	sld [smem:$0x3FBA];
	_ =	sdelay $0x3  }
0x37: {  	[smem:$0x3FBA] =	sst s10  }
0x38: {  	s10 =	sld [smem:$0x3FBB]  }
0x39: {  	_ = 	snop;
	(pc) =	sbr.ind lr, $3  }
0x3a: {  	_ = 	snop  }
0x3b: {  	_ = 	snop  }
0x3c: {  	p2 =	seq.s32 s10, $0x1;
	s10 =	sld [smem:$0x3FBA]  }
0x3d: {  	_ =	shalt  }
0x3e: {  	_ =	shalt  }
0x3f: {  	_ =	shalt  }
0x40: {  	_ =	shalt  }
0x41: {  	_ =	shalt  }
0x42: {  	_ =	shalt  }
0x43: {  	_ =	shalt  }
0x44: {  	_ =	shalt  }
0x45: {  	_ =	shalt  }
0x46: {  	_ =	shalt  }
0x47: {  	_ =	shalt  }
0x48: {  	_ =	shalt  }
0x49: {  	_ =	shalt  }
0x4a: {  	_ =	shalt  }
0x4b: {  	_ =	shalt  }
0x4c: {  	_ =	shalt  }
0x4d: {  	_ =	shalt  }
0x4e: {  	_ =	shalt  }
0x4f: {  	_ =	shalt  }
0x50: {  	_ =	shalt  }
0x51: {  	_ =	shalt  }
0x52: {  	_ =	shalt  }
0x53: {  	_ =	shalt  }
0x54: {  	_ =	shalt  }
0x55: {  	_ =	shalt  }
0x56: {  	_ =	shalt  }
0x57: {  	_ =	shalt  }
0x58: {  	_ =	shalt  }
0x59: {  	_ =	shalt  }
0x5a: {  	_ =	shalt  }
0x5b: {  	_ =	shalt  }
0x5c: {  	_ =	shalt  }
0x5d: {  	_ =	shalt  }
0x5e: {  	_ =	shalt  }
0x5f: {  	_ =	shalt  }
0x60: {  	_ =	shalt  }
0x61: {  	_ =	shalt  }
0x62: {  	_ =	shalt  }
0x63: {  	_ =	shalt  }
0x64: {  	_ =	shalt  }
0x65: {  	_ =	shalt  }
0x66: {  	_ =	shalt  }
0x67: {  	_ =	shalt  }
0x68: {  	_ =	shalt  }
0x69: {  	_ =	shalt  }
0x6a: {  	_ =	shalt  }
0x6b: {  	_ =	shalt  }
0x6c: {  	_ =	shalt  }
0x6d: {  	_ =	shalt  }
0x6e: {  	_ =	shalt  }
0x6f: {  	_ =	shalt  }
0x70: {  	_ =	shalt  }
0x71: {  	_ =	shalt  }
0x72: {  	_ =	shalt  }
0x73: {  	_ =	shalt  }
0x74: {  	_ =	shalt  }
0x75: {  	_ =	shalt  }
0x76: {  	_ =	shalt  }
0x77: {  	_ =	shalt  }
0x78: {  	_ =	shalt  }
0x79: {  	_ =	shalt  }
0x7a: {  	_ =	shalt  }
0x7b: {  	_ =	shalt  }
0x7c: {  	_ =	shalt  }
0x7d: {  	_ =	shalt  }
0x7e: {  	_ =	shalt  }
0x7f: {  	_ =	shalt  }
0x80: {  	_ =	shalt  }
0x81: {  	_ =	shalt  }
0x82: {  	_ =	shalt  }
0x83: {  	_ =	shalt  }
0x84: {  	_ =	shalt  }
0x85: {  	_ =	shalt  }
0x86: {  	_ =	shalt  }
0x87: {  	_ =	shalt  }
.Lfunc_end0:
.L_simem_size_0:
called_computation_lowered:
.L_overlay_start_0:
0x88: {  	s2 =	sld [smem:$0x3FD9]  }
0x89: {  	s3 =	sld [smem:$0x3FFE];
	_ =	sdelay $0x1  }
0x8a: {  	s1 =	srdreg.scid  }
0x8b: {  	s0 =	sand.u32 $0x1, s1  }
0x8c: {  	s17 =	sshll.u32 s0, $0xA;
	s2 =	sadd.s32 s3, s2  }
0x8d: {  	s2 =	sadd.s32 s2, s17  }
0x8e: {  	[smem:$0x3FC6] =	sst s2  }
0x8f: {  	_ = 	snop  }
0x90: {  	s2 =	sld [smem:$0x3FC8]  }
0x91: {  	s18 =	sld [smem:$0x3FD0];
	(tm) =	ssettm $0x1  }
0x92: {  	s4 =	sld [smem:$0x3FFB];
	_ =	sdelay $0x3  }
0x93: {  	_ =	strace s4  }
0x94: {  	s4 =	sld [smem:$0x3FFC];
	_ =	sdelay $0x3  }
0x95: {  	_ =	strace s4  }
0x96: {  	s4 =	sld [smem:$0x3FFD];
	_ =	sdelay $0x3  }
0x97: {  	_ =	strace s4  }
0x98: {  	_ =	strace $0x8FFFFFFF  }
0x99: {  	s19 =	sld [smem:$0x3FDB];
	_ =	sdelay $0x1  }
0x9a: {  	s5 =	simm.s32 $_scs_section_size  }
0x9b: {  	s6 =	simm.s32 $_size__tile_overlayer_lowered;
	s7 =	simm.s32 $_tile_overlayer_lowered  }
0x9c: {  	s22 =	simm.s32 $0x1BFF;
	s21 =	sshll.u32 s7, $0x1;
	s4 =	sadd.s32 s5, s19  }
0x9d: {  	s8 =	simm.s32 $0x0;
	s20 =	sshll.u32 s6, $0x1;
	s6 =	sadd.s32 s21, s4  }
0x9e: {  	[timem:s8], [sflag:s22] =	dma.local [hbm:s6], s20  }
0x9f: {  	_ =	swait.ge [sflag:s22], s20  }
0xa0: {  	s5 =	ssub.s32 $0x0, s20;
	[sflag:s22] =	ssyncset.done $0x0  }
0xa1: {  	[sflag:s22] =	ssyncadd.s32 s5;
	_ =	sdelay $0x1  }
0xa2: {  	s23 =	simm.s32 $0x1B8B  }
0xa3: {  	_ =	swait.ge [sflag:s23], $0x1  }
0xa4: {  	[sflag:s23] =	ssyncset.done $0x0  }
0xa5: {  	s25 =	simm.s32 $0x1B8E;
	s24 =	sld [smem:$0x3FFE];
	[sflag:s23] =	ssyncadd.s32 $0xFFFFFFFF  }
0xa6: {  	s26 =	simm.s32 $execute0_lowered;
	[smem:$0x3FD2] =	sst s25  }
0xa7: {  	s6 =	sshll.u32 s26, $0x1;
	_ =	strace $0x80000046;
	[dreg:$0x1] =	wrdreg $0xFFFFFFFF  }
0xa8: {  	s28 =	simm.s32 $_size_execute0_lowered;
	s4 =	sadd.s32 s4, s6;
	[dreg:$0x0] =	wrdreg $0x0  }
0xa9: {  	s6 =	sshll.u32 s28, $0x1;
	[dreg:$0x2] =	wrdreg s4  }
0xaa: {  	[dreg:$0x3] =	wrdreg s6  }
0xab: {  	[dreg:$0x4] =	wrdreg $0xC0  }
0xac: {  	_ =	task [dreg:s8], $0x5FFFF  }
0xad: {  	[dreg:$0x1] =	wrdreg $0xFFFFFFFF  }
0xae: {  	[dreg:$0x0] =	wrdreg $0x60  }
0xaf: {  	[dreg:$0x2] =	wrdreg s2  }
0xb0: {  	[dreg:$0x3] =	wrdreg s18  }
0xb1: {  	[dreg:$0x4] =	wrdreg s24  }
0xb2: {  	[dreg:$0x5] =	wrdreg $0x9  }
0xb3: {  	_ =	task.clear_ibuf [dreg:s8], $0x6FFFF;
	_ =	strace $0x90000046  }
0xb4: {  	s29 =	simm.s32 $0x9;
	_ =	strace $0x80000048  }
0xb5: {  	_ =	swait.ge [sflag:s29], $0x1  }
0xb6: {  	[sflag:s29] =	ssyncadd.s32 $0xFFFFFFFF  }
0xb7: {  	_ =	strace $0x90000048  }
0xb8: {  	_ =	sfence  }
0xb9: {  	s30 =	sld [smem:$0x0];
	_ =	sdelay $0x2  }
0xba: {  	s31 =	sshll.u32 s1, $0xD;
	s1 =	sshrl.u32 s1, $0x2  }
0xbb: {  	s3 =	sand.u32 $0x4000, s31;
	s1 =	sadd.s32 s1, s30  }
0xbc: {  	s0 =	sor.u32 s3, s0;
	s1 =	sshll.u32 s1, $0x11  }
0xbd: {  	s0 =	sor.u32 s1, s0  }
0xbe: {  	s0 =	sadd.s32 $0x8F2B, s0  }
0xbf: {  	[sflag:s0] =	ssyncadd.remote.s32 $0x1  }
0xc0: {  	_ =	sfence.sel $0xFFFF  }
0xc1: {  	[dreg:$0x0] =	wrdreg $0xFFFFFFFF;
	(pc) =	sbr.abs _section_cstart, $3  }
0xc2: {  	[dreg:$0x1] =	wrdreg $0xFFFFFFFF  }
0xc3: {  	_ =	task.clear_ibuf [dreg:s8], $0x2FFFF;
	_ =	strace $0x9FFFFFFF  }
0xc4: {  	(tm) =	ssettm $0x7FFFFFFF  }
0xc5: {  	_ =	shalt  }
tec
execute0_lowered:
.L_overlay_start_1:
0x0: {  	(tag) =	ssettag $0x1  }
0x1: {  	vm13 =	vcmask $0x300  }
0x2: {  	v0 =	vimm.s32 $0xB80;
	vm14 =	vcmask $0x704;
	vm12 =	vcmask $0xB08  }
0x3: {  	vm11 =	vcmask $0xF0C;
	vm10 =	vcmask $0x1310;
	vm9 =	vcmask $0x1714  }
0x4: {  	vm8 =	vcmask $0x1B18;
	vm7 =	vcmask $0x1F1C;
	vm6 =	vcmask $0x2320  }
0x5: {  	vm5 =	vcmask $0x2724;
	vm4 =	vcmask $0x2B28;
	vm3 =	vcmask $0x2F2C  }
0x6: {  	vm2 =	vcmask $0x3330;
	vm0 =	vcmask $0x3734;
	v2 =	vimm.s32 $0x0  }
0x7: {  	vm1 =	vcmask $0x3B38;
	v3 =	vimm.s32 $0x80;
	v4 =	vimm.s32 $0x100  }
0x8: {  	v5 =	vimm.s32 $0x180;
	v6 =	vimm.s32 $0x200;
	v7 =	vimm.s32 $0x280  }
0x9: {  	v8 =	vimm.s32 $0x300;
	v9 =	vimm.s32 $0x380;
	v10 =	vimm.s32 $0x800  }
0xa: {  	v11 =	vimm.s32 $0x880;
	v12 =	vimm.s32 $0x900;
	v13 =	vimm.s32 $0x980  }
0xb: {  	v14 =	vimm.s32 $0xA00;
	v15 =	vimm.s32 $0xA80;
	v16 =	vimm.s32 $0xB00  }
0xc: {  	v17 =	vimm.s32 $0xC4834201;
	v19 =	vimm.s32 $0xC6854403;
	vm15 =	vcmask $0xF00  }
0xd: {  	v22 =	vimm.s32 $0xC8874605;
	v23 =	vimm.s32 $0xC9884706;
	v25 =	vimm.s32 $0xCB8A4908  }
0xe: {  	v26 =	vimm.s32 $0xCC8B4A09;
	v27 =	vimm.s32 $0xCD8C4B0A;
	v28 =	vimm.s32 $0xCE8D4C0B  }
0xf: {  	v29 =	vimm.s32 $0xCF8E4D0C;
	v30 =	vimm.s32 $0xC08F4E0D;
	v31 =	vimm.s32 $0xC1804F0E  }
0x10: {  	v32 =	vimm.s32 $0xC281400F;
	v0 =	vsel vm13, $0x0, v0;
	v2 =	vsel vm13, $0x80, v2  }
0x11: {  	v3 =	vsel vm13, $0x100, v3;
	v4 =	vsel vm13, $0x180, v4;
	v5 =	vsel vm13, $0x200, v5  }
0x12: {  	v6 =	vsel vm13, $0x280, v6;
	v7 =	vsel vm13, $0x300, v7;
	v8 =	vsel vm13, $0x380, v8  }
0x13: {  	v9 =	vsel vm13, $0x800, v9;
	v10 =	vsel vm13, $0x880, v10;
	v11 =	vsel vm13, $0x900, v11  }
0x14: {  	v12 =	vsel vm13, $0x980, v12;
	v13 =	vsel vm13, $0xA00, v13;
	v14 =	vsel vm13, $0xA80, v14  }
0x15: {  	v15 =	vsel vm13, $0xB00, v15;
	v16 =	vsel vm13, $0xB80, v16;
	v18 =	vunpack.c.0.s8.s32 v17  }
0x16: {  	v17 =	vimm.s32 $0xC5844302;
	v19 =	vunpack.c.0.s8.s32 v19;
	v22 =	vunpack.c.0.s8.s32 v22  }
0x17: {  	v23 =	vunpack.c.0.s8.s32 v23;
	v25 =	vunpack.c.0.s8.s32 v25;
	v26 =	vunpack.c.0.s8.s32 v26  }
0x18: {  	v27 =	vunpack.c.0.s8.s32 v27;
	v28 =	vunpack.c.0.s8.s32 v28;
	v29 =	vunpack.c.0.s8.s32 v29  }
0x19: {  	v30 =	vunpack.c.0.s8.s32 v30;
	v31 =	vunpack.c.0.s8.s32 v31;
	v32 =	vunpack.c.0.s8.s32 v32  }
0x1a: {  	v0 =	vsel vm14, $0x80, v0;
	v2 =	vsel vm14, $0x100, v2;
	v3 =	vsel vm14, $0x180, v3  }
0x1b: {  	v4 =	vsel vm14, $0x200, v4;
	v5 =	vsel vm14, $0x280, v5;
	v6 =	vsel vm14, $0x300, v6  }
0x1c: {  	v7 =	vsel vm14, $0x380, v7;
	v8 =	vsel vm14, $0x800, v8;
	v9 =	vsel vm14, $0x880, v9  }
0x1d: {  	v10 =	vsel vm14, $0x900, v10;
	v11 =	vsel vm14, $0x980, v11;
	v12 =	vsel vm14, $0xA00, v12  }
0x1e: {  	v13 =	vsel vm14, $0xA80, v13;
	v14 =	vsel vm14, $0xB00, v14;
	v15 =	vsel vm14, $0xB80, v15  }
0x1f: {  	v16 =	vsel vm14, $0x0, v16;
	v20 =	vunpack.c.0.s8.s32 v17;
	v0 =	vsel vm12, $0x100, v0  }
0x20: {  	v2 =	vsel vm12, $0x180, v2;
	v3 =	vsel vm12, $0x200, v3;
	v4 =	vsel vm12, $0x280, v4  }
0x21: {  	v5 =	vsel vm12, $0x300, v5;
	v6 =	vsel vm12, $0x380, v6;
	v7 =	vsel vm12, $0x800, v7  }
0x22: {  	v8 =	vsel vm12, $0x880, v8;
	v9 =	vsel vm12, $0x900, v9;
	v10 =	vsel vm12, $0x980, v10  }
0x23: {  	v11 =	vsel vm12, $0xA00, v11;
	v12 =	vsel vm12, $0xA80, v12;
	v13 =	vsel vm12, $0xB00, v13  }
0x24: {  	v14 =	vsel vm12, $0xB80, v14;
	v15 =	vsel vm12, $0x0, v15;
	v16 =	vsel vm12, $0x80, v16  }
0x25: {  	v18 =	vand.u32 $0xFF, v18;
	v19 =	vand.u32 $0xFF, v19;
	v22 =	vand.u32 $0xFF, v22  }
0x26: {  	v23 =	vand.u32 $0xFF, v23;
	v25 =	vand.u32 $0xFF, v25;
	v26 =	vand.u32 $0xFF, v26  }
0x27: {  	v27 =	vand.u32 $0xFF, v27;
	v28 =	vand.u32 $0xFF, v28;
	v29 =	vand.u32 $0xFF, v29  }
0x28: {  	v30 =	vand.u32 $0xFF, v30;
	v31 =	vand.u32 $0xFF, v31;
	v32 =	vand.u32 $0xFF, v32  }
0x29: {  	v0 =	vsel vm11, $0x180, v0;
	v2 =	vsel vm11, $0x200, v2;
	v3 =	vsel vm11, $0x280, v3  }
0x2a: {  	v4 =	vsel vm11, $0x300, v4;
	v5 =	vsel vm11, $0x380, v5;
	v6 =	vsel vm11, $0x800, v6  }
0x2b: {  	v7 =	vsel vm11, $0x880, v7;
	v8 =	vsel vm11, $0x900, v8;
	v9 =	vsel vm11, $0x980, v9  }
0x2c: {  	v10 =	vsel vm11, $0xA00, v10;
	v11 =	vsel vm11, $0xA80, v11;
	v12 =	vsel vm11, $0xB00, v12  }
0x2d: {  	v13 =	vsel vm11, $0xB80, v13;
	v14 =	vsel vm11, $0x0, v14;
	v15 =	vsel vm11, $0x80, v15  }
0x2e: {  	v16 =	vsel vm11, $0x100, v16;
	v20 =	vand.u32 $0xFF, v20;
	v18 =	vnsel vm15, $0x3C0, v18  }
0x2f: {  	v19 =	vnsel vm15, $0x3C2, v19;
	v22 =	vnsel vm15, $0x3C4, v22;
	v23 =	vnsel vm15, $0x3C5, v23  }
0x30: {  	v25 =	vnsel vm15, $0x3C7, v25;
	v26 =	vnsel vm15, $0x3C8, v26;
	v27 =	vnsel vm15, $0x3C9, v27  }
0x31: {  	v28 =	vnsel vm15, $0x3CA, v28;
	v29 =	vnsel vm15, $0x3CB, v29;
	v30 =	vnsel vm15, $0x3CC, v30  }
0x32: {  	v31 =	vnsel vm15, $0x3CD, v31;
	v32 =	vnsel vm15, $0x3CE, v32;
	v0 =	vsel vm10, $0x200, v0  }
0x33: {  	v2 =	vsel vm10, $0x280, v2;
	v3 =	vsel vm10, $0x300, v3;
	v4 =	vsel vm10, $0x380, v4  }
0x34: {  	v5 =	vsel vm10, $0x800, v5;
	v6 =	vsel vm10, $0x880, v6;
	v7 =	vsel vm10, $0x900, v7  }
0x35: {  	v8 =	vsel vm10, $0x980, v8;
	v9 =	vsel vm10, $0xA00, v9;
	v10 =	vsel vm10, $0xA80, v10  }
0x36: {  	v11 =	vsel vm10, $0xB00, v11;
	v12 =	vsel vm10, $0xB80, v12;
	v13 =	vsel vm10, $0x0, v13  }
0x37: {  	v14 =	vsel vm10, $0x80, v14;
	v15 =	vsel vm10, $0x100, v15;
	v16 =	vsel vm10, $0x180, v16  }
0x38: {  	v20 =	vnsel vm15, $0x3C1, v20;
	v18 =	vsel vm10, $0x105, v18;
	v19 =	vsel vm10, $0x107, v19  }
0x39: {  	v22 =	vsel vm10, $0x109, v22;
	v23 =	vsel vm10, $0x10A, v23;
	v25 =	vsel vm10, $0x10C, v25  }
0x3a: {  	v26 =	vsel vm10, $0x10D, v26;
	v27 =	vsel vm10, $0x10E, v27;
	v28 =	vsel vm10, $0x10F, v28  }
0x3b: {  	v29 =	vsel vm10, $0x100, v29;
	v30 =	vsel vm10, $0x101, v30;
	v31 =	vsel vm10, $0x102, v31  }
0x3c: {  	v32 =	vsel vm10, $0x103, v32;
	v0 =	vsel vm9, $0x280, v0;
	v2 =	vsel vm9, $0x300, v2  }
0x3d: {  	v3 =	vsel vm9, $0x380, v3;
	v4 =	vsel vm9, $0x800, v4;
	v5 =	vsel vm9, $0x880, v5  }
0x3e: {  	v6 =	vsel vm9, $0x900, v6;
	v7 =	vsel vm9, $0x980, v7;
	v8 =	vsel vm9, $0xA00, v8  }
0x3f: {  	v9 =	vsel vm9, $0xA80, v9;
	v10 =	vsel vm9, $0xB00, v10;
	v11 =	vsel vm9, $0xB80, v11  }
0x40: {  	v12 =	vsel vm9, $0x0, v12;
	v13 =	vsel vm9, $0x80, v13;
	v14 =	vsel vm9, $0x100, v14  }
0x41: {  	v15 =	vsel vm9, $0x180, v15;
	v16 =	vsel vm9, $0x200, v16;
	v20 =	vsel vm10, $0x106, v20  }
0x42: {  	v18 =	vsel vm9, $0x146, v18;
	v19 =	vsel vm9, $0x148, v19;
	v22 =	vsel vm9, $0x14A, v22  }
0x43: {  	v23 =	vsel vm9, $0x14B, v23;
	v25 =	vsel vm9, $0x14D, v25;
	v26 =	vsel vm9, $0x14E, v26  }
0x44: {  	v27 =	vsel vm9, $0x14F, v27;
	v28 =	vsel vm9, $0x140, v28;
	v29 =	vsel vm9, $0x141, v29  }
0x45: {  	v30 =	vsel vm9, $0x142, v30;
	v31 =	vsel vm9, $0x143, v31;
	v32 =	vsel vm9, $0x144, v32  }
0x46: {  	v0 =	vsel vm8, $0x300, v0;
	v2 =	vsel vm8, $0x380, v2;
	v3 =	vsel vm8, $0x800, v3  }
0x47: {  	v4 =	vsel vm8, $0x880, v4;
	v5 =	vsel vm8, $0x900, v5;
	v6 =	vsel vm8, $0x980, v6  }
0x48: {  	v7 =	vsel vm8, $0xA00, v7;
	v8 =	vsel vm8, $0xA80, v8;
	v9 =	vsel vm8, $0xB00, v9  }
0x49: {  	v10 =	vsel vm8, $0xB80, v10;
	v11 =	vsel vm8, $0x0, v11;
	v12 =	vsel vm8, $0x80, v12  }
0x4a: {  	v13 =	vsel vm8, $0x100, v13;
	v14 =	vsel vm8, $0x180, v14;
	v15 =	vsel vm8, $0x200, v15  }
0x4b: {  	v16 =	vsel vm8, $0x280, v16;
	v20 =	vsel vm9, $0x147, v20;
	v18 =	vsel vm8, $0x187, v18  }
0x4c: {  	v19 =	vsel vm8, $0x189, v19;
	v22 =	vsel vm8, $0x18B, v22;
	v23 =	vsel vm8, $0x18C, v23  }
0x4d: {  	v25 =	vsel vm8, $0x18E, v25;
	v26 =	vsel vm8, $0x18F, v26;
	v27 =	vsel vm8, $0x180, v27  }
0x4e: {  	v28 =	vsel vm8, $0x181, v28;
	v29 =	vsel vm8, $0x182, v29;
	v30 =	vsel vm8, $0x183, v30  }
0x4f: {  	v31 =	vsel vm8, $0x184, v31;
	v32 =	vsel vm8, $0x185, v32;
	v0 =	vsel vm7, $0x380, v0  }
0x50: {  	v2 =	vsel vm7, $0x800, v2;
	v3 =	vsel vm7, $0x880, v3;
	v4 =	vsel vm7, $0x900, v4  }
0x51: {  	v5 =	vsel vm7, $0x980, v5;
	v6 =	vsel vm7, $0xA00, v6;
	v7 =	vsel vm7, $0xA80, v7  }
0x52: {  	v8 =	vsel vm7, $0xB00, v8;
	v9 =	vsel vm7, $0xB80, v9;
	v10 =	vsel vm7, $0x0, v10  }
0x53: {  	v11 =	vsel vm7, $0x80, v11;
	v12 =	vsel vm7, $0x100, v12;
	v13 =	vsel vm7, $0x180, v13  }
0x54: {  	v14 =	vsel vm7, $0x200, v14;
	v15 =	vsel vm7, $0x280, v15;
	v16 =	vsel vm7, $0x300, v16  }
0x55: {  	v20 =	vsel vm8, $0x188, v20;
	v18 =	vsel vm7, $0x1C8, v18;
	v19 =	vsel vm7, $0x1CA, v19  }
0x56: {  	v22 =	vsel vm7, $0x1CC, v22;
	v23 =	vsel vm7, $0x1CD, v23;
	v25 =	vsel vm7, $0x1CF, v25  }
0x57: {  	v26 =	vsel vm7, $0x1C0, v26;
	v27 =	vsel vm7, $0x1C1, v27;
	v28 =	vsel vm7, $0x1C2, v28  }
0x58: {  	v29 =	vsel vm7, $0x1C3, v29;
	v30 =	vsel vm7, $0x1C4, v30;
	v31 =	vsel vm7, $0x1C5, v31  }
0x59: {  	v32 =	vsel vm7, $0x1C6, v32;
	v0 =	vsel vm6, $0x800, v0;
	v2 =	vsel vm6, $0x880, v2  }
0x5a: {  	v3 =	vsel vm6, $0x900, v3;
	v4 =	vsel vm6, $0x980, v4;
	v5 =	vsel vm6, $0xA00, v5  }
0x5b: {  	v6 =	vsel vm6, $0xA80, v6;
	v7 =	vsel vm6, $0xB00, v7;
	v8 =	vsel vm6, $0xB80, v8  }
0x5c: {  	v9 =	vsel vm6, $0x0, v9;
	v10 =	vsel vm6, $0x80, v10;
	v11 =	vsel vm6, $0x100, v11  }
0x5d: {  	v12 =	vsel vm6, $0x180, v12;
	v13 =	vsel vm6, $0x200, v13;
	v14 =	vsel vm6, $0x280, v14  }
0x5e: {  	v15 =	vsel vm6, $0x300, v15;
	v16 =	vsel vm6, $0x380, v16;
	v20 =	vsel vm7, $0x1C9, v20  }
0x5f: {  	v18 =	vsel vm6, $0x209, v18;
	v19 =	vsel vm6, $0x20B, v19;
	v22 =	vsel vm6, $0x20D, v22  }
0x60: {  	v23 =	vsel vm6, $0x20E, v23;
	v25 =	vsel vm6, $0x200, v25;
	v26 =	vsel vm6, $0x201, v26  }
0x61: {  	v27 =	vsel vm6, $0x202, v27;
	v28 =	vsel vm6, $0x203, v28;
	v29 =	vsel vm6, $0x204, v29  }
0x62: {  	v30 =	vsel vm6, $0x205, v30;
	v31 =	vsel vm6, $0x206, v31;
	v32 =	vsel vm6, $0x207, v32  }
0x63: {  	v0 =	vsel vm5, $0x880, v0;
	v2 =	vsel vm5, $0x900, v2;
	v3 =	vsel vm5, $0x980, v3  }
0x64: {  	v4 =	vsel vm5, $0xA00, v4;
	v5 =	vsel vm5, $0xA80, v5;
	v6 =	vsel vm5, $0xB00, v6  }
0x65: {  	v7 =	vsel vm5, $0xB80, v7;
	v8 =	vsel vm5, $0x0, v8;
	v9 =	vsel vm5, $0x80, v9  }
0x66: {  	v10 =	vsel vm5, $0x100, v10;
	v11 =	vsel vm5, $0x180, v11;
	v12 =	vsel vm5, $0x200, v12  }
0x67: {  	v13 =	vsel vm5, $0x280, v13;
	v14 =	vsel vm5, $0x300, v14;
	v15 =	vsel vm5, $0x380, v15  }
0x68: {  	v16 =	vsel vm5, $0x800, v16;
	v20 =	vsel vm6, $0x20A, v20;
	v18 =	vsel vm5, $0x24A, v18  }
0x69: {  	v19 =	vsel vm5, $0x24C, v19;
	v22 =	vsel vm5, $0x24E, v22;
	v23 =	vsel vm5, $0x24F, v23  }
0x6a: {  	v25 =	vsel vm5, $0x241, v25;
	v26 =	vsel vm5, $0x242, v26;
	v27 =	vsel vm5, $0x243, v27  }
0x6b: {  	v28 =	vsel vm5, $0x244, v28;
	v29 =	vsel vm5, $0x245, v29;
	v30 =	vsel vm5, $0x246, v30  }
0x6c: {  	v31 =	vsel vm5, $0x247, v31;
	v32 =	vsel vm5, $0x248, v32;
	v0 =	vsel vm4, $0x900, v0  }
0x6d: {  	v2 =	vsel vm4, $0x980, v2;
	v3 =	vsel vm4, $0xA00, v3;
	v4 =	vsel vm4, $0xA80, v4  }
0x6e: {  	v5 =	vsel vm4, $0xB00, v5;
	v6 =	vsel vm4, $0xB80, v6;
	v7 =	vsel vm4, $0x0, v7  }
0x6f: {  	v8 =	vsel vm4, $0x80, v8;
	v9 =	vsel vm4, $0x100, v9;
	v10 =	vsel vm4, $0x180, v10  }
0x70: {  	v11 =	vsel vm4, $0x200, v11;
	v12 =	vsel vm4, $0x280, v12;
	v13 =	vsel vm4, $0x300, v13  }
0x71: {  	v14 =	vsel vm4, $0x380, v14;
	v15 =	vsel vm4, $0x800, v15;
	v16 =	vsel vm4, $0x880, v16  }
0x72: {  	v20 =	vsel vm5, $0x24B, v20;
	v18 =	vsel vm4, $0x28B, v18;
	v19 =	vsel vm4, $0x28D, v19  }
0x73: {  	v22 =	vsel vm4, $0x28F, v22;
	v23 =	vsel vm4, $0x280, v23;
	v25 =	vsel vm4, $0x282, v25  }
0x74: {  	v26 =	vsel vm4, $0x283, v26;
	v27 =	vsel vm4, $0x284, v27;
	v28 =	vsel vm4, $0x285, v28  }
0x75: {  	v29 =	vsel vm4, $0x286, v29;
	v30 =	vsel vm4, $0x287, v30;
	v31 =	vsel vm4, $0x288, v31  }
0x76: {  	v32 =	vsel vm4, $0x289, v32;
	v0 =	vsel vm3, $0x980, v0;
	v2 =	vsel vm3, $0xA00, v2  }
0x77: {  	v3 =	vsel vm3, $0xA80, v3;
	v4 =	vsel vm3, $0xB00, v4;
	v5 =	vsel vm3, $0xB80, v5  }
0x78: {  	v6 =	vsel vm3, $0x0, v6;
	v7 =	vsel vm3, $0x80, v7;
	v8 =	vsel vm3, $0x100, v8  }
0x79: {  	v9 =	vsel vm3, $0x180, v9;
	v10 =	vsel vm3, $0x200, v10;
	v11 =	vsel vm3, $0x280, v11  }
0x7a: {  	v12 =	vsel vm3, $0x300, v12;
	v13 =	vsel vm3, $0x380, v13;
	v14 =	vsel vm3, $0x800, v14  }
0x7b: {  	v15 =	vsel vm3, $0x880, v15;
	v16 =	vsel vm3, $0x900, v16;
	v20 =	vsel vm4, $0x28C, v20  }
0x7c: {  	v18 =	vsel vm3, $0x2CC, v18;
	v19 =	vsel vm3, $0x2CE, v19;
	v22 =	vsel vm3, $0x2C0, v22  }
0x7d: {  	v23 =	vsel vm3, $0x2C1, v23;
	v25 =	vsel vm3, $0x2C3, v25;
	v26 =	vsel vm3, $0x2C4, v26  }
0x7e: {  	v27 =	vsel vm3, $0x2C5, v27;
	v28 =	vsel vm3, $0x2C6, v28;
	v29 =	vsel vm3, $0x2C7, v29  }
0x7f: {  	v30 =	vsel vm3, $0x2C8, v30;
	v31 =	vsel vm3, $0x2C9, v31;
	v32 =	vsel vm3, $0x2CA, v32  }
0x80: {  	v1 =	vsel vm2, $0xA00, v0;
	v0 =	vlaneseq.u32;
	v2 =	vsel vm2, $0xA80, v2  }
0x81: {  	v3 =	vsel vm2, $0xB00, v3;
	v4 =	vsel vm2, $0xB80, v4;
	v5 =	vsel vm2, $0x0, v5  }
0x82: {  	v6 =	vsel vm2, $0x80, v6;
	v7 =	vsel vm2, $0x100, v7;
	v8 =	vsel vm2, $0x180, v8  }
0x83: {  	v9 =	vsel vm2, $0x200, v9;
	v10 =	vsel vm2, $0x280, v10;
	v11 =	vsel vm2, $0x300, v11  }
0x84: {  	v12 =	vsel vm2, $0x380, v12;
	v13 =	vsel vm2, $0x800, v13;
	v14 =	vsel vm2, $0x880, v14  }
0x85: {  	v15 =	vsel vm2, $0x900, v15;
	v16 =	vsel vm2, $0x980, v16;
	v20 =	vsel vm3, $0x2CD, v20  }
0x86: {  	v18 =	vsel vm2, $0x30D, v18;
	v19 =	vsel vm2, $0x30F, v19;
	v22 =	vsel vm2, $0x301, v22  }
0x87: {  	v23 =	vsel vm2, $0x302, v23;
	v25 =	vsel vm2, $0x304, v25;
	v26 =	vsel vm2, $0x305, v26  }
0x88: {  	v27 =	vsel vm2, $0x306, v27;
	v28 =	vsel vm2, $0x307, v28;
	v29 =	vsel vm2, $0x308, v29  }
0x89: {  	v30 =	vsel vm2, $0x309, v30;
	v31 =	vsel vm2, $0x30A, v31;
	v32 =	vsel vm2, $0x30B, v32  }
0x8a: {  	v1 =	vsel vm0, $0xA80, v1;
	v2 =	vsel vm0, $0xB00, v2;
	v3 =	vsel vm0, $0xB80, v3  }
0x8b: {  	v4 =	vsel vm0, $0x0, v4;
	v5 =	vsel vm0, $0x80, v5;
	v6 =	vsel vm0, $0x100, v6  }
0x8c: {  	v7 =	vsel vm0, $0x180, v7;
	v8 =	vsel vm0, $0x200, v8;
	v9 =	vsel vm0, $0x280, v9  }
0x8d: {  	v10 =	vsel vm0, $0x300, v10;
	v11 =	vsel vm0, $0x380, v11;
	v12 =	vsel vm0, $0x800, v12  }
0x8e: {  	v13 =	vsel vm0, $0x880, v13;
	v14 =	vsel vm0, $0x900, v14;
	v15 =	vsel vm0, $0x980, v15  }
0x8f: {  	v16 =	vsel vm0, $0xA00, v16;
	v17 =	vmul.u32 $0x41, v0;
	v20 =	vsel vm2, $0x30E, v20  }
0x90: {  	v18 =	vsel vm0, $0x34E, v18;
	v21 =	vsel vm0, $0x340, v19;
	v19 =	vimm.s32 $0xC7864504  }
0x91: {  	v22 =	vsel vm0, $0x342, v22;
	v23 =	vsel vm0, $0x343, v23;
	v25 =	vsel vm0, $0x345, v25  }
0x92: {  	v26 =	vsel vm0, $0x346, v26;
	v27 =	vsel vm0, $0x347, v27;
	v28 =	vsel vm0, $0x348, v28  }
0x93: {  	v29 =	vsel vm0, $0x349, v29;
	v30 =	vsel vm0, $0x34A, v30;
	v31 =	vsel vm0, $0x34B, v31  }
0x94: {  	v32 =	vsel vm0, $0x34C, v32;
	v1 =	vsel vm1, $0xB00, v1;
	v2 =	vsel vm1, $0xB80, v2  }
0x95: {  	v3 =	vsel vm1, $0x0, v3;
	v4 =	vsel vm1, $0x80, v4;
	v5 =	vsel vm1, $0x100, v5  }
0x96: {  	v6 =	vsel vm1, $0x180, v6;
	v20 =	vsel vm0, $0x34F, v20;
	v24 =	vunpack.c.0.s8.s32 v19  }
0x97: {  	v7 =	vsel vm1, $0x200, v7;
	v8 =	vsel vm1, $0x280, v8;
	v19 =	vsel vm1, $0x380, v20  }
0x98: {  	v20 =	vsel vm1, $0x381, v21;
	v21 =	vand.u32 $0xFF, v24;
	v24 =	vimm.s32 $0xCA894807  }
0x99: {  	v9 =	vsel vm1, $0x300, v9;
	v10 =	vsel vm1, $0x380, v10;
	v24 =	vunpack.c.0.s8.s32 v24  }
0x9a: {  	v11 =	vsel vm1, $0x800, v11;
	v12 =	vsel vm1, $0x880, v12;
	v13 =	vsel vm1, $0x900, v13  }
0x9b: {  	v14 =	vsel vm1, $0x980, v14;
	v15 =	vsel vm1, $0xA00, v15;
	v24 =	vand.u32 $0xFF, v24  }
0x9c: {  	s0 =	rddreg [dreg:$0x0];
	v16 =	vsel vm1, $0xA80, v16;
	v21 =	vnsel vm15, $0x3C3, v21;
	v24 =	vnsel vm15, $0x3C6, v24  }
0x9d: {  	s1 =	rddreg [dreg:$0x1];
	v18 =	vsel vm1, $0x38F, v18;
	v21 =	vsel vm10, $0x108, v21;
	v24 =	vsel vm10, $0x10B, v24  }
0x9e: {  	s2 =	rddreg [dreg:$0x2];
	s3 =	simm.s32 $0x0;
	s5 =	srdreg.scid;
	v22 =	vsel vm1, $0x383, v22;
	v21 =	vsel vm9, $0x149, v21;
	v24 =	vsel vm9, $0x14C, v24  }
0x9f: {  	s4 =	stileid.u32;
	s14 =	simm.s32 $0x7A1400;
	s15 =	simm.s32 $0x4000;
	v23 =	vsel vm1, $0x384, v23;
	v21 =	vsel vm8, $0x18A, v21;
	v24 =	vsel vm8, $0x18D, v24  }
0xa0: {  	s16 =	simm.s32 $0x1;
	s17 =	simm.s32 $0xC000;
	s18 =	simm.s32 $0x2;
	v25 =	vsel vm1, $0x386, v25;
	v21 =	vsel vm7, $0x1CB, v21;
	v24 =	vsel vm7, $0x1CE, v24  }
0xa1: {  	s19 =	simm.s32 $0x0;
	[smem:$0x7FF] =	sst s3;
	s6 =	sand.u32 $0x1, s5;
	v26 =	vsel vm1, $0x387, v26;
	v21 =	vsel vm6, $0x20C, v21;
	v24 =	vsel vm6, $0x20F, v24  }
0xa2: {  	s8 =	sshll.u32 s4, $0x1;
	s5 =	sadd.s32 $0xA00, s2;
	s7 =	ssub.s32 $0x2, s6;
	v27 =	vsel vm1, $0x388, v27;
	v21 =	vsel vm5, $0x24D, v21;
	v24 =	vsel vm5, $0x240, v24  }
0xa3: {  	_ =	strace $0x80000047;
	s13 =	sor.u32 s6, s8;
	s9 =	sshrl.u32 s7, $0x1;
	v28 =	vsel vm1, $0x389, v28;
	v21 =	vsel vm4, $0x28E, v21;
	v24 =	vsel vm4, $0x281, v24  }
0xa4: {  	s6 =	ssub.s32 $0xF41, s13;
	s8 =	sshll.u32 s13, $0x8;
	s11 =	sshll.u32 s13, $0xE;
	v29 =	vsel vm1, $0x38A, v29;
	v21 =	vsel vm3, $0x2CF, v21;
	v24 =	vsel vm3, $0x2C2, v24  }
0xa5: {  	p0 =	sne.s32 s13, $0x1F;
	s12 =	ssub.s32 s7, s9;
	s6 =	sshrl.u32 s6, $0x5;
	v30 =	vsel vm1, $0x38B, v30;
	v21 =	vsel vm2, $0x300, v21;
	v24 =	vsel vm2, $0x303, v24  }
0xa6: {  	s7 =	sadd.s32 $0x7A1A00, s2;
	s8 =	sadd.s32 s0, s8;
	s9 =	sshll.u32 s13, $0xB;
	v31 =	vsel vm1, $0x38C, v31;
	v21 =	vsel vm0, $0x341, v21;
	v24 =	vsel vm0, $0x344, v24  }
0xa7: {  	s13 =	simm.s32 $0x800;
	s10 =	sadd.s32 $0x2000, s8;
	s12 =	smax.u32 s12, $0x1;
	v32 =	vsel vm1, $0x38D, v32;
	v21 =	vsel vm1, $0x382, v21;
	v24 =	vsel vm1, $0x385, v24  }
.LBB2_1:
0xa8: {  	s2 =	simm.s32 @!p0 $0x0;
	s20 =	simm.s32 @!p0 $0x18000;
	s21 =	simm.s32 @!p0 $0x3  }
0xa9: {  	[tilespmem:s20], [sflag:$0x3] =	stream.linear.gather @!p0 [hbm4b:s1+s2], $0x1000, $0x38;
	[tilespmem:$0x19000] =	vst v63  }
0xaa: {  	_ =	swait.ge @!p0 [sflag:s21], $0x1000  }
0xab: {  	[sflag:s21] =	ssyncset.done @!p0 $0x0  }
0xac: {  	[sflag:s21] =	ssyncadd.s32 @!p0 $0xFFFFF000  }
0xad: {  	[hbm4b:s7+s2] =	stream.linear.scatter @!p0 [tilespmem:s20], [sflag:$0x3], $0x1000, $0x38;
	[tilespmem:$0x19000] =	vst v63  }
0xae: {  	_ =	swait.ge @!p0 [sflag:s21], $0x1000  }
0xaf: {  	[sflag:s21] =	ssyncset.done @!p0 $0x0  }
0xb0: {  	s22 =	simm.s32 $0x30;
	s23 =	simm.s32 $0x0;
	[sflag:s21] =	ssyncadd.s32 @!p0 $0xFFFFF000  }
0xb1: {  	[tilespmem:s3], [sflag:$0x1] =	stream.strided.gather [hbm4b:s8+s13], $0x4000, s14, s13, $0x38;
	[tilespmem:$0x19000] =	vst v63  }
0xb2: {  	s24 =	simm.s32 $0x0;
	s20 =	simm.s32 $0x10;
	s21 =	simm.s32 $0x20  }
0xb3: {  	[tilespmem:s15], [sflag:$0x1] =	stream.strided.gather [hbm4b:s10+s13], $0x4000, s14, s13, $0x38;
	[tilespmem:$0x19000] =	vst v63  }
.LBB2_2:
0xb4: {  	s2 =	sadd.s32 $0x2, s24  }
0xb5: {  	p1 =	sgt.u32 s2, s6  }
0xb6: {  	s25 =	smulhi.u32 @!p1 $0xAAAAAAAB, s2;
	_ =	sdelay $0x1  }
0xb7: {  	s26 =	smulhi.u32 $0xAAAAAAAB, s24;
	s25 =	sshrl.u32 @!p1 s25, $0x1  }
0xb8: {  	_ =	swait.ge [sflag:s16], $0x4000;
	s25 =	smul.u32 @!p1 $0x3, s25  }
0xb9: {  	[sflag:s16] =	ssyncset.done $0x0;
	s28 =	sshrl.u32 s26, $0x1;
	s26 =	sshll.u32 @!p1 s2, $0x10  }
0xba: {  	[sflag:s16] =	ssyncadd.s32 $0xFFFFC000;
	s2 =	ssub.s32 @!p1 s2, s25;
	s25 =	sor.u32 @!p1 s9, s26  }
0xbb: {  	s29 =	simm.s32 @!p1 $0x7A1400;
	s4 =	smul.u32 $0x3, s28;
	s25 =	sshrl.u32 @!p1 s25, $0x3  }
0xbc: {  	s26 =	simm.s32 @!p1 $0x800;
	s2 =	sshll.u32 @!p1 s2, $0xE;
	s25 =	sadd.s32 @!p1 s0, s25  }
0xbd: {  	[tilespmem:s2], [sflag:$0x1] =	stream.strided.gather @!p1 [hbm4b:s25+s26], $0x4000, s29, s26, $0x38;
	[tilespmem:$0x19000] =	vst v63  }
0xbe: {  	s2 =	ssub.s32 s24, s4;
	s4 =	simm.s32 $0x0  }
0xbf: {  	v33 =	vmov s4  }
0xc0: {  	v34 =	vor.u32 s4, v0;
	v33 =	vshll.u32 v33, $0x3  }
0xc1: {  	v34 =	vand.u32 $0x7F, v34;
	v33 =	vand.u32 $0x400, v33  }
0xc2: {  	v36 =	vor.u32 v33, v34  }
0xc3: {  	p1 =	slt.u32 s24, $0x3;
	v33 =	vor.u32 v2, v36  }
0xc4: {  	s25 =	simm.s32 @!p1 $0x2;
	v34 =	vor.u32 v7, v36  }
0xc5: {  	_ =	swait.ge @!p1 [sflag:s25], $0x4000;
	v35 =	vor.u32 v5, v36  }
0xc6: {  	[sflag:s25] =	ssyncset.done @!p1 $0x0;
	v37 =	vor.u32 v12, v36  }
0xc7: {  	[sflag:s25] =	ssyncadd.s32 @!p1 $0xFFFFC000;
	s25 =	sshll.u32 s2, $0xE;
	v39 =	vor.u32 v16, v36  }
0xc8: {  	v40 =	vor.u32 v8, v36;
	v47 =	vld.idx.msk [tilespmem:v33+s25+$0x0], $0xffff  }
0xc9: {  	v42 =	vor.u32 v9, v36;
	v38 =	vld.idx.msk [tilespmem:v34+s25+$0x0], $0xffff  }
0xca: {  	v44 =	vor.u32 v15, v36;
	v43 =	vld.idx.msk [tilespmem:v35+s25+$0x0], $0xffff  }
0xcb: {  	v45 =	vor.u32 v11, v36;
	v34 =	vld.idx.msk [tilespmem:v37+s25+$0x0], $0xffff  }
0xcc: {  	v60 =	vor.u32 v4, v36;
	v33 =	vld.idx.msk [tilespmem:v39+s25+$0x0], $0xffff  }
0xcd: {  	v46 =	vor.u32 v1, v36;
	v41 =	vld.idx.msk [tilespmem:v40+s25+$0x0], $0xffff  }
0xce: {  	s30 =	smul.u32 $0xC000, s28;
	v48 =	vor.u32 v3, v36;
	v40 =	vld.idx.msk [tilespmem:v42+s25+$0x0], $0xffff  }
0xcf: {  	v61 =	vor.u32 v14, v36;
	v35 =	vld.idx.msk [tilespmem:v44+s25+$0x0], $0xffff  }
0xd0: {  	s28 =	ssub.s32 s21, s30;
	v62 =	vor.u32 v10, v36;
	v39 =	vld.idx.msk [tilespmem:v45+s25+$0x0], $0xffff  }
0xd1: {  	s26 =	ssub.s32 s22, s30;
	s29 =	ssub.s32 s20, s30;
	s30 =	ssub.s32 s23, s30;
	v49 =	vor.u32 v13, v36;
	v45 =	vld.idx.msk [tilespmem:v60+s25+$0x0], $0xffff  }
0xd2: {  	v63 =	vor.u32 s30, v17;
	v36 =	vor.u32 v6, v36;
	v50 =	vld.idx.msk [tilespmem:v46+s25+$0x0], $0xffff  }
0xd3: {  	v53 =	vor.u32 s30, v18;
	v52 =	vld.idx.msk [tilespmem:v48+s25+$0x0], $0xffff  }
0xd4: {  	v54 =	vor.u32 s30, v19;
	v37 =	vld.idx.msk [tilespmem:v61+s25+$0x0], $0xffff  }
0xd5: {  	v51 =	vor.u32 s30, v20;
	v44 =	vld.idx.msk [tilespmem:v62+s25+$0x0], $0xffff  }
0xd6: {  	v42 =	vld.idx.msk [tilespmem:v49+s25+$0x0], $0xffff;
	v49 =	vor.u32 s30, v21  }
0xd7: {  	v46 =	vld.idx.msk [tilespmem:v36+s25+$0x0], $0xffff;
	[tilespmem:v63+s17+$0x0] =	vst.idx.msk $0xffff, v50;
	v50 =	vor.u32 s30, v22  }
0xd8: {  	v48 =	vor.u32 s30, v23;
	[tilespmem:v53+s17+$0x0] =	vst.idx.msk $0xffff, v47  }
0xd9: {  	s31 =	simm.s32 $0x10;
	s2 =	sadd.s32 $0x400, s30;
	v36 =	vor.u32 s30, v25;
	v47 =	vor.u32 s30, v24;
	[tilespmem:v54+s17+$0x0] =	vst.idx.msk $0xffff, v52  }
.LBB2_3:
0xda: {  	v52 =	vor.u32 s2, v25;
	p1 =	seq.s32 s31, $0xF0;
	[tilespmem:v51+s17+$0x0] =	vst.idx.msk $0xffff, v45;
	s4 =	smov.u32 s31;
	s31 =	sadd.s32 $0x10, s31  }
0xdb: {  	[tilespmem:v49+s17+$0x0] =	vst.idx.msk $0xffff, v43;
	v43 =	vor.u32 s30, v26  }
0xdc: {  	v45 =	vmov s4;
	[tilespmem:v50+s17+$0x0] =	vst.idx.msk $0xffff, v46;
	v46 =	vor.u32 s30, v27  }
0xdd: {  	v49 =	vor.u32 s4, v0;
	v45 =	vshll.u32 v45, $0x3;
	[tilespmem:v48+s17+$0x0] =	vst.idx.msk $0xffff, v38;
	v38 =	vor.u32 s30, v28  }
0xde: {  	v48 =	vand.u32 $0x7F, v49;
	v45 =	vand.u32 $0x400, v45;
	[tilespmem:v47+s17+$0x0] =	vst.idx.msk $0xffff, v41;
	v41 =	vor.u32 s30, v29  }
0xdf: {  	v45 =	vor.u32 v45, v48;
	[tilespmem:v36+s17+$0x0] =	vst.idx.msk $0xffff, v40;
	v40 =	vor.u32 s30, v30;
	v36 =	vmov v52  }
0xe0: {  	v47 =	vor.u32 v1, v45;
	v48 =	vor.u32 v2, v45;
	[tilespmem:v43+s17+$0x0] =	vst.idx.msk $0xffff, v44;
	v43 =	vor.u32 s30, v31  }
0xe1: {  	v49 =	vor.u32 v5, v45;
	v44 =	vor.u32 v4, v45;
	[tilespmem:v46+s17+$0x0] =	vst.idx.msk $0xffff, v39;
	v39 =	vor.u32 s30, v32;
	s30 =	smov.u32 s2  }
0xe2: {  	v50 =	vor.u32 v8, v45;
	v46 =	vor.u32 v7, v45;
	[tilespmem:v38+s17+$0x0] =	vst.idx.msk $0xffff, v34  }
0xe3: {  	v51 =	vor.u32 v10, v45;
	v52 =	vor.u32 v11, v45;
	[tilespmem:v41+s17+$0x0] =	vst.idx.msk $0xffff, v42  }
0xe4: {  	v53 =	vor.u32 v14, v45;
	v42 =	vor.u32 v13, v45;
	[tilespmem:v40+s17+$0x0] =	vst.idx.msk $0xffff, v37  }
0xe5: {  	v34 =	vor.u32 v12, v45;
	v37 =	vor.u32 v15, v45;
	[tilespmem:v43+s17+$0x0] =	vst.idx.msk $0xffff, v35  }
0xe6: {  	v40 =	vor.u32 v16, v45;
	v35 =	vor.u32 v9, v45;
	[tilespmem:v39+s17+$0x0] =	vst.idx.msk $0xffff, v33  }
0xe7: {  	v54 =	vor.u32 v3, v45;
	v48 =	vld.idx.msk [tilespmem:v48+s25+$0x0], $0xffff  }
0xe8: {  	v38 =	vld.idx.msk [tilespmem:v46+s25+$0x0], $0xffff  }
0xe9: {  	v43 =	vld.idx.msk [tilespmem:v49+s25+$0x0], $0xffff  }
0xea: {  	v34 =	vld.idx.msk [tilespmem:v34+s25+$0x0], $0xffff  }
0xeb: {  	v33 =	vld.idx.msk [tilespmem:v40+s25+$0x0], $0xffff  }
0xec: {  	v41 =	vld.idx.msk [tilespmem:v50+s25+$0x0], $0xffff  }
0xed: {  	v46 =	vor.u32 v6, v45;
	v40 =	vld.idx.msk [tilespmem:v35+s25+$0x0], $0xffff  }
0xee: {  	v35 =	vld.idx.msk [tilespmem:v37+s25+$0x0], $0xffff  }
0xef: {  	v39 =	vld.idx.msk [tilespmem:v52+s25+$0x0], $0xffff  }
0xf0: {  	v45 =	vld.idx.msk [tilespmem:v44+s25+$0x0], $0xffff  }
0xf1: {  	v47 =	vld.idx.msk [tilespmem:v47+s25+$0x0], $0xffff  }
0xf2: {  	v50 =	vor.u32 s2, v17;
	v52 =	vld.idx.msk [tilespmem:v54+s25+$0x0], $0xffff  }
0xf3: {  	v37 =	vld.idx.msk [tilespmem:v53+s25+$0x0], $0xffff;
	v53 =	vor.u32 s2, v18  }
0xf4: {  	v54 =	vor.u32 s2, v19;
	v44 =	vld.idx.msk [tilespmem:v51+s25+$0x0], $0xffff  }
.Ltmp0:
0xf5: {  	v51 =	vor.u32 s2, v20;
	v42 =	vld.idx.msk [tilespmem:v42+s25+$0x0], $0xffff;
	(pc) =	sbr.rel @!p1 .LBB2_3-.Ltmp0, $4  }
0xf6: {  	v49 =	vor.u32 s2, v21;
	v46 =	vld.idx.msk [tilespmem:v46+s25+$0x0], $0xffff  }
0xf7: {  	[tilespmem:v50+s17+$0x0] =	vst.idx.msk $0xffff, v47;
	v50 =	vor.u32 s2, v22  }
0xf8: {  	[tilespmem:v53+s17+$0x0] =	vst.idx.msk $0xffff, v48;
	v48 =	vor.u32 s2, v23  }
0xf9: {  	v47 =	vor.u32 s30, v24;
	s2 =	sadd.s32 $0x400, s2;
	[tilespmem:v54+s17+$0x0] =	vst.idx.msk $0xffff, v52  }
0xfa: {  	_ =	sdelay $0x3  }
0xfb: {  	[tilespmem:v51+s17+$0x0] =	vst.idx.msk $0xffff, v45  }
0xfc: {  	v54 =	vor.u32 s30, v26;
	[tilespmem:v49+s17+$0x0] =	vst.idx.msk $0xffff, v43  }
0xfd: {  	v55 =	vor.u32 s30, v27;
	[tilespmem:v50+s17+$0x0] =	vst.idx.msk $0xffff, v46  }
0xfe: {  	v56 =	vor.u32 s30, v28;
	[tilespmem:v48+s17+$0x0] =	vst.idx.msk $0xffff, v38  }
0xff: {  	v57 =	vor.u32 s30, v29;
	[tilespmem:v47+s17+$0x0] =	vst.idx.msk $0xffff, v41  }
0x100: {  	v58 =	vor.u32 s30, v30;
	[tilespmem:v36+s17+$0x0] =	vst.idx.msk $0xffff, v40  }
0x101: {  	v59 =	vor.u32 s30, v31;
	[tilespmem:v54+s17+$0x0] =	vst.idx.msk $0xffff, v44  }
0x102: {  	v60 =	vor.u32 s30, v32;
	[tilespmem:v55+s17+$0x0] =	vst.idx.msk $0xffff, v39  }
0x103: {  	[tilespmem:v56+s17+$0x0] =	vst.idx.msk $0xffff, v34  }
0x104: {  	[tilespmem:v57+s17+$0x0] =	vst.idx.msk $0xffff, v42  }
0x105: {  	s2 =	simm.s32 $0x0;
	[tilespmem:v58+s17+$0x0] =	vst.idx.msk $0xffff, v37  }
0x106: {  	v61 =	vmov s2;
	[tilespmem:v59+s17+$0x0] =	vst.idx.msk $0xffff, v35  }
0x107: {  	v62 =	vor.u32 s2, v0;
	[tilespmem:v60+s17+$0x0] =	vst.idx.msk $0xffff, v33;
	v33 =	vshll.u32 v61, $0x3  }
0x108: {  	v34 =	vand.u32 $0x7F, v62;
	v33 =	vand.u32 $0x400, v33  }
0x109: {  	v63 =	vor.u32 v33, v34  }
0x10a: {  	v33 =	vor.u32 v2, v63  }
0x10b: {  	v34 =	vor.u32 v7, v63  }
0x10c: {  	v50 =	vor.u32 v5, v63  }
0x10d: {  	v51 =	vor.u32 v12, v63  }
0x10e: {  	s30 =	sadd.s32 $0x1000, s25;
	v52 =	vor.u32 v16, v63  }
0x10f: {  	v53 =	vor.u32 v8, v63;
	v47 =	vld.idx.msk [tilespmem:v33+s30+$0x0], $0xffff  }
0x110: {  	v54 =	vor.u32 v9, v63;
	v38 =	vld.idx.msk [tilespmem:v34+s30+$0x0], $0xffff  }
0x111: {  	v55 =	vor.u32 v15, v63;
	v43 =	vld.idx.msk [tilespmem:v50+s30+$0x0], $0xffff  }
0x112: {  	v56 =	vor.u32 v11, v63;
	v34 =	vld.idx.msk [tilespmem:v51+s30+$0x0], $0xffff  }
0x113: {  	v57 =	vor.u32 v4, v63;
	v33 =	vld.idx.msk [tilespmem:v52+s30+$0x0], $0xffff  }
0x114: {  	v58 =	vor.u32 v1, v63;
	v41 =	vld.idx.msk [tilespmem:v53+s30+$0x0], $0xffff  }
0x115: {  	v59 =	vor.u32 v3, v63;
	v40 =	vld.idx.msk [tilespmem:v54+s30+$0x0], $0xffff  }
0x116: {  	v60 =	vor.u32 v14, v63;
	v35 =	vld.idx.msk [tilespmem:v55+s30+$0x0], $0xffff  }
0x117: {  	v61 =	vor.u32 v10, v63;
	v39 =	vld.idx.msk [tilespmem:v56+s30+$0x0], $0xffff  }
0x118: {  	v62 =	vor.u32 v13, v63;
	v45 =	vld.idx.msk [tilespmem:v57+s30+$0x0], $0xffff  }
0x119: {  	v36 =	vor.u32 v6, v63;
	v63 =	vor.u32 s29, v17;
	v50 =	vld.idx.msk [tilespmem:v58+s30+$0x0], $0xffff  }
0x11a: {  	v52 =	vld.idx.msk [tilespmem:v59+s30+$0x0], $0xffff;
	v53 =	vor.u32 s29, v18  }
0x11b: {  	v37 =	vld.idx.msk [tilespmem:v60+s30+$0x0], $0xffff;
	v54 =	vor.u32 s29, v19  }
0x11c: {  	v44 =	vld.idx.msk [tilespmem:v61+s30+$0x0], $0xffff;
	v51 =	vor.u32 s29, v20  }
0x11d: {  	v49 =	vor.u32 s29, v21;
	v42 =	vld.idx.msk [tilespmem:v62+s30+$0x0], $0xffff  }
0x11e: {  	v46 =	vld.idx.msk [tilespmem:v36+s30+$0x0], $0xffff;
	[tilespmem:v63+s17+$0x0] =	vst.idx.msk $0xffff, v50;
	v50 =	vor.u32 s29, v22  }
0x11f: {  	v48 =	vor.u32 s29, v23;
	[tilespmem:v53+s17+$0x0] =	vst.idx.msk $0xffff, v47  }
0x120: {  	s31 =	simm.s32 $0x10;
	s2 =	sadd.s32 $0x400, s29;
	v36 =	vor.u32 s29, v25;
	v47 =	vor.u32 s29, v24;
	[tilespmem:v54+s17+$0x0] =	vst.idx.msk $0xffff, v52  }
.LBB2_5:
0x121: {  	v52 =	vor.u32 s2, v25;
	p1 =	seq.s32 s31, $0xF0;
	[tilespmem:v51+s17+$0x0] =	vst.idx.msk $0xffff, v45;
	s4 =	smov.u32 s31;
	s31 =	sadd.s32 $0x10, s31  }
0x122: {  	[tilespmem:v49+s17+$0x0] =	vst.idx.msk $0xffff, v43;
	v43 =	vor.u32 s29, v26  }
0x123: {  	v45 =	vmov s4;
	[tilespmem:v50+s17+$0x0] =	vst.idx.msk $0xffff, v46;
	v46 =	vor.u32 s29, v27  }
0x124: {  	v49 =	vor.u32 s4, v0;
	v45 =	vshll.u32 v45, $0x3;
	[tilespmem:v48+s17+$0x0] =	vst.idx.msk $0xffff, v38;
	v38 =	vor.u32 s29, v28  }
0x125: {  	v48 =	vand.u32 $0x7F, v49;
	v45 =	vand.u32 $0x400, v45;
	[tilespmem:v47+s17+$0x0] =	vst.idx.msk $0xffff, v41;
	v41 =	vor.u32 s29, v29  }
0x126: {  	v45 =	vor.u32 v45, v48;
	[tilespmem:v36+s17+$0x0] =	vst.idx.msk $0xffff, v40;
	v40 =	vor.u32 s29, v30;
	v36 =	vmov v52  }
0x127: {  	v47 =	vor.u32 v1, v45;
	v48 =	vor.u32 v2, v45;
	[tilespmem:v43+s17+$0x0] =	vst.idx.msk $0xffff, v44;
	v43 =	vor.u32 s29, v31  }
0x128: {  	v49 =	vor.u32 v5, v45;
	v44 =	vor.u32 v4, v45;
	[tilespmem:v46+s17+$0x0] =	vst.idx.msk $0xffff, v39;
	v39 =	vor.u32 s29, v32;
	s29 =	smov.u32 s2  }
0x129: {  	v50 =	vor.u32 v8, v45;
	v46 =	vor.u32 v7, v45;
	[tilespmem:v38+s17+$0x0] =	vst.idx.msk $0xffff, v34  }
0x12a: {  	v51 =	vor.u32 v10, v45;
	v52 =	vor.u32 v11, v45;
	[tilespmem:v41+s17+$0x0] =	vst.idx.msk $0xffff, v42  }
0x12b: {  	v53 =	vor.u32 v14, v45;
	v42 =	vor.u32 v13, v45;
	[tilespmem:v40+s17+$0x0] =	vst.idx.msk $0xffff, v37  }
0x12c: {  	v34 =	vor.u32 v12, v45;
	v37 =	vor.u32 v15, v45;
	[tilespmem:v43+s17+$0x0] =	vst.idx.msk $0xffff, v35  }
0x12d: {  	v40 =	vor.u32 v16, v45;
	v35 =	vor.u32 v9, v45;
	[tilespmem:v39+s17+$0x0] =	vst.idx.msk $0xffff, v33  }
0x12e: {  	v54 =	vor.u32 v3, v45;
	v48 =	vld.idx.msk [tilespmem:v48+s30+$0x0], $0xffff  }
0x12f: {  	v38 =	vld.idx.msk [tilespmem:v46+s30+$0x0], $0xffff  }
0x130: {  	v43 =	vld.idx.msk [tilespmem:v49+s30+$0x0], $0xffff  }
0x131: {  	v34 =	vld.idx.msk [tilespmem:v34+s30+$0x0], $0xffff  }
0x132: {  	v33 =	vld.idx.msk [tilespmem:v40+s30+$0x0], $0xffff  }
0x133: {  	v41 =	vld.idx.msk [tilespmem:v50+s30+$0x0], $0xffff  }
0x134: {  	v46 =	vor.u32 v6, v45;
	v40 =	vld.idx.msk [tilespmem:v35+s30+$0x0], $0xffff  }
0x135: {  	v35 =	vld.idx.msk [tilespmem:v37+s30+$0x0], $0xffff  }
0x136: {  	v39 =	vld.idx.msk [tilespmem:v52+s30+$0x0], $0xffff  }
0x137: {  	v45 =	vld.idx.msk [tilespmem:v44+s30+$0x0], $0xffff  }
0x138: {  	v47 =	vld.idx.msk [tilespmem:v47+s30+$0x0], $0xffff  }
0x139: {  	v50 =	vor.u32 s2, v17;
	v52 =	vld.idx.msk [tilespmem:v54+s30+$0x0], $0xffff  }
0x13a: {  	v37 =	vld.idx.msk [tilespmem:v53+s30+$0x0], $0xffff;
	v53 =	vor.u32 s2, v18  }
0x13b: {  	v54 =	vor.u32 s2, v19;
	v44 =	vld.idx.msk [tilespmem:v51+s30+$0x0], $0xffff  }
.Ltmp1:
0x13c: {  	v51 =	vor.u32 s2, v20;
	v42 =	vld.idx.msk [tilespmem:v42+s30+$0x0], $0xffff;
	(pc) =	sbr.rel @!p1 .LBB2_5-.Ltmp1, $4  }
0x13d: {  	v49 =	vor.u32 s2, v21;
	v46 =	vld.idx.msk [tilespmem:v46+s30+$0x0], $0xffff  }
0x13e: {  	[tilespmem:v50+s17+$0x0] =	vst.idx.msk $0xffff, v47;
	v50 =	vor.u32 s2, v22  }
0x13f: {  	[tilespmem:v53+s17+$0x0] =	vst.idx.msk $0xffff, v48;
	v48 =	vor.u32 s2, v23  }
0x140: {  	v47 =	vor.u32 s29, v24;
	s2 =	sadd.s32 $0x400, s2;
	[tilespmem:v54+s17+$0x0] =	vst.idx.msk $0xffff, v52  }
0x141: {  	_ =	sdelay $0x3  }
0x142: {  	[tilespmem:v51+s17+$0x0] =	vst.idx.msk $0xffff, v45  }
0x143: {  	v54 =	vor.u32 s29, v26;
	[tilespmem:v49+s17+$0x0] =	vst.idx.msk $0xffff, v43  }
0x144: {  	v55 =	vor.u32 s29, v27;
	[tilespmem:v50+s17+$0x0] =	vst.idx.msk $0xffff, v46  }
0x145: {  	v56 =	vor.u32 s29, v28;
	[tilespmem:v48+s17+$0x0] =	vst.idx.msk $0xffff, v38  }
0x146: {  	v57 =	vor.u32 s29, v29;
	[tilespmem:v47+s17+$0x0] =	vst.idx.msk $0xffff, v41  }
0x147: {  	v58 =	vor.u32 s29, v30;
	[tilespmem:v36+s17+$0x0] =	vst.idx.msk $0xffff, v40  }
0x148: {  	v59 =	vor.u32 s29, v31;
	[tilespmem:v54+s17+$0x0] =	vst.idx.msk $0xffff, v44  }
0x149: {  	v60 =	vor.u32 s29, v32;
	[tilespmem:v55+s17+$0x0] =	vst.idx.msk $0xffff, v39  }
0x14a: {  	[tilespmem:v56+s17+$0x0] =	vst.idx.msk $0xffff, v34  }
0x14b: {  	[tilespmem:v57+s17+$0x0] =	vst.idx.msk $0xffff, v42  }
0x14c: {  	s2 =	simm.s32 $0x0;
	[tilespmem:v58+s17+$0x0] =	vst.idx.msk $0xffff, v37  }
0x14d: {  	v61 =	vmov s2;
	[tilespmem:v59+s17+$0x0] =	vst.idx.msk $0xffff, v35  }
0x14e: {  	v62 =	vor.u32 s2, v0;
	[tilespmem:v60+s17+$0x0] =	vst.idx.msk $0xffff, v33;
	v33 =	vshll.u32 v61, $0x3  }
0x14f: {  	v34 =	vand.u32 $0x7F, v62;
	v33 =	vand.u32 $0x400, v33  }
0x150: {  	v63 =	vor.u32 v33, v34  }
0x151: {  	v33 =	vor.u32 v2, v63  }
0x152: {  	v34 =	vor.u32 v7, v63  }
0x153: {  	v50 =	vor.u32 v5, v63  }
0x154: {  	v51 =	vor.u32 v12, v63  }
0x155: {  	s29 =	sadd.s32 $0x2000, s25;
	v52 =	vor.u32 v16, v63  }
0x156: {  	v53 =	vor.u32 v8, v63;
	v47 =	vld.idx.msk [tilespmem:v33+s29+$0x0], $0xffff  }
0x157: {  	v54 =	vor.u32 v9, v63;
	v38 =	vld.idx.msk [tilespmem:v34+s29+$0x0], $0xffff  }
0x158: {  	v55 =	vor.u32 v15, v63;
	v43 =	vld.idx.msk [tilespmem:v50+s29+$0x0], $0xffff  }
0x159: {  	v56 =	vor.u32 v11, v63;
	v34 =	vld.idx.msk [tilespmem:v51+s29+$0x0], $0xffff  }
0x15a: {  	v57 =	vor.u32 v4, v63;
	v33 =	vld.idx.msk [tilespmem:v52+s29+$0x0], $0xffff  }
0x15b: {  	v58 =	vor.u32 v1, v63;
	v41 =	vld.idx.msk [tilespmem:v53+s29+$0x0], $0xffff  }
0x15c: {  	v59 =	vor.u32 v3, v63;
	v40 =	vld.idx.msk [tilespmem:v54+s29+$0x0], $0xffff  }
0x15d: {  	v60 =	vor.u32 v14, v63;
	v35 =	vld.idx.msk [tilespmem:v55+s29+$0x0], $0xffff  }
0x15e: {  	v61 =	vor.u32 v10, v63;
	v39 =	vld.idx.msk [tilespmem:v56+s29+$0x0], $0xffff  }
0x15f: {  	v62 =	vor.u32 v13, v63;
	v45 =	vld.idx.msk [tilespmem:v57+s29+$0x0], $0xffff  }
0x160: {  	v36 =	vor.u32 v6, v63;
	v63 =	vor.u32 s28, v17;
	v50 =	vld.idx.msk [tilespmem:v58+s29+$0x0], $0xffff  }
0x161: {  	v52 =	vld.idx.msk [tilespmem:v59+s29+$0x0], $0xffff;
	v53 =	vor.u32 s28, v18  }
0x162: {  	v37 =	vld.idx.msk [tilespmem:v60+s29+$0x0], $0xffff;
	v54 =	vor.u32 s28, v19  }
0x163: {  	v44 =	vld.idx.msk [tilespmem:v61+s29+$0x0], $0xffff;
	v51 =	vor.u32 s28, v20  }
0x164: {  	v49 =	vor.u32 s28, v21;
	v42 =	vld.idx.msk [tilespmem:v62+s29+$0x0], $0xffff  }
0x165: {  	v46 =	vld.idx.msk [tilespmem:v36+s29+$0x0], $0xffff;
	[tilespmem:v63+s17+$0x0] =	vst.idx.msk $0xffff, v50;
	v50 =	vor.u32 s28, v22  }
0x166: {  	v48 =	vor.u32 s28, v23;
	[tilespmem:v53+s17+$0x0] =	vst.idx.msk $0xffff, v47  }
0x167: {  	s30 =	simm.s32 $0x10;
	s2 =	sadd.s32 $0x400, s28;
	v36 =	vor.u32 s28, v25;
	v47 =	vor.u32 s28, v24;
	[tilespmem:v54+s17+$0x0] =	vst.idx.msk $0xffff, v52  }
.LBB2_7:
0x168: {  	v52 =	vor.u32 s2, v25;
	p1 =	seq.s32 s30, $0xF0;
	[tilespmem:v51+s17+$0x0] =	vst.idx.msk $0xffff, v45;
	s4 =	smov.u32 s30;
	s30 =	sadd.s32 $0x10, s30  }
0x169: {  	[tilespmem:v49+s17+$0x0] =	vst.idx.msk $0xffff, v43;
	v43 =	vor.u32 s28, v26  }
0x16a: {  	v45 =	vmov s4;
	[tilespmem:v50+s17+$0x0] =	vst.idx.msk $0xffff, v46;
	v46 =	vor.u32 s28, v27  }
0x16b: {  	v49 =	vor.u32 s4, v0;
	v45 =	vshll.u32 v45, $0x3;
	[tilespmem:v48+s17+$0x0] =	vst.idx.msk $0xffff, v38;
	v38 =	vor.u32 s28, v28  }
0x16c: {  	v48 =	vand.u32 $0x7F, v49;
	v45 =	vand.u32 $0x400, v45;
	[tilespmem:v47+s17+$0x0] =	vst.idx.msk $0xffff, v41;
	v41 =	vor.u32 s28, v29  }
0x16d: {  	v45 =	vor.u32 v45, v48;
	[tilespmem:v36+s17+$0x0] =	vst.idx.msk $0xffff, v40;
	v40 =	vor.u32 s28, v30;
	v36 =	vmov v52  }
0x16e: {  	v47 =	vor.u32 v1, v45;
	v48 =	vor.u32 v2, v45;
	[tilespmem:v43+s17+$0x0] =	vst.idx.msk $0xffff, v44;
	v43 =	vor.u32 s28, v31  }
0x16f: {  	v49 =	vor.u32 v5, v45;
	v44 =	vor.u32 v4, v45;
	[tilespmem:v46+s17+$0x0] =	vst.idx.msk $0xffff, v39;
	v39 =	vor.u32 s28, v32;
	s28 =	smov.u32 s2  }
0x170: {  	v50 =	vor.u32 v8, v45;
	v46 =	vor.u32 v7, v45;
	[tilespmem:v38+s17+$0x0] =	vst.idx.msk $0xffff, v34  }
0x171: {  	v51 =	vor.u32 v10, v45;
	v52 =	vor.u32 v11, v45;
	[tilespmem:v41+s17+$0x0] =	vst.idx.msk $0xffff, v42  }
0x172: {  	v53 =	vor.u32 v14, v45;
	v42 =	vor.u32 v13, v45;
	[tilespmem:v40+s17+$0x0] =	vst.idx.msk $0xffff, v37  }
0x173: {  	v34 =	vor.u32 v12, v45;
	v37 =	vor.u32 v15, v45;
	[tilespmem:v43+s17+$0x0] =	vst.idx.msk $0xffff, v35  }
0x174: {  	v40 =	vor.u32 v16, v45;
	v35 =	vor.u32 v9, v45;
	[tilespmem:v39+s17+$0x0] =	vst.idx.msk $0xffff, v33  }
0x175: {  	v54 =	vor.u32 v3, v45;
	v48 =	vld.idx.msk [tilespmem:v48+s29+$0x0], $0xffff  }
0x176: {  	v38 =	vld.idx.msk [tilespmem:v46+s29+$0x0], $0xffff  }
0x177: {  	v43 =	vld.idx.msk [tilespmem:v49+s29+$0x0], $0xffff  }
0x178: {  	v34 =	vld.idx.msk [tilespmem:v34+s29+$0x0], $0xffff  }
0x179: {  	v33 =	vld.idx.msk [tilespmem:v40+s29+$0x0], $0xffff  }
0x17a: {  	v41 =	vld.idx.msk [tilespmem:v50+s29+$0x0], $0xffff  }
0x17b: {  	v46 =	vor.u32 v6, v45;
	v40 =	vld.idx.msk [tilespmem:v35+s29+$0x0], $0xffff  }
0x17c: {  	v35 =	vld.idx.msk [tilespmem:v37+s29+$0x0], $0xffff  }
0x17d: {  	v39 =	vld.idx.msk [tilespmem:v52+s29+$0x0], $0xffff  }
0x17e: {  	v45 =	vld.idx.msk [tilespmem:v44+s29+$0x0], $0xffff  }
0x17f: {  	v47 =	vld.idx.msk [tilespmem:v47+s29+$0x0], $0xffff  }
0x180: {  	v50 =	vor.u32 s2, v17;
	v52 =	vld.idx.msk [tilespmem:v54+s29+$0x0], $0xffff  }
0x181: {  	v37 =	vld.idx.msk [tilespmem:v53+s29+$0x0], $0xffff;
	v53 =	vor.u32 s2, v18  }
0x182: {  	v54 =	vor.u32 s2, v19;
	v44 =	vld.idx.msk [tilespmem:v51+s29+$0x0], $0xffff  }
.Ltmp2:
0x183: {  	v51 =	vor.u32 s2, v20;
	v42 =	vld.idx.msk [tilespmem:v42+s29+$0x0], $0xffff;
	(pc) =	sbr.rel @!p1 .LBB2_7-.Ltmp2, $4  }
0x184: {  	v49 =	vor.u32 s2, v21;
	v46 =	vld.idx.msk [tilespmem:v46+s29+$0x0], $0xffff  }
0x185: {  	[tilespmem:v50+s17+$0x0] =	vst.idx.msk $0xffff, v47;
	v50 =	vor.u32 s2, v22  }
0x186: {  	[tilespmem:v53+s17+$0x0] =	vst.idx.msk $0xffff, v48;
	v48 =	vor.u32 s2, v23  }
0x187: {  	v47 =	vor.u32 s28, v24;
	s2 =	sadd.s32 $0x400, s2;
	[tilespmem:v54+s17+$0x0] =	vst.idx.msk $0xffff, v52  }
0x188: {  	_ =	sdelay $0x3  }
0x189: {  	[tilespmem:v51+s17+$0x0] =	vst.idx.msk $0xffff, v45  }
0x18a: {  	v54 =	vor.u32 s28, v26;
	[tilespmem:v49+s17+$0x0] =	vst.idx.msk $0xffff, v43  }
0x18b: {  	v55 =	vor.u32 s28, v27;
	[tilespmem:v50+s17+$0x0] =	vst.idx.msk $0xffff, v46  }
0x18c: {  	v56 =	vor.u32 s28, v28;
	[tilespmem:v48+s17+$0x0] =	vst.idx.msk $0xffff, v38  }
0x18d: {  	v57 =	vor.u32 s28, v29;
	[tilespmem:v47+s17+$0x0] =	vst.idx.msk $0xffff, v41  }
0x18e: {  	v58 =	vor.u32 s28, v30;
	[tilespmem:v36+s17+$0x0] =	vst.idx.msk $0xffff, v40  }
0x18f: {  	v59 =	vor.u32 s28, v31;
	[tilespmem:v54+s17+$0x0] =	vst.idx.msk $0xffff, v44  }
0x190: {  	v60 =	vor.u32 s28, v32;
	[tilespmem:v55+s17+$0x0] =	vst.idx.msk $0xffff, v39  }
0x191: {  	[tilespmem:v56+s17+$0x0] =	vst.idx.msk $0xffff, v34  }
0x192: {  	[tilespmem:v57+s17+$0x0] =	vst.idx.msk $0xffff, v42  }
0x193: {  	s2 =	simm.s32 $0x0;
	[tilespmem:v58+s17+$0x0] =	vst.idx.msk $0xffff, v37  }
0x194: {  	v61 =	vmov s2;
	[tilespmem:v59+s17+$0x0] =	vst.idx.msk $0xffff, v35  }
0x195: {  	v62 =	vor.u32 s2, v0;
	[tilespmem:v60+s17+$0x0] =	vst.idx.msk $0xffff, v33;
	v33 =	vshll.u32 v61, $0x3  }
0x196: {  	v34 =	vand.u32 $0x7F, v62;
	v33 =	vand.u32 $0x400, v33  }
0x197: {  	v63 =	vor.u32 v33, v34  }
0x198: {  	v33 =	vor.u32 v2, v63  }
0x199: {  	v34 =	vor.u32 v7, v63  }
0x19a: {  	v50 =	vor.u32 v5, v63  }
0x19b: {  	v51 =	vor.u32 v12, v63  }
0x19c: {  	s28 =	sadd.s32 $0x3000, s25;
	v52 =	vor.u32 v16, v63  }
0x19d: {  	v53 =	vor.u32 v8, v63;
	v47 =	vld.idx.msk [tilespmem:v33+s28+$0x0], $0xffff  }
0x19e: {  	v54 =	vor.u32 v9, v63;
	v38 =	vld.idx.msk [tilespmem:v34+s28+$0x0], $0xffff  }
0x19f: {  	v55 =	vor.u32 v15, v63;
	v43 =	vld.idx.msk [tilespmem:v50+s28+$0x0], $0xffff  }
0x1a0: {  	v56 =	vor.u32 v11, v63;
	v34 =	vld.idx.msk [tilespmem:v51+s28+$0x0], $0xffff  }
0x1a1: {  	v57 =	vor.u32 v4, v63;
	v33 =	vld.idx.msk [tilespmem:v52+s28+$0x0], $0xffff  }
0x1a2: {  	v58 =	vor.u32 v1, v63;
	v41 =	vld.idx.msk [tilespmem:v53+s28+$0x0], $0xffff  }
0x1a3: {  	v59 =	vor.u32 v3, v63;
	v40 =	vld.idx.msk [tilespmem:v54+s28+$0x0], $0xffff  }
0x1a4: {  	v60 =	vor.u32 v14, v63;
	v35 =	vld.idx.msk [tilespmem:v55+s28+$0x0], $0xffff  }
0x1a5: {  	v61 =	vor.u32 v10, v63;
	v39 =	vld.idx.msk [tilespmem:v56+s28+$0x0], $0xffff  }
0x1a6: {  	v62 =	vor.u32 v13, v63;
	v45 =	vld.idx.msk [tilespmem:v57+s28+$0x0], $0xffff  }
0x1a7: {  	v36 =	vor.u32 v6, v63;
	v63 =	vor.u32 s26, v17;
	v50 =	vld.idx.msk [tilespmem:v58+s28+$0x0], $0xffff  }
0x1a8: {  	v52 =	vld.idx.msk [tilespmem:v59+s28+$0x0], $0xffff;
	v53 =	vor.u32 s26, v18  }
0x1a9: {  	v37 =	vld.idx.msk [tilespmem:v60+s28+$0x0], $0xffff;
	v54 =	vor.u32 s26, v19  }
0x1aa: {  	v44 =	vld.idx.msk [tilespmem:v61+s28+$0x0], $0xffff;
	v51 =	vor.u32 s26, v20  }
0x1ab: {  	v49 =	vor.u32 s26, v21;
	v42 =	vld.idx.msk [tilespmem:v62+s28+$0x0], $0xffff  }
0x1ac: {  	v46 =	vld.idx.msk [tilespmem:v36+s28+$0x0], $0xffff;
	[tilespmem:v63+s17+$0x0] =	vst.idx.msk $0xffff, v50;
	v50 =	vor.u32 s26, v22  }
0x1ad: {  	v48 =	vor.u32 s26, v23;
	[tilespmem:v53+s17+$0x0] =	vst.idx.msk $0xffff, v47  }
0x1ae: {  	s29 =	simm.s32 $0x10;
	s2 =	sadd.s32 $0x400, s26;
	v36 =	vor.u32 s26, v25;
	v47 =	vor.u32 s26, v24;
	[tilespmem:v54+s17+$0x0] =	vst.idx.msk $0xffff, v52  }
.LBB2_9:
0x1af: {  	v52 =	vor.u32 s2, v25;
	p1 =	sne.s32 s29, $0xF0;
	[tilespmem:v51+s17+$0x0] =	vst.idx.msk $0xffff, v45;
	s4 =	smov.u32 s29;
	s29 =	sadd.s32 $0x10, s29  }
0x1b0: {  	[tilespmem:v49+s17+$0x0] =	vst.idx.msk $0xffff, v43;
	v43 =	vor.u32 s26, v26  }
0x1b1: {  	v45 =	vmov s4;
	[tilespmem:v50+s17+$0x0] =	vst.idx.msk $0xffff, v46;
	v46 =	vor.u32 s26, v27  }
0x1b2: {  	v49 =	vor.u32 s4, v0;
	v45 =	vshll.u32 v45, $0x3;
	[tilespmem:v48+s17+$0x0] =	vst.idx.msk $0xffff, v38;
	v38 =	vor.u32 s26, v28  }
0x1b3: {  	v48 =	vand.u32 $0x7F, v49;
	v45 =	vand.u32 $0x400, v45;
	[tilespmem:v47+s17+$0x0] =	vst.idx.msk $0xffff, v41;
	v41 =	vor.u32 s26, v29  }
0x1b4: {  	v45 =	vor.u32 v45, v48;
	[tilespmem:v36+s17+$0x0] =	vst.idx.msk $0xffff, v40;
	v40 =	vor.u32 s26, v30;
	v36 =	vmov v52  }
0x1b5: {  	v47 =	vor.u32 v1, v45;
	v48 =	vor.u32 v2, v45;
	[tilespmem:v43+s17+$0x0] =	vst.idx.msk $0xffff, v44;
	v43 =	vor.u32 s26, v31  }
0x1b6: {  	v49 =	vor.u32 v5, v45;
	v44 =	vor.u32 v4, v45;
	[tilespmem:v46+s17+$0x0] =	vst.idx.msk $0xffff, v39;
	v39 =	vor.u32 s26, v32;
	s26 =	smov.u32 s2  }
0x1b7: {  	v50 =	vor.u32 v8, v45;
	v46 =	vor.u32 v7, v45;
	[tilespmem:v38+s17+$0x0] =	vst.idx.msk $0xffff, v34  }
0x1b8: {  	v51 =	vor.u32 v10, v45;
	v52 =	vor.u32 v11, v45;
	[tilespmem:v41+s17+$0x0] =	vst.idx.msk $0xffff, v42  }
0x1b9: {  	v53 =	vor.u32 v14, v45;
	v42 =	vor.u32 v13, v45;
	[tilespmem:v40+s17+$0x0] =	vst.idx.msk $0xffff, v37  }
0x1ba: {  	v34 =	vor.u32 v12, v45;
	v37 =	vor.u32 v15, v45;
	[tilespmem:v43+s17+$0x0] =	vst.idx.msk $0xffff, v35  }
0x1bb: {  	v40 =	vor.u32 v16, v45;
	v35 =	vor.u32 v9, v45;
	[tilespmem:v39+s17+$0x0] =	vst.idx.msk $0xffff, v33  }
0x1bc: {  	v54 =	vor.u32 v3, v45;
	v48 =	vld.idx.msk [tilespmem:v48+s28+$0x0], $0xffff  }
0x1bd: {  	v38 =	vld.idx.msk [tilespmem:v46+s28+$0x0], $0xffff  }
0x1be: {  	v43 =	vld.idx.msk [tilespmem:v49+s28+$0x0], $0xffff  }
0x1bf: {  	v34 =	vld.idx.msk [tilespmem:v34+s28+$0x0], $0xffff  }
0x1c0: {  	v33 =	vld.idx.msk [tilespmem:v40+s28+$0x0], $0xffff  }
0x1c1: {  	v41 =	vld.idx.msk [tilespmem:v50+s28+$0x0], $0xffff  }
0x1c2: {  	v46 =	vor.u32 v6, v45;
	v40 =	vld.idx.msk [tilespmem:v35+s28+$0x0], $0xffff  }
0x1c3: {  	v35 =	vld.idx.msk [tilespmem:v37+s28+$0x0], $0xffff  }
0x1c4: {  	v39 =	vld.idx.msk [tilespmem:v52+s28+$0x0], $0xffff  }
0x1c5: {  	v45 =	vld.idx.msk [tilespmem:v44+s28+$0x0], $0xffff  }
0x1c6: {  	v47 =	vld.idx.msk [tilespmem:v47+s28+$0x0], $0xffff  }
0x1c7: {  	v50 =	vor.u32 s2, v17;
	v52 =	vld.idx.msk [tilespmem:v54+s28+$0x0], $0xffff  }
0x1c8: {  	v37 =	vld.idx.msk [tilespmem:v53+s28+$0x0], $0xffff;
	v53 =	vor.u32 s2, v18  }
0x1c9: {  	v54 =	vor.u32 s2, v19;
	v44 =	vld.idx.msk [tilespmem:v51+s28+$0x0], $0xffff  }
.Ltmp3:
0x1ca: {  	v51 =	vor.u32 s2, v20;
	v42 =	vld.idx.msk [tilespmem:v42+s28+$0x0], $0xffff;
	(pc) =	sbr.rel @p1 .LBB2_9-.Ltmp3, $4  }
0x1cb: {  	v49 =	vor.u32 s2, v21;
	v46 =	vld.idx.msk [tilespmem:v46+s28+$0x0], $0xffff  }
0x1cc: {  	[tilespmem:v50+s17+$0x0] =	vst.idx.msk $0xffff, v47;
	v50 =	vor.u32 s2, v22  }
0x1cd: {  	[tilespmem:v53+s17+$0x0] =	vst.idx.msk $0xffff, v48;
	v48 =	vor.u32 s2, v23  }
0x1ce: {  	v47 =	vor.u32 s26, v24;
	s2 =	sadd.s32 $0x400, s2;
	[tilespmem:v54+s17+$0x0] =	vst.idx.msk $0xffff, v52  }
0x1cf: {  	_ =	sdelay $0x3  }
0x1d0: {  	[tilespmem:v51+s17+$0x0] =	vst.idx.msk $0xffff, v45  }
0x1d1: {  	v57 =	vor.u32 s26, v26;
	[tilespmem:v49+s17+$0x0] =	vst.idx.msk $0xffff, v43  }
0x1d2: {  	v58 =	vor.u32 s26, v27;
	[tilespmem:v50+s17+$0x0] =	vst.idx.msk $0xffff, v46  }
0x1d3: {  	v59 =	vor.u32 s26, v28;
	[tilespmem:v48+s17+$0x0] =	vst.idx.msk $0xffff, v38  }
0x1d4: {  	v60 =	vor.u32 s26, v29;
	[tilespmem:v47+s17+$0x0] =	vst.idx.msk $0xffff, v41  }
0x1d5: {  	v61 =	vor.u32 s26, v30;
	[tilespmem:v36+s17+$0x0] =	vst.idx.msk $0xffff, v40  }
0x1d6: {  	v62 =	vor.u32 s26, v31;
	[tilespmem:v57+s17+$0x0] =	vst.idx.msk $0xffff, v44  }
0x1d7: {  	v63 =	vor.u32 s26, v32;
	[tilespmem:v58+s17+$0x0] =	vst.idx.msk $0xffff, v39  }
0x1d8: {  	p1 =	sne.s32 s24, s6;
	[tilespmem:v59+s17+$0x0] =	vst.idx.msk $0xffff, v34  }
.Ltmp4:
0x1d9: {  	s2 =	sshll.u32 s24, $0x13;
	s4 =	sadd.s32 $0xC000, s25;
	[tilespmem:v60+s17+$0x0] =	vst.idx.msk $0xffff, v42;
	(pc) =	sbr.rel @p1 .LBB2_2-.Ltmp4, $4  }
0x1da: {  	s31 =	sadd.s32 $0x1, s24;
	s23 =	sadd.s32 $0x4000, s23;
	s2 =	sor.u32 s11, s2;
	[tilespmem:v61+s17+$0x0] =	vst.idx.msk $0xffff, v37  }
0x1db: {  	s20 =	sadd.s32 $0x4000, s20;
	s21 =	sadd.s32 $0x4000, s21;
	s2 =	sshrl.u32 s2, $0x3;
	[tilespmem:v62+s17+$0x0] =	vst.idx.msk $0xffff, v35  }
0x1dc: {  	s22 =	sadd.s32 $0x4000, s22;
	s24 =	smov.u32 s31;
	s2 =	sadd.s32 s5, s2;
	[tilespmem:v63+s17+$0x0] =	vst.idx.msk $0xffff, v33  }
0x1dd: {  	[hbm4b:s2+s3] =	stream.linear.scatter [tilespmem:s4], [sflag:$0x2], $0x4000, $0x38;
	[tilespmem:$0x19000] =	vst v63  }
0x1de: {  	_ =	swait.ge [sflag:s18], $0x4000  }
0x1df: {  	[sflag:s18] =	ssyncset.done $0x0  }
0x1e0: {  	s19 =	sadd.s32 $0x1, s19;
	[sflag:s18] =	ssyncadd.s32 $0xFFFFC000  }
0x1e1: {  	p1 =	sne.s32 s19, s12;
	_ =	swait.ge [sflag:s18], $0x4000  }
.Ltmp5:
0x1e2: {  	[sflag:s18] =	ssyncset.done $0x0;
	(pc) =	sbr.rel @p1 .LBB2_1-.Ltmp5, $4  }
0x1e3: {  	[sflag:s18] =	ssyncadd.s32 $0xFFFFC000  }
0x1e4: {  	_ =	swait.ge [sflag:s18], $0x4000  }
0x1e5: {  	[sflag:s18] =	ssyncset.done $0x0  }
0x1e6: {  	[sflag:s18] =	ssyncadd.s32 $0xFFFFC000  }
0x1e7: {  	_ =	sfence.sel $0x180000  }
0x1e8: {  	[bflag:$0x0] =	sbarrier.arrive $0xFFFF  }
0x1e9: {  	_ =	strace $0x90000047  }
0x1ea: {  	s0 =	stileid.u32;
	[bflag:$0x2] =	sbarrier.arrive $0xFFFF  }
0x1eb: {  	p0 =	sne.s32 s0, $0x0;
	s0 =	rddreg [dreg:$0x3]  }
0x1ec: {  	s0 =	sadd.s32 @!p0 $0x100000, s0  }
0x1ed: {  	[sflag:s0] =	ssyncadd.tile.s32 @!p0 $0x1;
	_ =	shalt  }
.Lfunc_end2:
_tile_overlayer_lowered:
.L_overlay_start_2:
0x1ee: {  	(tag) =	ssettag $0x2  }
0x1ef: {  	s0 =	rddreg [dreg:$0x0];
	s2 =	stileid.u32  }
0x1f0: {  	s1 =	rddreg [dreg:$0x1];
	p0 =	sne.s32 s2, $0x0  }
0x1f1: {  	s3 =	rddreg [dreg:$0x2];
	[bflag:$0x3] =	sbarrier.arrive $0xFFFF;
	s2 =	simm.s32 @!p0 $0x1C03  }
0x1f2: {  	[timem:s3], [sflag:s2] =	dma.local @!p0 [hbm:s0], s1  }
0x1f3: {  	s0 =	simm.s32 @!p0 $0x3  }
0x1f4: {  	_ =	swait.ge @!p0 [sflag:s0], s1  }
0x1f5: {  	s1 =	ssub.s32 @!p0 $0x0, s1;
	[sflag:s0] =	ssyncset.done @!p0 $0x0  }
0x1f6: {  	[sflag:s0] =	ssyncadd.s32 @!p0 s1  }
0x1f7: {  	[bflag:$0x3] =	sbarrier.arrive $0xFFFF  }
0x1f8: {  	_ =	shalt  }

// kernel: kernel.7.cloned.1.call-start
scs
__scs_entry_jumppad:
0x0: {  	(pc) =	sbr.rel $0x88, $3  }
0x1: {  	(tag) =	ssettag $0x0;
	lr =	simm.s32 $0x1  }
0x2: {  	[smem:$0x3F9F] =	sst lr;
	_ =	strace $0xD0000000  }
0x3: {  	_ = 	snop  }
0x4: {  	_ = 	snop  }
0x5: {  	_ = 	snop  }
0x6: {  	_ = 	snop  }
0x7: {  	_ = 	snop  }
__scs_overlays_trampoline_lowered:
0x8: {  	[smem:$0x3FAE] =	sst s0  }
0x9: {  	[smem:$0x3FAF] =	sst s1  }
0xa: {  	[smem:$0x3FB0] =	sst s2  }
0xb: {  	[smem:$0x3FB1] =	sst s3  }
0xc: {  	[smem:$0x3FB2] =	sst s4  }
0xd: {  	[smem:$0x3FB3] =	sst s5  }
0xe: {  	[smem:$0x3FB4] =	sst s6  }
0xf: {  	[smem:$0x3FB5] =	sst s7  }
0x10: {  	[smem:$0x3FB6] =	sst s8  }
0x11: {  	[smem:$0x3FB7] =	sst s9;
	s0 =	simm.s32 @!p0 $0x0  }
0x12: {  	s1 =	sld [smem:$0x3F9D];
	s0 =	simm.s32 @p0 $0x1  }
0x13: {  	[smem:$0x3FB8] =	sst s0;
	s0 =	simm.s32 @!p1 $0x0  }
0x14: {  	s2 =	sld [smem:$0x3F9C];
	s0 =	simm.s32 @p1 $0x1  }
0x15: {  	[smem:$0x3FB9] =	sst s0;
	s0 =	simm.s32 @!p2 $0x0  }
0x16: {  	s3 =	sld [smem:$0x3FDB];
	s0 =	simm.s32 @p2 $0x1  }
0x17: {  	s4 =	simm.s32 $0x1BF5;
	[smem:$0x3FBB] =	sst s0  }
0x18: {  	s0 =	sld [smem:$0x3F9E];
	_ =	swait.ge [sflag:s4], $0x0  }
0x19: {  	s7 =	sld [smem:$0x3F9F]  }
0x1a: {  	s8 =	sadd.s32 $0xFFFFE003, lr  }
0x1b: {  	s9 =	sadd.s32 $0xFFFFFEF7, lr;
	s5 =	simm.s32 $0xFFFFFFFF;
	p2 =	slt.u32 s8, $0xFFFFF086  }
0x1c: {  	p1 =	slt.u32 s9, $0xF7A;
	s5 =	simm.s32 @!p2 $0x0  }
0x1d: {  	s5 =	simm.s32 @p1 $0x1;
	p0 =	seq.s32 s7, s2  }
0x1e: {  	s7 =	smul.u32 @!p0 $0xF7A, s2;
	p2 =	seq.s32 @!p0 s5, $0x0  }
0x1f: {  	s9 =	smul.u32 $0xF7A, s1;
	s8 =	simm.s32 @!p0 $0x1BF5;
	p2 =	por !p2, p0  }
0x20: {  	[sflag:s8] =	ssyncset.s32 @!p0 $0xFFFFF086;
	s6 =	sadd.s32 @!p0 s3, s7;
	s7 =	simm.s32 @!p0 $0x108  }
0x21: {  	s3 =	sadd.s32 s3, s9;
	s6 =	sadd.s32 @!p0 $0x88, s6;
	s7 =	simm.s32 @p2 $0x1082  }
0x22: {  	[simem:s7], [sflag:s8] =	dma.local @!p0 [hbm:s6], $0xF7A  }
0x23: {  	s9 =	sor.u32 $0xD0000000, s2;
	s6 =	simm.s32 $0x108;
	_ =	swait.ge @!p0 [sflag:s8], $0x0  }
0x24: {  	s3 =	sadd.s32 $0x88, s3;
	s6 =	simm.s32 @!p1 $0x1082;
	[sflag:s4] =	ssyncset.s32 $0xFFFFF086  }
0x25: {  	[simem:s6], [sflag:s4] =	dma.local [hbm:s3], $0xF7A  }
0x26: {  	[smem:$0x3F9F] =	sst s1;
	(tag) =	ssettag s2;
	_ =	strace s9  }
0x27: {  	s1 =	sld [smem:$0x3FAF]  }
0x28: {  	s2 =	sld [smem:$0x3FB0]  }
0x29: {  	s4 =	sld [smem:$0x3FB2]  }
0x2a: {  	p0 =	seq.s32 s5, $0x0;
	s5 =	sld [smem:$0x3FB3]  }
0x2b: {  	s6 =	sld [smem:$0x3FB4]  }
0x2c: {  	s7 =	sld [smem:$0x3FB5]  }
0x2d: {  	s3 =	simm.s32 $0x108;
	s8 =	sld [smem:$0x3FB6]  }
0x2e: {  	s3 =	simm.s32 @!p0 $0x1082;
	s9 =	sld [smem:$0x3FB7]  }
0x2f: {  	lr =	sadd.s32 s0, s3;
	s0 =	sld [smem:$0x3FAE]  }
0x30: {  	s3 =	sld [smem:$0x3FB1]  }
0x31: {  	[smem:$0x3FBA] =	sst s10  }
0x32: {  	s10 =	sld [smem:$0x3FB8];
	_ =	sdelay $0x3  }
0x33: {  	p0 =	seq.s32 s10, $0x1;
	s10 =	sld [smem:$0x3FBA];
	_ =	sdelay $0x3  }
0x34: {  	[smem:$0x3FBA] =	sst s10  }
0x35: {  	s10 =	sld [smem:$0x3FB9];
	_ =	sdelay $0x3  }
0x36: {  	p1 =	seq.s32 s10, $0x1;
	s10 =	sld [smem:$0x3FBA];
	_ =	sdelay $0x3  }
0x37: {  	[smem:$0x3FBA] =	sst s10  }
0x38: {  	s10 =	sld [smem:$0x3FBB]  }
0x39: {  	_ = 	snop;
	(pc) =	sbr.ind lr, $3  }
0x3a: {  	_ = 	snop  }
0x3b: {  	_ = 	snop  }
0x3c: {  	p2 =	seq.s32 s10, $0x1;
	s10 =	sld [smem:$0x3FBA]  }
0x3d: {  	_ =	shalt  }
0x3e: {  	_ =	shalt  }
0x3f: {  	_ =	shalt  }
0x40: {  	_ =	shalt  }
0x41: {  	_ =	shalt  }
0x42: {  	_ =	shalt  }
0x43: {  	_ =	shalt  }
0x44: {  	_ =	shalt  }
0x45: {  	_ =	shalt  }
0x46: {  	_ =	shalt  }
0x47: {  	_ =	shalt  }
0x48: {  	_ =	shalt  }
0x49: {  	_ =	shalt  }
0x4a: {  	_ =	shalt  }
0x4b: {  	_ =	shalt  }
0x4c: {  	_ =	shalt  }
0x4d: {  	_ =	shalt  }
0x4e: {  	_ =	shalt  }
0x4f: {  	_ =	shalt  }
0x50: {  	_ =	shalt  }
0x51: {  	_ =	shalt  }
0x52: {  	_ =	shalt  }
0x53: {  	_ =	shalt  }
0x54: {  	_ =	shalt  }
0x55: {  	_ =	shalt  }
0x56: {  	_ =	shalt  }
0x57: {  	_ =	shalt  }
0x58: {  	_ =	shalt  }
0x59: {  	_ =	shalt  }
0x5a: {  	_ =	shalt  }
0x5b: {  	_ =	shalt  }
0x5c: {  	_ =	shalt  }
0x5d: {  	_ =	shalt  }
0x5e: {  	_ =	shalt  }
0x5f: {  	_ =	shalt  }
0x60: {  	_ =	shalt  }
0x61: {  	_ =	shalt  }
0x62: {  	_ =	shalt  }
0x63: {  	_ =	shalt  }
0x64: {  	_ =	shalt  }
0x65: {  	_ =	shalt  }
0x66: {  	_ =	shalt  }
0x67: {  	_ =	shalt  }
0x68: {  	_ =	shalt  }
0x69: {  	_ =	shalt  }
0x6a: {  	_ =	shalt  }
0x6b: {  	_ =	shalt  }
0x6c: {  	_ =	shalt  }
0x6d: {  	_ =	shalt  }
0x6e: {  	_ =	shalt  }
0x6f: {  	_ =	shalt  }
0x70: {  	_ =	shalt  }
0x71: {  	_ =	shalt  }
0x72: {  	_ =	shalt  }
0x73: {  	_ =	shalt  }
0x74: {  	_ =	shalt  }
0x75: {  	_ =	shalt  }
0x76: {  	_ =	shalt  }
0x77: {  	_ =	shalt  }
0x78: {  	_ =	shalt  }
0x79: {  	_ =	shalt  }
0x7a: {  	_ =	shalt  }
0x7b: {  	_ =	shalt  }
0x7c: {  	_ =	shalt  }
0x7d: {  	_ =	shalt  }
0x7e: {  	_ =	shalt  }
0x7f: {  	_ =	shalt  }
0x80: {  	_ =	shalt  }
0x81: {  	_ =	shalt  }
0x82: {  	_ =	shalt  }
0x83: {  	_ =	shalt  }
0x84: {  	_ =	shalt  }
0x85: {  	_ =	shalt  }
0x86: {  	_ =	shalt  }
0x87: {  	_ =	shalt  }
.Lfunc_end0:
.L_simem_size_0:
called_computation.1_lowered:
.L_overlay_start_0:
0x88: {  	s2 =	sld [smem:$0x3FD9]  }
0x89: {  	s3 =	sld [smem:$0x3FFE];
	_ =	sdelay $0x1  }
0x8a: {  	s1 =	srdreg.scid  }
0x8b: {  	s0 =	sand.u32 $0x1, s1  }
0x8c: {  	s17 =	sshll.u32 s0, $0xA;
	s2 =	sadd.s32 s3, s2  }
0x8d: {  	s2 =	sadd.s32 s2, s17  }
0x8e: {  	[smem:$0x3FC6] =	sst s2  }
0x8f: {  	_ = 	snop  }
0x90: {  	s2 =	sld [smem:$0x3FD0];
	(tm) =	ssettm $0x1  }
0x91: {  	s18 =	sld [smem:$0x3FFB];
	_ =	sdelay $0x3  }
0x92: {  	_ =	strace s18  }
0x93: {  	s3 =	sld [smem:$0x3FFC];
	_ =	sdelay $0x3  }
0x94: {  	_ =	strace s3  }
0x95: {  	s3 =	sld [smem:$0x3FFD];
	_ =	sdelay $0x3  }
0x96: {  	_ =	strace s3  }
0x97: {  	_ =	strace $0x8FFFFFFF  }
0x98: {  	s19 =	sld [smem:$0x3FDB];
	_ =	sdelay $0x1  }
0x99: {  	s4 =	simm.s32 $_scs_section_size  }
0x9a: {  	s5 =	simm.s32 $_size__tile_overlayer_lowered;
	s6 =	simm.s32 $_tile_overlayer_lowered  }
0x9b: {  	s22 =	simm.s32 $0x1BFF;
	s21 =	sshll.u32 s6, $0x1;
	s3 =	sadd.s32 s4, s19  }
0x9c: {  	s7 =	simm.s32 $0x0;
	s20 =	sshll.u32 s5, $0x1;
	s5 =	sadd.s32 s21, s3  }
0x9d: {  	[timem:s7], [sflag:s22] =	dma.local [hbm:s5], s20  }
0x9e: {  	_ =	swait.ge [sflag:s22], s20  }
0x9f: {  	s4 =	ssub.s32 $0x0, s20;
	[sflag:s22] =	ssyncset.done $0x0  }
0xa0: {  	[sflag:s22] =	ssyncadd.s32 s4;
	_ =	sdelay $0x1  }
0xa1: {  	s23 =	simm.s32 $0x1B8B  }
0xa2: {  	_ =	swait.ge [sflag:s23], $0x1  }
0xa3: {  	[sflag:s23] =	ssyncset.done $0x0  }
0xa4: {  	s25 =	simm.s32 $0x1B8E;
	s24 =	sld [smem:$0x3FFE];
	[sflag:s23] =	ssyncadd.s32 $0xFFFFFFFF  }
0xa5: {  	s26 =	simm.s32 $execute0_lowered;
	[smem:$0x3FD2] =	sst s25  }
0xa6: {  	s5 =	sshll.u32 s26, $0x1;
	_ =	strace $0x80000049;
	[dreg:$0x1] =	wrdreg $0xFFFFFFFF  }
0xa7: {  	s28 =	simm.s32 $_size_execute0_lowered;
	s3 =	sadd.s32 s3, s5;
	[dreg:$0x0] =	wrdreg $0x0  }
0xa8: {  	s5 =	sshll.u32 s28, $0x1;
	[dreg:$0x2] =	wrdreg s3  }
0xa9: {  	[dreg:$0x3] =	wrdreg s5  }
0xaa: {  	[dreg:$0x4] =	wrdreg $0xC0  }
0xab: {  	_ =	task [dreg:s7], $0x5FFFF  }
0xac: {  	[dreg:$0x1] =	wrdreg $0xFFFFFFFF  }
0xad: {  	[dreg:$0x0] =	wrdreg $0x60  }
0xae: {  	[dreg:$0x2] =	wrdreg s24  }
0xaf: {  	[dreg:$0x3] =	wrdreg s2  }
0xb0: {  	[dreg:$0x4] =	wrdreg $0x9  }
0xb1: {  	_ =	task.clear_ibuf [dreg:s7], $0x5FFFF;
	_ =	strace $0x90000049  }
0xb2: {  	s29 =	simm.s32 $0x9;
	_ =	strace $0x8000004B  }
0xb3: {  	_ =	swait.ge [sflag:s29], $0x1  }
0xb4: {  	[sflag:s29] =	ssyncadd.s32 $0xFFFFFFFF  }
0xb5: {  	_ =	strace $0x9000004B  }
0xb6: {  	_ =	sfence  }
0xb7: {  	s30 =	sld [smem:$0x0];
	_ =	sdelay $0x2  }
0xb8: {  	s31 =	sshll.u32 s1, $0xD;
	s1 =	sshrl.u32 s1, $0x2  }
0xb9: {  	s3 =	sand.u32 $0x4000, s31;
	s1 =	sadd.s32 s1, s30  }
0xba: {  	s0 =	sor.u32 s3, s0;
	s1 =	sshll.u32 s1, $0x11  }
0xbb: {  	s0 =	sor.u32 s1, s0  }
0xbc: {  	s0 =	sadd.s32 $0x8F2B, s0  }
0xbd: {  	[sflag:s0] =	ssyncadd.remote.s32 $0x1  }
0xbe: {  	_ =	sfence.sel $0xFFFF  }
0xbf: {  	[dreg:$0x0] =	wrdreg $0xFFFFFFFF;
	(pc) =	sbr.abs _section_cstart, $3  }
0xc0: {  	[dreg:$0x1] =	wrdreg $0xFFFFFFFF  }
0xc1: {  	_ =	task.clear_ibuf [dreg:s7], $0x2FFFF;
	_ =	strace $0x9FFFFFFF  }
0xc2: {  	(tm) =	ssettm $0x7FFFFFFF  }
0xc3: {  	_ =	shalt  }
tec
execute0_lowered:
.L_overlay_start_1:
0x0: {  	(tag) =	ssettag $0x1  }
0x1: {  	v0 =	vimm.s32 $0xFEDCBA9;
	v1 =	vimm.s32 $0x87654321  }
0x2: {  	v3 =	vimm.s32 $0x10FEDCBA;
	v4 =	vimm.s32 $0x210FEDCB;
	v5 =	vimm.s32 $0xA9876543  }
0x3: {  	v6 =	vimm.s32 $0x3210FEDC;
	v7 =	vimm.s32 $0xBA987654;
	v8 =	vimm.s32 $0x43210FED  }
0x4: {  	v9 =	vimm.s32 $0xCBA98765;
	v13 =	vimm.s32 $0x543210FE;
	v14 =	vimm.s32 $0xDCBA9876  }
0x5: {  	v15 =	vimm.s32 $0xFEDCBA98;
	v17 =	vimm.s32 $0x76543210;
	vm1 =	vcmask $0x300  }
0x6: {  	vm2 =	vcmask $0x704;
	vm3 =	vcmask $0xB08;
	vm4 =	vcmask $0xF0C  }
0x7: {  	vm5 =	vcmask $0x1310;
	v0 =	vunpack.c.l.s4.s8 v0;
	v1 =	vunpack.c.l.s4.s8 v1  }
0x8: {  	vm6 =	vcmask $0x1714;
	vm7 =	vcmask $0x1B18;
	vm0 =	vcmask $0x1F1C  }
0x9: {  	vm8 =	vcmask $0x2320;
	v0 =	vunpack.c.0.s8.s32 v0;
	v1 =	vunpack.c.0.s8.s32 v1  }
0xa: {  	vm9 =	vcmask $0x2724;
	vm10 =	vcmask $0x2B28;
	vm11 =	vcmask $0x2F2C  }
0xb: {  	vm12 =	vcmask $0x3330;
	vm13 =	vcmask $0x3734;
	v2 =	vcombine.low v1, v0  }
0xc: {  	v3 =	vunpack.c.l.s4.s8 v3;
	v4 =	vunpack.c.l.s4.s8 v4;
	v5 =	vunpack.c.l.s4.s8 v5  }
0xd: {  	v6 =	vunpack.c.l.s4.s8 v6;
	v22 =	vand.u32 $0xF, v2;
	v2 =	vimm.s32 $0x98765432  }
0xe: {  	v7 =	vunpack.c.l.s4.s8 v7;
	v8 =	vunpack.c.l.s4.s8 v8;
	v2 =	vunpack.c.l.s4.s8 v2  }
0xf: {  	v9 =	vunpack.c.l.s4.s8 v9;
	v13 =	vunpack.c.l.s4.s8 v13;
	v15 =	vunpack.c.l.s4.s8 v15  }
0x10: {  	v3 =	vunpack.c.0.s8.s32 v3;
	v4 =	vunpack.c.0.s8.s32 v4;
	v2 =	vunpack.c.0.s8.s32 v2  }
0x11: {  	v5 =	vunpack.c.0.s8.s32 v5;
	v6 =	vunpack.c.0.s8.s32 v6;
	v7 =	vunpack.c.0.s8.s32 v7  }
0x12: {  	v17 =	vunpack.c.l.s4.s8 v17;
	v8 =	vunpack.c.0.s8.s32 v8;
	v10 =	vcombine.low v2, v3  }
0x13: {  	v9 =	vunpack.c.0.s8.s32 v9;
	v11 =	vcombine.low v5, v4;
	v12 =	vcombine.low v7, v6  }
0x14: {  	v0 =	vcombine.low v0, v1;
	v32 =	vand.u32 $0xF, v10;
	v10 =	vunpack.c.l.s4.s8 v14  }
0x15: {  	v37 =	vand.u32 $0xF, v11;
	v38 =	vand.u32 $0xF, v12;
	v11 =	vcombine.low v9, v8  }
0x16: {  	v12 =	vunpack.c.0.s8.s32 v13;
	v13 =	vimm.s32 $0x6543210F;
	v10 =	vunpack.c.0.s8.s32 v10  }
0x17: {  	v43 =	vand.u32 $0xF, v0;
	v0 =	vcombine.low v6, v7;
	v13 =	vunpack.c.l.s4.s8 v13  }
0x18: {  	v39 =	vand.u32 $0xF, v11;
	v14 =	vimm.s32 $0xEDCBA987;
	v16 =	vcombine.low v10, v12  }
0x19: {  	v11 =	vunpack.c.0.s8.s32 v15;
	v2 =	vcombine.low v3, v2;
	v14 =	vunpack.c.l.s4.s8 v14  }
0x1a: {  	v13 =	vunpack.c.0.s8.s32 v13;
	v40 =	vand.u32 $0xF, v16;
	v16 =	vunpack.c.0.s8.s32 v17  }
0x1b: {  	v1 =	vand.u32 $0xF, v11;
	v42 =	vand.u32 $0xF, v2;
	v14 =	vunpack.c.0.s8.s32 v14  }
0x1c: {  	v2 =	vimm.s32 $0xF;
	v27 =	vcombine.low v1, v16;
	v1 =	vcombine.low v8, v9  }
0x1d: {  	v46 =	vand.u32 $0xF, v0;
	v0 =	vsel vm1, $0x80, v2;
	v2 =	vcombine.low v13, v14  }
0x1e: {  	vm14 =	vcmask $0x3B38;
	v47 =	vand.u32 $0xF, v1;
	v1 =	vcombine.low v12, v10  }
0x1f: {  	v0 =	vsel vm2, $0x101, v0;
	v48 =	vand.u32 $0xF, v2;
	v2 =	vimm.s32 $0x10F  }
0x20: {  	v2 =	vsel vm1, $0x180, v2;
	v31 =	vand.u32 $0xF, v1;
	v1 =	vimm.s32 $0x8F  }
0x21: {  	v0 =	vsel vm3, $0x182, v0;
	v2 =	vsel vm2, $0x201, v2;
	v1 =	vsel vm1, $0x100, v1  }
0x22: {  	v0 =	vsel vm4, $0x203, v0;
	v2 =	vsel vm3, $0x282, v2;
	v1 =	vsel vm2, $0x181, v1  }
0x23: {  	v0 =	vsel vm5, $0x284, v0;
	v2 =	vsel vm4, $0x303, v2;
	v1 =	vsel vm3, $0x202, v1  }
0x24: {  	v0 =	vsel vm6, $0x305, v0;
	v2 =	vsel vm5, $0x384, v2;
	v1 =	vsel vm4, $0x283, v1  }
0x25: {  	v0 =	vsel vm7, $0x386, v0;
	v2 =	vsel vm6, $0x405, v2;
	v1 =	vsel vm5, $0x304, v1  }
0x26: {  	v0 =	vsel vm0, $0x407, v0;
	v2 =	vsel vm7, $0x486, v2;
	v1 =	vsel vm6, $0x385, v1  }
0x27: {  	v0 =	vsel vm8, $0x488, v0;
	v2 =	vsel vm0, $0x507, v2;
	v1 =	vsel vm7, $0x406, v1  }
0x28: {  	v0 =	vsel vm9, $0x509, v0;
	v2 =	vsel vm8, $0x588, v2;
	v1 =	vsel vm0, $0x487, v1  }
0x29: {  	v0 =	vsel vm10, $0x58A, v0;
	v2 =	vsel vm9, $0x609, v2;
	v1 =	vsel vm8, $0x508, v1  }
0x2a: {  	v0 =	vsel vm11, $0x60B, v0;
	v2 =	vsel vm10, $0x68A, v2;
	v1 =	vsel vm9, $0x589, v1  }
0x2b: {  	v0 =	vsel vm12, $0x68C, v0;
	v2 =	vsel vm11, $0x70B, v2;
	v1 =	vsel vm10, $0x60A, v1  }
0x2c: {  	v0 =	vsel vm13, $0x70D, v0;
	v2 =	vsel vm12, $0x78C, v2;
	v1 =	vsel vm11, $0x68B, v1  }
0x2d: {  	v51 =	vsel vm14, $0x78E, v0;
	v0 =	vsel vm13, $0xD, v2;
	v1 =	vsel vm12, $0x70C, v1  }
0x2e: {  	v18 =	vsel vm14, $0x8E, v0;
	v1 =	vsel vm13, $0x78D, v1  }
0x2f: {  	v0 =	vimm.s32 $0x18F;
	v16 =	vsel vm14, $0xE, v1;
	v1 =	vimm.s32 $0x20F  }
0x30: {  	v0 =	vsel vm1, $0x200, v0;
	v1 =	vsel vm1, $0x280, v1  }
0x31: {  	v2 =	vimm.s32 $0x28F;
	v0 =	vsel vm2, $0x281, v0;
	v1 =	vsel vm2, $0x301, v1  }
0x32: {  	v2 =	vsel vm1, $0x300, v2;
	v0 =	vsel vm3, $0x302, v0;
	v1 =	vsel vm3, $0x382, v1  }
0x33: {  	v2 =	vsel vm2, $0x381, v2;
	v0 =	vsel vm4, $0x383, v0;
	v1 =	vsel vm4, $0x403, v1  }
0x34: {  	v2 =	vsel vm3, $0x402, v2;
	v0 =	vsel vm5, $0x404, v0;
	v1 =	vsel vm5, $0x484, v1  }
0x35: {  	v2 =	vsel vm4, $0x483, v2;
	v0 =	vsel vm6, $0x485, v0;
	v1 =	vsel vm6, $0x505, v1  }
0x36: {  	v2 =	vsel vm5, $0x504, v2;
	v0 =	vsel vm7, $0x506, v0;
	v1 =	vsel vm7, $0x586, v1  }
0x37: {  	v2 =	vsel vm6, $0x585, v2;
	v0 =	vsel vm0, $0x587, v0;
	v1 =	vsel vm0, $0x607, v1  }
0x38: {  	v2 =	vsel vm7, $0x606, v2;
	v0 =	vsel vm8, $0x608, v0;
	v1 =	vsel vm8, $0x688, v1  }
0x39: {  	v2 =	vsel vm0, $0x687, v2;
	v0 =	vsel vm9, $0x689, v0;
	v1 =	vsel vm9, $0x709, v1  }
0x3a: {  	v2 =	vsel vm8, $0x708, v2;
	v0 =	vsel vm10, $0x70A, v0;
	v1 =	vsel vm10, $0x78A, v1  }
0x3b: {  	v2 =	vsel vm9, $0x789, v2;
	v0 =	vsel vm11, $0x78B, v0;
	v1 =	vsel vm11, $0xB, v1  }
0x3c: {  	v2 =	vsel vm10, $0xA, v2;
	v0 =	vsel vm12, $0xC, v0;
	v1 =	vsel vm12, $0x8C, v1  }
0x3d: {  	v2 =	vsel vm11, $0x8B, v2;
	v0 =	vsel vm13, $0x8D, v0;
	v1 =	vsel vm13, $0x10D, v1  }
0x3e: {  	v2 =	vsel vm12, $0x10C, v2;
	v17 =	vsel vm14, $0x10E, v0;
	v0 =	vsel vm14, $0x18E, v1  }
0x3f: {  	[tilespmem:$0x1FC40] =	vst v0;
	v0 =	vsel vm13, $0x18D, v2  }
0x40: {  	v0 =	vsel vm14, $0x20E, v0  }
0x41: {  	[tilespmem:$0x1FC50] =	vst v0;
	v0 =	vimm.s32 $0x30F  }
0x42: {  	v0 =	vsel vm1, $0x380, v0  }
0x43: {  	v1 =	vimm.s32 $0x38F;
	v2 =	vimm.s32 $0x40F;
	v0 =	vsel vm2, $0x401, v0  }
0x44: {  	v1 =	vsel vm1, $0x400, v1;
	v2 =	vsel vm1, $0x480, v2;
	v0 =	vsel vm3, $0x482, v0  }
0x45: {  	v1 =	vsel vm2, $0x481, v1;
	v2 =	vsel vm2, $0x501, v2;
	v0 =	vsel vm4, $0x503, v0  }
0x46: {  	v1 =	vsel vm3, $0x502, v1;
	v2 =	vsel vm3, $0x582, v2;
	v0 =	vsel vm5, $0x584, v0  }
0x47: {  	v1 =	vsel vm4, $0x583, v1;
	v2 =	vsel vm4, $0x603, v2;
	v0 =	vsel vm6, $0x605, v0  }
0x48: {  	v1 =	vsel vm5, $0x604, v1;
	v2 =	vsel vm5, $0x684, v2;
	v0 =	vsel vm7, $0x686, v0  }
0x49: {  	v1 =	vsel vm6, $0x685, v1;
	v2 =	vsel vm6, $0x705, v2;
	v0 =	vsel vm0, $0x707, v0  }
0x4a: {  	v1 =	vsel vm7, $0x706, v1;
	v2 =	vsel vm7, $0x786, v2;
	v0 =	vsel vm8, $0x788, v0  }
0x4b: {  	v1 =	vsel vm0, $0x787, v1;
	v2 =	vsel vm0, $0x7, v2;
	v0 =	vsel vm9, $0x9, v0  }
0x4c: {  	v1 =	vsel vm8, $0x8, v1;
	v2 =	vsel vm8, $0x88, v2;
	v0 =	vsel vm10, $0x8A, v0  }
0x4d: {  	v1 =	vsel vm9, $0x89, v1;
	v2 =	vsel vm9, $0x109, v2;
	v0 =	vsel vm11, $0x10B, v0  }
0x4e: {  	v1 =	vsel vm10, $0x10A, v1;
	v2 =	vsel vm10, $0x18A, v2;
	v0 =	vsel vm12, $0x18C, v0  }
0x4f: {  	v1 =	vsel vm11, $0x18B, v1;
	v2 =	vsel vm11, $0x20B, v2;
	v0 =	vsel vm13, $0x20D, v0  }
0x50: {  	v1 =	vsel vm12, $0x20C, v1;
	v2 =	vsel vm12, $0x28C, v2;
	v0 =	vsel vm14, $0x28E, v0  }
0x51: {  	v15 =	vcombine.low v14, v13;
	v1 =	vsel vm13, $0x28D, v1;
	[tilespmem:$0x1FC60] =	vst v0;
	v0 =	vsel vm13, $0x30D, v2  }
0x52: {  	v60 =	vsel vm14, $0x30E, v1;
	v62 =	vsel vm14, $0x38E, v0;
	v0 =	vimm.s32 $0x48F  }
0x53: {  	v1 =	vimm.s32 $0x50F;
	v2 =	vimm.s32 $0x58F;
	v0 =	vsel vm1, $0x500, v0  }
0x54: {  	v1 =	vsel vm1, $0x580, v1;
	v2 =	vsel vm1, $0x600, v2;
	v0 =	vsel vm2, $0x581, v0  }
0x55: {  	v1 =	vsel vm2, $0x601, v1;
	v2 =	vsel vm2, $0x681, v2;
	v0 =	vsel vm3, $0x602, v0  }
0x56: {  	v1 =	vsel vm3, $0x682, v1;
	v2 =	vsel vm3, $0x702, v2;
	v0 =	vsel vm4, $0x683, v0  }
0x57: {  	v1 =	vsel vm4, $0x703, v1;
	v2 =	vsel vm4, $0x783, v2;
	v0 =	vsel vm5, $0x704, v0  }
0x58: {  	v1 =	vsel vm5, $0x784, v1;
	v2 =	vsel vm5, $0x4, v2;
	v0 =	vsel vm6, $0x785, v0  }
0x59: {  	v1 =	vsel vm6, $0x5, v1;
	v2 =	vsel vm6, $0x85, v2;
	v0 =	vsel vm7, $0x6, v0  }
0x5a: {  	v1 =	vsel vm7, $0x86, v1;
	v2 =	vsel vm7, $0x106, v2;
	v0 =	vsel vm0, $0x87, v0  }
0x5b: {  	v1 =	vsel vm0, $0x107, v1;
	v2 =	vsel vm0, $0x187, v2;
	v0 =	vsel vm8, $0x108, v0  }
0x5c: {  	v1 =	vsel vm8, $0x188, v1;
	v2 =	vsel vm8, $0x208, v2;
	v0 =	vsel vm9, $0x189, v0  }
0x5d: {  	v1 =	vsel vm9, $0x209, v1;
	v2 =	vsel vm9, $0x289, v2;
	v0 =	vsel vm10, $0x20A, v0  }
0x5e: {  	v1 =	vsel vm10, $0x28A, v1;
	v2 =	vsel vm10, $0x30A, v2;
	v0 =	vsel vm11, $0x28B, v0  }
0x5f: {  	v1 =	vsel vm11, $0x30B, v1;
	v2 =	vsel vm11, $0x38B, v2;
	v0 =	vsel vm12, $0x30C, v0  }
0x60: {  	v1 =	vsel vm12, $0x38C, v1;
	v2 =	vsel vm12, $0x40C, v2;
	v0 =	vsel vm13, $0x38D, v0  }
0x61: {  	v1 =	vsel vm13, $0x40D, v1;
	v24 =	vsel vm14, $0x40E, v0;
	v0 =	vsel vm13, $0x48D, v2  }
0x62: {  	v52 =	vsel vm14, $0x48E, v1;
	v53 =	vsel vm14, $0x50E, v0;
	v0 =	vimm.s32 $0x60F  }
0x63: {  	v1 =	vimm.s32 $0x68F;
	v2 =	vimm.s32 $0x70F;
	v0 =	vsel vm1, $0x680, v0  }
0x64: {  	v1 =	vsel vm1, $0x700, v1;
	v2 =	vsel vm1, $0x780, v2;
	v0 =	vsel vm2, $0x701, v0  }
0x65: {  	v1 =	vsel vm2, $0x781, v1;
	v2 =	vsel vm2, $0x1, v2;
	v0 =	vsel vm3, $0x782, v0  }
0x66: {  	v1 =	vsel vm3, $0x2, v1;
	v2 =	vsel vm3, $0x82, v2;
	v0 =	vsel vm4, $0x3, v0  }
0x67: {  	v1 =	vsel vm4, $0x83, v1;
	v2 =	vsel vm4, $0x103, v2;
	v0 =	vsel vm5, $0x84, v0  }
0x68: {  	v1 =	vsel vm5, $0x104, v1;
	v2 =	vsel vm5, $0x184, v2;
	v0 =	vsel vm6, $0x105, v0  }
0x69: {  	v1 =	vsel vm6, $0x185, v1;
	v2 =	vsel vm6, $0x205, v2;
	v0 =	vsel vm7, $0x186, v0  }
0x6a: {  	v1 =	vsel vm7, $0x206, v1;
	v2 =	vsel vm7, $0x286, v2;
	v0 =	vsel vm0, $0x207, v0  }
0x6b: {  	v1 =	vsel vm0, $0x287, v1;
	v2 =	vsel vm0, $0x307, v2;
	v0 =	vsel vm8, $0x288, v0  }
0x6c: {  	v1 =	vsel vm8, $0x308, v1;
	v2 =	vsel vm8, $0x388, v2;
	v0 =	vsel vm9, $0x309, v0  }
0x6d: {  	v1 =	vsel vm9, $0x389, v1;
	v2 =	vsel vm9, $0x409, v2;
	v0 =	vsel vm10, $0x38A, v0  }
0x6e: {  	v1 =	vsel vm10, $0x40A, v1;
	v2 =	vsel vm10, $0x48A, v2;
	v0 =	vsel vm11, $0x40B, v0  }
0x6f: {  	v1 =	vsel vm11, $0x48B, v1;
	v2 =	vsel vm11, $0x50B, v2;
	v0 =	vsel vm12, $0x48C, v0  }
0x70: {  	v1 =	vsel vm12, $0x50C, v1;
	v2 =	vsel vm12, $0x58C, v2;
	v0 =	vsel vm13, $0x50D, v0  }
0x71: {  	v1 =	vsel vm13, $0x58D, v1;
	v61 =	vsel vm14, $0x58E, v0;
	v0 =	vsel vm13, $0x60D, v2  }
0x72: {  	v28 =	vsel vm14, $0x60E, v1;
	v29 =	vsel vm14, $0x68E, v0;
	v0 =	vimm.s32 $0x1C1B1A19  }
0x73: {  	v1 =	vimm.s32 $0x14131211;
	v19 =	vunpack.c.0.s8.s32 v0;
	v0 =	vimm.s32 $0x101F1E1D  }
0x74: {  	v21 =	vunpack.c.0.s8.s32 v1;
	v20 =	vunpack.c.0.s8.s32 v0;
	v0 =	vimm.s32 $0x18171615  }
0x75: {  	v1 =	vimm.s32 $0x11101F1E;
	v14 =	vunpack.c.0.s8.s32 v0;
	v0 =	vimm.s32 $0x1D1C1B1A  }
0x76: {  	v10 =	vunpack.c.0.s8.s32 v1;
	v9 =	vunpack.c.0.s8.s32 v0;
	v0 =	vimm.s32 $0x15141312  }
0x77: {  	v1 =	vimm.s32 $0x1E1D1C1B;
	v11 =	vunpack.c.0.s8.s32 v0;
	v0 =	vimm.s32 $0x19181716  }
0x78: {  	v12 =	vunpack.c.0.s8.s32 v0;
	v0 =	vunpack.c.0.s8.s32 v1;
	_ =	sdelay $0x1  }
0x79: {  	v41 =	vand.u32 $0xF, v15;
	[tilespmem:$0x1FC70] =	vst v0;
	v0 =	vimm.s32 $0x1211101F  }
0x7a: {  	v1 =	vimm.s32 $0x1A191817;
	v15 =	vunpack.c.0.s8.s32 v0;
	v0 =	vimm.s32 $0x16151413  }
0x7b: {  	v8 =	vunpack.c.0.s8.s32 v0;
	v0 =	vunpack.c.0.s8.s32 v1;
	_ =	sdelay $0x1  }
0x7c: {  	[tilespmem:$0x1FC80] =	vst v0;
	v0 =	vimm.s32 $0x1F1E1D1C  }
0x7d: {  	v0 =	vunpack.c.0.s8.s32 v0;
	_ =	sdelay $0x1  }
0x7e: {  	[tilespmem:$0x1FC90] =	vst v0;
	v0 =	vimm.s32 $0x13121110  }
0x7f: {  	v0 =	vunpack.c.0.s8.s32 v0  }
0x80: {  	v1 =	vimm.s32 $0x17161514  }
0x81: {  	[tilespmem:$0x1FCA0] =	vst v0;
	v0 =	vunpack.c.0.s8.s32 v1;
	_ =	sdelay $0x1  }
0x82: {  	[tilespmem:$0x1FCB0] =	vst v0;
	v0 =	vimm.s32 $0x1B1A1918  }
0x83: {  	v0 =	vunpack.c.0.s8.s32 v0;
	_ =	sdelay $0x1  }
0x84: {  	[tilespmem:$0x1FCC0] =	vst v0;
	v0 =	vimm.s32 $0x2C2B2A29  }
0x85: {  	v0 =	vunpack.c.0.s8.s32 v0  }
0x86: {  	v1 =	vimm.s32 $0x202F2E2D  }
0x87: {  	[tilespmem:$0x1FCD0] =	vst v0;
	v0 =	vunpack.c.0.s8.s32 v1;
	_ =	sdelay $0x1  }
0x88: {  	[tilespmem:$0x1FCE0] =	vst v0;
	v0 =	vimm.s32 $0x24232221  }
0x89: {  	v0 =	vunpack.c.0.s8.s32 v0;
	_ =	sdelay $0x1  }
0x8a: {  	[tilespmem:$0x1FCF0] =	vst v0;
	v0 =	vimm.s32 $0x28272625  }
0x8b: {  	v0 =	vunpack.c.0.s8.s32 v0  }
0x8c: {  	v1 =	vimm.s32 $0x2D2C2B2A  }
0x8d: {  	[tilespmem:$0x1FD00] =	vst v0;
	v0 =	vunpack.c.0.s8.s32 v1;
	_ =	sdelay $0x1  }
0x8e: {  	[tilespmem:$0x1FD10] =	vst v0;
	v0 =	vimm.s32 $0x21202F2E  }
0x8f: {  	v0 =	vunpack.c.0.s8.s32 v0;
	_ =	sdelay $0x1  }
0x90: {  	[tilespmem:$0x1FD20] =	vst v0;
	v0 =	vimm.s32 $0x25242322  }
0x91: {  	v0 =	vunpack.c.0.s8.s32 v0  }
0x92: {  	v1 =	vimm.s32 $0x29282726  }
0x93: {  	[tilespmem:$0x1FD30] =	vst v0;
	v0 =	vunpack.c.0.s8.s32 v1;
	_ =	sdelay $0x1  }
0x94: {  	[tilespmem:$0x1FD40] =	vst v0;
	v0 =	vimm.s32 $0x2E2D2C2B  }
0x95: {  	v0 =	vunpack.c.0.s8.s32 v0;
	_ =	sdelay $0x1  }
0x96: {  	[tilespmem:$0x1FD50] =	vst v0;
	v0 =	vimm.s32 $0x2221202F  }
0x97: {  	v0 =	vunpack.c.0.s8.s32 v0  }
0x98: {  	v1 =	vimm.s32 $0x26252423  }
0x99: {  	[tilespmem:$0x1FD60] =	vst v0;
	v0 =	vunpack.c.0.s8.s32 v1;
	_ =	sdelay $0x1  }
0x9a: {  	[tilespmem:$0x1FD70] =	vst v0;
	v0 =	vimm.s32 $0x2A292827  }
0x9b: {  	v0 =	vunpack.c.0.s8.s32 v0;
	_ =	sdelay $0x1  }
0x9c: {  	[tilespmem:$0x1FD80] =	vst v0;
	v0 =	vimm.s32 $0x2F2E2D2C  }
0x9d: {  	v0 =	vunpack.c.0.s8.s32 v0  }
0x9e: {  	v1 =	vimm.s32 $0x23222120  }
0x9f: {  	[tilespmem:$0x1FD90] =	vst v0;
	v0 =	vunpack.c.0.s8.s32 v1;
	_ =	sdelay $0x1  }
0xa0: {  	[tilespmem:$0x1FDA0] =	vst v0;
	v0 =	vimm.s32 $0x27262524  }
0xa1: {  	v0 =	vunpack.c.0.s8.s32 v0;
	_ =	sdelay $0x1  }
0xa2: {  	[tilespmem:$0x1FDB0] =	vst v0;
	v0 =	vimm.s32 $0x2B2A2928  }
0xa3: {  	v0 =	vunpack.c.0.s8.s32 v0  }
0xa4: {  	v1 =	vimm.s32 $0x3C3B3A39  }
0xa5: {  	[tilespmem:$0x1FDC0] =	vst v0;
	v0 =	vunpack.c.0.s8.s32 v1;
	_ =	sdelay $0x1  }
0xa6: {  	[tilespmem:$0x1FDD0] =	vst v0;
	v0 =	vimm.s32 $0x303F3E3D  }
0xa7: {  	v0 =	vunpack.c.0.s8.s32 v0;
	_ =	sdelay $0x1  }
0xa8: {  	[tilespmem:$0x1FDE0] =	vst v0;
	v0 =	vimm.s32 $0x34333231  }
0xa9: {  	v0 =	vunpack.c.0.s8.s32 v0  }
0xaa: {  	v1 =	vimm.s32 $0x38373635  }
0xab: {  	[tilespmem:$0x1FDF0] =	vst v0;
	v0 =	vunpack.c.0.s8.s32 v1  }
0xac: {  	v3 =	vcombine.low v4, v5;
	v2 =	vimm.s32 $0x3D3C3B3A  }
0xad: {  	[tilespmem:$0x1FE00] =	vst v0;
	v0 =	vunpack.c.0.s8.s32 v2  }
0xae: {  	v44 =	vand.u32 $0xF, v3;
	v3 =	vimm.s32 $0x31303F3E  }
0xaf: {  	[tilespmem:$0x1FE10] =	vst v0;
	v0 =	vunpack.c.0.s8.s32 v3  }
0xb0: {  	v4 =	vimm.s32 $0x35343332  }
0xb1: {  	[tilespmem:$0x1FE20] =	vst v0;
	v0 =	vunpack.c.0.s8.s32 v4  }
0xb2: {  	v5 =	vimm.s32 $0x39383736  }
0xb3: {  	s4 =	rddreg [dreg:$0x0];
	[tilespmem:$0x1FE30] =	vst v0;
	v0 =	vunpack.c.0.s8.s32 v5  }
0xb4: {  	s2 =	rddreg [dreg:$0x1];
	s3 =	simm.s32 $0x0  }
0xb5: {  	s1 =	srdreg.scid;
	[smem:$0x7FF] =	sst s3;
	v2 =	vmov v10;
	[tilespmem:$0x1FE40] =	vst v0  }
0xb6: {  	s5 =	sand.u32 $0x1, s1;
	s1 =	rddreg [dreg:$0x2];
	_ =	strace $0x8000004A;
	[tilespmem:$0x1FEE0] =	vst v2  }
0xb7: {  	[tilespmem:$0x1FEF0] =	vst v22  }
0xb8: {  	[tilespmem:$0x1FF00] =	vst v32  }
0xb9: {  	[tilespmem:$0x1FF10] =	vst v39  }
0xba: {  	[tilespmem:$0x1FF20] =	vst v27  }
0xbb: {  	v6 =	vimm.s32 $0x3E3D3C3B;
	[tilespmem:$0x1FF30] =	vst v38  }
0xbc: {  	v0 =	vunpack.c.0.s8.s32 v6;
	[tilespmem:$0x1FF40] =	vst v40  }
0xbd: {  	v7 =	vimm.s32 $0x3231303F;
	[tilespmem:$0x1FF50] =	vst v42  }
0xbe: {  	[tilespmem:$0x1FE50] =	vst v0;
	v0 =	vunpack.c.0.s8.s32 v7  }
0xbf: {  	[tilespmem:$0x1FF60] =	vst v44  }
0xc0: {  	[tilespmem:$0x1FE60] =	vst v0;
	v0 =	vimm.s32 $0x36353433  }
0xc1: {  	[tilespmem:$0x1FF70] =	vst v41;
	v0 =	vunpack.c.0.s8.s32 v0  }
0xc2: {  	v1 =	vmov v9;
	v9 =	vimm.s32 $0x3A393837;
	[tilespmem:$0x1FF80] =	vst v43  }
0xc3: {  	[tilespmem:$0x1FE70] =	vst v0;
	v0 =	vunpack.c.0.s8.s32 v9  }
0xc4: {  	v10 =	vimm.s32 $0x3F3E3D3C;
	[tilespmem:$0x1FF90] =	vst v46  }
0xc5: {  	[tilespmem:$0x1FE80] =	vst v0;
	v0 =	vunpack.c.0.s8.s32 v10  }
0xc6: {  	v3 =	vmov v11;
	v11 =	vimm.s32 $0x33323130;
	[tilespmem:$0x1FFA0] =	vst v31  }
0xc7: {  	[tilespmem:$0x1FE90] =	vst v0;
	v0 =	vunpack.c.0.s8.s32 v11  }
0xc8: {  	s0 =	stileid.u32;
	s15 =	simm.s32 $0x3;
	s16 =	simm.s32 $0x80;
	[tilespmem:$0x1FFB0] =	vst v48;
	v10 =	vmov v12;
	v12 =	vimm.s32 $0x37363534  }
0xc9: {  	s17 =	simm.s32 $0x1900;
	s18 =	simm.s32 $0x3900;
	s19 =	simm.s32 $0x1;
	[tilespmem:$0x1FEA0] =	vst v0;
	v0 =	vunpack.c.0.s8.s32 v12  }
0xca: {  	s20 =	simm.s32 $0x2;
	s21 =	simm.s32 $0x7900;
	s22 =	simm.s32 $0x0;
	v13 =	vimm.s32 $0x3B3A3938;
	[tilespmem:$0x1FFC0] =	vst v47  }
0xcb: {  	s6 =	sshll.u32 s0, $0x1;
	s9 =	sadd.s32 $0x3000, s2;
	s10 =	sadd.s32 $0x4000, s2;
	vm0 =	vcmask $0x1F10;
	[tilespmem:$0x1FEB0] =	vst v0;
	v0 =	vunpack.c.0.s8.s32 v13  }
0xcc: {  	s11 =	sadd.s32 $0x5000, s2;
	s8 =	sor.u32 s5, s6;
	s5 =	ssub.s32 $0x2, s5;
	v63 =	vmov v1;
	v1 =	vsel vm0, v2, v1;
	[tilespmem:$0x1FFD0] =	vst v37  }
0xcd: {  	s12 =	sadd.s32 $0x6000, s2;
	s6 =	smul.u32 $0x320, s8;
	s7 =	sshrl.u32 s5, $0x1;
	v56 =	vmovc v20;
	v54 =	vmovc v1;
	v5 =	vmov v21;
	v6 =	vmov v19;
	[tilespmem:$0x1FEC0] =	vst v0;
	v0 =	vlaneseq.u32  }
0xce: {  	s13 =	sadd.s32 $0x7000, s2;
	s8 =	sshll.u32 s8, $0x7;
	s14 =	ssub.s32 s5, s7;
	[tilespmem:$0x1FFE0] =	vst v18;
	v9 =	vmovc v14;
	v14 =	vsel vm0, v14, v21;
	v2 =	vsel vm0, v10, v3;
	v4 =	vmul.u32 $0x40, v0  }
0xcf: {  	s7 =	sadd.s32 $0x2000, s2;
	s6 =	sadd.s32 s6, s4;
	s4 =	sadd.s32 $0xA00, s4;
	[tilespmem:$0x1FFF0] =	vst v16;
	v59 =	vmovc v14;
	v58 =	vmov v2;
	v2 =	vcombine.low v2, v1;
	v13 =	vsel vm0, v20, v19  }
0xd0: {  	s14 =	smax.u32 s14, $0x1;
	s5 =	sadd.s32 $0x7A1C00, s6;
	s6 =	sadd.s32 $0x1000, s2;
	v12 =	vmovc v3;
	v7 =	vor.u32 $0x10, v0;
	[tilespmem:$0x1FED0] =	vst v4;
	v4 =	vmul.u32 $0x81, v0;
	v0 =	vmovc v13;
	v13 =	vcombine.low v14, v13  }
.LBB2_1:
0xd1: {  	[tilespmem:s3], [sflag:$0x3] =	stream.linear.gather [hbm4b:s5+s3], $0x1900, $0x38;
	[tilespmem:$0xB900] =	vst v63  }
0xd2: {  	_ =	swait.ge [sflag:s15], $0x1900  }
0xd3: {  	[sflag:s15] =	ssyncset.done $0x0  }
0xd4: {  	[sflag:s15] =	ssyncadd.s32 $0xFFFFE700  }
0xd5: {  	[tilespmem:s17], [sflag:$0x1] =	stream.indirect.gather [hbm4b:s4+s16], $0x40, s3, s16, $0xb8;
	[tilespmem:$0xB900] =	vst v63  }
0xd6: {  	p0 =	por $0x0, $0x0;
	s23 =	simm.s32 $0x0  }
0xd7: {  	[tilespmem:s18], [sflag:$0x1] =	stream.indirect.gather [hbm4b:s4+s16], $0x40, s16, s16, $0xb8;
	[tilespmem:$0xB900] =	vst v63  }
.LBB2_2:
0xd8: {  	p1 =	sgt.u32 s23, $0x2F  }
0xd9: {  	s24 =	sadd.s32 @!p1 $0x2, s23  }
0xda: {  	s25 =	smul.u32 @!p1 $0xAB, s24;
	_ =	sdelay $0x1  }
0xdb: {  	s25 =	sshrl.u32 @!p1 s25, $0x9  }
0xdc: {  	s25 =	sand.u32 @!p1 $0x7F, s25  }
0xdd: {  	s25 =	smul.u32 @!p1 $0x3, s25;
	_ =	sdelay $0x1  }
0xde: {  	_ =	swait.ge [sflag:s19], $0x2000;
	s25 =	ssub.s32 @!p1 s24, s25  }
0xdf: {  	[sflag:s19] =	ssyncset.done $0x0;
	s26 =	simm.s32 @!p1 $0x80;
	s25 =	sand.u32 @!p1 $0xFF, s25  }
0xe0: {  	p2 =	slt.u32 @!p1 s23, $0x2;
	s24 =	sshll.u32 @!p1 s24, $0x7;
	s25 =	sshll.u32 @!p1 s25, $0xD  }
0xe1: {  	[sflag:s19] =	ssyncadd.s32 $0xFFFFE000;
	s24 =	sand.u32 @!p1 $0x3FFFFF80, s24;
	s25 =	sor.u32 @!p1 $0x1900, s25  }
0xe2: {  	[tilespmem:s25], [sflag:$0x1] =	stream.indirect.gather @!p1 [hbm4b:s4+s26], $0x40, s24, s26, $0xb8;
	[tilespmem:$0xB900] =	vst v63  }
0xe3: {  	p1 =	por p1, !p2  }
0xe4: {  	_ =	swait.ge @p1 [sflag:s20], $0x400  }
0xe5: {  	[sflag:s20] =	ssyncset.done @p1 $0x0  }
0xe6: {  	[sflag:s20] =	ssyncadd.s32 @p1 $0xFFFFFC00  }
0xe7: {  	_ =	swait.ge @p1 [sflag:s20], $0x400  }
0xe8: {  	[sflag:s20] =	ssyncset.done @p1 $0x0  }
0xe9: {  	[sflag:s20] =	ssyncadd.s32 @p1 $0xFFFFFC00  }
0xea: {  	_ =	swait.ge @p1 [sflag:s20], $0x400  }
0xeb: {  	[sflag:s20] =	ssyncset.done @p1 $0x0  }
0xec: {  	[sflag:s20] =	ssyncadd.s32 @p1 $0xFFFFFC00  }
0xed: {  	_ =	swait.ge @p1 [sflag:s20], $0x400  }
0xee: {  	[sflag:s20] =	ssyncset.done @p1 $0x0  }
0xef: {  	[sflag:s20] =	ssyncadd.s32 @p1 $0xFFFFFC00  }
0xf0: {  	_ =	swait.ge @p1 [sflag:s20], $0x400  }
0xf1: {  	s30 =	smul.u32 $0xAB, s23;
	[sflag:s20] =	ssyncset.done @p1 $0x0  }
0xf2: {  	[sflag:s20] =	ssyncadd.s32 @p1 $0xFFFFFC00  }
0xf3: {  	s24 =	sshrl.u32 s30, $0x9;
	_ =	swait.ge @p1 [sflag:s20], $0x400  }
0xf4: {  	s24 =	sand.u32 $0x7F, s24;
	[sflag:s20] =	ssyncset.done @p1 $0x0  }
0xf5: {  	s24 =	smul.u32 $0x3, s24;
	[sflag:s20] =	ssyncadd.s32 @p1 $0xFFFFFC00  }
0xf6: {  	_ =	swait.ge @p1 [sflag:s20], $0x400  }
0xf7: {  	s24 =	ssub.s32 s23, s24;
	[sflag:s20] =	ssyncset.done @p1 $0x0  }
0xf8: {  	s31 =	sshll.u32 s23, $0xD;
	s24 =	sand.u32 $0xFF, s24;
	[sflag:s20] =	ssyncadd.s32 @p1 $0xFFFFFC00  }
0xf9: {  	s25 =	simm.s32 $0x1;
	s28 =	sshll.u32 s24, $0xD;
	_ =	swait.ge @p1 [sflag:s20], $0x400  }
0xfa: {  	s26 =	simm.s32 $0x0;
	s25 =	simm.s32 @!p0 $0x0;
	v3 =	vmov s28;
	[sflag:s20] =	ssyncset.done @p1 $0x0  }
0xfb: {  	s25 =	sshll.u32 s25, $0xD;
	s24 =	sand.u32 $0x2000, s31;
	[tilespmem:$0x1FC30] =	vst v3;
	[sflag:s20] =	ssyncadd.s32 @p1 $0xFFFFFC00  }
.LBB2_3:
0xfc: {  	v1 =	vld [tilespmem:$0x1FED0]  }
0xfd: {  	v3 =	vld [tilespmem:$0x1FC30];
	_ =	sdelay $0x1  }
0xfe: {  	v33 =	vmov s26  }
0xff: {  	v33 =	vshll.u32 v33, $0x6  }
0x100: {  	v33 =	vor.u32 v1, v33  }
0x101: {  	v57 =	vlaneseq.u32;
	v33 =	vadd.s32 v3, v33  }
0x102: {  	v34 =	vor.u32 v57, v33  }
0x103: {  	v19 =	vld [tilespmem:$0x1FC40];
	v35 =	vor.u32 v22, v33  }
0x104: {  	v20 =	vld [tilespmem:$0x1FC50];
	v36 =	vor.u32 v32, v33  }
0x105: {  	v21 =	vld [tilespmem:$0x1FC60];
	v30 =	vor.u32 v38, v33  }
0x106: {  	v3 =	vld [tilespmem:$0x1FFD0];
	v49 =	vor.u32 v39, v33  }
0x107: {  	v14 =	vor.u32 v40, v33;
	v34 =	vld.idx.msk [tilespmem:v34+s17+$0x0], $0xffff  }
0x108: {  	v50 =	vor.u32 v41, v33;
	v35 =	vld.idx.msk [tilespmem:v35+s17+$0x0], $0xffff  }
0x109: {  	v45 =	vor.u32 v27, v33;
	v36 =	vld.idx.msk [tilespmem:v36+s17+$0x0], $0xffff  }
0x10a: {  	v40 =	vor.u32 v43, v33;
	v30 =	vld.idx.msk [tilespmem:v30+s17+$0x0], $0xffff  }
0x10b: {  	v55 =	vor.u32 v42, v33;
	v32 =	vld.idx.msk [tilespmem:v49+s17+$0x0], $0xffff  }
0x10c: {  	v37 =	vor.u32 v3, v33;
	v14 =	vld.idx.msk [tilespmem:v14+s17+$0x0], $0xffff  }
0x10d: {  	v49 =	vor.u32 v44, v33;
	v38 =	vld.idx.msk [tilespmem:v50+s17+$0x0], $0xffff  }
0x10e: {  	v50 =	vor.u32 v46, v33;
	v39 =	vld.idx.msk [tilespmem:v45+s17+$0x0], $0xffff  }
0x10f: {  	v44 =	vor.u32 v47, v33;
	v40 =	vld.idx.msk [tilespmem:v40+s17+$0x0], $0xffff  }
0x110: {  	s28 =	sadd.s32 s26, s25;
	v41 =	vld.idx.msk [tilespmem:v55+s17+$0x0], $0xffff;
	v55 =	vor.u32 v48, v33  }
0x111: {  	v45 =	vor.u32 v31, v33;
	v47 =	vor.u32 s28, v4;
	v37 =	vld.idx.msk [tilespmem:v37+s17+$0x0], $0xffff  }
0x112: {  	v48 =	vor.u32 s28, v51;
	v42 =	vld.idx.msk [tilespmem:v49+s17+$0x0], $0xffff  }
0x113: {  	v43 =	vld.idx.msk [tilespmem:v50+s17+$0x0], $0xffff;
	v49 =	vor.u32 s28, v16  }
0x114: {  	v44 =	vld.idx.msk [tilespmem:v44+s17+$0x0], $0xffff;
	v50 =	vor.u32 s28, v18  }
0x115: {  	v46 =	vld.idx.msk [tilespmem:v55+s17+$0x0], $0xffff;
	v55 =	vor.u32 s28, v17  }
0x116: {  	v45 =	vld.idx.msk [tilespmem:v45+s17+$0x0], $0xffff;
	[tilespmem:v47+s21+$0x0] =	vst.idx.msk $0xffff, v34;
	v47 =	vor.u32 s28, v19  }
0x117: {  	[tilespmem:v48+s21+$0x0] =	vst.idx.msk $0xffff, v35;
	v48 =	vor.u32 s28, v20  }
0x118: {  	[tilespmem:v49+s21+$0x0] =	vst.idx.msk $0xffff, v36;
	v49 =	vor.u32 s28, v21  }
0x119: {  	v22 =	vmov v60;
	v60 =	vor.u32 s28, v60;
	[tilespmem:v50+s21+$0x0] =	vst.idx.msk $0xffff, v37  }
0x11a: {  	[tilespmem:v55+s21+$0x0] =	vst.idx.msk $0xffff, v30;
	v30 =	vor.u32 s28, v62  }
0x11b: {  	v23 =	vmov v62;
	v62 =	vor.u32 s28, v24;
	[tilespmem:v47+s21+$0x0] =	vst.idx.msk $0xffff, v32  }
0x11c: {  	v27 =	vld [tilespmem:$0x1FC80];
	[tilespmem:v48+s21+$0x0] =	vst.idx.msk $0xffff, v14;
	v14 =	vor.u32 s28, v52  }
0x11d: {  	v3 =	vld [tilespmem:$0x1FC70];
	[tilespmem:v49+s21+$0x0] =	vst.idx.msk $0xffff, v38  }
0x11e: {  	v50 =	vld [tilespmem:$0x1FC90];
	v38 =	vor.u32 s28, v53;
	[tilespmem:v60+s21+$0x0] =	vst.idx.msk $0xffff, v39  }
0x11f: {  	v49 =	vld [tilespmem:$0x1FCA0];
	v39 =	vor.u32 s28, v61;
	[tilespmem:v30+s21+$0x0] =	vst.idx.msk $0xffff, v40  }
0x120: {  	v30 =	vor.u32 s28, v28;
	[tilespmem:v62+s21+$0x0] =	vst.idx.msk $0xffff, v41  }
0x121: {  	[tilespmem:v14+s21+$0x0] =	vst.idx.msk $0xffff, v42;
	v14 =	vor.u32 s28, v29  }
0x122: {  	v16 =	vmovc v51;
	v34 =	vsel vm0, v27, v8;
	v51 =	vld [tilespmem:$0x1FCB0];
	v55 =	vmov v24;
	v32 =	vsel vm0, v15, v3  }
0x123: {  	v24 =	vmov v8;
	v40 =	vsel vm0, v6, v9;
	v62 =	vld [tilespmem:$0x1FCC0];
	v42 =	vor.u32 v2, v33;
	[tilespmem:v38+s21+$0x0] =	vst.idx.msk $0xffff, v43  }
0x124: {  	v8 =	vmov v5;
	v36 =	vsel vm0, v49, v50;
	[tilespmem:v39+s21+$0x0] =	vst.idx.msk $0xffff, v44;
	v39 =	vsel vm0, v5, v56;
	v5 =	vld [tilespmem:$0x1FEE0]  }
0x125: {  	[tilespmem:v30+s21+$0x0] =	vst.idx.msk $0xffff, v45;
	v30 =	vor.u32 v7, v33;
	v45 =	vcombine.low v34, v32  }
0x126: {  	v48 =	vcombine.low v40, v39;
	[tilespmem:v14+s21+$0x0] =	vst.idx.msk $0xffff, v46;
	v14 =	vor.u32 v13, v33  }
0x127: {  	v49 =	vsel vm0, v51, v49;
	v44 =	vsel vm0, v63, v10;
	v35 =	vor.u32 v45, v33  }
0x128: {  	v25 =	vmovc v52;
	v11 =	vld [tilespmem:$0x1FDB0];
	v32 =	vcombine.low v32, v34;
	v39 =	vcombine.low v39, v40;
	v41 =	vor.u32 v48, v33  }
0x129: {  	v37 =	vsel vm0, v62, v51;
	v50 =	vsel vm0, v50, v62;
	v42 =	vld.idx.msk [tilespmem:v42+s17+$0x0], $0xffff;
	v43 =	vsel vm0, v12, v5  }
0x12a: {  	v47 =	vcombine.low v37, v36;
	v32 =	vor.u32 v32, v33;
	v52 =	vcombine.low v44, v43;
	v30 =	vld.idx.msk [tilespmem:v30+s17+$0x0], $0xffff  }
0x12b: {  	v49 =	vcombine.low v50, v49;
	v39 =	vor.u32 v39, v33;
	v14 =	vld.idx.msk [tilespmem:v14+s17+$0x0], $0xffff  }
0x12c: {  	v26 =	vmov v53;
	v38 =	vor.u32 v47, v33;
	v35 =	vld.idx.msk [tilespmem:v35+s17+$0x0], $0xffff  }
0x12d: {  	v60 =	vmovc v13;
	v13 =	vmov v63;
	v63 =	vcombine.low v0, v59;
	v49 =	vor.u32 v49, v33;
	v34 =	vld.idx.msk [tilespmem:v41+s17+$0x0], $0xffff  }
0x12e: {  	v46 =	vsel vm0, v24, v15;
	v47 =	vsel vm0, v3, v27;
	v45 =	vor.u32 v52, v33;
	v52 =	vmovc v0;
	v0 =	vld [tilespmem:$0x1FFF0]  }
0x12f: {  	v53 =	vmovc v7;
	v7 =	vmov v56;
	v50 =	vor.u32 v63, v33;
	v56 =	vcombine.low v47, v46;
	v32 =	vld.idx.msk [tilespmem:v32+s17+$0x0], $0xffff  }
0x130: {  	v62 =	vcombine.low v54, v58;
	v39 =	vld.idx.msk [tilespmem:v39+s17+$0x0], $0xffff  }
0x131: {  	v36 =	vcombine.low v36, v37;
	v48 =	vor.u32 v56, v33;
	v38 =	vld.idx.msk [tilespmem:v38+s17+$0x0], $0xffff  }
0x132: {  	s29 =	sadd.s32 $0x800, s28;
	v63 =	vor.u32 v62, v33;
	v43 =	vcombine.low v43, v44;
	v44 =	vld.idx.msk [tilespmem:v49+s17+$0x0], $0xffff  }
0x133: {  	v36 =	vor.u32 v36, v33;
	v51 =	vcombine.low v46, v47;
	v56 =	vmovc v54;
	v54 =	vor.u32 s29, v0;
	v0 =	vld [tilespmem:$0x1FFE0]  }
0x134: {  	v43 =	vor.u32 v43, v33;
	v46 =	vld.idx.msk [tilespmem:v50+s17+$0x0], $0xffff  }
0x135: {  	v47 =	vor.u32 s29, v4;
	v37 =	vld.idx.msk [tilespmem:v45+s17+$0x0], $0xffff;
	v45 =	vor.u32 v51, v33  }
0x136: {  	v40 =	vld.idx.msk [tilespmem:v48+s17+$0x0], $0xffff;
	v48 =	vor.u32 s29, v16  }
0x137: {  	v41 =	vld.idx.msk [tilespmem:v63+s17+$0x0], $0xffff  }
0x138: {  	v36 =	vld.idx.msk [tilespmem:v36+s17+$0x0], $0xffff;
	v62 =	vor.u32 s29, v0  }
0x139: {  	v63 =	vor.u32 s29, v17;
	v43 =	vld.idx.msk [tilespmem:v43+s17+$0x0], $0xffff  }
0x13a: {  	v45 =	vld.idx.msk [tilespmem:v45+s17+$0x0], $0xffff;
	[tilespmem:v47+s21+$0x0] =	vst.idx.msk $0xffff, v30;
	v30 =	vor.u32 s29, v19  }
0x13b: {  	v31 =	vld [tilespmem:$0x1FD60];
	[tilespmem:v48+s21+$0x0] =	vst.idx.msk $0xffff, v14;
	v14 =	vor.u32 s29, v20  }
0x13c: {  	v18 =	vld [tilespmem:$0x1FDC0];
	v47 =	vor.u32 s29, v21;
	[tilespmem:v54+s21+$0x0] =	vst.idx.msk $0xffff, v42  }
0x13d: {  	v3 =	vld [tilespmem:$0x1FCE0];
	v48 =	vor.u32 s29, v22;
	[tilespmem:v62+s21+$0x0] =	vst.idx.msk $0xffff, v35  }
0x13e: {  	v27 =	vld [tilespmem:$0x1FCF0];
	v49 =	vor.u32 s29, v23;
	[tilespmem:v63+s21+$0x0] =	vst.idx.msk $0xffff, v38  }
0x13f: {  	v0 =	vld [tilespmem:$0x1FCD0];
	[tilespmem:v30+s21+$0x0] =	vst.idx.msk $0xffff, v34;
	v30 =	vor.u32 s29, v55  }
0x140: {  	v62 =	vld [tilespmem:$0x1FD50];
	[tilespmem:v14+s21+$0x0] =	vst.idx.msk $0xffff, v37;
	v14 =	vor.u32 s29, v25  }
0x141: {  	v50 =	vor.u32 s29, v26;
	v63 =	vld [tilespmem:$0x1FD90];
	[tilespmem:v47+s21+$0x0] =	vst.idx.msk $0xffff, v40  }
0x142: {  	v47 =	vld [tilespmem:$0x1FD00];
	[tilespmem:v48+s21+$0x0] =	vst.idx.msk $0xffff, v44  }
0x143: {  	v51 =	vor.u32 s29, v61;
	v48 =	vld [tilespmem:$0x1FD10];
	[tilespmem:v49+s21+$0x0] =	vst.idx.msk $0xffff, v46  }
0x144: {  	v54 =	vor.u32 s29, v28;
	v49 =	vld [tilespmem:$0x1FD20];
	[tilespmem:v30+s21+$0x0] =	vst.idx.msk $0xffff, v41  }
0x145: {  	v30 =	vor.u32 $0x20, v57;
	v57 =	vld [tilespmem:$0x1FDA0];
	[tilespmem:v14+s21+$0x0] =	vst.idx.msk $0xffff, v32  }
0x146: {  	v46 =	vsel vm0, v27, v3;
	v14 =	vor.u32 s29, v29;
	v30 =	vor.u32 v30, v33;
	[tilespmem:v50+s21+$0x0] =	vst.idx.msk $0xffff, v36;
	v50 =	vld [tilespmem:$0x1FD30]  }
0x147: {  	v32 =	vsel vm0, v3, v0;
	v34 =	vsel vm0, v47, v27;
	v47 =	vsel vm0, v0, v47;
	v0 =	vld [tilespmem:$0x1FFF0]  }
0x148: {  	[tilespmem:v51+s21+$0x0] =	vst.idx.msk $0xffff, v39;
	v35 =	vcombine.low v34, v32;
	v51 =	vld [tilespmem:$0x1FD40];
	v39 =	vsel vm0, v31, v62  }
0x149: {  	v32 =	vcombine.low v32, v34;
	[tilespmem:v54+s21+$0x0] =	vst.idx.msk $0xffff, v43;
	v36 =	vsel vm0, v49, v48  }
0x14a: {  	v5 =	vld [tilespmem:$0x1FD80];
	v43 =	vsel vm0, v18, v11;
	v42 =	vsel vm0, v57, v63;
	v57 =	vsel vm0, v11, v57  }
0x14b: {  	v54 =	vmovc v4;
	v4 =	vld [tilespmem:$0x1FD70];
	v63 =	vsel vm0, v63, v18;
	v32 =	vor.u32 v32, v33;
	v44 =	vcombine.low v43, v42  }
0x14c: {  	s31 =	sadd.s32 $0x1000, s28;
	[tilespmem:v14+s21+$0x0] =	vst.idx.msk $0xffff, v45;
	v14 =	vor.u32 v35, v33;
	v35 =	vcombine.low v47, v46  }
0x14d: {  	v3 =	vmovc v60;
	v60 =	vmovc v56;
	v45 =	vsel vm0, v50, v49;
	v56 =	vor.u32 s31, v0;
	v37 =	vsel vm0, v51, v50  }
0x14e: {  	v1 =	vld [tilespmem:$0x1FDE0];
	v44 =	vor.u32 v44, v33;
	v48 =	vsel vm0, v48, v51;
	v38 =	vcombine.low v37, v36  }
0x14f: {  	v30 =	vld.idx.msk [tilespmem:v30+s17+$0x0], $0xffff;
	v35 =	vor.u32 v35, v33;
	v51 =	vsel vm0, v62, v5;
	v49 =	vcombine.low v48, v45  }
0x150: {  	v0 =	vld [tilespmem:$0x1FFE0];
	v50 =	vsel vm0, v4, v31;
	v31 =	vmovc v53;
	v36 =	vcombine.low v36, v37;
	v38 =	vor.u32 v38, v33  }
0x151: {  	v53 =	vcombine.low v63, v57;
	v63 =	vcombine.low v42, v43;
	v32 =	vld.idx.msk [tilespmem:v32+s17+$0x0], $0xffff;
	v49 =	vor.u32 v49, v33  }
0x152: {  	v40 =	vsel vm0, v5, v4;
	v45 =	vcombine.low v45, v48;
	v14 =	vld.idx.msk [tilespmem:v14+s17+$0x0], $0xffff;
	v36 =	vor.u32 v36, v33  }
0x153: {  	v41 =	vcombine.low v40, v39;
	v39 =	vcombine.low v39, v40;
	v40 =	vor.u32 v63, v33;
	v37 =	vld.idx.msk [tilespmem:v44+s17+$0x0], $0xffff  }
0x154: {  	v62 =	vmov v52;
	v52 =	vcombine.low v51, v50;
	v45 =	vor.u32 v45, v33;
	v35 =	vld.idx.msk [tilespmem:v35+s17+$0x0], $0xffff  }
0x155: {  	v41 =	vor.u32 v41, v33;
	v38 =	vld.idx.msk [tilespmem:v38+s17+$0x0], $0xffff  }
0x156: {  	v52 =	vor.u32 v52, v33;
	v42 =	vld.idx.msk [tilespmem:v49+s17+$0x0], $0xffff  }
0x157: {  	v57 =	vor.u32 v53, v33;
	v53 =	vcombine.low v50, v51;
	v36 =	vld.idx.msk [tilespmem:v36+s17+$0x0], $0xffff  }
0x158: {  	v39 =	vor.u32 v39, v33;
	v49 =	vcombine.low v46, v47;
	v40 =	vld.idx.msk [tilespmem:v40+s17+$0x0], $0xffff  }
0x159: {  	v4 =	vmov v54;
	v46 =	vor.u32 v53, v33;
	v45 =	vld.idx.msk [tilespmem:v45+s17+$0x0], $0xffff  }
0x15a: {  	v47 =	vor.u32 s31, v4;
	v34 =	vld.idx.msk [tilespmem:v41+s17+$0x0], $0xffff;
	v43 =	vor.u32 v49, v33  }
0x15b: {  	v54 =	vor.u32 s31, v16;
	v44 =	vld.idx.msk [tilespmem:v52+s17+$0x0], $0xffff  }
0x15c: {  	v41 =	vld.idx.msk [tilespmem:v57+s17+$0x0], $0xffff  }
0x15d: {  	v39 =	vld.idx.msk [tilespmem:v39+s17+$0x0], $0xffff;
	v57 =	vor.u32 s31, v0  }
0x15e: {  	v63 =	vor.u32 s31, v17;
	v46 =	vld.idx.msk [tilespmem:v46+s17+$0x0], $0xffff  }
0x15f: {  	v43 =	vld.idx.msk [tilespmem:v43+s17+$0x0], $0xffff;
	[tilespmem:v47+s21+$0x0] =	vst.idx.msk $0xffff, v30;
	v30 =	vor.u32 s31, v19  }
0x160: {  	v5 =	vld [tilespmem:$0x1FDF0];
	[tilespmem:v54+s21+$0x0] =	vst.idx.msk $0xffff, v14;
	v14 =	vor.u32 s31, v20  }
0x161: {  	v48 =	vld [tilespmem:$0x1FE30];
	v49 =	vor.u32 s31, v21;
	[tilespmem:v56+s21+$0x0] =	vst.idx.msk $0xffff, v38  }
0x162: {  	v11 =	vmov v17;
	v17 =	vld [tilespmem:$0x1FE00];
	v52 =	vor.u32 s31, v22;
	[tilespmem:v57+s21+$0x0] =	vst.idx.msk $0xffff, v34  }
0x163: {  	v53 =	vor.u32 s31, v23;
	v0 =	vld [tilespmem:$0x1FDD0];
	[tilespmem:v63+s21+$0x0] =	vst.idx.msk $0xffff, v37  }
0x164: {  	v51 =	vld [tilespmem:$0x1FE50];
	[tilespmem:v30+s21+$0x0] =	vst.idx.msk $0xffff, v35;
	v30 =	vor.u32 s31, v55  }
0x165: {  	v50 =	vld [tilespmem:$0x1FE60];
	[tilespmem:v14+s21+$0x0] =	vst.idx.msk $0xffff, v42;
	v14 =	vor.u32 s31, v25  }
0x166: {  	v54 =	vor.u32 s31, v26;
	[tilespmem:v49+s21+$0x0] =	vst.idx.msk $0xffff, v44;
	v49 =	vld [tilespmem:$0x1FE40]  }
0x167: {  	v27 =	vlaneseq.u32;
	v56 =	vor.u32 s31, v61;
	[tilespmem:v52+s21+$0x0] =	vst.idx.msk $0xffff, v41;
	v52 =	vld [tilespmem:$0x1FE70]  }
0x168: {  	v57 =	vor.u32 s31, v28;
	v34 =	vsel vm0, v17, v5;
	[tilespmem:v53+s21+$0x0] =	vst.idx.msk $0xffff, v32;
	v32 =	vsel vm0, v1, v0;
	v53 =	vld [tilespmem:$0x1FE80]  }
0x169: {  	v18 =	vld [tilespmem:$0x1FE10];
	v47 =	vsel vm0, v0, v17;
	[tilespmem:v30+s21+$0x0] =	vst.idx.msk $0xffff, v36;
	v30 =	vor.u32 $0x30, v27;
	v35 =	vcombine.low v34, v32  }
0x16a: {  	v27 =	vld [tilespmem:$0x1FE20];
	v32 =	vcombine.low v32, v34;
	[tilespmem:v14+s21+$0x0] =	vst.idx.msk $0xffff, v39;
	v30 =	vor.u32 v30, v33  }
0x16b: {  	v14 =	vor.u32 s31, v29;
	v39 =	vsel vm0, v50, v51;
	[tilespmem:v54+s21+$0x0] =	vst.idx.msk $0xffff, v40;
	v37 =	vsel vm0, v49, v48  }
0x16c: {  	v63 =	vld [tilespmem:$0x1FEB0];
	v32 =	vor.u32 v32, v33;
	[tilespmem:v56+s21+$0x0] =	vst.idx.msk $0xffff, v43;
	v50 =	vsel vm0, v52, v50  }
0x16d: {  	v54 =	vld [tilespmem:$0x1FE90];
	[tilespmem:v57+s21+$0x0] =	vst.idx.msk $0xffff, v45;
	v40 =	vsel vm0, v53, v52;
	v51 =	vsel vm0, v51, v53  }
0x16e: {  	v56 =	vld [tilespmem:$0x1FEA0];
	v45 =	vsel vm0, v5, v1;
	v41 =	vcombine.low v40, v39;
	v52 =	vcombine.low v51, v50  }
0x16f: {  	v0 =	vmovc v62;
	v57 =	vld [tilespmem:$0x1FEC0];
	v36 =	vsel vm0, v27, v18;
	v39 =	vcombine.low v39, v40;
	v62 =	vcombine.low v50, v51  }
0x170: {  	v38 =	vcombine.low v37, v36;
	[tilespmem:v14+s21+$0x0] =	vst.idx.msk $0xffff, v46;
	v14 =	vor.u32 v35, v33  }
0x171: {  	v46 =	vsel vm0, v48, v27;
	v48 =	vsel vm0, v18, v49;
	v18 =	vld [tilespmem:$0x1FFE0];
	v41 =	vor.u32 v41, v33  }
0x172: {  	v35 =	vcombine.low v47, v45;
	v36 =	vcombine.low v36, v37;
	v30 =	vld.idx.msk [tilespmem:v30+s17+$0x0], $0xffff;
	v39 =	vor.u32 v39, v33  }
0x173: {  	v49 =	vcombine.low v48, v46;
	v51 =	vmovc v16;
	v16 =	vld [tilespmem:$0x1FFF0];
	v42 =	vsel vm0, v56, v54;
	v38 =	vor.u32 v38, v33  }
0x174: {  	v32 =	vld.idx.msk [tilespmem:v32+s17+$0x0], $0xffff;
	v35 =	vor.u32 v35, v33;
	v36 =	vor.u32 v36, v33;
	v43 =	vsel vm0, v57, v63  }
0x175: {  	v63 =	vsel vm0, v63, v56;
	v54 =	vsel vm0, v54, v57;
	v44 =	vcombine.low v43, v42;
	v14 =	vld.idx.msk [tilespmem:v14+s17+$0x0], $0xffff  }
0x176: {  	v49 =	vor.u32 v49, v33;
	v53 =	vcombine.low v54, v63;
	v37 =	vld.idx.msk [tilespmem:v41+s17+$0x0], $0xffff  }
0x177: {  	v42 =	vcombine.low v42, v43;
	v44 =	vor.u32 v44, v33;
	v39 =	vld.idx.msk [tilespmem:v39+s17+$0x0], $0xffff  }
0x178: {  	v41 =	vor.u32 v53, v33;
	v34 =	vld.idx.msk [tilespmem:v38+s17+$0x0], $0xffff  }
0x179: {  	v54 =	vmov v60;
	v42 =	vor.u32 v42, v33;
	v60 =	vcombine.low v46, v48;
	v35 =	vld.idx.msk [tilespmem:v35+s17+$0x0], $0xffff  }
0x17a: {  	v57 =	vcombine.low v45, v47;
	v38 =	vor.u32 v52, v33;
	v36 =	vld.idx.msk [tilespmem:v36+s17+$0x0], $0xffff  }
0x17b: {  	v43 =	vld.idx.msk [tilespmem:v49+s17+$0x0], $0xffff;
	v45 =	vor.u32 v60, v33  }
0x17c: {  	s28 =	sadd.s32 $0x1800, s28;
	v40 =	vld.idx.msk [tilespmem:v44+s17+$0x0], $0xffff;
	v44 =	vor.u32 v57, v33  }
0x17d: {  	v41 =	vld.idx.msk [tilespmem:v41+s17+$0x0], $0xffff;
	v33 =	vor.u32 v62, v33;
	v57 =	vor.u32 s28, v4  }
0x17e: {  	v60 =	vor.u32 s28, v51;
	v42 =	vld.idx.msk [tilespmem:v42+s17+$0x0], $0xffff  }
0x17f: {  	v62 =	vor.u32 s28, v16;
	v38 =	vld.idx.msk [tilespmem:v38+s17+$0x0], $0xffff  }
0x180: {  	v52 =	vor.u32 s28, v18;
	v45 =	vld.idx.msk [tilespmem:v45+s17+$0x0], $0xffff  }
0x181: {  	v53 =	vor.u32 s28, v11;
	v44 =	vld.idx.msk [tilespmem:v44+s17+$0x0], $0xffff  }
0x182: {  	v33 =	vld.idx.msk [tilespmem:v33+s17+$0x0], $0xffff;
	[tilespmem:v57+s21+$0x0] =	vst.idx.msk $0xffff, v30;
	v30 =	vor.u32 s28, v19  }
0x183: {  	[tilespmem:v60+s21+$0x0] =	vst.idx.msk $0xffff, v14;
	v14 =	vor.u32 s28, v20  }
0x184: {  	v27 =	vld [tilespmem:$0x1FF20];
	[tilespmem:v62+s21+$0x0] =	vst.idx.msk $0xffff, v34;
	v34 =	vor.u32 s28, v21  }
0x185: {  	v47 =	vld [tilespmem:$0x1FFC0];
	v57 =	vor.u32 s28, v22;
	[tilespmem:v52+s21+$0x0] =	vst.idx.msk $0xffff, v37  }
0x186: {  	v56 =	vmov v7;
	v7 =	vmov v31;
	v31 =	vld [tilespmem:$0x1FFA0];
	v49 =	vor.u32 s28, v23;
	[tilespmem:v53+s21+$0x0] =	vst.idx.msk $0xffff, v40  }
0x187: {  	v46 =	vld [tilespmem:$0x1FF90];
	[tilespmem:v30+s21+$0x0] =	vst.idx.msk $0xffff, v35;
	v30 =	vor.u32 s28, v55  }
0x188: {  	v48 =	vld [tilespmem:$0x1FFB0];
	[tilespmem:v14+s21+$0x0] =	vst.idx.msk $0xffff, v43;
	v14 =	vor.u32 s28, v25  }
0x189: {  	v50 =	vor.u32 s28, v26;
	v60 =	vmov v22;
	v22 =	vld [tilespmem:$0x1FEF0];
	[tilespmem:v34+s21+$0x0] =	vst.idx.msk $0xffff, v38  }
0x18a: {  	v5 =	vmovc v8;
	v8 =	vmov v24;
	v24 =	vmov v55;
	v40 =	vld [tilespmem:$0x1FF40];
	v55 =	vor.u32 s28, v61;
	[tilespmem:v57+s21+$0x0] =	vst.idx.msk $0xffff, v41  }
0x18b: {  	v43 =	vld [tilespmem:$0x1FF80];
	v57 =	vor.u32 s28, v28;
	[tilespmem:v49+s21+$0x0] =	vst.idx.msk $0xffff, v32  }
0x18c: {  	p1 =	sne.s32 s26, $0x70;
	v38 =	vld [tilespmem:$0x1FF30];
	[tilespmem:v30+s21+$0x0] =	vst.idx.msk $0xffff, v36;
	v30 =	vor.u32 s28, v29  }
.Ltmp0:
0x18d: {  	v41 =	vld [tilespmem:$0x1FF70];
	[tilespmem:v14+s21+$0x0] =	vst.idx.msk $0xffff, v39;
	(pc) =	sbr.rel @p1 .LBB2_3-.Ltmp0, $4  }
0x18e: {  	v32 =	vld [tilespmem:$0x1FF00];
	[tilespmem:v50+s21+$0x0] =	vst.idx.msk $0xffff, v42  }
0x18f: {  	v39 =	vld [tilespmem:$0x1FF10];
	[tilespmem:v55+s21+$0x0] =	vst.idx.msk $0xffff, v44  }
0x190: {  	v17 =	vmov v11;
	v42 =	vld [tilespmem:$0x1FF50];
	[tilespmem:v57+s21+$0x0] =	vst.idx.msk $0xffff, v45  }
0x191: {  	s26 =	sadd.s32 $0x10, s26;
	v63 =	vmovc v13;
	v13 =	vmovc v3;
	v62 =	vmov v23;
	v52 =	vmov v25;
	v53 =	vmov v26;
	v44 =	vld [tilespmem:$0x1FF60];
	[tilespmem:v30+s21+$0x0] =	vst.idx.msk $0xffff, v33  }
0x192: {  	s25 =	sshll.u32 s23, $0xF  }
0x193: {  	s25 =	sor.u32 s8, s25  }
0x194: {  	s28 =	sadd.s32 $0x7900, s24;
	s26 =	sadd.s32 s2, s25  }
0x195: {  	[hbm4b:s26+s3] =	stream.linear.scatter [tilespmem:s28], [sflag:$0x2], $0x400, $0x38;
	[tilespmem:$0xB900] =	vst v63  }
0x196: {  	s29 =	sadd.s32 $0x7D00, s24;
	s31 =	sadd.s32 s25, s6  }
0x197: {  	[hbm4b:s31+s3] =	stream.linear.scatter [tilespmem:s29], [sflag:$0x2], $0x400, $0x38;
	[tilespmem:$0xB900] =	vst v63  }
0x198: {  	s30 =	sadd.s32 s25, s7;
	s31 =	sadd.s32 $0x8100, s24  }
0x199: {  	[hbm4b:s30+s3] =	stream.linear.scatter [tilespmem:s31], [sflag:$0x2], $0x400, $0x38;
	[tilespmem:$0xB900] =	vst v63  }
0x19a: {  	s29 =	sadd.s32 s25, s9;
	s30 =	sadd.s32 $0x8500, s24  }
0x19b: {  	[hbm4b:s29+s3] =	stream.linear.scatter [tilespmem:s30], [sflag:$0x2], $0x400, $0x38;
	[tilespmem:$0xB900] =	vst v63  }
0x19c: {  	s23 =	sadd.s32 $0x1, s23;
	s31 =	sadd.s32 s25, s10;
	s29 =	sadd.s32 $0x8900, s24  }
0x19d: {  	[hbm4b:s31+s3] =	stream.linear.scatter [tilespmem:s29], [sflag:$0x2], $0x400, $0x38;
	[tilespmem:$0xB900] =	vst v63  }
0x19e: {  	p1 =	sne.s32 s23, $0x32;
	s30 =	sadd.s32 s25, s11;
	s31 =	sadd.s32 $0x8D00, s24  }
0x19f: {  	[hbm4b:s30+s3] =	stream.linear.scatter [tilespmem:s31], [sflag:$0x2], $0x400, $0x38;
	[tilespmem:$0xB900] =	vst v63  }
.Ltmp1:
0x1a0: {  	_ = 	snop;
	(pc) =	sbr.rel @p1 .LBB2_2-.Ltmp1, $4  }
0x1a1: {  	s29 =	sadd.s32 s25, s12;
	s30 =	sadd.s32 $0x9100, s24  }
0x1a2: {  	[hbm4b:s29+s3] =	stream.linear.scatter [tilespmem:s30], [sflag:$0x2], $0x400, $0x38;
	[tilespmem:$0xB900] =	vst v63  }
0x1a3: {  	p0 =	por !p0, !p0;
	s25 =	sadd.s32 s25, s13;
	s31 =	sadd.s32 $0x9500, s24  }
0x1a4: {  	[hbm4b:s25+s3] =	stream.linear.scatter [tilespmem:s31], [sflag:$0x2], $0x400, $0x38;
	[tilespmem:$0xB900] =	vst v63  }
0x1a5: {  	_ =	swait.ge [sflag:s20], $0x400  }
0x1a6: {  	[sflag:s20] =	ssyncset.done $0x0  }
0x1a7: {  	[sflag:s20] =	ssyncadd.s32 $0xFFFFFC00  }
0x1a8: {  	_ =	swait.ge [sflag:s20], $0x400  }
0x1a9: {  	[sflag:s20] =	ssyncset.done $0x0  }
0x1aa: {  	[sflag:s20] =	ssyncadd.s32 $0xFFFFFC00  }
0x1ab: {  	_ =	swait.ge [sflag:s20], $0x400  }
0x1ac: {  	[sflag:s20] =	ssyncset.done $0x0  }
0x1ad: {  	[sflag:s20] =	ssyncadd.s32 $0xFFFFFC00  }
0x1ae: {  	_ =	swait.ge [sflag:s20], $0x400  }
0x1af: {  	[sflag:s20] =	ssyncset.done $0x0  }
0x1b0: {  	[sflag:s20] =	ssyncadd.s32 $0xFFFFFC00  }
0x1b1: {  	_ =	swait.ge [sflag:s20], $0x400  }
0x1b2: {  	[sflag:s20] =	ssyncset.done $0x0  }
0x1b3: {  	[sflag:s20] =	ssyncadd.s32 $0xFFFFFC00  }
0x1b4: {  	_ =	swait.ge [sflag:s20], $0x400  }
0x1b5: {  	[sflag:s20] =	ssyncset.done $0x0  }
0x1b6: {  	[sflag:s20] =	ssyncadd.s32 $0xFFFFFC00  }
0x1b7: {  	_ =	swait.ge [sflag:s20], $0x400  }
0x1b8: {  	[sflag:s20] =	ssyncset.done $0x0  }
0x1b9: {  	[sflag:s20] =	ssyncadd.s32 $0xFFFFFC00  }
0x1ba: {  	_ =	swait.ge [sflag:s20], $0x400  }
0x1bb: {  	[sflag:s20] =	ssyncset.done $0x0  }
0x1bc: {  	[sflag:s20] =	ssyncadd.s32 $0xFFFFFC00  }
0x1bd: {  	_ =	swait.ge [sflag:s20], $0x400  }
0x1be: {  	[sflag:s20] =	ssyncset.done $0x0  }
0x1bf: {  	[sflag:s20] =	ssyncadd.s32 $0xFFFFFC00  }
0x1c0: {  	_ =	swait.ge [sflag:s20], $0x400  }
0x1c1: {  	[sflag:s20] =	ssyncset.done $0x0  }
0x1c2: {  	[sflag:s20] =	ssyncadd.s32 $0xFFFFFC00  }
0x1c3: {  	_ =	swait.ge [sflag:s20], $0x400  }
0x1c4: {  	[sflag:s20] =	ssyncset.done $0x0  }
0x1c5: {  	[sflag:s20] =	ssyncadd.s32 $0xFFFFFC00  }
0x1c6: {  	_ =	swait.ge [sflag:s20], $0x400  }
0x1c7: {  	[sflag:s20] =	ssyncset.done $0x0  }
0x1c8: {  	[sflag:s20] =	ssyncadd.s32 $0xFFFFFC00  }
0x1c9: {  	_ =	swait.ge [sflag:s20], $0x400  }
0x1ca: {  	[sflag:s20] =	ssyncset.done $0x0  }
0x1cb: {  	[sflag:s20] =	ssyncadd.s32 $0xFFFFFC00  }
0x1cc: {  	_ =	swait.ge [sflag:s20], $0x400  }
0x1cd: {  	[sflag:s20] =	ssyncset.done $0x0  }
0x1ce: {  	s22 =	sadd.s32 $0x1, s22;
	[sflag:s20] =	ssyncadd.s32 $0xFFFFFC00  }
0x1cf: {  	p0 =	sne.s32 s22, s14;
	_ =	swait.ge [sflag:s20], $0x400  }
.Ltmp2:
0x1d0: {  	[sflag:s20] =	ssyncset.done $0x0;
	(pc) =	sbr.rel @p0 .LBB2_1-.Ltmp2, $4  }
0x1d1: {  	[sflag:s20] =	ssyncadd.s32 $0xFFFFFC00  }
0x1d2: {  	_ =	swait.ge [sflag:s20], $0x400  }
0x1d3: {  	[sflag:s20] =	ssyncset.done $0x0  }
0x1d4: {  	[sflag:s20] =	ssyncadd.s32 $0xFFFFFC00  }
0x1d5: {  	_ =	sfence.sel $0x180000  }
0x1d6: {  	[bflag:$0x0] =	sbarrier.arrive $0xFFFF  }
0x1d7: {  	p0 =	sne.s32 s0, $0x0;
	_ =	strace $0x9000004A  }
0x1d8: {  	s0 =	sadd.s32 @!p0 $0x100000, s1;
	[bflag:$0x2] =	sbarrier.arrive $0xFFFF  }
0x1d9: {  	[sflag:s0] =	ssyncadd.tile.s32 @!p0 $0x1;
	_ =	shalt  }
.Lfunc_end2:
_tile_overlayer_lowered:
.L_overlay_start_2:
0x1da: {  	(tag) =	ssettag $0x2  }
0x1db: {  	s0 =	rddreg [dreg:$0x0];
	s2 =	stileid.u32  }
0x1dc: {  	s1 =	rddreg [dreg:$0x1];
	p0 =	sne.s32 s2, $0x0  }
0x1dd: {  	s3 =	rddreg [dreg:$0x2];
	[bflag:$0x3] =	sbarrier.arrive $0xFFFF;
	s2 =	simm.s32 @!p0 $0x1C03  }
0x1de: {  	[timem:s3], [sflag:s2] =	dma.local @!p0 [hbm:s0], s1  }
0x1df: {  	s0 =	simm.s32 @!p0 $0x3  }
0x1e0: {  	_ =	swait.ge @!p0 [sflag:s0], s1  }
0x1e1: {  	s1 =	ssub.s32 @!p0 $0x0, s1;
	[sflag:s0] =	ssyncset.done @!p0 $0x0  }
0x1e2: {  	[sflag:s0] =	ssyncadd.s32 @!p0 s1  }
0x1e3: {  	[bflag:$0x3] =	sbarrier.arrive $0xFFFF  }
0x1e4: {  	_ =	shalt  }

</sc_bundles>
